<compile_context>
chip_gen: v7x
topology: tpu7x:2x2x1
jax: 0.10.2.dev20260603
libtpu: 0.0.44.dev20260713+nightly
codegen_flags: <defaults>
</compile_context>

<pallas_src>
import functools

import jax
import jax.numpy as jnp
from jax import lax
from jax.experimental import pallas as pl
from jax.experimental.pallas import tpu as pltpu
from jax.experimental.pallas import tpu_sc as plsc

L = 16
NUM_CORES = 2
NUM_SUBCORES = 16
NW = NUM_CORES * NUM_SUBCORES

CHUNK = 64
SLOTS = 6
RUNROLL = 1
LOOKAHEAD = 3

def _film_body(feats_hbm, idx_hbm, comb_hbm, out_hbm,
               idx_v, gb_v, f_v, sem_idx, sem_in, sem_out,
               *, rows_per_worker, n_chunks, d):
  wid = lax.axis_index("s") * NUM_CORES + lax.axis_index("c")
  base = wid * rows_per_worker

  idx_cps = [
      pltpu.async_copy(idx_hbm.at[pl.ds(base + k * CHUNK, CHUNK)],
                       idx_v.at[k], sem_idx)
      for k in range(n_chunks)
  ]
  idx_done = [False] * n_chunks

  pending_in = [None] * SLOTS
  pending_out = [None] * SLOTS

  def start_in(k):
    s = k % SLOTS
    if pending_out[s] is not None:
      pending_out[s].wait()
    feats_cp = pltpu.async_copy(
        feats_hbm.at[pl.ds(base + k * CHUNK, CHUNK)], f_v.at[s], sem_in[s])
    if not idx_done[k]:
      idx_cps[k].wait()
      idx_done[k] = True
    pending_in[s] = [
        pltpu.async_copy(comb_hbm.at[idx_v.at[k]], gb_v.at[s], sem_in[s]),
        feats_cp,
    ]

  def compute(s):
    gb = gb_v.at[s]
    f = f_v.at[s]
    ngrp = d // 32
    hi_mask = jnp.int32(-65536)

    def row_body(r0, rcarry):
      for u in range(RUNROLL):
        r = r0 * RUNROLL + u
        for grp in range(ngrp):
          wg = gb[r, pl.ds(grp * 32, L)]
          wb = gb[r, pl.ds(grp * 32 + L, L)]
          sixteen = jnp.full((L,), 16, jnp.int32)
          mask = jnp.full((L,), hi_mask, jnp.int32)
          bc = lambda x: lax.bitcast_convert_type(x, jnp.float32)
          glo = bc(lax.shift_left(wg, sixteen))
          ghi = bc(lax.bitwise_and(wg, mask))
          blo = bc(lax.shift_left(wb, sixteen))
          bhi = bc(lax.bitwise_and(wb, mask))
          slo = pl.ds(grp * 32, L)
          shi = pl.ds(grp * 32 + L, L)
          flo = f[r, slo]
          fhi = f[r, shi]
          f[r, slo] = flo + flo * glo + blo
          f[r, shi] = fhi + fhi * ghi + bhi
      return rcarry

    lax.fori_loop(0, CHUNK // RUNROLL, row_body, 0)

  for k in range(min(LOOKAHEAD, n_chunks)):
    start_in(k)
  for k in range(n_chunks):
    s = k % SLOTS
    for cp in pending_in[s]:
      cp.wait()
    compute(s)
    pending_out[s] = pltpu.async_copy(
        f_v.at[s], out_hbm.at[pl.ds(base + k * CHUNK, CHUNK)], sem_out[s])
    if k + LOOKAHEAD < n_chunks:
      start_in(k + LOOKAHEAD)
  for s in range(SLOTS):
    if pending_out[s] is not None:
      pending_out[s].wait()


def _pack_tables(gamma, beta):
  v, d = gamma.shape
  ngrp = d // 32

  def words(t):
    tb = t.astype(jnp.bfloat16).reshape(v, ngrp, 2, L)
    u = lax.bitcast_convert_type(tb, jnp.uint16).astype(jnp.uint32)
    return u[:, :, 0, :] | (u[:, :, 1, :] << 16)

  comb = jnp.stack([words(gamma), words(beta)], axis=2)
  return lax.bitcast_convert_type(comb.reshape(v, d), jnp.int32)


def kernel(feats, domain_idx, gamma, beta):
  n, d = feats.shape
  assert n % (NW * CHUNK) == 0 and d % 32 == 0
  rows_per_worker = n // NW
  n_chunks = rows_per_worker // CHUNK
  assert n_chunks >= 2

  idx32 = domain_idx.astype(jnp.int32)
  comb = _pack_tables(gamma, beta)

  mesh = plsc.VectorSubcoreMesh(core_axis_name="c", subcore_axis_name="s")
  body = functools.partial(
      _film_body, rows_per_worker=rows_per_worker, n_chunks=n_chunks, d=d)
  return pl.kernel(
      body,
      out_type=jax.ShapeDtypeStruct((n, d), jnp.float32),
      mesh=mesh,
      scratch_types=[
          pltpu.VMEM((n_chunks, CHUNK), jnp.int32),
          pltpu.VMEM((SLOTS, CHUNK, d), jnp.int32),
          pltpu.VMEM((SLOTS, CHUNK, d), jnp.float32),
          pltpu.SemaphoreType.DMA,
          [pltpu.SemaphoreType.DMA] * SLOTS,
          [pltpu.SemaphoreType.DMA] * SLOTS,
      ],
  )(feats, idx32, comb)

# --- scband reference (transcript-rebuilt; emitter-appended) ---
"""Pipeline reference for scband-fi-lmadapter-15152644620713 (READ-ONLY COPY).

The authoritative reference and input builder live on the scoring server;
editing this copy changes nothing except your own understanding.
"""

import jax, jax.numpy as jnp
import numpy as np


def setup_inputs(seed: int = 0) -> dict:
    key = jax.random.key(seed)
    k1, k2, k3, k4 = jax.random.split(key, 4)
    feats = jax.random.normal(k1, (16384, 128), dtype=jnp.float32)
    domain_idx = jax.random.randint(k2, (16384,), 0, 1000, dtype=jnp.int64) if jax.config.jax_enable_x64 else jax.random.randint(k2, (16384,), 0, 1000).astype(jnp.int32)
    # Embedding tables (learned parameters), init like nn.Embedding default N(0,1)
    gamma = jax.random.normal(k3, (1000, 128), dtype=jnp.float32)
    beta = jax.random.normal(k4, (1000, 128), dtype=jnp.float32)
    return {"feats": feats, "domain_idx": domain_idx, "gamma": gamma, "beta": beta}


def reference(feats, domain_idx, gamma, beta):
    g = jnp.take(gamma, domain_idx, axis=0)
    b = jnp.take(beta, domain_idx, axis=0)
    return feats * (1.0 + g) + b

if __name__ == "__main__":
    import jax
    _d = setup_inputs()
    print(jax.jit(kernel)(*tuple(_d.values())))

</pallas_src>

<mosaic_0001>
#map = affine_map<(d0, d1) -> (0, 0)>
#map1 = affine_map<(d0, d1) -> (0)>
module attributes {stable_mosaic.version = 14 : i64} {
  func.func @_film_body(%arg0: i32, %arg1: i32, %arg2: memref<16384x128xf32, #tpu.memory_space<hbm>>, %arg3: memref<16384xi32, #tpu.memory_space<hbm>>, %arg4: memref<1000x128xi32, #tpu.memory_space<hbm>>, %arg5: memref<16384x128xf32, #tpu.memory_space<hbm>>, %arg6: memref<8x64xi32, #tpu.memory_space<vmem>>, %arg7: memref<6x64x128xi32, #tpu.memory_space<vmem>>, %arg8: memref<6x64x128xf32, #tpu.memory_space<vmem>>, %arg9: memref<!tpu.dma_semaphore, #tpu.memory_space<semaphore_mem>>, %arg10: memref<!tpu.dma_semaphore, #tpu.memory_space<semaphore_mem>>, %arg11: memref<!tpu.dma_semaphore, #tpu.memory_space<semaphore_mem>>, %arg12: memref<!tpu.dma_semaphore, #tpu.memory_space<semaphore_mem>>, %arg13: memref<!tpu.dma_semaphore, #tpu.memory_space<semaphore_mem>>, %arg14: memref<!tpu.dma_semaphore, #tpu.memory_space<semaphore_mem>>, %arg15: memref<!tpu.dma_semaphore, #tpu.memory_space<semaphore_mem>>, %arg16: memref<!tpu.dma_semaphore, #tpu.memory_space<semaphore_mem>>, %arg17: memref<!tpu.dma_semaphore, #tpu.memory_space<semaphore_mem>>, %arg18: memref<!tpu.dma_semaphore, #tpu.memory_space<semaphore_mem>>, %arg19: memref<!tpu.dma_semaphore, #tpu.memory_space<semaphore_mem>>, %arg20: memref<!tpu.dma_semaphore, #tpu.memory_space<semaphore_mem>>, %arg21: memref<!tpu.dma_semaphore, #tpu.memory_space<semaphore_mem>>) attributes {dimension_semantics = [#tpu.dimension_semantics<core_parallel>, #tpu.dimension_semantics<subcore_parallel>], iteration_bounds = array<i64: 2, 16>, scalar_prefetch = 0 : i64, scratch_operands = 16 : i64, tpu.core_type = #tpu.core_type<sc_vector_subcore>, window_params = [{transform_indices = #map}, {transform_indices = #map1}, {transform_indices = #map}, {transform_indices = #map}]} {
    %mul3A = arith.constant 2 : i32
    %mul3A_0 = arith.muli %arg1, %mul3A : i32
    %add3A = arith.addi %mul3A_0, %arg0 : i32
    %mul3A_1 = arith.constant 512 : i32
    %mul3A_2 = arith.muli %add3A, %mul3A_1 : i32
    %add3A_3 = arith.constant 0 : i32
    %add3A_4 = arith.addi %mul3A_2, %add3A_3 : i32
    %dma_start3A = arith.constant 0 : i32
    %dma_start3A_5 = arith.constant 0 : i32
    %dma_start3A_6 = tpu.memref_slice %arg6[%dma_start3A, %dma_start3A_5] : memref<8x64xi32, #tpu.memory_space<vmem>> -> memref<1x64xi32, #tpu.memory_space<vmem>>
    %dma_start3A_7 = tpu.memref_squeeze %dma_start3A_6 : memref<1x64xi32, #tpu.memory_space<vmem>> -> memref<64xi32, #tpu.memory_space<vmem>>
    %dma_start3A_8 = tpu.memref_slice %arg3[%add3A_4] : memref<16384xi32, #tpu.memory_space<hbm>> -> memref<64xi32, #tpu.memory_space<hbm>>
    %dma_start3A_9 = arith.constant 0 : i32
    %dma_start3A_10 = tpu.memref_slice %arg6[%dma_start3A, %dma_start3A_9] : memref<8x64xi32, #tpu.memory_space<vmem>> -> memref<1x64xi32, #tpu.memory_space<vmem>>
    %dma_start3A_11 = tpu.memref_squeeze %dma_start3A_10 : memref<1x64xi32, #tpu.memory_space<vmem>> -> memref<64xi32, #tpu.memory_space<vmem>>
    %dma_start3A_12 = tpu.memref_slice %arg3[%add3A_4] : memref<16384xi32, #tpu.memory_space<hbm>> -> memref<64xi32, #tpu.memory_space<hbm>>
    tpu.enqueue_dma source(%dma_start3A_12 : memref<64xi32, #tpu.memory_space<hbm>>) target(%dma_start3A_11 : memref<64xi32, #tpu.memory_space<vmem>>) target_semaphore(%arg9 : memref<!tpu.dma_semaphore, #tpu.memory_space<semaphore_mem>>)
    %add3A_13 = arith.constant 64 : i32
    %add3A_14 = arith.addi %mul3A_2, %add3A_13 : i32
    %dma_start3A_15 = arith.constant 1 : i32
    %dma_start3A_16 = arith.constant 0 : i32
    %dma_start3A_17 = tpu.memref_slice %arg6[%dma_start3A_15, %dma_start3A_16] : memref<8x64xi32, #tpu.memory_space<vmem>> -> memref<1x64xi32, #tpu.memory_space<vmem>>
    %dma_start3A_18 = tpu.memref_squeeze %dma_start3A_17 : memref<1x64xi32, #tpu.memory_space<vmem>> -> memref<64xi32, #tpu.memory_space<vmem>>
    %dma_start3A_19 = tpu.memref_slice %arg3[%add3A_14] : memref<16384xi32, #tpu.memory_space<hbm>> -> memref<64xi32, #tpu.memory_space<hbm>>
    %dma_start3A_20 = arith.constant 0 : i32
    %dma_start3A_21 = tpu.memref_slice %arg6[%dma_start3A_15, %dma_start3A_20] : memref<8x64xi32, #tpu.memory_space<vmem>> -> memref<1x64xi32, #tpu.memory_space<vmem>>
    %dma_start3A_22 = tpu.memref_squeeze %dma_start3A_21 : memref<1x64xi32, #tpu.memory_space<vmem>> -> memref<64xi32, #tpu.memory_space<vmem>>
    %dma_start3A_23 = tpu.memref_slice %arg3[%add3A_14] : memref<16384xi32, #tpu.memory_space<hbm>> -> memref<64xi32, #tpu.memory_space<hbm>>
    tpu.enqueue_dma source(%dma_start3A_23 : memref<64xi32, #tpu.memory_space<hbm>>) target(%dma_start3A_22 : memref<64xi32, #tpu.memory_space<vmem>>) target_semaphore(%arg9 : memref<!tpu.dma_semaphore, #tpu.memory_space<semaphore_mem>>)
    %add3A_24 = arith.constant 128 : i32
    %add3A_25 = arith.addi %mul3A_2, %add3A_24 : i32
    %dma_start3A_26 = arith.constant 2 : i32
    %dma_start3A_27 = arith.constant 0 : i32
    %dma_start3A_28 = tpu.memref_slice %arg6[%dma_start3A_26, %dma_start3A_27] : memref<8x64xi32, #tpu.memory_space<vmem>> -> memref<1x64xi32, #tpu.memory_space<vmem>>
    %dma_start3A_29 = tpu.memref_squeeze %dma_start3A_28 : memref<1x64xi32, #tpu.memory_space<vmem>> -> memref<64xi32, #tpu.memory_space<vmem>>
    %dma_start3A_30 = tpu.memref_slice %arg3[%add3A_25] : memref<16384xi32, #tpu.memory_space<hbm>> -> memref<64xi32, #tpu.memory_space<hbm>>
    %dma_start3A_31 = arith.constant 0 : i32
    %dma_start3A_32 = tpu.memref_slice %arg6[%dma_start3A_26, %dma_start3A_31] : memref<8x64xi32, #tpu.memory_space<vmem>> -> memref<1x64xi32, #tpu.memory_space<vmem>>
    %dma_start3A_33 = tpu.memref_squeeze %dma_start3A_32 : memref<1x64xi32, #tpu.memory_space<vmem>> -> memref<64xi32, #tpu.memory_space<vmem>>
    %dma_start3A_34 = tpu.memref_slice %arg3[%add3A_25] : memref<16384xi32, #tpu.memory_space<hbm>> -> memref<64xi32, #tpu.memory_space<hbm>>
    tpu.enqueue_dma source(%dma_start3A_34 : memref<64xi32, #tpu.memory_space<hbm>>) target(%dma_start3A_33 : memref<64xi32, #tpu.memory_space<vmem>>) target_semaphore(%arg9 : memref<!tpu.dma_semaphore, #tpu.memory_space<semaphore_mem>>)
    %add3A_35 = arith.constant 192 : i32
    %add3A_36 = arith.addi %mul3A_2, %add3A_35 : i32
    %dma_start3A_37 = arith.constant 3 : i32
    %dma_start3A_38 = arith.constant 0 : i32
    %dma_start3A_39 = tpu.memref_slice %arg6[%dma_start3A_37, %dma_start3A_38] : memref<8x64xi32, #tpu.memory_space<vmem>> -> memref<1x64xi32, #tpu.memory_space<vmem>>
    %dma_start3A_40 = tpu.memref_squeeze %dma_start3A_39 : memref<1x64xi32, #tpu.memory_space<vmem>> -> memref<64xi32, #tpu.memory_space<vmem>>
    %dma_start3A_41 = tpu.memref_slice %arg3[%add3A_36] : memref<16384xi32, #tpu.memory_space<hbm>> -> memref<64xi32, #tpu.memory_space<hbm>>
    %dma_start3A_42 = arith.constant 0 : i32
    %dma_start3A_43 = tpu.memref_slice %arg6[%dma_start3A_37, %dma_start3A_42] : memref<8x64xi32, #tpu.memory_space<vmem>> -> memref<1x64xi32, #tpu.memory_space<vmem>>
    %dma_start3A_44 = tpu.memref_squeeze %dma_start3A_43 : memref<1x64xi32, #tpu.memory_space<vmem>> -> memref<64xi32, #tpu.memory_space<vmem>>
    %dma_start3A_45 = tpu.memref_slice %arg3[%add3A_36] : memref<16384xi32, #tpu.memory_space<hbm>> -> memref<64xi32, #tpu.memory_space<hbm>>
    tpu.enqueue_dma source(%dma_start3A_45 : memref<64xi32, #tpu.memory_space<hbm>>) target(%dma_start3A_44 : memref<64xi32, #tpu.memory_space<vmem>>) target_semaphore(%arg9 : memref<!tpu.dma_semaphore, #tpu.memory_space<semaphore_mem>>)
    %add3A_46 = arith.constant 256 : i32
    %add3A_47 = arith.addi %mul3A_2, %add3A_46 : i32
    %dma_start3A_48 = arith.constant 4 : i32
    %dma_start3A_49 = arith.constant 0 : i32
    %dma_start3A_50 = tpu.memref_slice %arg6[%dma_start3A_48, %dma_start3A_49] : memref<8x64xi32, #tpu.memory_space<vmem>> -> memref<1x64xi32, #tpu.memory_space<vmem>>
    %dma_start3A_51 = tpu.memref_squeeze %dma_start3A_50 : memref<1x64xi32, #tpu.memory_space<vmem>> -> memref<64xi32, #tpu.memory_space<vmem>>
    %dma_start3A_52 = tpu.memref_slice %arg3[%add3A_47] : memref<16384xi32, #tpu.memory_space<hbm>> -> memref<64xi32, #tpu.memory_space<hbm>>
    %dma_start3A_53 = arith.constant 0 : i32
    %dma_start3A_54 = tpu.memref_slice %arg6[%dma_start3A_48, %dma_start3A_53] : memref<8x64xi32, #tpu.memory_space<vmem>> -> memref<1x64xi32, #tpu.memory_space<vmem>>
    %dma_start3A_55 = tpu.memref_squeeze %dma_start3A_54 : memref<1x64xi32, #tpu.memory_space<vmem>> -> memref<64xi32, #tpu.memory_space<vmem>>
    %dma_start3A_56 = tpu.memref_slice %arg3[%add3A_47] : memref<16384xi32, #tpu.memory_space<hbm>> -> memref<64xi32, #tpu.memory_space<hbm>>
    tpu.enqueue_dma source(%dma_start3A_56 : memref<64xi32, #tpu.memory_space<hbm>>) target(%dma_start3A_55 : memref<64xi32, #tpu.memory_space<vmem>>) target_semaphore(%arg9 : memref<!tpu.dma_semaphore, #tpu.memory_space<semaphore_mem>>)
    %add3A_57 = arith.constant 320 : i32
    %add3A_58 = arith.addi %mul3A_2, %add3A_57 : i32
    %dma_start3A_59 = arith.constant 5 : i32
    %dma_start3A_60 = arith.constant 0 : i32
    %dma_start3A_61 = tpu.memref_slice %arg6[%dma_start3A_59, %dma_start3A_60] : memref<8x64xi32, #tpu.memory_space<vmem>> -> memref<1x64xi32, #tpu.memory_space<vmem>>
    %dma_start3A_62 = tpu.memref_squeeze %dma_start3A_61 : memref<1x64xi32, #tpu.memory_space<vmem>> -> memref<64xi32, #tpu.memory_space<vmem>>
    %dma_start3A_63 = tpu.memref_slice %arg3[%add3A_58] : memref<16384xi32, #tpu.memory_space<hbm>> -> memref<64xi32, #tpu.memory_space<hbm>>
    %dma_start3A_64 = arith.constant 0 : i32
    %dma_start3A_65 = tpu.memref_slice %arg6[%dma_start3A_59, %dma_start3A_64] : memref<8x64xi32, #tpu.memory_space<vmem>> -> memref<1x64xi32, #tpu.memory_space<vmem>>
    %dma_start3A_66 = tpu.memref_squeeze %dma_start3A_65 : memref<1x64xi32, #tpu.memory_space<vmem>> -> memref<64xi32, #tpu.memory_space<vmem>>
    %dma_start3A_67 = tpu.memref_slice %arg3[%add3A_58] : memref<16384xi32, #tpu.memory_space<hbm>> -> memref<64xi32, #tpu.memory_space<hbm>>
    tpu.enqueue_dma source(%dma_start3A_67 : memref<64xi32, #tpu.memory_space<hbm>>) target(%dma_start3A_66 : memref<64xi32, #tpu.memory_space<vmem>>) target_semaphore(%arg9 : memref<!tpu.dma_semaphore, #tpu.memory_space<semaphore_mem>>)
    %add3A_68 = arith.constant 384 : i32
    %add3A_69 = arith.addi %mul3A_2, %add3A_68 : i32
    %dma_start3A_70 = arith.constant 6 : i32
    %dma_start3A_71 = arith.constant 0 : i32
    %dma_start3A_72 = tpu.memref_slice %arg6[%dma_start3A_70, %dma_start3A_71] : memref<8x64xi32, #tpu.memory_space<vmem>> -> memref<1x64xi32, #tpu.memory_space<vmem>>
    %dma_start3A_73 = tpu.memref_squeeze %dma_start3A_72 : memref<1x64xi32, #tpu.memory_space<vmem>> -> memref<64xi32, #tpu.memory_space<vmem>>
    %dma_start3A_74 = tpu.memref_slice %arg3[%add3A_69] : memref<16384xi32, #tpu.memory_space<hbm>> -> memref<64xi32, #tpu.memory_space<hbm>>
    %dma_start3A_75 = arith.constant 0 : i32
    %dma_start3A_76 = tpu.memref_slice %arg6[%dma_start3A_70, %dma_start3A_75] : memref<8x64xi32, #tpu.memory_space<vmem>> -> memref<1x64xi32, #tpu.memory_space<vmem>>
    %dma_start3A_77 = tpu.memref_squeeze %dma_start3A_76 : memref<1x64xi32, #tpu.memory_space<vmem>> -> memref<64xi32, #tpu.memory_space<vmem>>
    %dma_start3A_78 = tpu.memref_slice %arg3[%add3A_69] : memref<16384xi32, #tpu.memory_space<hbm>> -> memref<64xi32, #tpu.memory_space<hbm>>
    tpu.enqueue_dma source(%dma_start3A_78 : memref<64xi32, #tpu.memory_space<hbm>>) target(%dma_start3A_77 : memref<64xi32, #tpu.memory_space<vmem>>) target_semaphore(%arg9 : memref<!tpu.dma_semaphore, #tpu.memory_space<semaphore_mem>>)
    %add3A_79 = arith.constant 448 : i32
    %add3A_80 = arith.addi %mul3A_2, %add3A_79 : i32
    %dma_start3A_81 = arith.constant 7 : i32
    %dma_start3A_82 = arith.constant 0 : i32
    %dma_start3A_83 = tpu.memref_slice %arg6[%dma_start3A_81, %dma_start3A_82] : memref<8x64xi32, #tpu.memory_space<vmem>> -> memref<1x64xi32, #tpu.memory_space<vmem>>
    %dma_start3A_84 = tpu.memref_squeeze %dma_start3A_83 : memref<1x64xi32, #tpu.memory_space<vmem>> -> memref<64xi32, #tpu.memory_space<vmem>>
    %dma_start3A_85 = tpu.memref_slice %arg3[%add3A_80] : memref<16384xi32, #tpu.memory_space<hbm>> -> memref<64xi32, #tpu.memory_space<hbm>>
    %dma_start3A_86 = arith.constant 0 : i32
    %dma_start3A_87 = tpu.memref_slice %arg6[%dma_start3A_81, %dma_start3A_86] : memref<8x64xi32, #tpu.memory_space<vmem>> -> memref<1x64xi32, #tpu.memory_space<vmem>>
    %dma_start3A_88 = tpu.memref_squeeze %dma_start3A_87 : memref<1x64xi32, #tpu.memory_space<vmem>> -> memref<64xi32, #tpu.memory_space<vmem>>
    %dma_start3A_89 = tpu.memref_slice %arg3[%add3A_80] : memref<16384xi32, #tpu.memory_space<hbm>> -> memref<64xi32, #tpu.memory_space<hbm>>
    tpu.enqueue_dma source(%dma_start3A_89 : memref<64xi32, #tpu.memory_space<hbm>>) target(%dma_start3A_88 : memref<64xi32, #tpu.memory_space<vmem>>) target_semaphore(%arg9 : memref<!tpu.dma_semaphore, #tpu.memory_space<semaphore_mem>>)
    %add3A_90 = arith.constant 0 : i32
    %add3A_91 = arith.addi %mul3A_2, %add3A_90 : i32
    %dma_start3A_92 = arith.constant 0 : i32
    %dma_start3A_93 = arith.constant 0 : i32
    %dma_start3A_94 = arith.constant 0 : i32
    %dma_start3A_95 = tpu.memref_slice %arg8[%dma_start3A_92, %dma_start3A_93, %dma_start3A_94] : memref<6x64x128xf32, #tpu.memory_space<vmem>> -> memref<1x64x128xf32, #tpu.memory_space<vmem>>
    %dma_start3A_96 = tpu.memref_squeeze %dma_start3A_95 : memref<1x64x128xf32, #tpu.memory_space<vmem>> -> memref<64x128xf32, #tpu.memory_space<vmem>>
    %dma_start3A_97 = arith.constant 0 : i32
    %dma_start3A_98 = tpu.memref_slice %arg2[%add3A_91, %dma_start3A_97] : memref<16384x128xf32, #tpu.memory_space<hbm>> -> memref<64x128xf32, #tpu.memory_space<hbm>>
    %dma_start3A_99 = arith.constant 0 : i32
    %dma_start3A_100 = arith.constant 0 : i32
    %dma_start3A_101 = tpu.memref_slice %arg8[%dma_start3A_92, %dma_start3A_99, %dma_start3A_100] : memref<6x64x128xf32, #tpu.memory_space<vmem>> -> memref<1x64x128xf32, #tpu.memory_space<vmem>>
    %dma_start3A_102 = tpu.memref_squeeze %dma_start3A_101 : memref<1x64x128xf32, #tpu.memory_space<vmem>> -> memref<64x128xf32, #tpu.memory_space<vmem>>
    %dma_start3A_103 = arith.constant 0 : i32
    %dma_start3A_104 = tpu.memref_slice %arg2[%add3A_91, %dma_start3A_103] : memref<16384x128xf32, #tpu.memory_space<hbm>> -> memref<64x128xf32, #tpu.memory_space<hbm>>
    tpu.enqueue_dma source(%dma_start3A_104 : memref<64x128xf32, #tpu.memory_space<hbm>>) target(%dma_start3A_102 : memref<64x128xf32, #tpu.memory_space<vmem>>) target_semaphore(%arg10 : memref<!tpu.dma_semaphore, #tpu.memory_space<semaphore_mem>>)
    %dma_wait3A = arith.constant 0 : i32
    %dma_wait3A_105 = arith.constant 0 : i32
    %dma_wait3A_106 = tpu.memref_slice %arg6[%dma_wait3A, %dma_wait3A_105] : memref<8x64xi32, #tpu.memory_space<vmem>> -> memref<1x64xi32, #tpu.memory_space<vmem>>
    %dma_wait3A_107 = tpu.memref_squeeze %dma_wait3A_106 : memref<1x64xi32, #tpu.memory_space<vmem>> -> memref<64xi32, #tpu.memory_space<vmem>>
    %dma_wait3A_108 = tpu.memref_slice %arg3[%add3A_4] : memref<16384xi32, #tpu.memory_space<hbm>> -> memref<64xi32, #tpu.memory_space<hbm>>
    %dma_wait3A_109 = arith.constant 0 : i32
    %dma_wait3A_110 = tpu.memref_slice %arg6[%dma_wait3A, %dma_wait3A_109] : memref<8x64xi32, #tpu.memory_space<vmem>> -> memref<1x64xi32, #tpu.memory_space<vmem>>
    %dma_wait3A_111 = tpu.memref_squeeze %dma_wait3A_110 : memref<1x64xi32, #tpu.memory_space<vmem>> -> memref<64xi32, #tpu.memory_space<vmem>>
    %dma_wait3A_112 = tpu.memref_slice %arg3[%add3A_4] : memref<16384xi32, #tpu.memory_space<hbm>> -> memref<64xi32, #tpu.memory_space<hbm>>
    tpu.wait_dma2 semaphore(%arg9 : memref<!tpu.dma_semaphore, #tpu.memory_space<semaphore_mem>>) src(%dma_wait3A_112 : memref<64xi32, #tpu.memory_space<hbm>>) dst(%dma_wait3A_111 : memref<64xi32, #tpu.memory_space<vmem>>)
    %dma_start3A_113 = arith.constant 0 : i32
    %dma_start3A_114 = arith.constant 0 : i32
    %dma_start3A_115 = arith.constant 0 : i32
    %dma_start3A_116 = arith.constant 0 : i32
    %dma_start3A_117 = tpu.memref_slice %arg7[%dma_start3A_114, %dma_start3A_115, %dma_start3A_116] : memref<6x64x128xi32, #tpu.memory_space<vmem>> -> memref<1x64x128xi32, #tpu.memory_space<vmem>>
    %dma_start3A_118 = tpu.memref_squeeze %dma_start3A_117 : memref<1x64x128xi32, #tpu.memory_space<vmem>> -> memref<64x128xi32, #tpu.memory_space<vmem>>
    %dma_start3A_119 = arith.constant 0 : i32
    %dma_start3A_120 = tpu.memref_slice %arg6[%dma_start3A_113, %dma_start3A_119] : memref<8x64xi32, #tpu.memory_space<vmem>> -> memref<1x64xi32, #tpu.memory_space<vmem>>
    %dma_start3A_121 = tpu.memref_squeeze %dma_start3A_120 : memref<1x64xi32, #tpu.memory_space<vmem>> -> memref<64xi32, #tpu.memory_space<vmem>>
    %dma_start3A_122 = arith.constant 0 : i32
    %dma_start3A_123 = arith.constant 0 : i32
    %dma_start3A_124 = tpu.memref_slice %arg4[%dma_start3A_122, %dma_start3A_123] : memref<1000x128xi32, #tpu.memory_space<hbm>> -> memref<1000x128xi32, #tpu.memory_space<hbm>>
    tpu.enqueue_indirect_dma source(%dma_start3A_124 : memref<1000x128xi32, #tpu.memory_space<hbm>>) target(%dma_start3A_118 : memref<64x128xi32, #tpu.memory_space<vmem>>) offsets(%dma_start3A_121 : memref<64xi32, #tpu.memory_space<vmem>>) semaphore(%arg10 : memref<!tpu.dma_semaphore, #tpu.memory_space<semaphore_mem>>)
    %add3A_125 = arith.constant 64 : i32
    %add3A_126 = arith.addi %mul3A_2, %add3A_125 : i32
    %dma_start3A_127 = arith.constant 1 : i32
    %dma_start3A_128 = arith.constant 0 : i32
    %dma_start3A_129 = arith.constant 0 : i32
    %dma_start3A_130 = tpu.memref_slice %arg8[%dma_start3A_127, %dma_start3A_128, %dma_start3A_129] : memref<6x64x128xf32, #tpu.memory_space<vmem>> -> memref<1x64x128xf32, #tpu.memory_space<vmem>>
    %dma_start3A_131 = tpu.memref_squeeze %dma_start3A_130 : memref<1x64x128xf32, #tpu.memory_space<vmem>> -> memref<64x128xf32, #tpu.memory_space<vmem>>
    %dma_start3A_132 = arith.constant 0 : i32
    %dma_start3A_133 = tpu.memref_slice %arg2[%add3A_126, %dma_start3A_132] : memref<16384x128xf32, #tpu.memory_space<hbm>> -> memref<64x128xf32, #tpu.memory_space<hbm>>
    %dma_start3A_134 = arith.constant 0 : i32
    %dma_start3A_135 = arith.constant 0 : i32
    %dma_start3A_136 = tpu.memref_slice %arg8[%dma_start3A_127, %dma_start3A_134, %dma_start3A_135] : memref<6x64x128xf32, #tpu.memory_space<vmem>> -> memref<1x64x128xf32, #tpu.memory_space<vmem>>
    %dma_start3A_137 = tpu.memref_squeeze %dma_start3A_136 : memref<1x64x128xf32, #tpu.memory_space<vmem>> -> memref<64x128xf32, #tpu.memory_space<vmem>>
    %dma_start3A_138 = arith.constant 0 : i32
    %dma_start3A_139 = tpu.memref_slice %arg2[%add3A_126, %dma_start3A_138] : memref<16384x128xf32, #tpu.memory_space<hbm>> -> memref<64x128xf32, #tpu.memory_space<hbm>>
    tpu.enqueue_dma source(%dma_start3A_139 : memref<64x128xf32, #tpu.memory_space<hbm>>) target(%dma_start3A_137 : memref<64x128xf32, #tpu.memory_space<vmem>>) target_semaphore(%arg11 : memref<!tpu.dma_semaphore, #tpu.memory_space<semaphore_mem>>)
    %dma_wait3A_140 = arith.constant 1 : i32
    %dma_wait3A_141 = arith.constant 0 : i32
    %dma_wait3A_142 = tpu.memref_slice %arg6[%dma_wait3A_140, %dma_wait3A_141] : memref<8x64xi32, #tpu.memory_space<vmem>> -> memref<1x64xi32, #tpu.memory_space<vmem>>
    %dma_wait3A_143 = tpu.memref_squeeze %dma_wait3A_142 : memref<1x64xi32, #tpu.memory_space<vmem>> -> memref<64xi32, #tpu.memory_space<vmem>>
    %dma_wait3A_144 = tpu.memref_slice %arg3[%add3A_14] : memref<16384xi32, #tpu.memory_space<hbm>> -> memref<64xi32, #tpu.memory_space<hbm>>
    %dma_wait3A_145 = arith.constant 0 : i32
    %dma_wait3A_146 = tpu.memref_slice %arg6[%dma_wait3A_140, %dma_wait3A_145] : memref<8x64xi32, #tpu.memory_space<vmem>> -> memref<1x64xi32, #tpu.memory_space<vmem>>
    %dma_wait3A_147 = tpu.memref_squeeze %dma_wait3A_146 : memref<1x64xi32, #tpu.memory_space<vmem>> -> memref<64xi32, #tpu.memory_space<vmem>>
    %dma_wait3A_148 = tpu.memref_slice %arg3[%add3A_14] : memref<16384xi32, #tpu.memory_space<hbm>> -> memref<64xi32, #tpu.memory_space<hbm>>
    tpu.wait_dma2 semaphore(%arg9 : memref<!tpu.dma_semaphore, #tpu.memory_space<semaphore_mem>>) src(%dma_wait3A_148 : memref<64xi32, #tpu.memory_space<hbm>>) dst(%dma_wait3A_147 : memref<64xi32, #tpu.memory_space<vmem>>)
    %dma_start3A_149 = arith.constant 1 : i32
    %dma_start3A_150 = arith.constant 1 : i32
    %dma_start3A_151 = arith.constant 0 : i32
    %dma_start3A_152 = arith.constant 0 : i32
    %dma_start3A_153 = tpu.memref_slice %arg7[%dma_start3A_150, %dma_start3A_151, %dma_start3A_152] : memref<6x64x128xi32, #tpu.memory_space<vmem>> -> memref<1x64x128xi32, #tpu.memory_space<vmem>>
    %dma_start3A_154 = tpu.memref_squeeze %dma_start3A_153 : memref<1x64x128xi32, #tpu.memory_space<vmem>> -> memref<64x128xi32, #tpu.memory_space<vmem>>
    %dma_start3A_155 = arith.constant 0 : i32
    %dma_start3A_156 = tpu.memref_slice %arg6[%dma_start3A_149, %dma_start3A_155] : memref<8x64xi32, #tpu.memory_space<vmem>> -> memref<1x64xi32, #tpu.memory_space<vmem>>
    %dma_start3A_157 = tpu.memref_squeeze %dma_start3A_156 : memref<1x64xi32, #tpu.memory_space<vmem>> -> memref<64xi32, #tpu.memory_space<vmem>>
    %dma_start3A_158 = arith.constant 0 : i32
    %dma_start3A_159 = arith.constant 0 : i32
    %dma_start3A_160 = tpu.memref_slice %arg4[%dma_start3A_158, %dma_start3A_159] : memref<1000x128xi32, #tpu.memory_space<hbm>> -> memref<1000x128xi32, #tpu.memory_space<hbm>>
    tpu.enqueue_indirect_dma source(%dma_start3A_160 : memref<1000x128xi32, #tpu.memory_space<hbm>>) target(%dma_start3A_154 : memref<64x128xi32, #tpu.memory_space<vmem>>) offsets(%dma_start3A_157 : memref<64xi32, #tpu.memory_space<vmem>>) semaphore(%arg11 : memref<!tpu.dma_semaphore, #tpu.memory_space<semaphore_mem>>)
    %add3A_161 = arith.constant 128 : i32
    %add3A_162 = arith.addi %mul3A_2, %add3A_161 : i32
    %dma_start3A_163 = arith.constant 2 : i32
    %dma_start3A_164 = arith.constant 0 : i32
    %dma_start3A_165 = arith.constant 0 : i32
    %dma_start3A_166 = tpu.memref_slice %arg8[%dma_start3A_163, %dma_start3A_164, %dma_start3A_165] : memref<6x64x128xf32, #tpu.memory_space<vmem>> -> memref<1x64x128xf32, #tpu.memory_space<vmem>>
    %dma_start3A_167 = tpu.memref_squeeze %dma_start3A_166 : memref<1x64x128xf32, #tpu.memory_space<vmem>> -> memref<64x128xf32, #tpu.memory_space<vmem>>
    %dma_start3A_168 = arith.constant 0 : i32
    %dma_start3A_169 = tpu.memref_slice %arg2[%add3A_162, %dma_start3A_168] : memref<16384x128xf32, #tpu.memory_space<hbm>> -> memref<64x128xf32, #tpu.memory_space<hbm>>
    %dma_start3A_170 = arith.constant 0 : i32
    %dma_start3A_171 = arith.constant 0 : i32
    %dma_start3A_172 = tpu.memref_slice %arg8[%dma_start3A_163, %dma_start3A_170, %dma_start3A_171] : memref<6x64x128xf32, #tpu.memory_space<vmem>> -> memref<1x64x128xf32, #tpu.memory_space<vmem>>
    %dma_start3A_173 = tpu.memref_squeeze %dma_start3A_172 : memref<1x64x128xf32, #tpu.memory_space<vmem>> -> memref<64x128xf32, #tpu.memory_space<vmem>>
    %dma_start3A_174 = arith.constant 0 : i32
    %dma_start3A_175 = tpu.memref_slice %arg2[%add3A_162, %dma_start3A_174] : memref<16384x128xf32, #tpu.memory_space<hbm>> -> memref<64x128xf32, #tpu.memory_space<hbm>>
    tpu.enqueue_dma source(%dma_start3A_175 : memref<64x128xf32, #tpu.memory_space<hbm>>) target(%dma_start3A_173 : memref<64x128xf32, #tpu.memory_space<vmem>>) target_semaphore(%arg12 : memref<!tpu.dma_semaphore, #tpu.memory_space<semaphore_mem>>)
    %dma_wait3A_176 = arith.constant 2 : i32
    %dma_wait3A_177 = arith.constant 0 : i32
    %dma_wait3A_178 = tpu.memref_slice %arg6[%dma_wait3A_176, %dma_wait3A_177] : memref<8x64xi32, #tpu.memory_space<vmem>> -> memref<1x64xi32, #tpu.memory_space<vmem>>
    %dma_wait3A_179 = tpu.memref_squeeze %dma_wait3A_178 : memref<1x64xi32, #tpu.memory_space<vmem>> -> memref<64xi32, #tpu.memory_space<vmem>>
    %dma_wait3A_180 = tpu.memref_slice %arg3[%add3A_25] : memref<16384xi32, #tpu.memory_space<hbm>> -> memref<64xi32, #tpu.memory_space<hbm>>
    %dma_wait3A_181 = arith.constant 0 : i32
    %dma_wait3A_182 = tpu.memref_slice %arg6[%dma_wait3A_176, %dma_wait3A_181] : memref<8x64xi32, #tpu.memory_space<vmem>> -> memref<1x64xi32, #tpu.memory_space<vmem>>
    %dma_wait3A_183 = tpu.memref_squeeze %dma_wait3A_182 : memref<1x64xi32, #tpu.memory_space<vmem>> -> memref<64xi32, #tpu.memory_space<vmem>>
    %dma_wait3A_184 = tpu.memref_slice %arg3[%add3A_25] : memref<16384xi32, #tpu.memory_space<hbm>> -> memref<64xi32, #tpu.memory_space<hbm>>
    tpu.wait_dma2 semaphore(%arg9 : memref<!tpu.dma_semaphore, #tpu.memory_space<semaphore_mem>>) src(%dma_wait3A_184 : memref<64xi32, #tpu.memory_space<hbm>>) dst(%dma_wait3A_183 : memref<64xi32, #tpu.memory_space<vmem>>)
    %dma_start3A_185 = arith.constant 2 : i32
    %dma_start3A_186 = arith.constant 2 : i32
    %dma_start3A_187 = arith.constant 0 : i32
    %dma_start3A_188 = arith.constant 0 : i32
    %dma_start3A_189 = tpu.memref_slice %arg7[%dma_start3A_186, %dma_start3A_187, %dma_start3A_188] : memref<6x64x128xi32, #tpu.memory_space<vmem>> -> memref<1x64x128xi32, #tpu.memory_space<vmem>>
    %dma_start3A_190 = tpu.memref_squeeze %dma_start3A_189 : memref<1x64x128xi32, #tpu.memory_space<vmem>> -> memref<64x128xi32, #tpu.memory_space<vmem>>
    %dma_start3A_191 = arith.constant 0 : i32
    %dma_start3A_192 = tpu.memref_slice %arg6[%dma_start3A_185, %dma_start3A_191] : memref<8x64xi32, #tpu.memory_space<vmem>> -> memref<1x64xi32, #tpu.memory_space<vmem>>
    %dma_start3A_193 = tpu.memref_squeeze %dma_start3A_192 : memref<1x64xi32, #tpu.memory_space<vmem>> -> memref<64xi32, #tpu.memory_space<vmem>>
    %dma_start3A_194 = arith.constant 0 : i32
    %dma_start3A_195 = arith.constant 0 : i32
    %dma_start3A_196 = tpu.memref_slice %arg4[%dma_start3A_194, %dma_start3A_195] : memref<1000x128xi32, #tpu.memory_space<hbm>> -> memref<1000x128xi32, #tpu.memory_space<hbm>>
    tpu.enqueue_indirect_dma source(%dma_start3A_196 : memref<1000x128xi32, #tpu.memory_space<hbm>>) target(%dma_start3A_190 : memref<64x128xi32, #tpu.memory_space<vmem>>) offsets(%dma_start3A_193 : memref<64xi32, #tpu.memory_space<vmem>>) semaphore(%arg12 : memref<!tpu.dma_semaphore, #tpu.memory_space<semaphore_mem>>)
    %dma_wait3A_197 = arith.constant 0 : i32
    %dma_wait3A_198 = arith.constant 0 : i32
    %dma_wait3A_199 = arith.constant 0 : i32
    %dma_wait3A_200 = arith.constant 0 : i32
    %dma_wait3A_201 = tpu.memref_slice %arg7[%dma_wait3A_198, %dma_wait3A_199, %dma_wait3A_200] : memref<6x64x128xi32, #tpu.memory_space<vmem>> -> memref<1x64x128xi32, #tpu.memory_space<vmem>>
    %dma_wait3A_202 = tpu.memref_squeeze %dma_wait3A_201 : memref<1x64x128xi32, #tpu.memory_space<vmem>> -> memref<64x128xi32, #tpu.memory_space<vmem>>
    %dma_wait3A_203 = arith.constant 0 : i32
    %dma_wait3A_204 = tpu.memref_slice %arg6[%dma_wait3A_197, %dma_wait3A_203] : memref<8x64xi32, #tpu.memory_space<vmem>> -> memref<1x64xi32, #tpu.memory_space<vmem>>
    %dma_wait3A_205 = tpu.memref_squeeze %dma_wait3A_204 : memref<1x64xi32, #tpu.memory_space<vmem>> -> memref<64xi32, #tpu.memory_space<vmem>>
    %dma_wait3A_206 = arith.constant 0 : i32
    %dma_wait3A_207 = arith.constant 0 : i32
    %dma_wait3A_208 = tpu.memref_slice %arg4[%dma_wait3A_206, %dma_wait3A_207] : memref<1000x128xi32, #tpu.memory_space<hbm>> -> memref<1000x128xi32, #tpu.memory_space<hbm>>
    tpu.wait_indirect_dma semaphore(%arg10 : memref<!tpu.dma_semaphore, #tpu.memory_space<semaphore_mem>>) src(%dma_wait3A_208 : memref<1000x128xi32, #tpu.memory_space<hbm>>) dst(%dma_wait3A_202 : memref<64x128xi32, #tpu.memory_space<vmem>>)
    %dma_wait3A_209 = arith.constant 0 : i32
    %dma_wait3A_210 = arith.constant 0 : i32
    %dma_wait3A_211 = arith.constant 0 : i32
    %dma_wait3A_212 = tpu.memref_slice %arg8[%dma_wait3A_209, %dma_wait3A_210, %dma_wait3A_211] : memref<6x64x128xf32, #tpu.memory_space<vmem>> -> memref<1x64x128xf32, #tpu.memory_space<vmem>>
    %dma_wait3A_213 = tpu.memref_squeeze %dma_wait3A_212 : memref<1x64x128xf32, #tpu.memory_space<vmem>> -> memref<64x128xf32, #tpu.memory_space<vmem>>
    %dma_wait3A_214 = arith.constant 0 : i32
    %dma_wait3A_215 = tpu.memref_slice %arg2[%add3A_91, %dma_wait3A_214] : memref<16384x128xf32, #tpu.memory_space<hbm>> -> memref<64x128xf32, #tpu.memory_space<hbm>>
    %dma_wait3A_216 = arith.constant 0 : i32
    %dma_wait3A_217 = arith.constant 0 : i32
    %dma_wait3A_218 = tpu.memref_slice %arg8[%dma_wait3A_209, %dma_wait3A_216, %dma_wait3A_217] : memref<6x64x128xf32, #tpu.memory_space<vmem>> -> memref<1x64x128xf32, #tpu.memory_space<vmem>>
    %dma_wait3A_219 = tpu.memref_squeeze %dma_wait3A_218 : memref<1x64x128xf32, #tpu.memory_space<vmem>> -> memref<64x128xf32, #tpu.memory_space<vmem>>
    %dma_wait3A_220 = arith.constant 0 : i32
    %dma_wait3A_221 = tpu.memref_slice %arg2[%add3A_91, %dma_wait3A_220] : memref<16384x128xf32, #tpu.memory_space<hbm>> -> memref<64x128xf32, #tpu.memory_space<hbm>>
    tpu.wait_dma2 semaphore(%arg10 : memref<!tpu.dma_semaphore, #tpu.memory_space<semaphore_mem>>) src(%dma_wait3A_221 : memref<64x128xf32, #tpu.memory_space<hbm>>) dst(%dma_wait3A_219 : memref<64x128xf32, #tpu.memory_space<vmem>>)
    %scan3A = arith.constant 0 : i32
    %scan3A_222 = arith.constant 0 : i32
    %scan3A_223 = arith.constant -65536 : i32
    %scan3A_224 = arith.constant 0 : i32
    %scan3A_225 = arith.constant 0 : i32
    %scan3A_226 = arith.constant 64 : i32
    %scan3A_227 = arith.addi %scan3A_225, %scan3A_226 : i32
    %scan3A_228 = arith.constant 1 : i32
    scf.for %scan3A_872 = %scan3A_225 to %scan3A_227 step %scan3A_228  : i32 {
      %mul3A_873 = arith.constant 1 : i32
      %mul3A_874 = arith.muli %scan3A_872, %mul3A_873 : i32
      %add3A_875 = arith.constant 0 : i32
      %add3A_876 = arith.addi %mul3A_874, %add3A_875 : i32
      %get3A = arith.constant 0 : i32
      %get3A_877 = arith.constant 0 : i32
      %get3A_878 = tpu.memref_slice %arg7[%scan3A_222, %get3A, %get3A_877] : memref<6x64x128xi32, #tpu.memory_space<vmem>> -> memref<1x64x128xi32, #tpu.memory_space<vmem>>
      %get3A_879 = tpu.memref_squeeze %get3A_878 : memref<1x64x128xi32, #tpu.memory_space<vmem>> -> memref<64x128xi32, #tpu.memory_space<vmem>>
      %get3A_880 = arith.index_cast %add3A_876 : i32 to index
      %get3A_881 = arith.constant 0 : index
      %get3A_882 = tpu.vector_load %get3A_879[%get3A_880, %get3A_881] {strides = array<i32>} : memref<64x128xi32, #tpu.memory_space<vmem>>, vector<1x16xi32>,
      %get3A_883 = vector.shape_cast %get3A_882 : vector<1x16xi32> to vector<16xi32>
      %get3A_884 = arith.constant 0 : i32
      %get3A_885 = arith.constant 0 : i32
      %get3A_886 = tpu.memref_slice %arg7[%scan3A_222, %get3A_884, %get3A_885] : memref<6x64x128xi32, #tpu.memory_space<vmem>> -> memref<1x64x128xi32, #tpu.memory_space<vmem>>
      %get3A_887 = tpu.memref_squeeze %get3A_886 : memref<1x64x128xi32, #tpu.memory_space<vmem>> -> memref<64x128xi32, #tpu.memory_space<vmem>>
      %get3A_888 = arith.index_cast %add3A_876 : i32 to index
      %get3A_889 = arith.constant 16 : index
      %get3A_890 = tpu.vector_load %get3A_887[%get3A_888, %get3A_889] {strides = array<i32>} : memref<64x128xi32, #tpu.memory_space<vmem>>, vector<1x16xi32>,
      %get3A_891 = vector.shape_cast %get3A_890 : vector<1x16xi32> to vector<16xi32>
      %broadcast_in_dim3A = arith.constant 16 : i32
      %broadcast_in_dim3A_892 = vector.broadcast %broadcast_in_dim3A : i32 to vector<16xi32>
      %broadcast_in_dim3A_893 = vector.broadcast %scan3A_223 : i32 to vector<16xi32>
      %shift_left3A = arith.shli %get3A_883, %broadcast_in_dim3A_892 : vector<16xi32>
      %bitcast_convert_type3A = tpu.bitcast %shift_left3A : vector<16xi32> -> vector<16xf32>
      %and3A = arith.andi %get3A_883, %broadcast_in_dim3A_893 : vector<16xi32>
      %bitcast_convert_type3A_894 = tpu.bitcast %and3A : vector<16xi32> -> vector<16xf32>
      %shift_left3A_895 = arith.shli %get3A_891, %broadcast_in_dim3A_892 : vector<16xi32>
      %bitcast_convert_type3A_896 = tpu.bitcast %shift_left3A_895 : vector<16xi32> -> vector<16xf32>
      %and3A_897 = arith.andi %get3A_891, %broadcast_in_dim3A_893 : vector<16xi32>
      %bitcast_convert_type3A_898 = tpu.bitcast %and3A_897 : vector<16xi32> -> vector<16xf32>
      %get3A_899 = arith.constant 0 : i32
      %get3A_900 = arith.constant 0 : i32
      %get3A_901 = tpu.memref_slice %arg8[%scan3A_224, %get3A_899, %get3A_900] : memref<6x64x128xf32, #tpu.memory_space<vmem>> -> memref<1x64x128xf32, #tpu.memory_space<vmem>>
      %get3A_902 = tpu.memref_squeeze %get3A_901 : memref<1x64x128xf32, #tpu.memory_space<vmem>> -> memref<64x128xf32, #tpu.memory_space<vmem>>
      %get3A_903 = arith.index_cast %add3A_876 : i32 to index
      %get3A_904 = arith.constant 0 : index
      %get3A_905 = tpu.vector_load %get3A_902[%get3A_903, %get3A_904] {strides = array<i32>} : memref<64x128xf32, #tpu.memory_space<vmem>>, vector<1x16xf32>,
      %get3A_906 = vector.shape_cast %get3A_905 : vector<1x16xf32> to vector<16xf32>
      %get3A_907 = arith.constant 0 : i32
      %get3A_908 = arith.constant 0 : i32
      %get3A_909 = tpu.memref_slice %arg8[%scan3A_224, %get3A_907, %get3A_908] : memref<6x64x128xf32, #tpu.memory_space<vmem>> -> memref<1x64x128xf32, #tpu.memory_space<vmem>>
      %get3A_910 = tpu.memref_squeeze %get3A_909 : memref<1x64x128xf32, #tpu.memory_space<vmem>> -> memref<64x128xf32, #tpu.memory_space<vmem>>
      %get3A_911 = arith.index_cast %add3A_876 : i32 to index
      %get3A_912 = arith.constant 16 : index
      %get3A_913 = tpu.vector_load %get3A_910[%get3A_911, %get3A_912] {strides = array<i32>} : memref<64x128xf32, #tpu.memory_space<vmem>>, vector<1x16xf32>,
      %get3A_914 = vector.shape_cast %get3A_913 : vector<1x16xf32> to vector<16xf32>
      %mul3A_915 = arith.mulf %get3A_906, %bitcast_convert_type3A : vector<16xf32>
      %add3A_916 = arith.addf %get3A_906, %mul3A_915 : vector<16xf32>
      %add3A_917 = arith.addf %add3A_916, %bitcast_convert_type3A_896 : vector<16xf32>
      %swap3A = arith.constant 0 : i32
      %swap3A_918 = arith.constant 0 : i32
      %swap3A_919 = tpu.memref_slice %arg8[%scan3A_224, %swap3A, %swap3A_918] : memref<6x64x128xf32, #tpu.memory_space<vmem>> -> memref<1x64x128xf32, #tpu.memory_space<vmem>>
      %swap3A_920 = tpu.memref_squeeze %swap3A_919 : memref<1x64x128xf32, #tpu.memory_space<vmem>> -> memref<64x128xf32, #tpu.memory_space<vmem>>
      %swap3A_921 = arith.index_cast %add3A_876 : i32 to index
      %swap3A_922 = arith.constant 0 : index
      %swap3A_923 = tpu.vector_load %swap3A_920[%swap3A_921, %swap3A_922] {strides = array<i32>} : memref<64x128xf32, #tpu.memory_space<vmem>>, vector<1x16xf32>,
      %swap3A_924 = vector.shape_cast %swap3A_923 : vector<1x16xf32> to vector<16xf32>
      %swap3A_925 = vector.shape_cast %add3A_917 : vector<16xf32> to vector<1x16xf32>
      tpu.vector_store %swap3A_920[%swap3A_921, %swap3A_922], %swap3A_925 {strides = array<i32>} : memref<64x128xf32, #tpu.memory_space<vmem>>, vector<1x16xf32>,
      %mul3A_926 = arith.mulf %get3A_914, %bitcast_convert_type3A_894 : vector<16xf32>
      %add3A_927 = arith.addf %get3A_914, %mul3A_926 : vector<16xf32>
      %add3A_928 = arith.addf %add3A_927, %bitcast_convert_type3A_898 : vector<16xf32>
      %swap3A_929 = arith.constant 0 : i32
      %swap3A_930 = arith.constant 0 : i32
      %swap3A_931 = tpu.memref_slice %arg8[%scan3A_224, %swap3A_929, %swap3A_930] : memref<6x64x128xf32, #tpu.memory_space<vmem>> -> memref<1x64x128xf32, #tpu.memory_space<vmem>>
      %swap3A_932 = tpu.memref_squeeze %swap3A_931 : memref<1x64x128xf32, #tpu.memory_space<vmem>> -> memref<64x128xf32, #tpu.memory_space<vmem>>
      %swap3A_933 = arith.index_cast %add3A_876 : i32 to index
      %swap3A_934 = arith.constant 16 : index
      %swap3A_935 = tpu.vector_load %swap3A_932[%swap3A_933, %swap3A_934] {strides = array<i32>} : memref<64x128xf32, #tpu.memory_space<vmem>>, vector<1x16xf32>,
      %swap3A_936 = vector.shape_cast %swap3A_935 : vector<1x16xf32> to vector<16xf32>
      %swap3A_937 = vector.shape_cast %add3A_928 : vector<16xf32> to vector<1x16xf32>
      tpu.vector_store %swap3A_932[%swap3A_933, %swap3A_934], %swap3A_937 {strides = array<i32>} : memref<64x128xf32, #tpu.memory_space<vmem>>, vector<1x16xf32>,
      %get3A_938 = arith.constant 0 : i32
      %get3A_939 = arith.constant 0 : i32
      %get3A_940 = tpu.memref_slice %arg7[%scan3A_222, %get3A_938, %get3A_939] : memref<6x64x128xi32, #tpu.memory_space<vmem>> -> memref<1x64x128xi32, #tpu.memory_space<vmem>>
      %get3A_941 = tpu.memref_squeeze %get3A_940 : memref<1x64x128xi32, #tpu.memory_space<vmem>> -> memref<64x128xi32, #tpu.memory_space<vmem>>
      %get3A_942 = arith.index_cast %add3A_876 : i32 to index
      %get3A_943 = arith.constant 32 : index
      %get3A_944 = tpu.vector_load %get3A_941[%get3A_942, %get3A_943] {strides = array<i32>} : memref<64x128xi32, #tpu.memory_space<vmem>>, vector<1x16xi32>,
      %get3A_945 = vector.shape_cast %get3A_944 : vector<1x16xi32> to vector<16xi32>
      %get3A_946 = arith.constant 0 : i32
      %get3A_947 = arith.constant 0 : i32
      %get3A_948 = tpu.memref_slice %arg7[%scan3A_222, %get3A_946, %get3A_947] : memref<6x64x128xi32, #tpu.memory_space<vmem>> -> memref<1x64x128xi32, #tpu.memory_space<vmem>>
      %get3A_949 = tpu.memref_squeeze %get3A_948 : memref<1x64x128xi32, #tpu.memory_space<vmem>> -> memref<64x128xi32, #tpu.memory_space<vmem>>
      %get3A_950 = arith.index_cast %add3A_876 : i32 to index
      %get3A_951 = arith.constant 48 : index
      %get3A_952 = tpu.vector_load %get3A_949[%get3A_950, %get3A_951] {strides = array<i32>} : memref<64x128xi32, #tpu.memory_space<vmem>>, vector<1x16xi32>,
      %get3A_953 = vector.shape_cast %get3A_952 : vector<1x16xi32> to vector<16xi32>
      %broadcast_in_dim3A_954 = arith.constant 16 : i32
      %broadcast_in_dim3A_955 = vector.broadcast %broadcast_in_dim3A_954 : i32 to vector<16xi32>
      %broadcast_in_dim3A_956 = vector.broadcast %scan3A_223 : i32 to vector<16xi32>
      %shift_left3A_957 = arith.shli %get3A_945, %broadcast_in_dim3A_955 : vector<16xi32>
      %bitcast_convert_type3A_958 = tpu.bitcast %shift_left3A_957 : vector<16xi32> -> vector<16xf32>
      %and3A_959 = arith.andi %get3A_945, %broadcast_in_dim3A_956 : vector<16xi32>
      %bitcast_convert_type3A_960 = tpu.bitcast %and3A_959 : vector<16xi32> -> vector<16xf32>
      %shift_left3A_961 = arith.shli %get3A_953, %broadcast_in_dim3A_955 : vector<16xi32>
      %bitcast_convert_type3A_962 = tpu.bitcast %shift_left3A_961 : vector<16xi32> -> vector<16xf32>
      %and3A_963 = arith.andi %get3A_953, %broadcast_in_dim3A_956 : vector<16xi32>
      %bitcast_convert_type3A_964 = tpu.bitcast %and3A_963 : vector<16xi32> -> vector<16xf32>
      %get3A_965 = arith.constant 0 : i32
      %get3A_966 = arith.constant 0 : i32
      %get3A_967 = tpu.memref_slice %arg8[%scan3A_224, %get3A_965, %get3A_966] : memref<6x64x128xf32, #tpu.memory_space<vmem>> -> memref<1x64x128xf32, #tpu.memory_space<vmem>>
      %get3A_968 = tpu.memref_squeeze %get3A_967 : memref<1x64x128xf32, #tpu.memory_space<vmem>> -> memref<64x128xf32, #tpu.memory_space<vmem>>
      %get3A_969 = arith.index_cast %add3A_876 : i32 to index
      %get3A_970 = arith.constant 32 : index
      %get3A_971 = tpu.vector_load %get3A_968[%get3A_969, %get3A_970] {strides = array<i32>} : memref<64x128xf32, #tpu.memory_space<vmem>>, vector<1x16xf32>,
      %get3A_972 = vector.shape_cast %get3A_971 : vector<1x16xf32> to vector<16xf32>
      %get3A_973 = arith.constant 0 : i32
      %get3A_974 = arith.constant 0 : i32
      %get3A_975 = tpu.memref_slice %arg8[%scan3A_224, %get3A_973, %get3A_974] : memref<6x64x128xf32, #tpu.memory_space<vmem>> -> memref<1x64x128xf32, #tpu.memory_space<vmem>>
      %get3A_976 = tpu.memref_squeeze %get3A_975 : memref<1x64x128xf32, #tpu.memory_space<vmem>> -> memref<64x128xf32, #tpu.memory_space<vmem>>
      %get3A_977 = arith.index_cast %add3A_876 : i32 to index
      %get3A_978 = arith.constant 48 : index
      %get3A_979 = tpu.vector_load %get3A_976[%get3A_977, %get3A_978] {strides = array<i32>} : memref<64x128xf32, #tpu.memory_space<vmem>>, vector<1x16xf32>,
      %get3A_980 = vector.shape_cast %get3A_979 : vector<1x16xf32> to vector<16xf32>
      %mul3A_981 = arith.mulf %get3A_972, %bitcast_convert_type3A_958 : vector<16xf32>
      %add3A_982 = arith.addf %get3A_972, %mul3A_981 : vector<16xf32>
      %add3A_983 = arith.addf %add3A_982, %bitcast_convert_type3A_962 : vector<16xf32>
      %swap3A_984 = arith.constant 0 : i32
      %swap3A_985 = arith.constant 0 : i32
      %swap3A_986 = tpu.memref_slice %arg8[%scan3A_224, %swap3A_984, %swap3A_985] : memref<6x64x128xf32, #tpu.memory_space<vmem>> -> memref<1x64x128xf32, #tpu.memory_space<vmem>>
      %swap3A_987 = tpu.memref_squeeze %swap3A_986 : memref<1x64x128xf32, #tpu.memory_space<vmem>> -> memref<64x128xf32, #tpu.memory_space<vmem>>
      %swap3A_988 = arith.index_cast %add3A_876 : i32 to index
      %swap3A_989 = arith.constant 32 : index
      %swap3A_990 = tpu.vector_load %swap3A_987[%swap3A_988, %swap3A_989] {strides = array<i32>} : memref<64x128xf32, #tpu.memory_space<vmem>>, vector<1x16xf32>,
      %swap3A_991 = vector.shape_cast %swap3A_990 : vector<1x16xf32> to vector<16xf32>
      %swap3A_992 = vector.shape_cast %add3A_983 : vector<16xf32> to vector<1x16xf32>
      tpu.vector_store %swap3A_987[%swap3A_988, %swap3A_989], %swap3A_992 {strides = array<i32>} : memref<64x128xf32, #tpu.memory_space<vmem>>, vector<1x16xf32>,
      %mul3A_993 = arith.mulf %get3A_980, %bitcast_convert_type3A_960 : vector<16xf32>
      %add3A_994 = arith.addf %get3A_980, %mul3A_993 : vector<16xf32>
      %add3A_995 = arith.addf %add3A_994, %bitcast_convert_type3A_964 : vector<16xf32>
      %swap3A_996 = arith.constant 0 : i32
      %swap3A_997 = arith.constant 0 : i32
      %swap3A_998 = tpu.memref_slice %arg8[%scan3A_224, %swap3A_996, %swap3A_997] : memref<6x64x128xf32, #tpu.memory_space<vmem>> -> memref<1x64x128xf32, #tpu.memory_space<vmem>>
      %swap3A_999 = tpu.memref_squeeze %swap3A_998 : memref<1x64x128xf32, #tpu.memory_space<vmem>> -> memref<64x128xf32, #tpu.memory_space<vmem>>
      %swap3A_1000 = arith.index_cast %add3A_876 : i32 to index
      %swap3A_1001 = arith.constant 48 : index
      %swap3A_1002 = tpu.vector_load %swap3A_999[%swap3A_1000, %swap3A_1001] {strides = array<i32>} : memref<64x128xf32, #tpu.memory_space<vmem>>, vector<1x16xf32>,
      %swap3A_1003 = vector.shape_cast %swap3A_1002 : vector<1x16xf32> to vector<16xf32>
      %swap3A_1004 = vector.shape_cast %add3A_995 : vector<16xf32> to vector<1x16xf32>
      tpu.vector_store %swap3A_999[%swap3A_1000, %swap3A_1001], %swap3A_1004 {strides = array<i32>} : memref<64x128xf32, #tpu.memory_space<vmem>>, vector<1x16xf32>,
      %get3A_1005 = arith.constant 0 : i32
      %get3A_1006 = arith.constant 0 : i32
      %get3A_1007 = tpu.memref_slice %arg7[%scan3A_222, %get3A_1005, %get3A_1006] : memref<6x64x128xi32, #tpu.memory_space<vmem>> -> memref<1x64x128xi32, #tpu.memory_space<vmem>>
      %get3A_1008 = tpu.memref_squeeze %get3A_1007 : memref<1x64x128xi32, #tpu.memory_space<vmem>> -> memref<64x128xi32, #tpu.memory_space<vmem>>
      %get3A_1009 = arith.index_cast %add3A_876 : i32 to index
      %get3A_1010 = arith.constant 64 : index
      %get3A_1011 = tpu.vector_load %get3A_1008[%get3A_1009, %get3A_1010] {strides = array<i32>} : memref<64x128xi32, #tpu.memory_space<vmem>>, vector<1x16xi32>,
      %get3A_1012 = vector.shape_cast %get3A_1011 : vector<1x16xi32> to vector<16xi32>
      %get3A_1013 = arith.constant 0 : i32
      %get3A_1014 = arith.constant 0 : i32
      %get3A_1015 = tpu.memref_slice %arg7[%scan3A_222, %get3A_1013, %get3A_1014] : memref<6x64x128xi32, #tpu.memory_space<vmem>> -> memref<1x64x128xi32, #tpu.memory_space<vmem>>
      %get3A_1016 = tpu.memref_squeeze %get3A_1015 : memref<1x64x128xi32, #tpu.memory_space<vmem>> -> memref<64x128xi32, #tpu.memory_space<vmem>>
      %get3A_1017 = arith.index_cast %add3A_876 : i32 to index
      %get3A_1018 = arith.constant 80 : index
      %get3A_1019 = tpu.vector_load %get3A_1016[%get3A_1017, %get3A_1018] {strides = array<i32>} : memref<64x128xi32, #tpu.memory_space<vmem>>, vector<1x16xi32>,
      %get3A_1020 = vector.shape_cast %get3A_1019 : vector<1x16xi32> to vector<16xi32>
      %broadcast_in_dim3A_1021 = arith.constant 16 : i32
      %broadcast_in_dim3A_1022 = vector.broadcast %broadcast_in_dim3A_1021 : i32 to vector<16xi32>
      %broadcast_in_dim3A_1023 = vector.broadcast %scan3A_223 : i32 to vector<16xi32>
      %shift_left3A_1024 = arith.shli %get3A_1012, %broadcast_in_dim3A_1022 : vector<16xi32>
      %bitcast_convert_type3A_1025 = tpu.bitcast %shift_left3A_1024 : vector<16xi32> -> vector<16xf32>
      %and3A_1026 = arith.andi %get3A_1012, %broadcast_in_dim3A_1023 : vector<16xi32>
      %bitcast_convert_type3A_1027 = tpu.bitcast %and3A_1026 : vector<16xi32> -> vector<16xf32>
      %shift_left3A_1028 = arith.shli %get3A_1020, %broadcast_in_dim3A_1022 : vector<16xi32>
      %bitcast_convert_type3A_1029 = tpu.bitcast %shift_left3A_1028 : vector<16xi32> -> vector<16xf32>
      %and3A_1030 = arith.andi %get3A_1020, %broadcast_in_dim3A_1023 : vector<16xi32>
      %bitcast_convert_type3A_1031 = tpu.bitcast %and3A_1030 : vector<16xi32> -> vector<16xf32>
      %get3A_1032 = arith.constant 0 : i32
      %get3A_1033 = arith.constant 0 : i32
      %get3A_1034 = tpu.memref_slice %arg8[%scan3A_224, %get3A_1032, %get3A_1033] : memref<6x64x128xf32, #tpu.memory_space<vmem>> -> memref<1x64x128xf32, #tpu.memory_space<vmem>>
      %get3A_1035 = tpu.memref_squeeze %get3A_1034 : memref<1x64x128xf32, #tpu.memory_space<vmem>> -> memref<64x128xf32, #tpu.memory_space<vmem>>
      %get3A_1036 = arith.index_cast %add3A_876 : i32 to index
      %get3A_1037 = arith.constant 64 : index
      %get3A_1038 = tpu.vector_load %get3A_1035[%get3A_1036, %get3A_1037] {strides = array<i32>} : memref<64x128xf32, #tpu.memory_space<vmem>>, vector<1x16xf32>,
      %get3A_1039 = vector.shape_cast %get3A_1038 : vector<1x16xf32> to vector<16xf32>
      %get3A_1040 = arith.constant 0 : i32
      %get3A_1041 = arith.constant 0 : i32
      %get3A_1042 = tpu.memref_slice %arg8[%scan3A_224, %get3A_1040, %get3A_1041] : memref<6x64x128xf32, #tpu.memory_space<vmem>> -> memref<1x64x128xf32, #tpu.memory_space<vmem>>
      %get3A_1043 = tpu.memref_squeeze %get3A_1042 : memref<1x64x128xf32, #tpu.memory_space<vmem>> -> memref<64x128xf32, #tpu.memory_space<vmem>>
      %get3A_1044 = arith.index_cast %add3A_876 : i32 to index
      %get3A_1045 = arith.constant 80 : index
      %get3A_1046 = tpu.vector_load %get3A_1043[%get3A_1044, %get3A_1045] {strides = array<i32>} : memref<64x128xf32, #tpu.memory_space<vmem>>, vector<1x16xf32>,
      %get3A_1047 = vector.shape_cast %get3A_1046 : vector<1x16xf32> to vector<16xf32>
      %mul3A_1048 = arith.mulf %get3A_1039, %bitcast_convert_type3A_1025 : vector<16xf32>
      %add3A_1049 = arith.addf %get3A_1039, %mul3A_1048 : vector<16xf32>
      %add3A_1050 = arith.addf %add3A_1049, %bitcast_convert_type3A_1029 : vector<16xf32>
      %swap3A_1051 = arith.constant 0 : i32
      %swap3A_1052 = arith.constant 0 : i32
      %swap3A_1053 = tpu.memref_slice %arg8[%scan3A_224, %swap3A_1051, %swap3A_1052] : memref<6x64x128xf32, #tpu.memory_space<vmem>> -> memref<1x64x128xf32, #tpu.memory_space<vmem>>
      %swap3A_1054 = tpu.memref_squeeze %swap3A_1053 : memref<1x64x128xf32, #tpu.memory_space<vmem>> -> memref<64x128xf32, #tpu.memory_space<vmem>>
      %swap3A_1055 = arith.index_cast %add3A_876 : i32 to index
      %swap3A_1056 = arith.constant 64 : index
      %swap3A_1057 = tpu.vector_load %swap3A_1054[%swap3A_1055, %swap3A_1056] {strides = array<i32>} : memref<64x128xf32, #tpu.memory_space<vmem>>, vector<1x16xf32>,
      %swap3A_1058 = vector.shape_cast %swap3A_1057 : vector<1x16xf32> to vector<16xf32>
      %swap3A_1059 = vector.shape_cast %add3A_1050 : vector<16xf32> to vector<1x16xf32>
      tpu.vector_store %swap3A_1054[%swap3A_1055, %swap3A_1056], %swap3A_1059 {strides = array<i32>} : memref<64x128xf32, #tpu.memory_space<vmem>>, vector<1x16xf32>,
      %mul3A_1060 = arith.mulf %get3A_1047, %bitcast_convert_type3A_1027 : vector<16xf32>
      %add3A_1061 = arith.addf %get3A_1047, %mul3A_1060 : vector<16xf32>
      %add3A_1062 = arith.addf %add3A_1061, %bitcast_convert_type3A_1031 : vector<16xf32>
      %swap3A_1063 = arith.constant 0 : i32
      %swap3A_1064 = arith.constant 0 : i32
      %swap3A_1065 = tpu.memref_slice %arg8[%scan3A_224, %swap3A_1063, %swap3A_1064] : memref<6x64x128xf32, #tpu.memory_space<vmem>> -> memref<1x64x128xf32, #tpu.memory_space<vmem>>
      %swap3A_1066 = tpu.memref_squeeze %swap3A_1065 : memref<1x64x128xf32, #tpu.memory_space<vmem>> -> memref<64x128xf32, #tpu.memory_space<vmem>>
      %swap3A_1067 = arith.index_cast %add3A_876 : i32 to index
      %swap3A_1068 = arith.constant 80 : index
      %swap3A_1069 = tpu.vector_load %swap3A_1066[%swap3A_1067, %swap3A_1068] {strides = array<i32>} : memref<64x128xf32, #tpu.memory_space<vmem>>, vector<1x16xf32>,
      %swap3A_1070 = vector.shape_cast %swap3A_1069 : vector<1x16xf32> to vector<16xf32>
      %swap3A_1071 = vector.shape_cast %add3A_1062 : vector<16xf32> to vector<1x16xf32>
      tpu.vector_store %swap3A_1066[%swap3A_1067, %swap3A_1068], %swap3A_1071 {strides = array<i32>} : memref<64x128xf32, #tpu.memory_space<vmem>>, vector<1x16xf32>,
      %get3A_1072 = arith.constant 0 : i32
      %get3A_1073 = arith.constant 0 : i32
      %get3A_1074 = tpu.memref_slice %arg7[%scan3A_222, %get3A_1072, %get3A_1073] : memref<6x64x128xi32, #tpu.memory_space<vmem>> -> memref<1x64x128xi32, #tpu.memory_space<vmem>>
      %get3A_1075 = tpu.memref_squeeze %get3A_1074 : memref<1x64x128xi32, #tpu.memory_space<vmem>> -> memref<64x128xi32, #tpu.memory_space<vmem>>
      %get3A_1076 = arith.index_cast %add3A_876 : i32 to index
      %get3A_1077 = arith.constant 96 : index
      %get3A_1078 = tpu.vector_load %get3A_1075[%get3A_1076, %get3A_1077] {strides = array<i32>} : memref<64x128xi32, #tpu.memory_space<vmem>>, vector<1x16xi32>,
      %get3A_1079 = vector.shape_cast %get3A_1078 : vector<1x16xi32> to vector<16xi32>
      %get3A_1080 = arith.constant 0 : i32
      %get3A_1081 = arith.constant 0 : i32
      %get3A_1082 = tpu.memref_slice %arg7[%scan3A_222, %get3A_1080, %get3A_1081] : memref<6x64x128xi32, #tpu.memory_space<vmem>> -> memref<1x64x128xi32, #tpu.memory_space<vmem>>
      %get3A_1083 = tpu.memref_squeeze %get3A_1082 : memref<1x64x128xi32, #tpu.memory_space<vmem>> -> memref<64x128xi32, #tpu.memory_space<vmem>>
      %get3A_1084 = arith.index_cast %add3A_876 : i32 to index
      %get3A_1085 = arith.constant 112 : index
      %get3A_1086 = tpu.vector_load %get3A_1083[%get3A_1084, %get3A_1085] {strides = array<i32>} : memref<64x128xi32, #tpu.memory_space<vmem>>, vector<1x16xi32>,
      %get3A_1087 = vector.shape_cast %get3A_1086 : vector<1x16xi32> to vector<16xi32>
      %broadcast_in_dim3A_1088 = arith.constant 16 : i32
      %broadcast_in_dim3A_1089 = vector.broadcast %broadcast_in_dim3A_1088 : i32 to vector<16xi32>
      %broadcast_in_dim3A_1090 = vector.broadcast %scan3A_223 : i32 to vector<16xi32>
      %shift_left3A_1091 = arith.shli %get3A_1079, %broadcast_in_dim3A_1089 : vector<16xi32>
      %bitcast_convert_type3A_1092 = tpu.bitcast %shift_left3A_1091 : vector<16xi32> -> vector<16xf32>
      %and3A_1093 = arith.andi %get3A_1079, %broadcast_in_dim3A_1090 : vector<16xi32>
      %bitcast_convert_type3A_1094 = tpu.bitcast %and3A_1093 : vector<16xi32> -> vector<16xf32>
      %shift_left3A_1095 = arith.shli %get3A_1087, %broadcast_in_dim3A_1089 : vector<16xi32>
      %bitcast_convert_type3A_1096 = tpu.bitcast %shift_left3A_1095 : vector<16xi32> -> vector<16xf32>
      %and3A_1097 = arith.andi %get3A_1087, %broadcast_in_dim3A_1090 : vector<16xi32>
      %bitcast_convert_type3A_1098 = tpu.bitcast %and3A_1097 : vector<16xi32> -> vector<16xf32>
      %get3A_1099 = arith.constant 0 : i32
      %get3A_1100 = arith.constant 0 : i32
      %get3A_1101 = tpu.memref_slice %arg8[%scan3A_224, %get3A_1099, %get3A_1100] : memref<6x64x128xf32, #tpu.memory_space<vmem>> -> memref<1x64x128xf32, #tpu.memory_space<vmem>>
      %get3A_1102 = tpu.memref_squeeze %get3A_1101 : memref<1x64x128xf32, #tpu.memory_space<vmem>> -> memref<64x128xf32, #tpu.memory_space<vmem>>
      %get3A_1103 = arith.index_cast %add3A_876 : i32 to index
      %get3A_1104 = arith.constant 96 : index
      %get3A_1105 = tpu.vector_load %get3A_1102[%get3A_1103, %get3A_1104] {strides = array<i32>} : memref<64x128xf32, #tpu.memory_space<vmem>>, vector<1x16xf32>,
      %get3A_1106 = vector.shape_cast %get3A_1105 : vector<1x16xf32> to vector<16xf32>
      %get3A_1107 = arith.constant 0 : i32
      %get3A_1108 = arith.constant 0 : i32
      %get3A_1109 = tpu.memref_slice %arg8[%scan3A_224, %get3A_1107, %get3A_1108] : memref<6x64x128xf32, #tpu.memory_space<vmem>> -> memref<1x64x128xf32, #tpu.memory_space<vmem>>
      %get3A_1110 = tpu.memref_squeeze %get3A_1109 : memref<1x64x128xf32, #tpu.memory_space<vmem>> -> memref<64x128xf32, #tpu.memory_space<vmem>>
      %get3A_1111 = arith.index_cast %add3A_876 : i32 to index
      %get3A_1112 = arith.constant 112 : index
      %get3A_1113 = tpu.vector_load %get3A_1110[%get3A_1111, %get3A_1112] {strides = array<i32>} : memref<64x128xf32, #tpu.memory_space<vmem>>, vector<1x16xf32>,
      %get3A_1114 = vector.shape_cast %get3A_1113 : vector<1x16xf32> to vector<16xf32>
      %mul3A_1115 = arith.mulf %get3A_1106, %bitcast_convert_type3A_1092 : vector<16xf32>
      %add3A_1116 = arith.addf %get3A_1106, %mul3A_1115 : vector<16xf32>
      %add3A_1117 = arith.addf %add3A_1116, %bitcast_convert_type3A_1096 : vector<16xf32>
      %swap3A_1118 = arith.constant 0 : i32
      %swap3A_1119 = arith.constant 0 : i32
      %swap3A_1120 = tpu.memref_slice %arg8[%scan3A_224, %swap3A_1118, %swap3A_1119] : memref<6x64x128xf32, #tpu.memory_space<vmem>> -> memref<1x64x128xf32, #tpu.memory_space<vmem>>
      %swap3A_1121 = tpu.memref_squeeze %swap3A_1120 : memref<1x64x128xf32, #tpu.memory_space<vmem>> -> memref<64x128xf32, #tpu.memory_space<vmem>>
      %swap3A_1122 = arith.index_cast %add3A_876 : i32 to index
      %swap3A_1123 = arith.constant 96 : index
      %swap3A_1124 = tpu.vector_load %swap3A_1121[%swap3A_1122, %swap3A_1123] {strides = array<i32>} : memref<64x128xf32, #tpu.memory_space<vmem>>, vector<1x16xf32>,
      %swap3A_1125 = vector.shape_cast %swap3A_1124 : vector<1x16xf32> to vector<16xf32>
      %swap3A_1126 = vector.shape_cast %add3A_1117 : vector<16xf32> to vector<1x16xf32>
      tpu.vector_store %swap3A_1121[%swap3A_1122, %swap3A_1123], %swap3A_1126 {strides = array<i32>} : memref<64x128xf32, #tpu.memory_space<vmem>>, vector<1x16xf32>,
      %mul3A_1127 = arith.mulf %get3A_1114, %bitcast_convert_type3A_1094 : vector<16xf32>
      %add3A_1128 = arith.addf %get3A_1114, %mul3A_1127 : vector<16xf32>
      %add3A_1129 = arith.addf %add3A_1128, %bitcast_convert_type3A_1098 : vector<16xf32>
      %swap3A_1130 = arith.constant 0 : i32
      %swap3A_1131 = arith.constant 0 : i32
      %swap3A_1132 = tpu.memref_slice %arg8[%scan3A_224, %swap3A_1130, %swap3A_1131] : memref<6x64x128xf32, #tpu.memory_space<vmem>> -> memref<1x64x128xf32, #tpu.memory_space<vmem>>
      %swap3A_1133 = tpu.memref_squeeze %swap3A_1132 : memref<1x64x128xf32, #tpu.memory_space<vmem>> -> memref<64x128xf32, #tpu.memory_space<vmem>>
      %swap3A_1134 = arith.index_cast %add3A_876 : i32 to index
      %swap3A_1135 = arith.constant 112 : index
      %swap3A_1136 = tpu.vector_load %swap3A_1133[%swap3A_1134, %swap3A_1135] {strides = array<i32>} : memref<64x128xf32, #tpu.memory_space<vmem>>, vector<1x16xf32>,
      %swap3A_1137 = vector.shape_cast %swap3A_1136 : vector<1x16xf32> to vector<16xf32>
      %swap3A_1138 = vector.shape_cast %add3A_1129 : vector<16xf32> to vector<1x16xf32>
      tpu.vector_store %swap3A_1133[%swap3A_1134, %swap3A_1135], %swap3A_1138 {strides = array<i32>} : memref<64x128xf32, #tpu.memory_space<vmem>>, vector<1x16xf32>,
    }
    %scan3A_229 = arith.constant 64 : i32
    %add3A_230 = arith.constant 0 : i32
    %add3A_231 = arith.addi %mul3A_2, %add3A_230 : i32
    %dma_start3A_232 = arith.constant 0 : i32
    %dma_start3A_233 = arith.constant 0 : i32
    %dma_start3A_234 = arith.constant 0 : i32
    %dma_start3A_235 = tpu.memref_slice %arg8[%dma_start3A_232, %dma_start3A_233, %dma_start3A_234] : memref<6x64x128xf32, #tpu.memory_space<vmem>> -> memref<1x64x128xf32, #tpu.memory_space<vmem>>
    %dma_start3A_236 = tpu.memref_squeeze %dma_start3A_235 : memref<1x64x128xf32, #tpu.memory_space<vmem>> -> memref<64x128xf32, #tpu.memory_space<vmem>>
    %dma_start3A_237 = arith.constant 0 : i32
    %dma_start3A_238 = tpu.memref_slice %arg5[%add3A_231, %dma_start3A_237] : memref<16384x128xf32, #tpu.memory_space<hbm>> -> memref<64x128xf32, #tpu.memory_space<hbm>>
    %dma_start3A_239 = arith.constant 0 : i32
    %dma_start3A_240 = tpu.memref_slice %arg5[%add3A_231, %dma_start3A_239] : memref<16384x128xf32, #tpu.memory_space<hbm>> -> memref<64x128xf32, #tpu.memory_space<hbm>>
    %dma_start3A_241 = arith.constant 0 : i32
    %dma_start3A_242 = arith.constant 0 : i32
    %dma_start3A_243 = tpu.memref_slice %arg8[%dma_start3A_232, %dma_start3A_241, %dma_start3A_242] : memref<6x64x128xf32, #tpu.memory_space<vmem>> -> memref<1x64x128xf32, #tpu.memory_space<vmem>>
    %dma_start3A_244 = tpu.memref_squeeze %dma_start3A_243 : memref<1x64x128xf32, #tpu.memory_space<vmem>> -> memref<64x128xf32, #tpu.memory_space<vmem>>
    tpu.enqueue_dma source(%dma_start3A_244 : memref<64x128xf32, #tpu.memory_space<vmem>>) target(%dma_start3A_240 : memref<64x128xf32, #tpu.memory_space<hbm>>) target_semaphore(%arg16 : memref<!tpu.dma_semaphore, #tpu.memory_space<semaphore_mem>>)
    %add3A_245 = arith.constant 192 : i32
    %add3A_246 = arith.addi %mul3A_2, %add3A_245 : i32
    %dma_start3A_247 = arith.constant 3 : i32
    %dma_start3A_248 = arith.constant 0 : i32
    %dma_start3A_249 = arith.constant 0 : i32
    %dma_start3A_250 = tpu.memref_slice %arg8[%dma_start3A_247, %dma_start3A_248, %dma_start3A_249] : memref<6x64x128xf32, #tpu.memory_space<vmem>> -> memref<1x64x128xf32, #tpu.memory_space<vmem>>
    %dma_start3A_251 = tpu.memref_squeeze %dma_start3A_250 : memref<1x64x128xf32, #tpu.memory_space<vmem>> -> memref<64x128xf32, #tpu.memory_space<vmem>>
    %dma_start3A_252 = arith.constant 0 : i32
    %dma_start3A_253 = tpu.memref_slice %arg2[%add3A_246, %dma_start3A_252] : memref<16384x128xf32, #tpu.memory_space<hbm>> -> memref<64x128xf32, #tpu.memory_space<hbm>>
    %dma_start3A_254 = arith.constant 0 : i32
    %dma_start3A_255 = arith.constant 0 : i32
    %dma_start3A_256 = tpu.memref_slice %arg8[%dma_start3A_247, %dma_start3A_254, %dma_start3A_255] : memref<6x64x128xf32, #tpu.memory_space<vmem>> -> memref<1x64x128xf32, #tpu.memory_space<vmem>>
    %dma_start3A_257 = tpu.memref_squeeze %dma_start3A_256 : memref<1x64x128xf32, #tpu.memory_space<vmem>> -> memref<64x128xf32, #tpu.memory_space<vmem>>
    %dma_start3A_258 = arith.constant 0 : i32
    %dma_start3A_259 = tpu.memref_slice %arg2[%add3A_246, %dma_start3A_258] : memref<16384x128xf32, #tpu.memory_space<hbm>> -> memref<64x128xf32, #tpu.memory_space<hbm>>
    tpu.enqueue_dma source(%dma_start3A_259 : memref<64x128xf32, #tpu.memory_space<hbm>>) target(%dma_start3A_257 : memref<64x128xf32, #tpu.memory_space<vmem>>) target_semaphore(%arg13 : memref<!tpu.dma_semaphore, #tpu.memory_space<semaphore_mem>>)
    %dma_wait3A_260 = arith.constant 3 : i32
    %dma_wait3A_261 = arith.constant 0 : i32
    %dma_wait3A_262 = tpu.memref_slice %arg6[%dma_wait3A_260, %dma_wait3A_261] : memref<8x64xi32, #tpu.memory_space<vmem>> -> memref<1x64xi32, #tpu.memory_space<vmem>>
    %dma_wait3A_263 = tpu.memref_squeeze %dma_wait3A_262 : memref<1x64xi32, #tpu.memory_space<vmem>> -> memref<64xi32, #tpu.memory_space<vmem>>
    %dma_wait3A_264 = tpu.memref_slice %arg3[%add3A_36] : memref<16384xi32, #tpu.memory_space<hbm>> -> memref<64xi32, #tpu.memory_space<hbm>>
    %dma_wait3A_265 = arith.constant 0 : i32
    %dma_wait3A_266 = tpu.memref_slice %arg6[%dma_wait3A_260, %dma_wait3A_265] : memref<8x64xi32, #tpu.memory_space<vmem>> -> memref<1x64xi32, #tpu.memory_space<vmem>>
    %dma_wait3A_267 = tpu.memref_squeeze %dma_wait3A_266 : memref<1x64xi32, #tpu.memory_space<vmem>> -> memref<64xi32, #tpu.memory_space<vmem>>
    %dma_wait3A_268 = tpu.memref_slice %arg3[%add3A_36] : memref<16384xi32, #tpu.memory_space<hbm>> -> memref<64xi32, #tpu.memory_space<hbm>>
    tpu.wait_dma2 semaphore(%arg9 : memref<!tpu.dma_semaphore, #tpu.memory_space<semaphore_mem>>) src(%dma_wait3A_268 : memref<64xi32, #tpu.memory_space<hbm>>) dst(%dma_wait3A_267 : memref<64xi32, #tpu.memory_space<vmem>>)
    %dma_start3A_269 = arith.constant 3 : i32
    %dma_start3A_270 = arith.constant 3 : i32
    %dma_start3A_271 = arith.constant 0 : i32
    %dma_start3A_272 = arith.constant 0 : i32
    %dma_start3A_273 = tpu.memref_slice %arg7[%dma_start3A_270, %dma_start3A_271, %dma_start3A_272] : memref<6x64x128xi32, #tpu.memory_space<vmem>> -> memref<1x64x128xi32, #tpu.memory_space<vmem>>
    %dma_start3A_274 = tpu.memref_squeeze %dma_start3A_273 : memref<1x64x128xi32, #tpu.memory_space<vmem>> -> memref<64x128xi32, #tpu.memory_space<vmem>>
    %dma_start3A_275 = arith.constant 0 : i32
    %dma_start3A_276 = tpu.memref_slice %arg6[%dma_start3A_269, %dma_start3A_275] : memref<8x64xi32, #tpu.memory_space<vmem>> -> memref<1x64xi32, #tpu.memory_space<vmem>>
    %dma_start3A_277 = tpu.memref_squeeze %dma_start3A_276 : memref<1x64xi32, #tpu.memory_space<vmem>> -> memref<64xi32, #tpu.memory_space<vmem>>
    %dma_start3A_278 = arith.constant 0 : i32
    %dma_start3A_279 = arith.constant 0 : i32
    %dma_start3A_280 = tpu.memref_slice %arg4[%dma_start3A_278, %dma_start3A_279] : memref<1000x128xi32, #tpu.memory_space<hbm>> -> memref<1000x128xi32, #tpu.memory_space<hbm>>
    tpu.enqueue_indirect_dma source(%dma_start3A_280 : memref<1000x128xi32, #tpu.memory_space<hbm>>) target(%dma_start3A_274 : memref<64x128xi32, #tpu.memory_space<vmem>>) offsets(%dma_start3A_277 : memref<64xi32, #tpu.memory_space<vmem>>) semaphore(%arg13 : memref<!tpu.dma_semaphore, #tpu.memory_space<semaphore_mem>>)
    %dma_wait3A_281 = arith.constant 1 : i32
    %dma_wait3A_282 = arith.constant 1 : i32
    %dma_wait3A_283 = arith.constant 0 : i32
    %dma_wait3A_284 = arith.constant 0 : i32
    %dma_wait3A_285 = tpu.memref_slice %arg7[%dma_wait3A_282, %dma_wait3A_283, %dma_wait3A_284] : memref<6x64x128xi32, #tpu.memory_space<vmem>> -> memref<1x64x128xi32, #tpu.memory_space<vmem>>
    %dma_wait3A_286 = tpu.memref_squeeze %dma_wait3A_285 : memref<1x64x128xi32, #tpu.memory_space<vmem>> -> memref<64x128xi32, #tpu.memory_space<vmem>>
    %dma_wait3A_287 = arith.constant 0 : i32
    %dma_wait3A_288 = tpu.memref_slice %arg6[%dma_wait3A_281, %dma_wait3A_287] : memref<8x64xi32, #tpu.memory_space<vmem>> -> memref<1x64xi32, #tpu.memory_space<vmem>>
    %dma_wait3A_289 = tpu.memref_squeeze %dma_wait3A_288 : memref<1x64xi32, #tpu.memory_space<vmem>> -> memref<64xi32, #tpu.memory_space<vmem>>
    %dma_wait3A_290 = arith.constant 0 : i32
    %dma_wait3A_291 = arith.constant 0 : i32
    %dma_wait3A_292 = tpu.memref_slice %arg4[%dma_wait3A_290, %dma_wait3A_291] : memref<1000x128xi32, #tpu.memory_space<hbm>> -> memref<1000x128xi32, #tpu.memory_space<hbm>>
    tpu.wait_indirect_dma semaphore(%arg11 : memref<!tpu.dma_semaphore, #tpu.memory_space<semaphore_mem>>) src(%dma_wait3A_292 : memref<1000x128xi32, #tpu.memory_space<hbm>>) dst(%dma_wait3A_286 : memref<64x128xi32, #tpu.memory_space<vmem>>)
    %dma_wait3A_293 = arith.constant 1 : i32
    %dma_wait3A_294 = arith.constant 0 : i32
    %dma_wait3A_295 = arith.constant 0 : i32
    %dma_wait3A_296 = tpu.memref_slice %arg8[%dma_wait3A_293, %dma_wait3A_294, %dma_wait3A_295] : memref<6x64x128xf32, #tpu.memory_space<vmem>> -> memref<1x64x128xf32, #tpu.memory_space<vmem>>
    %dma_wait3A_297 = tpu.memref_squeeze %dma_wait3A_296 : memref<1x64x128xf32, #tpu.memory_space<vmem>> -> memref<64x128xf32, #tpu.memory_space<vmem>>
    %dma_wait3A_298 = arith.constant 0 : i32
    %dma_wait3A_299 = tpu.memref_slice %arg2[%add3A_126, %dma_wait3A_298] : memref<16384x128xf32, #tpu.memory_space<hbm>> -> memref<64x128xf32, #tpu.memory_space<hbm>>
    %dma_wait3A_300 = arith.constant 0 : i32
    %dma_wait3A_301 = arith.constant 0 : i32
    %dma_wait3A_302 = tpu.memref_slice %arg8[%dma_wait3A_293, %dma_wait3A_300, %dma_wait3A_301] : memref<6x64x128xf32, #tpu.memory_space<vmem>> -> memref<1x64x128xf32, #tpu.memory_space<vmem>>
    %dma_wait3A_303 = tpu.memref_squeeze %dma_wait3A_302 : memref<1x64x128xf32, #tpu.memory_space<vmem>> -> memref<64x128xf32, #tpu.memory_space<vmem>>
    %dma_wait3A_304 = arith.constant 0 : i32
    %dma_wait3A_305 = tpu.memref_slice %arg2[%add3A_126, %dma_wait3A_304] : memref<16384x128xf32, #tpu.memory_space<hbm>> -> memref<64x128xf32, #tpu.memory_space<hbm>>
    tpu.wait_dma2 semaphore(%arg11 : memref<!tpu.dma_semaphore, #tpu.memory_space<semaphore_mem>>) src(%dma_wait3A_305 : memref<64x128xf32, #tpu.memory_space<hbm>>) dst(%dma_wait3A_303 : memref<64x128xf32, #tpu.memory_space<vmem>>)
    %scan3A_306 = arith.constant 0 : i32
    %scan3A_307 = arith.constant 1 : i32
    %scan3A_308 = arith.constant -65536 : i32
    %scan3A_309 = arith.constant 1 : i32
    %scan3A_310 = arith.constant 0 : i32
    %scan3A_311 = arith.constant 64 : i32
    %scan3A_312 = arith.addi %scan3A_310, %scan3A_311 : i32
    %scan3A_313 = arith.constant 1 : i32
    scf.for %scan3A_872 = %scan3A_310 to %scan3A_312 step %scan3A_313  : i32 {
      %mul3A_873 = arith.constant 1 : i32
      %mul3A_874 = arith.muli %scan3A_872, %mul3A_873 : i32
      %add3A_875 = arith.constant 0 : i32
      %add3A_876 = arith.addi %mul3A_874, %add3A_875 : i32
      %get3A = arith.constant 0 : i32
      %get3A_877 = arith.constant 0 : i32
      %get3A_878 = tpu.memref_slice %arg7[%scan3A_307, %get3A, %get3A_877] : memref<6x64x128xi32, #tpu.memory_space<vmem>> -> memref<1x64x128xi32, #tpu.memory_space<vmem>>
      %get3A_879 = tpu.memref_squeeze %get3A_878 : memref<1x64x128xi32, #tpu.memory_space<vmem>> -> memref<64x128xi32, #tpu.memory_space<vmem>>
      %get3A_880 = arith.index_cast %add3A_876 : i32 to index
      %get3A_881 = arith.constant 0 : index
      %get3A_882 = tpu.vector_load %get3A_879[%get3A_880, %get3A_881] {strides = array<i32>} : memref<64x128xi32, #tpu.memory_space<vmem>>, vector<1x16xi32>,
      %get3A_883 = vector.shape_cast %get3A_882 : vector<1x16xi32> to vector<16xi32>
      %get3A_884 = arith.constant 0 : i32
      %get3A_885 = arith.constant 0 : i32
      %get3A_886 = tpu.memref_slice %arg7[%scan3A_307, %get3A_884, %get3A_885] : memref<6x64x128xi32, #tpu.memory_space<vmem>> -> memref<1x64x128xi32, #tpu.memory_space<vmem>>
      %get3A_887 = tpu.memref_squeeze %get3A_886 : memref<1x64x128xi32, #tpu.memory_space<vmem>> -> memref<64x128xi32, #tpu.memory_space<vmem>>
      %get3A_888 = arith.index_cast %add3A_876 : i32 to index
      %get3A_889 = arith.constant 16 : index
      %get3A_890 = tpu.vector_load %get3A_887[%get3A_888, %get3A_889] {strides = array<i32>} : memref<64x128xi32, #tpu.memory_space<vmem>>, vector<1x16xi32>,
      %get3A_891 = vector.shape_cast %get3A_890 : vector<1x16xi32> to vector<16xi32>
      %broadcast_in_dim3A = arith.constant 16 : i32
      %broadcast_in_dim3A_892 = vector.broadcast %broadcast_in_dim3A : i32 to vector<16xi32>
      %broadcast_in_dim3A_893 = vector.broadcast %scan3A_308 : i32 to vector<16xi32>
      %shift_left3A = arith.shli %get3A_883, %broadcast_in_dim3A_892 : vector<16xi32>
      %bitcast_convert_type3A = tpu.bitcast %shift_left3A : vector<16xi32> -> vector<16xf32>
      %and3A = arith.andi %get3A_883, %broadcast_in_dim3A_893 : vector<16xi32>
      %bitcast_convert_type3A_894 = tpu.bitcast %and3A : vector<16xi32> -> vector<16xf32>
      %shift_left3A_895 = arith.shli %get3A_891, %broadcast_in_dim3A_892 : vector<16xi32>
      %bitcast_convert_type3A_896 = tpu.bitcast %shift_left3A_895 : vector<16xi32> -> vector<16xf32>
      %and3A_897 = arith.andi %get3A_891, %broadcast_in_dim3A_893 : vector<16xi32>
      %bitcast_convert_type3A_898 = tpu.bitcast %and3A_897 : vector<16xi32> -> vector<16xf32>
      %get3A_899 = arith.constant 0 : i32
      %get3A_900 = arith.constant 0 : i32
      %get3A_901 = tpu.memref_slice %arg8[%scan3A_309, %get3A_899, %get3A_900] : memref<6x64x128xf32, #tpu.memory_space<vmem>> -> memref<1x64x128xf32, #tpu.memory_space<vmem>>
      %get3A_902 = tpu.memref_squeeze %get3A_901 : memref<1x64x128xf32, #tpu.memory_space<vmem>> -> memref<64x128xf32, #tpu.memory_space<vmem>>
      %get3A_903 = arith.index_cast %add3A_876 : i32 to index
      %get3A_904 = arith.constant 0 : index
      %get3A_905 = tpu.vector_load %get3A_902[%get3A_903, %get3A_904] {strides = array<i32>} : memref<64x128xf32, #tpu.memory_space<vmem>>, vector<1x16xf32>,
      %get3A_906 = vector.shape_cast %get3A_905 : vector<1x16xf32> to vector<16xf32>
      %get3A_907 = arith.constant 0 : i32
      %get3A_908 = arith.constant 0 : i32
      %get3A_909 = tpu.memref_slice %arg8[%scan3A_309, %get3A_907, %get3A_908] : memref<6x64x128xf32, #tpu.memory_space<vmem>> -> memref<1x64x128xf32, #tpu.memory_space<vmem>>
      %get3A_910 = tpu.memref_squeeze %get3A_909 : memref<1x64x128xf32, #tpu.memory_space<vmem>> -> memref<64x128xf32, #tpu.memory_space<vmem>>
      %get3A_911 = arith.index_cast %add3A_876 : i32 to index
      %get3A_912 = arith.constant 16 : index
      %get3A_913 = tpu.vector_load %get3A_910[%get3A_911, %get3A_912] {strides = array<i32>} : memref<64x128xf32, #tpu.memory_space<vmem>>, vector<1x16xf32>,
      %get3A_914 = vector.shape_cast %get3A_913 : vector<1x16xf32> to vector<16xf32>
      %mul3A_915 = arith.mulf %get3A_906, %bitcast_convert_type3A : vector<16xf32>
      %add3A_916 = arith.addf %get3A_906, %mul3A_915 : vector<16xf32>
      %add3A_917 = arith.addf %add3A_916, %bitcast_convert_type3A_896 : vector<16xf32>
      %swap3A = arith.constant 0 : i32
      %swap3A_918 = arith.constant 0 : i32
      %swap3A_919 = tpu.memref_slice %arg8[%scan3A_309, %swap3A, %swap3A_918] : memref<6x64x128xf32, #tpu.memory_space<vmem>> -> memref<1x64x128xf32, #tpu.memory_space<vmem>>
      %swap3A_920 = tpu.memref_squeeze %swap3A_919 : memref<1x64x128xf32, #tpu.memory_space<vmem>> -> memref<64x128xf32, #tpu.memory_space<vmem>>
      %swap3A_921 = arith.index_cast %add3A_876 : i32 to index
      %swap3A_922 = arith.constant 0 : index
      %swap3A_923 = tpu.vector_load %swap3A_920[%swap3A_921, %swap3A_922] {strides = array<i32>} : memref<64x128xf32, #tpu.memory_space<vmem>>, vector<1x16xf32>,
      %swap3A_924 = vector.shape_cast %swap3A_923 : vector<1x16xf32> to vector<16xf32>
      %swap3A_925 = vector.shape_cast %add3A_917 : vector<16xf32> to vector<1x16xf32>
      tpu.vector_store %swap3A_920[%swap3A_921, %swap3A_922], %swap3A_925 {strides = array<i32>} : memref<64x128xf32, #tpu.memory_space<vmem>>, vector<1x16xf32>,
      %mul3A_926 = arith.mulf %get3A_914, %bitcast_convert_type3A_894 : vector<16xf32>
      %add3A_927 = arith.addf %get3A_914, %mul3A_926 : vector<16xf32>
      %add3A_928 = arith.addf %add3A_927, %bitcast_convert_type3A_898 : vector<16xf32>
      %swap3A_929 = arith.constant 0 : i32
      %swap3A_930 = arith.constant 0 : i32
      %swap3A_931 = tpu.memref_slice %arg8[%scan3A_309, %swap3A_929, %swap3A_930] : memref<6x64x128xf32, #tpu.memory_space<vmem>> -> memref<1x64x128xf32, #tpu.memory_space<vmem>>
      %swap3A_932 = tpu.memref_squeeze %swap3A_931 : memref<1x64x128xf32, #tpu.memory_space<vmem>> -> memref<64x128xf32, #tpu.memory_space<vmem>>
      %swap3A_933 = arith.index_cast %add3A_876 : i32 to index
      %swap3A_934 = arith.constant 16 : index
      %swap3A_935 = tpu.vector_load %swap3A_932[%swap3A_933, %swap3A_934] {strides = array<i32>} : memref<64x128xf32, #tpu.memory_space<vmem>>, vector<1x16xf32>,
      %swap3A_936 = vector.shape_cast %swap3A_935 : vector<1x16xf32> to vector<16xf32>
      %swap3A_937 = vector.shape_cast %add3A_928 : vector<16xf32> to vector<1x16xf32>
      tpu.vector_store %swap3A_932[%swap3A_933, %swap3A_934], %swap3A_937 {strides = array<i32>} : memref<64x128xf32, #tpu.memory_space<vmem>>, vector<1x16xf32>,
      %get3A_938 = arith.constant 0 : i32
      %get3A_939 = arith.constant 0 : i32
      %get3A_940 = tpu.memref_slice %arg7[%scan3A_307, %get3A_938, %get3A_939] : memref<6x64x128xi32, #tpu.memory_space<vmem>> -> memref<1x64x128xi32, #tpu.memory_space<vmem>>
      %get3A_941 = tpu.memref_squeeze %get3A_940 : memref<1x64x128xi32, #tpu.memory_space<vmem>> -> memref<64x128xi32, #tpu.memory_space<vmem>>
      %get3A_942 = arith.index_cast %add3A_876 : i32 to index
      %get3A_943 = arith.constant 32 : index
      %get3A_944 = tpu.vector_load %get3A_941[%get3A_942, %get3A_943] {strides = array<i32>} : memref<64x128xi32, #tpu.memory_space<vmem>>, vector<1x16xi32>,
      %get3A_945 = vector.shape_cast %get3A_944 : vector<1x16xi32> to vector<16xi32>
      %get3A_946 = arith.constant 0 : i32
      %get3A_947 = arith.constant 0 : i32
      %get3A_948 = tpu.memref_slice %arg7[%scan3A_307, %get3A_946, %get3A_947] : memref<6x64x128xi32, #tpu.memory_space<vmem>> -> memref<1x64x128xi32, #tpu.memory_space<vmem>>
      %get3A_949 = tpu.memref_squeeze %get3A_948 : memref<1x64x128xi32, #tpu.memory_space<vmem>> -> memref<64x128xi32, #tpu.memory_space<vmem>>
      %get3A_950 = arith.index_cast %add3A_876 : i32 to index
      %get3A_951 = arith.constant 48 : index
      %get3A_952 = tpu.vector_load %get3A_949[%get3A_950, %get3A_951] {strides = array<i32>} : memref<64x128xi32, #tpu.memory_space<vmem>>, vector<1x16xi32>,
      %get3A_953 = vector.shape_cast %get3A_952 : vector<1x16xi32> to vector<16xi32>
      %broadcast_in_dim3A_954 = arith.constant 16 : i32
      %broadcast_in_dim3A_955 = vector.broadcast %broadcast_in_dim3A_954 : i32 to vector<16xi32>
      %broadcast_in_dim3A_956 = vector.broadcast %scan3A_308 : i32 to vector<16xi32>
      %shift_left3A_957 = arith.shli %get3A_945, %broadcast_in_dim3A_955 : vector<16xi32>
      %bitcast_convert_type3A_958 = tpu.bitcast %shift_left3A_957 : vector<16xi32> -> vector<16xf32>
      %and3A_959 = arith.andi %get3A_945, %broadcast_in_dim3A_956 : vector<16xi32>
      %bitcast_convert_type3A_960 = tpu.bitcast %and3A_959 : vector<16xi32> -> vector<16xf32>
      %shift_left3A_961 = arith.shli %get3A_953, %broadcast_in_dim3A_955 : vector<16xi32>
      %bitcast_convert_type3A_962 = tpu.bitcast %shift_left3A_961 : vector<16xi32> -> vector<16xf32>
      %and3A_963 = arith.andi %get3A_953, %broadcast_in_dim3A_956 : vector<16xi32>
      %bitcast_convert_type3A_964 = tpu.bitcast %and3A_963 : vector<16xi32> -> vector<16xf32>
      %get3A_965 = arith.constant 0 : i32
      %get3A_966 = arith.constant 0 : i32
      %get3A_967 = tpu.memref_slice %arg8[%scan3A_309, %get3A_965, %get3A_966] : memref<6x64x128xf32, #tpu.memory_space<vmem>> -> memref<1x64x128xf32, #tpu.memory_space<vmem>>
      %get3A_968 = tpu.memref_squeeze %get3A_967 : memref<1x64x128xf32, #tpu.memory_space<vmem>> -> memref<64x128xf32, #tpu.memory_space<vmem>>
      %get3A_969 = arith.index_cast %add3A_876 : i32 to index
      %get3A_970 = arith.constant 32 : index
      %get3A_971 = tpu.vector_load %get3A_968[%get3A_969, %get3A_970] {strides = array<i32>} : memref<64x128xf32, #tpu.memory_space<vmem>>, vector<1x16xf32>,
      %get3A_972 = vector.shape_cast %get3A_971 : vector<1x16xf32> to vector<16xf32>
      %get3A_973 = arith.constant 0 : i32
      %get3A_974 = arith.constant 0 : i32
      %get3A_975 = tpu.memref_slice %arg8[%scan3A_309, %get3A_973, %get3A_974] : memref<6x64x128xf32, #tpu.memory_space<vmem>> -> memref<1x64x128xf32, #tpu.memory_space<vmem>>
      %get3A_976 = tpu.memref_squeeze %get3A_975 : memref<1x64x128xf32, #tpu.memory_space<vmem>> -> memref<64x128xf32, #tpu.memory_space<vmem>>
      %get3A_977 = arith.index_cast %add3A_876 : i32 to index
      %get3A_978 = arith.constant 48 : index
      %get3A_979 = tpu.vector_load %get3A_976[%get3A_977, %get3A_978] {strides = array<i32>} : memref<64x128xf32, #tpu.memory_space<vmem>>, vector<1x16xf32>,
      %get3A_980 = vector.shape_cast %get3A_979 : vector<1x16xf32> to vector<16xf32>
      %mul3A_981 = arith.mulf %get3A_972, %bitcast_convert_type3A_958 : vector<16xf32>
      %add3A_982 = arith.addf %get3A_972, %mul3A_981 : vector<16xf32>
      %add3A_983 = arith.addf %add3A_982, %bitcast_convert_type3A_962 : vector<16xf32>
      %swap3A_984 = arith.constant 0 : i32
      %swap3A_985 = arith.constant 0 : i32
      %swap3A_986 = tpu.memref_slice %arg8[%scan3A_309, %swap3A_984, %swap3A_985] : memref<6x64x128xf32, #tpu.memory_space<vmem>> -> memref<1x64x128xf32, #tpu.memory_space<vmem>>
      %swap3A_987 = tpu.memref_squeeze %swap3A_986 : memref<1x64x128xf32, #tpu.memory_space<vmem>> -> memref<64x128xf32, #tpu.memory_space<vmem>>
      %swap3A_988 = arith.index_cast %add3A_876 : i32 to index
      %swap3A_989 = arith.constant 32 : index
      %swap3A_990 = tpu.vector_load %swap3A_987[%swap3A_988, %swap3A_989] {strides = array<i32>} : memref<64x128xf32, #tpu.memory_space<vmem>>, vector<1x16xf32>,
      %swap3A_991 = vector.shape_cast %swap3A_990 : vector<1x16xf32> to vector<16xf32>
      %swap3A_992 = vector.shape_cast %add3A_983 : vector<16xf32> to vector<1x16xf32>
      tpu.vector_store %swap3A_987[%swap3A_988, %swap3A_989], %swap3A_992 {strides = array<i32>} : memref<64x128xf32, #tpu.memory_space<vmem>>, vector<1x16xf32>,
      %mul3A_993 = arith.mulf %get3A_980, %bitcast_convert_type3A_960 : vector<16xf32>
      %add3A_994 = arith.addf %get3A_980, %mul3A_993 : vector<16xf32>
      %add3A_995 = arith.addf %add3A_994, %bitcast_convert_type3A_964 : vector<16xf32>
      %swap3A_996 = arith.constant 0 : i32
      %swap3A_997 = arith.constant 0 : i32
      %swap3A_998 = tpu.memref_slice %arg8[%scan3A_309, %swap3A_996, %swap3A_997] : memref<6x64x128xf32, #tpu.memory_space<vmem>> -> memref<1x64x128xf32, #tpu.memory_space<vmem>>
      %swap3A_999 = tpu.memref_squeeze %swap3A_998 : memref<1x64x128xf32, #tpu.memory_space<vmem>> -> memref<64x128xf32, #tpu.memory_space<vmem>>
      %swap3A_1000 = arith.index_cast %add3A_876 : i32 to index
      %swap3A_1001 = arith.constant 48 : index
      %swap3A_1002 = tpu.vector_load %swap3A_999[%swap3A_1000, %swap3A_1001] {strides = array<i32>} : memref<64x128xf32, #tpu.memory_space<vmem>>, vector<1x16xf32>,
      %swap3A_1003 = vector.shape_cast %swap3A_1002 : vector<1x16xf32> to vector<16xf32>
      %swap3A_1004 = vector.shape_cast %add3A_995 : vector<16xf32> to vector<1x16xf32>
      tpu.vector_store %swap3A_999[%swap3A_1000, %swap3A_1001], %swap3A_1004 {strides = array<i32>} : memref<64x128xf32, #tpu.memory_space<vmem>>, vector<1x16xf32>,
      %get3A_1005 = arith.constant 0 : i32
      %get3A_1006 = arith.constant 0 : i32
      %get3A_1007 = tpu.memref_slice %arg7[%scan3A_307, %get3A_1005, %get3A_1006] : memref<6x64x128xi32, #tpu.memory_space<vmem>> -> memref<1x64x128xi32, #tpu.memory_space<vmem>>
      %get3A_1008 = tpu.memref_squeeze %get3A_1007 : memref<1x64x128xi32, #tpu.memory_space<vmem>> -> memref<64x128xi32, #tpu.memory_space<vmem>>
      %get3A_1009 = arith.index_cast %add3A_876 : i32 to index
      %get3A_1010 = arith.constant 64 : index
      %get3A_1011 = tpu.vector_load %get3A_1008[%get3A_1009, %get3A_1010] {strides = array<i32>} : memref<64x128xi32, #tpu.memory_space<vmem>>, vector<1x16xi32>,
      %get3A_1012 = vector.shape_cast %get3A_1011 : vector<1x16xi32> to vector<16xi32>
      %get3A_1013 = arith.constant 0 : i32
      %get3A_1014 = arith.constant 0 : i32
      %get3A_1015 = tpu.memref_slice %arg7[%scan3A_307, %get3A_1013, %get3A_1014] : memref<6x64x128xi32, #tpu.memory_space<vmem>> -> memref<1x64x128xi32, #tpu.memory_space<vmem>>
      %get3A_1016 = tpu.memref_squeeze %get3A_1015 : memref<1x64x128xi32, #tpu.memory_space<vmem>> -> memref<64x128xi32, #tpu.memory_space<vmem>>
      %get3A_1017 = arith.index_cast %add3A_876 : i32 to index
      %get3A_1018 = arith.constant 80 : index
      %get3A_1019 = tpu.vector_load %get3A_1016[%get3A_1017, %get3A_1018] {strides = array<i32>} : memref<64x128xi32, #tpu.memory_space<vmem>>, vector<1x16xi32>,
      %get3A_1020 = vector.shape_cast %get3A_1019 : vector<1x16xi32> to vector<16xi32>
      %broadcast_in_dim3A_1021 = arith.constant 16 : i32
      %broadcast_in_dim3A_1022 = vector.broadcast %broadcast_in_dim3A_1021 : i32 to vector<16xi32>
      %broadcast_in_dim3A_1023 = vector.broadcast %scan3A_308 : i32 to vector<16xi32>
      %shift_left3A_1024 = arith.shli %get3A_1012, %broadcast_in_dim3A_1022 : vector<16xi32>
      %bitcast_convert_type3A_1025 = tpu.bitcast %shift_left3A_1024 : vector<16xi32> -> vector<16xf32>
      %and3A_1026 = arith.andi %get3A_1012, %broadcast_in_dim3A_1023 : vector<16xi32>
      %bitcast_convert_type3A_1027 = tpu.bitcast %and3A_1026 : vector<16xi32> -> vector<16xf32>
      %shift_left3A_1028 = arith.shli %get3A_1020, %broadcast_in_dim3A_1022 : vector<16xi32>
      %bitcast_convert_type3A_1029 = tpu.bitcast %shift_left3A_1028 : vector<16xi32> -> vector<16xf32>
      %and3A_1030 = arith.andi %get3A_1020, %broadcast_in_dim3A_1023 : vector<16xi32>
      %bitcast_convert_type3A_1031 = tpu.bitcast %and3A_1030 : vector<16xi32> -> vector<16xf32>
      %get3A_1032 = arith.constant 0 : i32
      %get3A_1033 = arith.constant 0 : i32
      %get3A_1034 = tpu.memref_slice %arg8[%scan3A_309, %get3A_1032, %get3A_1033] : memref<6x64x128xf32, #tpu.memory_space<vmem>> -> memref<1x64x128xf32, #tpu.memory_space<vmem>>
      %get3A_1035 = tpu.memref_squeeze %get3A_1034 : memref<1x64x128xf32, #tpu.memory_space<vmem>> -> memref<64x128xf32, #tpu.memory_space<vmem>>
      %get3A_1036 = arith.index_cast %add3A_876 : i32 to index
      %get3A_1037 = arith.constant 64 : index
      %get3A_1038 = tpu.vector_load %get3A_1035[%get3A_1036, %get3A_1037] {strides = array<i32>} : memref<64x128xf32, #tpu.memory_space<vmem>>, vector<1x16xf32>,
      %get3A_1039 = vector.shape_cast %get3A_1038 : vector<1x16xf32> to vector<16xf32>
      %get3A_1040 = arith.constant 0 : i32
      %get3A_1041 = arith.constant 0 : i32
      %get3A_1042 = tpu.memref_slice %arg8[%scan3A_309, %get3A_1040, %get3A_1041] : memref<6x64x128xf32, #tpu.memory_space<vmem>> -> memref<1x64x128xf32, #tpu.memory_space<vmem>>
      %get3A_1043 = tpu.memref_squeeze %get3A_1042 : memref<1x64x128xf32, #tpu.memory_space<vmem>> -> memref<64x128xf32, #tpu.memory_space<vmem>>
      %get3A_1044 = arith.index_cast %add3A_876 : i32 to index
      %get3A_1045 = arith.constant 80 : index
      %get3A_1046 = tpu.vector_load %get3A_1043[%get3A_1044, %get3A_1045] {strides = array<i32>} : memref<64x128xf32, #tpu.memory_space<vmem>>, vector<1x16xf32>,
      %get3A_1047 = vector.shape_cast %get3A_1046 : vector<1x16xf32> to vector<16xf32>
      %mul3A_1048 = arith.mulf %get3A_1039, %bitcast_convert_type3A_1025 : vector<16xf32>
      %add3A_1049 = arith.addf %get3A_1039, %mul3A_1048 : vector<16xf32>
      %add3A_1050 = arith.addf %add3A_1049, %bitcast_convert_type3A_1029 : vector<16xf32>
      %swap3A_1051 = arith.constant 0 : i32
      %swap3A_1052 = arith.constant 0 : i32
      %swap3A_1053 = tpu.memref_slice %arg8[%scan3A_309, %swap3A_1051, %swap3A_1052] : memref<6x64x128xf32, #tpu.memory_space<vmem>> -> memref<1x64x128xf32, #tpu.memory_space<vmem>>
      %swap3A_1054 = tpu.memref_squeeze %swap3A_1053 : memref<1x64x128xf32, #tpu.memory_space<vmem>> -> memref<64x128xf32, #tpu.memory_space<vmem>>
      %swap3A_1055 = arith.index_cast %add3A_876 : i32 to index
      %swap3A_1056 = arith.constant 64 : index
      %swap3A_1057 = tpu.vector_load %swap3A_1054[%swap3A_1055, %swap3A_1056] {strides = array<i32>} : memref<64x128xf32, #tpu.memory_space<vmem>>, vector<1x16xf32>,
      %swap3A_1058 = vector.shape_cast %swap3A_1057 : vector<1x16xf32> to vector<16xf32>
      %swap3A_1059 = vector.shape_cast %add3A_1050 : vector<16xf32> to vector<1x16xf32>
      tpu.vector_store %swap3A_1054[%swap3A_1055, %swap3A_1056], %swap3A_1059 {strides = array<i32>} : memref<64x128xf32, #tpu.memory_space<vmem>>, vector<1x16xf32>,
      %mul3A_1060 = arith.mulf %get3A_1047, %bitcast_convert_type3A_1027 : vector<16xf32>
      %add3A_1061 = arith.addf %get3A_1047, %mul3A_1060 : vector<16xf32>
      %add3A_1062 = arith.addf %add3A_1061, %bitcast_convert_type3A_1031 : vector<16xf32>
      %swap3A_1063 = arith.constant 0 : i32
      %swap3A_1064 = arith.constant 0 : i32
      %swap3A_1065 = tpu.memref_slice %arg8[%scan3A_309, %swap3A_1063, %swap3A_1064] : memref<6x64x128xf32, #tpu.memory_space<vmem>> -> memref<1x64x128xf32, #tpu.memory_space<vmem>>
      %swap3A_1066 = tpu.memref_squeeze %swap3A_1065 : memref<1x64x128xf32, #tpu.memory_space<vmem>> -> memref<64x128xf32, #tpu.memory_space<vmem>>
      %swap3A_1067 = arith.index_cast %add3A_876 : i32 to index
      %swap3A_1068 = arith.constant 80 : index
      %swap3A_1069 = tpu.vector_load %swap3A_1066[%swap3A_1067, %swap3A_1068] {strides = array<i32>} : memref<64x128xf32, #tpu.memory_space<vmem>>, vector<1x16xf32>,
      %swap3A_1070 = vector.shape_cast %swap3A_1069 : vector<1x16xf32> to vector<16xf32>
      %swap3A_1071 = vector.shape_cast %add3A_1062 : vector<16xf32> to vector<1x16xf32>
      tpu.vector_store %swap3A_1066[%swap3A_1067, %swap3A_1068], %swap3A_1071 {strides = array<i32>} : memref<64x128xf32, #tpu.memory_space<vmem>>, vector<1x16xf32>,
      %get3A_1072 = arith.constant 0 : i32
      %get3A_1073 = arith.constant 0 : i32
      %get3A_1074 = tpu.memref_slice %arg7[%scan3A_307, %get3A_1072, %get3A_1073] : memref<6x64x128xi32, #tpu.memory_space<vmem>> -> memref<1x64x128xi32, #tpu.memory_space<vmem>>
      %get3A_1075 = tpu.memref_squeeze %get3A_1074 : memref<1x64x128xi32, #tpu.memory_space<vmem>> -> memref<64x128xi32, #tpu.memory_space<vmem>>
      %get3A_1076 = arith.index_cast %add3A_876 : i32 to index
      %get3A_1077 = arith.constant 96 : index
      %get3A_1078 = tpu.vector_load %get3A_1075[%get3A_1076, %get3A_1077] {strides = array<i32>} : memref<64x128xi32, #tpu.memory_space<vmem>>, vector<1x16xi32>,
      %get3A_1079 = vector.shape_cast %get3A_1078 : vector<1x16xi32> to vector<16xi32>
      %get3A_1080 = arith.constant 0 : i32
      %get3A_1081 = arith.constant 0 : i32
      %get3A_1082 = tpu.memref_slice %arg7[%scan3A_307, %get3A_1080, %get3A_1081] : memref<6x64x128xi32, #tpu.memory_space<vmem>> -> memref<1x64x128xi32, #tpu.memory_space<vmem>>
      %get3A_1083 = tpu.memref_squeeze %get3A_1082 : memref<1x64x128xi32, #tpu.memory_space<vmem>> -> memref<64x128xi32, #tpu.memory_space<vmem>>
      %get3A_1084 = arith.index_cast %add3A_876 : i32 to index
      %get3A_1085 = arith.constant 112 : index
      %get3A_1086 = tpu.vector_load %get3A_1083[%get3A_1084, %get3A_1085] {strides = array<i32>} : memref<64x128xi32, #tpu.memory_space<vmem>>, vector<1x16xi32>,
      %get3A_1087 = vector.shape_cast %get3A_1086 : vector<1x16xi32> to vector<16xi32>
      %broadcast_in_dim3A_1088 = arith.constant 16 : i32
      %broadcast_in_dim3A_1089 = vector.broadcast %broadcast_in_dim3A_1088 : i32 to vector<16xi32>
      %broadcast_in_dim3A_1090 = vector.broadcast %scan3A_308 : i32 to vector<16xi32>
      %shift_left3A_1091 = arith.shli %get3A_1079, %broadcast_in_dim3A_1089 : vector<16xi32>
      %bitcast_convert_type3A_1092 = tpu.bitcast %shift_left3A_1091 : vector<16xi32> -> vector<16xf32>
      %and3A_1093 = arith.andi %get3A_1079, %broadcast_in_dim3A_1090 : vector<16xi32>
      %bitcast_convert_type3A_1094 = tpu.bitcast %and3A_1093 : vector<16xi32> -> vector<16xf32>
      %shift_left3A_1095 = arith.shli %get3A_1087, %broadcast_in_dim3A_1089 : vector<16xi32>
      %bitcast_convert_type3A_1096 = tpu.bitcast %shift_left3A_1095 : vector<16xi32> -> vector<16xf32>
      %and3A_1097 = arith.andi %get3A_1087, %broadcast_in_dim3A_1090 : vector<16xi32>
      %bitcast_convert_type3A_1098 = tpu.bitcast %and3A_1097 : vector<16xi32> -> vector<16xf32>
      %get3A_1099 = arith.constant 0 : i32
      %get3A_1100 = arith.constant 0 : i32
      %get3A_1101 = tpu.memref_slice %arg8[%scan3A_309, %get3A_1099, %get3A_1100] : memref<6x64x128xf32, #tpu.memory_space<vmem>> -> memref<1x64x128xf32, #tpu.memory_space<vmem>>
      %get3A_1102 = tpu.memref_squeeze %get3A_1101 : memref<1x64x128xf32, #tpu.memory_space<vmem>> -> memref<64x128xf32, #tpu.memory_space<vmem>>
      %get3A_1103 = arith.index_cast %add3A_876 : i32 to index
      %get3A_1104 = arith.constant 96 : index
      %get3A_1105 = tpu.vector_load %get3A_1102[%get3A_1103, %get3A_1104] {strides = array<i32>} : memref<64x128xf32, #tpu.memory_space<vmem>>, vector<1x16xf32>,
      %get3A_1106 = vector.shape_cast %get3A_1105 : vector<1x16xf32> to vector<16xf32>
      %get3A_1107 = arith.constant 0 : i32
      %get3A_1108 = arith.constant 0 : i32
      %get3A_1109 = tpu.memref_slice %arg8[%scan3A_309, %get3A_1107, %get3A_1108] : memref<6x64x128xf32, #tpu.memory_space<vmem>> -> memref<1x64x128xf32, #tpu.memory_space<vmem>>
      %get3A_1110 = tpu.memref_squeeze %get3A_1109 : memref<1x64x128xf32, #tpu.memory_space<vmem>> -> memref<64x128xf32, #tpu.memory_space<vmem>>
      %get3A_1111 = arith.index_cast %add3A_876 : i32 to index
      %get3A_1112 = arith.constant 112 : index
      %get3A_1113 = tpu.vector_load %get3A_1110[%get3A_1111, %get3A_1112] {strides = array<i32>} : memref<64x128xf32, #tpu.memory_space<vmem>>, vector<1x16xf32>,
      %get3A_1114 = vector.shape_cast %get3A_1113 : vector<1x16xf32> to vector<16xf32>
      %mul3A_1115 = arith.mulf %get3A_1106, %bitcast_convert_type3A_1092 : vector<16xf32>
      %add3A_1116 = arith.addf %get3A_1106, %mul3A_1115 : vector<16xf32>
      %add3A_1117 = arith.addf %add3A_1116, %bitcast_convert_type3A_1096 : vector<16xf32>
      %swap3A_1118 = arith.constant 0 : i32
      %swap3A_1119 = arith.constant 0 : i32
      %swap3A_1120 = tpu.memref_slice %arg8[%scan3A_309, %swap3A_1118, %swap3A_1119] : memref<6x64x128xf32, #tpu.memory_space<vmem>> -> memref<1x64x128xf32, #tpu.memory_space<vmem>>
      %swap3A_1121 = tpu.memref_squeeze %swap3A_1120 : memref<1x64x128xf32, #tpu.memory_space<vmem>> -> memref<64x128xf32, #tpu.memory_space<vmem>>
      %swap3A_1122 = arith.index_cast %add3A_876 : i32 to index
      %swap3A_1123 = arith.constant 96 : index
      %swap3A_1124 = tpu.vector_load %swap3A_1121[%swap3A_1122, %swap3A_1123] {strides = array<i32>} : memref<64x128xf32, #tpu.memory_space<vmem>>, vector<1x16xf32>,
      %swap3A_1125 = vector.shape_cast %swap3A_1124 : vector<1x16xf32> to vector<16xf32>
      %swap3A_1126 = vector.shape_cast %add3A_1117 : vector<16xf32> to vector<1x16xf32>
      tpu.vector_store %swap3A_1121[%swap3A_1122, %swap3A_1123], %swap3A_1126 {strides = array<i32>} : memref<64x128xf32, #tpu.memory_space<vmem>>, vector<1x16xf32>,
      %mul3A_1127 = arith.mulf %get3A_1114, %bitcast_convert_type3A_1094 : vector<16xf32>
      %add3A_1128 = arith.addf %get3A_1114, %mul3A_1127 : vector<16xf32>
      %add3A_1129 = arith.addf %add3A_1128, %bitcast_convert_type3A_1098 : vector<16xf32>
      %swap3A_1130 = arith.constant 0 : i32
      %swap3A_1131 = arith.constant 0 : i32
      %swap3A_1132 = tpu.memref_slice %arg8[%scan3A_309, %swap3A_1130, %swap3A_1131] : memref<6x64x128xf32, #tpu.memory_space<vmem>> -> memref<1x64x128xf32, #tpu.memory_space<vmem>>
      %swap3A_1133 = tpu.memref_squeeze %swap3A_1132 : memref<1x64x128xf32, #tpu.memory_space<vmem>> -> memref<64x128xf32, #tpu.memory_space<vmem>>
      %swap3A_1134 = arith.index_cast %add3A_876 : i32 to index
      %swap3A_1135 = arith.constant 112 : index
      %swap3A_1136 = tpu.vector_load %swap3A_1133[%swap3A_1134, %swap3A_1135] {strides = array<i32>} : memref<64x128xf32, #tpu.memory_space<vmem>>, vector<1x16xf32>,
      %swap3A_1137 = vector.shape_cast %swap3A_1136 : vector<1x16xf32> to vector<16xf32>
      %swap3A_1138 = vector.shape_cast %add3A_1129 : vector<16xf32> to vector<1x16xf32>
      tpu.vector_store %swap3A_1133[%swap3A_1134, %swap3A_1135], %swap3A_1138 {strides = array<i32>} : memref<64x128xf32, #tpu.memory_space<vmem>>, vector<1x16xf32>,
    }
    %scan3A_314 = arith.constant 64 : i32
    %add3A_315 = arith.constant 64 : i32
    %add3A_316 = arith.addi %mul3A_2, %add3A_315 : i32
    %dma_start3A_317 = arith.constant 1 : i32
    %dma_start3A_318 = arith.constant 0 : i32
    %dma_start3A_319 = arith.constant 0 : i32
    %dma_start3A_320 = tpu.memref_slice %arg8[%dma_start3A_317, %dma_start3A_318, %dma_start3A_319] : memref<6x64x128xf32, #tpu.memory_space<vmem>> -> memref<1x64x128xf32, #tpu.memory_space<vmem>>
    %dma_start3A_321 = tpu.memref_squeeze %dma_start3A_320 : memref<1x64x128xf32, #tpu.memory_space<vmem>> -> memref<64x128xf32, #tpu.memory_space<vmem>>
    %dma_start3A_322 = arith.constant 0 : i32
    %dma_start3A_323 = tpu.memref_slice %arg5[%add3A_316, %dma_start3A_322] : memref<16384x128xf32, #tpu.memory_space<hbm>> -> memref<64x128xf32, #tpu.memory_space<hbm>>
    %dma_start3A_324 = arith.constant 0 : i32
    %dma_start3A_325 = tpu.memref_slice %arg5[%add3A_316, %dma_start3A_324] : memref<16384x128xf32, #tpu.memory_space<hbm>> -> memref<64x128xf32, #tpu.memory_space<hbm>>
    %dma_start3A_326 = arith.constant 0 : i32
    %dma_start3A_327 = arith.constant 0 : i32
    %dma_start3A_328 = tpu.memref_slice %arg8[%dma_start3A_317, %dma_start3A_326, %dma_start3A_327] : memref<6x64x128xf32, #tpu.memory_space<vmem>> -> memref<1x64x128xf32, #tpu.memory_space<vmem>>
    %dma_start3A_329 = tpu.memref_squeeze %dma_start3A_328 : memref<1x64x128xf32, #tpu.memory_space<vmem>> -> memref<64x128xf32, #tpu.memory_space<vmem>>
    tpu.enqueue_dma source(%dma_start3A_329 : memref<64x128xf32, #tpu.memory_space<vmem>>) target(%dma_start3A_325 : memref<64x128xf32, #tpu.memory_space<hbm>>) target_semaphore(%arg17 : memref<!tpu.dma_semaphore, #tpu.memory_space<semaphore_mem>>)
    %add3A_330 = arith.constant 256 : i32
    %add3A_331 = arith.addi %mul3A_2, %add3A_330 : i32
    %dma_start3A_332 = arith.constant 4 : i32
    %dma_start3A_333 = arith.constant 0 : i32
    %dma_start3A_334 = arith.constant 0 : i32
    %dma_start3A_335 = tpu.memref_slice %arg8[%dma_start3A_332, %dma_start3A_333, %dma_start3A_334] : memref<6x64x128xf32, #tpu.memory_space<vmem>> -> memref<1x64x128xf32, #tpu.memory_space<vmem>>
    %dma_start3A_336 = tpu.memref_squeeze %dma_start3A_335 : memref<1x64x128xf32, #tpu.memory_space<vmem>> -> memref<64x128xf32, #tpu.memory_space<vmem>>
    %dma_start3A_337 = arith.constant 0 : i32
    %dma_start3A_338 = tpu.memref_slice %arg2[%add3A_331, %dma_start3A_337] : memref<16384x128xf32, #tpu.memory_space<hbm>> -> memref<64x128xf32, #tpu.memory_space<hbm>>
    %dma_start3A_339 = arith.constant 0 : i32
    %dma_start3A_340 = arith.constant 0 : i32
    %dma_start3A_341 = tpu.memref_slice %arg8[%dma_start3A_332, %dma_start3A_339, %dma_start3A_340] : memref<6x64x128xf32, #tpu.memory_space<vmem>> -> memref<1x64x128xf32, #tpu.memory_space<vmem>>
    %dma_start3A_342 = tpu.memref_squeeze %dma_start3A_341 : memref<1x64x128xf32, #tpu.memory_space<vmem>> -> memref<64x128xf32, #tpu.memory_space<vmem>>
    %dma_start3A_343 = arith.constant 0 : i32
    %dma_start3A_344 = tpu.memref_slice %arg2[%add3A_331, %dma_start3A_343] : memref<16384x128xf32, #tpu.memory_space<hbm>> -> memref<64x128xf32, #tpu.memory_space<hbm>>
    tpu.enqueue_dma source(%dma_start3A_344 : memref<64x128xf32, #tpu.memory_space<hbm>>) target(%dma_start3A_342 : memref<64x128xf32, #tpu.memory_space<vmem>>) target_semaphore(%arg14 : memref<!tpu.dma_semaphore, #tpu.memory_space<semaphore_mem>>)
    %dma_wait3A_345 = arith.constant 4 : i32
    %dma_wait3A_346 = arith.constant 0 : i32
    %dma_wait3A_347 = tpu.memref_slice %arg6[%dma_wait3A_345, %dma_wait3A_346] : memref<8x64xi32, #tpu.memory_space<vmem>> -> memref<1x64xi32, #tpu.memory_space<vmem>>
    %dma_wait3A_348 = tpu.memref_squeeze %dma_wait3A_347 : memref<1x64xi32, #tpu.memory_space<vmem>> -> memref<64xi32, #tpu.memory_space<vmem>>
    %dma_wait3A_349 = tpu.memref_slice %arg3[%add3A_47] : memref<16384xi32, #tpu.memory_space<hbm>> -> memref<64xi32, #tpu.memory_space<hbm>>
    %dma_wait3A_350 = arith.constant 0 : i32
    %dma_wait3A_351 = tpu.memref_slice %arg6[%dma_wait3A_345, %dma_wait3A_350] : memref<8x64xi32, #tpu.memory_space<vmem>> -> memref<1x64xi32, #tpu.memory_space<vmem>>
    %dma_wait3A_352 = tpu.memref_squeeze %dma_wait3A_351 : memref<1x64xi32, #tpu.memory_space<vmem>> -> memref<64xi32, #tpu.memory_space<vmem>>
    %dma_wait3A_353 = tpu.memref_slice %arg3[%add3A_47] : memref<16384xi32, #tpu.memory_space<hbm>> -> memref<64xi32, #tpu.memory_space<hbm>>
    tpu.wait_dma2 semaphore(%arg9 : memref<!tpu.dma_semaphore, #tpu.memory_space<semaphore_mem>>) src(%dma_wait3A_353 : memref<64xi32, #tpu.memory_space<hbm>>) dst(%dma_wait3A_352 : memref<64xi32, #tpu.memory_space<vmem>>)
    %dma_start3A_354 = arith.constant 4 : i32
    %dma_start3A_355 = arith.constant 4 : i32
    %dma_start3A_356 = arith.constant 0 : i32
    %dma_start3A_357 = arith.constant 0 : i32
    %dma_start3A_358 = tpu.memref_slice %arg7[%dma_start3A_355, %dma_start3A_356, %dma_start3A_357] : memref<6x64x128xi32, #tpu.memory_space<vmem>> -> memref<1x64x128xi32, #tpu.memory_space<vmem>>
    %dma_start3A_359 = tpu.memref_squeeze %dma_start3A_358 : memref<1x64x128xi32, #tpu.memory_space<vmem>> -> memref<64x128xi32, #tpu.memory_space<vmem>>
    %dma_start3A_360 = arith.constant 0 : i32
    %dma_start3A_361 = tpu.memref_slice %arg6[%dma_start3A_354, %dma_start3A_360] : memref<8x64xi32, #tpu.memory_space<vmem>> -> memref<1x64xi32, #tpu.memory_space<vmem>>
    %dma_start3A_362 = tpu.memref_squeeze %dma_start3A_361 : memref<1x64xi32, #tpu.memory_space<vmem>> -> memref<64xi32, #tpu.memory_space<vmem>>
    %dma_start3A_363 = arith.constant 0 : i32
    %dma_start3A_364 = arith.constant 0 : i32
    %dma_start3A_365 = tpu.memref_slice %arg4[%dma_start3A_363, %dma_start3A_364] : memref<1000x128xi32, #tpu.memory_space<hbm>> -> memref<1000x128xi32, #tpu.memory_space<hbm>>
    tpu.enqueue_indirect_dma source(%dma_start3A_365 : memref<1000x128xi32, #tpu.memory_space<hbm>>) target(%dma_start3A_359 : memref<64x128xi32, #tpu.memory_space<vmem>>) offsets(%dma_start3A_362 : memref<64xi32, #tpu.memory_space<vmem>>) semaphore(%arg14 : memref<!tpu.dma_semaphore, #tpu.memory_space<semaphore_mem>>)
    %dma_wait3A_366 = arith.constant 2 : i32
    %dma_wait3A_367 = arith.constant 2 : i32
    %dma_wait3A_368 = arith.constant 0 : i32
    %dma_wait3A_369 = arith.constant 0 : i32
    %dma_wait3A_370 = tpu.memref_slice %arg7[%dma_wait3A_367, %dma_wait3A_368, %dma_wait3A_369] : memref<6x64x128xi32, #tpu.memory_space<vmem>> -> memref<1x64x128xi32, #tpu.memory_space<vmem>>
    %dma_wait3A_371 = tpu.memref_squeeze %dma_wait3A_370 : memref<1x64x128xi32, #tpu.memory_space<vmem>> -> memref<64x128xi32, #tpu.memory_space<vmem>>
    %dma_wait3A_372 = arith.constant 0 : i32
    %dma_wait3A_373 = tpu.memref_slice %arg6[%dma_wait3A_366, %dma_wait3A_372] : memref<8x64xi32, #tpu.memory_space<vmem>> -> memref<1x64xi32, #tpu.memory_space<vmem>>
    %dma_wait3A_374 = tpu.memref_squeeze %dma_wait3A_373 : memref<1x64xi32, #tpu.memory_space<vmem>> -> memref<64xi32, #tpu.memory_space<vmem>>
    %dma_wait3A_375 = arith.constant 0 : i32
    %dma_wait3A_376 = arith.constant 0 : i32
    %dma_wait3A_377 = tpu.memref_slice %arg4[%dma_wait3A_375, %dma_wait3A_376] : memref<1000x128xi32, #tpu.memory_space<hbm>> -> memref<1000x128xi32, #tpu.memory_space<hbm>>
    tpu.wait_indirect_dma semaphore(%arg12 : memref<!tpu.dma_semaphore, #tpu.memory_space<semaphore_mem>>) src(%dma_wait3A_377 : memref<1000x128xi32, #tpu.memory_space<hbm>>) dst(%dma_wait3A_371 : memref<64x128xi32, #tpu.memory_space<vmem>>)
    %dma_wait3A_378 = arith.constant 2 : i32
    %dma_wait3A_379 = arith.constant 0 : i32
    %dma_wait3A_380 = arith.constant 0 : i32
    %dma_wait3A_381 = tpu.memref_slice %arg8[%dma_wait3A_378, %dma_wait3A_379, %dma_wait3A_380] : memref<6x64x128xf32, #tpu.memory_space<vmem>> -> memref<1x64x128xf32, #tpu.memory_space<vmem>>
    %dma_wait3A_382 = tpu.memref_squeeze %dma_wait3A_381 : memref<1x64x128xf32, #tpu.memory_space<vmem>> -> memref<64x128xf32, #tpu.memory_space<vmem>>
    %dma_wait3A_383 = arith.constant 0 : i32
    %dma_wait3A_384 = tpu.memref_slice %arg2[%add3A_162, %dma_wait3A_383] : memref<16384x128xf32, #tpu.memory_space<hbm>> -> memref<64x128xf32, #tpu.memory_space<hbm>>
    %dma_wait3A_385 = arith.constant 0 : i32
    %dma_wait3A_386 = arith.constant 0 : i32
    %dma_wait3A_387 = tpu.memref_slice %arg8[%dma_wait3A_378, %dma_wait3A_385, %dma_wait3A_386] : memref<6x64x128xf32, #tpu.memory_space<vmem>> -> memref<1x64x128xf32, #tpu.memory_space<vmem>>
    %dma_wait3A_388 = tpu.memref_squeeze %dma_wait3A_387 : memref<1x64x128xf32, #tpu.memory_space<vmem>> -> memref<64x128xf32, #tpu.memory_space<vmem>>
    %dma_wait3A_389 = arith.constant 0 : i32
    %dma_wait3A_390 = tpu.memref_slice %arg2[%add3A_162, %dma_wait3A_389] : memref<16384x128xf32, #tpu.memory_space<hbm>> -> memref<64x128xf32, #tpu.memory_space<hbm>>
    tpu.wait_dma2 semaphore(%arg12 : memref<!tpu.dma_semaphore, #tpu.memory_space<semaphore_mem>>) src(%dma_wait3A_390 : memref<64x128xf32, #tpu.memory_space<hbm>>) dst(%dma_wait3A_388 : memref<64x128xf32, #tpu.memory_space<vmem>>)
    %scan3A_391 = arith.constant 0 : i32
    %scan3A_392 = arith.constant 2 : i32
    %scan3A_393 = arith.constant -65536 : i32
    %scan3A_394 = arith.constant 2 : i32
    %scan3A_395 = arith.constant 0 : i32
    %scan3A_396 = arith.constant 64 : i32
    %scan3A_397 = arith.addi %scan3A_395, %scan3A_396 : i32
    %scan3A_398 = arith.constant 1 : i32
    scf.for %scan3A_872 = %scan3A_395 to %scan3A_397 step %scan3A_398  : i32 {
      %mul3A_873 = arith.constant 1 : i32
      %mul3A_874 = arith.muli %scan3A_872, %mul3A_873 : i32
      %add3A_875 = arith.constant 0 : i32
      %add3A_876 = arith.addi %mul3A_874, %add3A_875 : i32
      %get3A = arith.constant 0 : i32
      %get3A_877 = arith.constant 0 : i32
      %get3A_878 = tpu.memref_slice %arg7[%scan3A_392, %get3A, %get3A_877] : memref<6x64x128xi32, #tpu.memory_space<vmem>> -> memref<1x64x128xi32, #tpu.memory_space<vmem>>
      %get3A_879 = tpu.memref_squeeze %get3A_878 : memref<1x64x128xi32, #tpu.memory_space<vmem>> -> memref<64x128xi32, #tpu.memory_space<vmem>>
      %get3A_880 = arith.index_cast %add3A_876 : i32 to index
      %get3A_881 = arith.constant 0 : index
      %get3A_882 = tpu.vector_load %get3A_879[%get3A_880, %get3A_881] {strides = array<i32>} : memref<64x128xi32, #tpu.memory_space<vmem>>, vector<1x16xi32>,
      %get3A_883 = vector.shape_cast %get3A_882 : vector<1x16xi32> to vector<16xi32>
      %get3A_884 = arith.constant 0 : i32
      %get3A_885 = arith.constant 0 : i32
      %get3A_886 = tpu.memref_slice %arg7[%scan3A_392, %get3A_884, %get3A_885] : memref<6x64x128xi32, #tpu.memory_space<vmem>> -> memref<1x64x128xi32, #tpu.memory_space<vmem>>
      %get3A_887 = tpu.memref_squeeze %get3A_886 : memref<1x64x128xi32, #tpu.memory_space<vmem>> -> memref<64x128xi32, #tpu.memory_space<vmem>>
      %get3A_888 = arith.index_cast %add3A_876 : i32 to index
      %get3A_889 = arith.constant 16 : index
      %get3A_890 = tpu.vector_load %get3A_887[%get3A_888, %get3A_889] {strides = array<i32>} : memref<64x128xi32, #tpu.memory_space<vmem>>, vector<1x16xi32>,
      %get3A_891 = vector.shape_cast %get3A_890 : vector<1x16xi32> to vector<16xi32>
      %broadcast_in_dim3A = arith.constant 16 : i32
      %broadcast_in_dim3A_892 = vector.broadcast %broadcast_in_dim3A : i32 to vector<16xi32>
      %broadcast_in_dim3A_893 = vector.broadcast %scan3A_393 : i32 to vector<16xi32>
      %shift_left3A = arith.shli %get3A_883, %broadcast_in_dim3A_892 : vector<16xi32>
      %bitcast_convert_type3A = tpu.bitcast %shift_left3A : vector<16xi32> -> vector<16xf32>
      %and3A = arith.andi %get3A_883, %broadcast_in_dim3A_893 : vector<16xi32>
      %bitcast_convert_type3A_894 = tpu.bitcast %and3A : vector<16xi32> -> vector<16xf32>
      %shift_left3A_895 = arith.shli %get3A_891, %broadcast_in_dim3A_892 : vector<16xi32>
      %bitcast_convert_type3A_896 = tpu.bitcast %shift_left3A_895 : vector<16xi32> -> vector<16xf32>
      %and3A_897 = arith.andi %get3A_891, %broadcast_in_dim3A_893 : vector<16xi32>
      %bitcast_convert_type3A_898 = tpu.bitcast %and3A_897 : vector<16xi32> -> vector<16xf32>
      %get3A_899 = arith.constant 0 : i32
      %get3A_900 = arith.constant 0 : i32
      %get3A_901 = tpu.memref_slice %arg8[%scan3A_394, %get3A_899, %get3A_900] : memref<6x64x128xf32, #tpu.memory_space<vmem>> -> memref<1x64x128xf32, #tpu.memory_space<vmem>>
      %get3A_902 = tpu.memref_squeeze %get3A_901 : memref<1x64x128xf32, #tpu.memory_space<vmem>> -> memref<64x128xf32, #tpu.memory_space<vmem>>
      %get3A_903 = arith.index_cast %add3A_876 : i32 to index
      %get3A_904 = arith.constant 0 : index
      %get3A_905 = tpu.vector_load %get3A_902[%get3A_903, %get3A_904] {strides = array<i32>} : memref<64x128xf32, #tpu.memory_space<vmem>>, vector<1x16xf32>,
      %get3A_906 = vector.shape_cast %get3A_905 : vector<1x16xf32> to vector<16xf32>
      %get3A_907 = arith.constant 0 : i32
      %get3A_908 = arith.constant 0 : i32
      %get3A_909 = tpu.memref_slice %arg8[%scan3A_394, %get3A_907, %get3A_908] : memref<6x64x128xf32, #tpu.memory_space<vmem>> -> memref<1x64x128xf32, #tpu.memory_space<vmem>>
      %get3A_910 = tpu.memref_squeeze %get3A_909 : memref<1x64x128xf32, #tpu.memory_space<vmem>> -> memref<64x128xf32, #tpu.memory_space<vmem>>
      %get3A_911 = arith.index_cast %add3A_876 : i32 to index
      %get3A_912 = arith.constant 16 : index
      %get3A_913 = tpu.vector_load %get3A_910[%get3A_911, %get3A_912] {strides = array<i32>} : memref<64x128xf32, #tpu.memory_space<vmem>>, vector<1x16xf32>,
      %get3A_914 = vector.shape_cast %get3A_913 : vector<1x16xf32> to vector<16xf32>
      %mul3A_915 = arith.mulf %get3A_906, %bitcast_convert_type3A : vector<16xf32>
      %add3A_916 = arith.addf %get3A_906, %mul3A_915 : vector<16xf32>
      %add3A_917 = arith.addf %add3A_916, %bitcast_convert_type3A_896 : vector<16xf32>
      %swap3A = arith.constant 0 : i32
      %swap3A_918 = arith.constant 0 : i32
      %swap3A_919 = tpu.memref_slice %arg8[%scan3A_394, %swap3A, %swap3A_918] : memref<6x64x128xf32, #tpu.memory_space<vmem>> -> memref<1x64x128xf32, #tpu.memory_space<vmem>>
      %swap3A_920 = tpu.memref_squeeze %swap3A_919 : memref<1x64x128xf32, #tpu.memory_space<vmem>> -> memref<64x128xf32, #tpu.memory_space<vmem>>
      %swap3A_921 = arith.index_cast %add3A_876 : i32 to index
      %swap3A_922 = arith.constant 0 : index
      %swap3A_923 = tpu.vector_load %swap3A_920[%swap3A_921, %swap3A_922] {strides = array<i32>} : memref<64x128xf32, #tpu.memory_space<vmem>>, vector<1x16xf32>,
      %swap3A_924 = vector.shape_cast %swap3A_923 : vector<1x16xf32> to vector<16xf32>
      %swap3A_925 = vector.shape_cast %add3A_917 : vector<16xf32> to vector<1x16xf32>
      tpu.vector_store %swap3A_920[%swap3A_921, %swap3A_922], %swap3A_925 {strides = array<i32>} : memref<64x128xf32, #tpu.memory_space<vmem>>, vector<1x16xf32>,
      %mul3A_926 = arith.mulf %get3A_914, %bitcast_convert_type3A_894 : vector<16xf32>
      %add3A_927 = arith.addf %get3A_914, %mul3A_926 : vector<16xf32>
      %add3A_928 = arith.addf %add3A_927, %bitcast_convert_type3A_898 : vector<16xf32>
      %swap3A_929 = arith.constant 0 : i32
      %swap3A_930 = arith.constant 0 : i32
      %swap3A_931 = tpu.memref_slice %arg8[%scan3A_394, %swap3A_929, %swap3A_930] : memref<6x64x128xf32, #tpu.memory_space<vmem>> -> memref<1x64x128xf32, #tpu.memory_space<vmem>>
      %swap3A_932 = tpu.memref_squeeze %swap3A_931 : memref<1x64x128xf32, #tpu.memory_space<vmem>> -> memref<64x128xf32, #tpu.memory_space<vmem>>
      %swap3A_933 = arith.index_cast %add3A_876 : i32 to index
      %swap3A_934 = arith.constant 16 : index
      %swap3A_935 = tpu.vector_load %swap3A_932[%swap3A_933, %swap3A_934] {strides = array<i32>} : memref<64x128xf32, #tpu.memory_space<vmem>>, vector<1x16xf32>,
      %swap3A_936 = vector.shape_cast %swap3A_935 : vector<1x16xf32> to vector<16xf32>
      %swap3A_937 = vector.shape_cast %add3A_928 : vector<16xf32> to vector<1x16xf32>
      tpu.vector_store %swap3A_932[%swap3A_933, %swap3A_934], %swap3A_937 {strides = array<i32>} : memref<64x128xf32, #tpu.memory_space<vmem>>, vector<1x16xf32>,
      %get3A_938 = arith.constant 0 : i32
      %get3A_939 = arith.constant 0 : i32
      %get3A_940 = tpu.memref_slice %arg7[%scan3A_392, %get3A_938, %get3A_939] : memref<6x64x128xi32, #tpu.memory_space<vmem>> -> memref<1x64x128xi32, #tpu.memory_space<vmem>>
      %get3A_941 = tpu.memref_squeeze %get3A_940 : memref<1x64x128xi32, #tpu.memory_space<vmem>> -> memref<64x128xi32, #tpu.memory_space<vmem>>
      %get3A_942 = arith.index_cast %add3A_876 : i32 to index
      %get3A_943 = arith.constant 32 : index
      %get3A_944 = tpu.vector_load %get3A_941[%get3A_942, %get3A_943] {strides = array<i32>} : memref<64x128xi32, #tpu.memory_space<vmem>>, vector<1x16xi32>,
      %get3A_945 = vector.shape_cast %get3A_944 : vector<1x16xi32> to vector<16xi32>
      %get3A_946 = arith.constant 0 : i32
      %get3A_947 = arith.constant 0 : i32
      %get3A_948 = tpu.memref_slice %arg7[%scan3A_392, %get3A_946, %get3A_947] : memref<6x64x128xi32, #tpu.memory_space<vmem>> -> memref<1x64x128xi32, #tpu.memory_space<vmem>>
      %get3A_949 = tpu.memref_squeeze %get3A_948 : memref<1x64x128xi32, #tpu.memory_space<vmem>> -> memref<64x128xi32, #tpu.memory_space<vmem>>
      %get3A_950 = arith.index_cast %add3A_876 : i32 to index
      %get3A_951 = arith.constant 48 : index
      %get3A_952 = tpu.vector_load %get3A_949[%get3A_950, %get3A_951] {strides = array<i32>} : memref<64x128xi32, #tpu.memory_space<vmem>>, vector<1x16xi32>,
      %get3A_953 = vector.shape_cast %get3A_952 : vector<1x16xi32> to vector<16xi32>
      %broadcast_in_dim3A_954 = arith.constant 16 : i32
      %broadcast_in_dim3A_955 = vector.broadcast %broadcast_in_dim3A_954 : i32 to vector<16xi32>
      %broadcast_in_dim3A_956 = vector.broadcast %scan3A_393 : i32 to vector<16xi32>
      %shift_left3A_957 = arith.shli %get3A_945, %broadcast_in_dim3A_955 : vector<16xi32>
      %bitcast_convert_type3A_958 = tpu.bitcast %shift_left3A_957 : vector<16xi32> -> vector<16xf32>
      %and3A_959 = arith.andi %get3A_945, %broadcast_in_dim3A_956 : vector<16xi32>
      %bitcast_convert_type3A_960 = tpu.bitcast %and3A_959 : vector<16xi32> -> vector<16xf32>
      %shift_left3A_961 = arith.shli %get3A_953, %broadcast_in_dim3A_955 : vector<16xi32>
      %bitcast_convert_type3A_962 = tpu.bitcast %shift_left3A_961 : vector<16xi32> -> vector<16xf32>
      %and3A_963 = arith.andi %get3A_953, %broadcast_in_dim3A_956 : vector<16xi32>
      %bitcast_convert_type3A_964 = tpu.bitcast %and3A_963 : vector<16xi32> -> vector<16xf32>
      %get3A_965 = arith.constant 0 : i32
      %get3A_966 = arith.constant 0 : i32
      %get3A_967 = tpu.memref_slice %arg8[%scan3A_394, %get3A_965, %get3A_966] : memref<6x64x128xf32, #tpu.memory_space<vmem>> -> memref<1x64x128xf32, #tpu.memory_space<vmem>>
      %get3A_968 = tpu.memref_squeeze %get3A_967 : memref<1x64x128xf32, #tpu.memory_space<vmem>> -> memref<64x128xf32, #tpu.memory_space<vmem>>
      %get3A_969 = arith.index_cast %add3A_876 : i32 to index
      %get3A_970 = arith.constant 32 : index
      %get3A_971 = tpu.vector_load %get3A_968[%get3A_969, %get3A_970] {strides = array<i32>} : memref<64x128xf32, #tpu.memory_space<vmem>>, vector<1x16xf32>,
      %get3A_972 = vector.shape_cast %get3A_971 : vector<1x16xf32> to vector<16xf32>
      %get3A_973 = arith.constant 0 : i32
      %get3A_974 = arith.constant 0 : i32
      %get3A_975 = tpu.memref_slice %arg8[%scan3A_394, %get3A_973, %get3A_974] : memref<6x64x128xf32, #tpu.memory_space<vmem>> -> memref<1x64x128xf32, #tpu.memory_space<vmem>>
      %get3A_976 = tpu.memref_squeeze %get3A_975 : memref<1x64x128xf32, #tpu.memory_space<vmem>> -> memref<64x128xf32, #tpu.memory_space<vmem>>
      %get3A_977 = arith.index_cast %add3A_876 : i32 to index
      %get3A_978 = arith.constant 48 : index
      %get3A_979 = tpu.vector_load %get3A_976[%get3A_977, %get3A_978] {strides = array<i32>} : memref<64x128xf32, #tpu.memory_space<vmem>>, vector<1x16xf32>,
      %get3A_980 = vector.shape_cast %get3A_979 : vector<1x16xf32> to vector<16xf32>
      %mul3A_981 = arith.mulf %get3A_972, %bitcast_convert_type3A_958 : vector<16xf32>
      %add3A_982 = arith.addf %get3A_972, %mul3A_981 : vector<16xf32>
      %add3A_983 = arith.addf %add3A_982, %bitcast_convert_type3A_962 : vector<16xf32>
      %swap3A_984 = arith.constant 0 : i32
      %swap3A_985 = arith.constant 0 : i32
      %swap3A_986 = tpu.memref_slice %arg8[%scan3A_394, %swap3A_984, %swap3A_985] : memref<6x64x128xf32, #tpu.memory_space<vmem>> -> memref<1x64x128xf32, #tpu.memory_space<vmem>>
      %swap3A_987 = tpu.memref_squeeze %swap3A_986 : memref<1x64x128xf32, #tpu.memory_space<vmem>> -> memref<64x128xf32, #tpu.memory_space<vmem>>
      %swap3A_988 = arith.index_cast %add3A_876 : i32 to index
      %swap3A_989 = arith.constant 32 : index
      %swap3A_990 = tpu.vector_load %swap3A_987[%swap3A_988, %swap3A_989] {strides = array<i32>} : memref<64x128xf32, #tpu.memory_space<vmem>>, vector<1x16xf32>,
      %swap3A_991 = vector.shape_cast %swap3A_990 : vector<1x16xf32> to vector<16xf32>
      %swap3A_992 = vector.shape_cast %add3A_983 : vector<16xf32> to vector<1x16xf32>
      tpu.vector_store %swap3A_987[%swap3A_988, %swap3A_989], %swap3A_992 {strides = array<i32>} : memref<64x128xf32, #tpu.memory_space<vmem>>, vector<1x16xf32>,
      %mul3A_993 = arith.mulf %get3A_980, %bitcast_convert_type3A_960 : vector<16xf32>
      %add3A_994 = arith.addf %get3A_980, %mul3A_993 : vector<16xf32>
      %add3A_995 = arith.addf %add3A_994, %bitcast_convert_type3A_964 : vector<16xf32>
      %swap3A_996 = arith.constant 0 : i32
      %swap3A_997 = arith.constant 0 : i32
      %swap3A_998 = tpu.memref_slice %arg8[%scan3A_394, %swap3A_996, %swap3A_997] : memref<6x64x128xf32, #tpu.memory_space<vmem>> -> memref<1x64x128xf32, #tpu.memory_space<vmem>>
      %swap3A_999 = tpu.memref_squeeze %swap3A_998 : memref<1x64x128xf32, #tpu.memory_space<vmem>> -> memref<64x128xf32, #tpu.memory_space<vmem>>
      %swap3A_1000 = arith.index_cast %add3A_876 : i32 to index
      %swap3A_1001 = arith.constant 48 : index
      %swap3A_1002 = tpu.vector_load %swap3A_999[%swap3A_1000, %swap3A_1001] {strides = array<i32>} : memref<64x128xf32, #tpu.memory_space<vmem>>, vector<1x16xf32>,
      %swap3A_1003 = vector.shape_cast %swap3A_1002 : vector<1x16xf32> to vector<16xf32>
      %swap3A_1004 = vector.shape_cast %add3A_995 : vector<16xf32> to vector<1x16xf32>
      tpu.vector_store %swap3A_999[%swap3A_1000, %swap3A_1001], %swap3A_1004 {strides = array<i32>} : memref<64x128xf32, #tpu.memory_space<vmem>>, vector<1x16xf32>,
      %get3A_1005 = arith.constant 0 : i32
      %get3A_1006 = arith.constant 0 : i32
      %get3A_1007 = tpu.memref_slice %arg7[%scan3A_392, %get3A_1005, %get3A_1006] : memref<6x64x128xi32, #tpu.memory_space<vmem>> -> memref<1x64x128xi32, #tpu.memory_space<vmem>>
      %get3A_1008 = tpu.memref_squeeze %get3A_1007 : memref<1x64x128xi32, #tpu.memory_space<vmem>> -> memref<64x128xi32, #tpu.memory_space<vmem>>
      %get3A_1009 = arith.index_cast %add3A_876 : i32 to index
      %get3A_1010 = arith.constant 64 : index
      %get3A_1011 = tpu.vector_load %get3A_1008[%get3A_1009, %get3A_1010] {strides = array<i32>} : memref<64x128xi32, #tpu.memory_space<vmem>>, vector<1x16xi32>,
      %get3A_1012 = vector.shape_cast %get3A_1011 : vector<1x16xi32> to vector<16xi32>
      %get3A_1013 = arith.constant 0 : i32
      %get3A_1014 = arith.constant 0 : i32
      %get3A_1015 = tpu.memref_slice %arg7[%scan3A_392, %get3A_1013, %get3A_1014] : memref<6x64x128xi32, #tpu.memory_space<vmem>> -> memref<1x64x128xi32, #tpu.memory_space<vmem>>
      %get3A_1016 = tpu.memref_squeeze %get3A_1015 : memref<1x64x128xi32, #tpu.memory_space<vmem>> -> memref<64x128xi32, #tpu.memory_space<vmem>>
      %get3A_1017 = arith.index_cast %add3A_876 : i32 to index
      %get3A_1018 = arith.constant 80 : index
      %get3A_1019 = tpu.vector_load %get3A_1016[%get3A_1017, %get3A_1018] {strides = array<i32>} : memref<64x128xi32, #tpu.memory_space<vmem>>, vector<1x16xi32>,
      %get3A_1020 = vector.shape_cast %get3A_1019 : vector<1x16xi32> to vector<16xi32>
      %broadcast_in_dim3A_1021 = arith.constant 16 : i32
      %broadcast_in_dim3A_1022 = vector.broadcast %broadcast_in_dim3A_1021 : i32 to vector<16xi32>
      %broadcast_in_dim3A_1023 = vector.broadcast %scan3A_393 : i32 to vector<16xi32>
      %shift_left3A_1024 = arith.shli %get3A_1012, %broadcast_in_dim3A_1022 : vector<16xi32>
      %bitcast_convert_type3A_1025 = tpu.bitcast %shift_left3A_1024 : vector<16xi32> -> vector<16xf32>
      %and3A_1026 = arith.andi %get3A_1012, %broadcast_in_dim3A_1023 : vector<16xi32>
      %bitcast_convert_type3A_1027 = tpu.bitcast %and3A_1026 : vector<16xi32> -> vector<16xf32>
      %shift_left3A_1028 = arith.shli %get3A_1020, %broadcast_in_dim3A_1022 : vector<16xi32>
      %bitcast_convert_type3A_1029 = tpu.bitcast %shift_left3A_1028 : vector<16xi32> -> vector<16xf32>
      %and3A_1030 = arith.andi %get3A_1020, %broadcast_in_dim3A_1023 : vector<16xi32>
      %bitcast_convert_type3A_1031 = tpu.bitcast %and3A_1030 : vector<16xi32> -> vector<16xf32>
      %get3A_1032 = arith.constant 0 : i32
      %get3A_1033 = arith.constant 0 : i32
      %get3A_1034 = tpu.memref_slice %arg8[%scan3A_394, %get3A_1032, %get3A_1033] : memref<6x64x128xf32, #tpu.memory_space<vmem>> -> memref<1x64x128xf32, #tpu.memory_space<vmem>>
      %get3A_1035 = tpu.memref_squeeze %get3A_1034 : memref<1x64x128xf32, #tpu.memory_space<vmem>> -> memref<64x128xf32, #tpu.memory_space<vmem>>
      %get3A_1036 = arith.index_cast %add3A_876 : i32 to index
      %get3A_1037 = arith.constant 64 : index
      %get3A_1038 = tpu.vector_load %get3A_1035[%get3A_1036, %get3A_1037] {strides = array<i32>} : memref<64x128xf32, #tpu.memory_space<vmem>>, vector<1x16xf32>,
      %get3A_1039 = vector.shape_cast %get3A_1038 : vector<1x16xf32> to vector<16xf32>
      %get3A_1040 = arith.constant 0 : i32
      %get3A_1041 = arith.constant 0 : i32
      %get3A_1042 = tpu.memref_slice %arg8[%scan3A_394, %get3A_1040, %get3A_1041] : memref<6x64x128xf32, #tpu.memory_space<vmem>> -> memref<1x64x128xf32, #tpu.memory_space<vmem>>
      %get3A_1043 = tpu.memref_squeeze %get3A_1042 : memref<1x64x128xf32, #tpu.memory_space<vmem>> -> memref<64x128xf32, #tpu.memory_space<vmem>>
      %get3A_1044 = arith.index_cast %add3A_876 : i32 to index
      %get3A_1045 = arith.constant 80 : index
      %get3A_1046 = tpu.vector_load %get3A_1043[%get3A_1044, %get3A_1045] {strides = array<i32>} : memref<64x128xf32, #tpu.memory_space<vmem>>, vector<1x16xf32>,
      %get3A_1047 = vector.shape_cast %get3A_1046 : vector<1x16xf32> to vector<16xf32>
      %mul3A_1048 = arith.mulf %get3A_1039, %bitcast_convert_type3A_1025 : vector<16xf32>
      %add3A_1049 = arith.addf %get3A_1039, %mul3A_1048 : vector<16xf32>
      %add3A_1050 = arith.addf %add3A_1049, %bitcast_convert_type3A_1029 : vector<16xf32>
      %swap3A_1051 = arith.constant 0 : i32
      %swap3A_1052 = arith.constant 0 : i32
      %swap3A_1053 = tpu.memref_slice %arg8[%scan3A_394, %swap3A_1051, %swap3A_1052] : memref<6x64x128xf32, #tpu.memory_space<vmem>> -> memref<1x64x128xf32, #tpu.memory_space<vmem>>
      %swap3A_1054 = tpu.memref_squeeze %swap3A_1053 : memref<1x64x128xf32, #tpu.memory_space<vmem>> -> memref<64x128xf32, #tpu.memory_space<vmem>>
      %swap3A_1055 = arith.index_cast %add3A_876 : i32 to index
      %swap3A_1056 = arith.constant 64 : index
      %swap3A_1057 = tpu.vector_load %swap3A_1054[%swap3A_1055, %swap3A_1056] {strides = array<i32>} : memref<64x128xf32, #tpu.memory_space<vmem>>, vector<1x16xf32>,
      %swap3A_1058 = vector.shape_cast %swap3A_1057 : vector<1x16xf32> to vector<16xf32>
      %swap3A_1059 = vector.shape_cast %add3A_1050 : vector<16xf32> to vector<1x16xf32>
      tpu.vector_store %swap3A_1054[%swap3A_1055, %swap3A_1056], %swap3A_1059 {strides = array<i32>} : memref<64x128xf32, #tpu.memory_space<vmem>>, vector<1x16xf32>,
      %mul3A_1060 = arith.mulf %get3A_1047, %bitcast_convert_type3A_1027 : vector<16xf32>
      %add3A_1061 = arith.addf %get3A_1047, %mul3A_1060 : vector<16xf32>
      %add3A_1062 = arith.addf %add3A_1061, %bitcast_convert_type3A_1031 : vector<16xf32>
      %swap3A_1063 = arith.constant 0 : i32
      %swap3A_1064 = arith.constant 0 : i32
      %swap3A_1065 = tpu.memref_slice %arg8[%scan3A_394, %swap3A_1063, %swap3A_1064] : memref<6x64x128xf32, #tpu.memory_space<vmem>> -> memref<1x64x128xf32, #tpu.memory_space<vmem>>
      %swap3A_1066 = tpu.memref_squeeze %swap3A_1065 : memref<1x64x128xf32, #tpu.memory_space<vmem>> -> memref<64x128xf32, #tpu.memory_space<vmem>>
      %swap3A_1067 = arith.index_cast %add3A_876 : i32 to index
      %swap3A_1068 = arith.constant 80 : index
      %swap3A_1069 = tpu.vector_load %swap3A_1066[%swap3A_1067, %swap3A_1068] {strides = array<i32>} : memref<64x128xf32, #tpu.memory_space<vmem>>, vector<1x16xf32>,
      %swap3A_1070 = vector.shape_cast %swap3A_1069 : vector<1x16xf32> to vector<16xf32>
      %swap3A_1071 = vector.shape_cast %add3A_1062 : vector<16xf32> to vector<1x16xf32>
      tpu.vector_store %swap3A_1066[%swap3A_1067, %swap3A_1068], %swap3A_1071 {strides = array<i32>} : memref<64x128xf32, #tpu.memory_space<vmem>>, vector<1x16xf32>,
      %get3A_1072 = arith.constant 0 : i32
      %get3A_1073 = arith.constant 0 : i32
      %get3A_1074 = tpu.memref_slice %arg7[%scan3A_392, %get3A_1072, %get3A_1073] : memref<6x64x128xi32, #tpu.memory_space<vmem>> -> memref<1x64x128xi32, #tpu.memory_space<vmem>>
      %get3A_1075 = tpu.memref_squeeze %get3A_1074 : memref<1x64x128xi32, #tpu.memory_space<vmem>> -> memref<64x128xi32, #tpu.memory_space<vmem>>
      %get3A_1076 = arith.index_cast %add3A_876 : i32 to index
      %get3A_1077 = arith.constant 96 : index
      %get3A_1078 = tpu.vector_load %get3A_1075[%get3A_1076, %get3A_1077] {strides = array<i32>} : memref<64x128xi32, #tpu.memory_space<vmem>>, vector<1x16xi32>,
      %get3A_1079 = vector.shape_cast %get3A_1078 : vector<1x16xi32> to vector<16xi32>
      %get3A_1080 = arith.constant 0 : i32
      %get3A_1081 = arith.constant 0 : i32
      %get3A_1082 = tpu.memref_slice %arg7[%scan3A_392, %get3A_1080, %get3A_1081] : memref<6x64x128xi32, #tpu.memory_space<vmem>> -> memref<1x64x128xi32, #tpu.memory_space<vmem>>
      %get3A_1083 = tpu.memref_squeeze %get3A_1082 : memref<1x64x128xi32, #tpu.memory_space<vmem>> -> memref<64x128xi32, #tpu.memory_space<vmem>>
      %get3A_1084 = arith.index_cast %add3A_876 : i32 to index
      %get3A_1085 = arith.constant 112 : index
      %get3A_1086 = tpu.vector_load %get3A_1083[%get3A_1084, %get3A_1085] {strides = array<i32>} : memref<64x128xi32, #tpu.memory_space<vmem>>, vector<1x16xi32>,
      %get3A_1087 = vector.shape_cast %get3A_1086 : vector<1x16xi32> to vector<16xi32>
      %broadcast_in_dim3A_1088 = arith.constant 16 : i32
      %broadcast_in_dim3A_1089 = vector.broadcast %broadcast_in_dim3A_1088 : i32 to vector<16xi32>
      %broadcast_in_dim3A_1090 = vector.broadcast %scan3A_393 : i32 to vector<16xi32>
      %shift_left3A_1091 = arith.shli %get3A_1079, %broadcast_in_dim3A_1089 : vector<16xi32>
      %bitcast_convert_type3A_1092 = tpu.bitcast %shift_left3A_1091 : vector<16xi32> -> vector<16xf32>
      %and3A_1093 = arith.andi %get3A_1079, %broadcast_in_dim3A_1090 : vector<16xi32>
      %bitcast_convert_type3A_1094 = tpu.bitcast %and3A_1093 : vector<16xi32> -> vector<16xf32>
      %shift_left3A_1095 = arith.shli %get3A_1087, %broadcast_in_dim3A_1089 : vector<16xi32>
      %bitcast_convert_type3A_1096 = tpu.bitcast %shift_left3A_1095 : vector<16xi32> -> vector<16xf32>
      %and3A_1097 = arith.andi %get3A_1087, %broadcast_in_dim3A_1090 : vector<16xi32>
      %bitcast_convert_type3A_1098 = tpu.bitcast %and3A_1097 : vector<16xi32> -> vector<16xf32>
      %get3A_1099 = arith.constant 0 : i32
      %get3A_1100 = arith.constant 0 : i32
      %get3A_1101 = tpu.memref_slice %arg8[%scan3A_394, %get3A_1099, %get3A_1100] : memref<6x64x128xf32, #tpu.memory_space<vmem>> -> memref<1x64x128xf32, #tpu.memory_space<vmem>>
      %get3A_1102 = tpu.memref_squeeze %get3A_1101 : memref<1x64x128xf32, #tpu.memory_space<vmem>> -> memref<64x128xf32, #tpu.memory_space<vmem>>
      %get3A_1103 = arith.index_cast %add3A_876 : i32 to index
      %get3A_1104 = arith.constant 96 : index
      %get3A_1105 = tpu.vector_load %get3A_1102[%get3A_1103, %get3A_1104] {strides = array<i32>} : memref<64x128xf32, #tpu.memory_space<vmem>>, vector<1x16xf32>,
      %get3A_1106 = vector.shape_cast %get3A_1105 : vector<1x16xf32> to vector<16xf32>
      %get3A_1107 = arith.constant 0 : i32
      %get3A_1108 = arith.constant 0 : i32
      %get3A_1109 = tpu.memref_slice %arg8[%scan3A_394, %get3A_1107, %get3A_1108] : memref<6x64x128xf32, #tpu.memory_space<vmem>> -> memref<1x64x128xf32, #tpu.memory_space<vmem>>
      %get3A_1110 = tpu.memref_squeeze %get3A_1109 : memref<1x64x128xf32, #tpu.memory_space<vmem>> -> memref<64x128xf32, #tpu.memory_space<vmem>>
      %get3A_1111 = arith.index_cast %add3A_876 : i32 to index
      %get3A_1112 = arith.constant 112 : index
      %get3A_1113 = tpu.vector_load %get3A_1110[%get3A_1111, %get3A_1112] {strides = array<i32>} : memref<64x128xf32, #tpu.memory_space<vmem>>, vector<1x16xf32>,
      %get3A_1114 = vector.shape_cast %get3A_1113 : vector<1x16xf32> to vector<16xf32>
      %mul3A_1115 = arith.mulf %get3A_1106, %bitcast_convert_type3A_1092 : vector<16xf32>
      %add3A_1116 = arith.addf %get3A_1106, %mul3A_1115 : vector<16xf32>
      %add3A_1117 = arith.addf %add3A_1116, %bitcast_convert_type3A_1096 : vector<16xf32>
      %swap3A_1118 = arith.constant 0 : i32
      %swap3A_1119 = arith.constant 0 : i32
      %swap3A_1120 = tpu.memref_slice %arg8[%scan3A_394, %swap3A_1118, %swap3A_1119] : memref<6x64x128xf32, #tpu.memory_space<vmem>> -> memref<1x64x128xf32, #tpu.memory_space<vmem>>
      %swap3A_1121 = tpu.memref_squeeze %swap3A_1120 : memref<1x64x128xf32, #tpu.memory_space<vmem>> -> memref<64x128xf32, #tpu.memory_space<vmem>>
      %swap3A_1122 = arith.index_cast %add3A_876 : i32 to index
      %swap3A_1123 = arith.constant 96 : index
      %swap3A_1124 = tpu.vector_load %swap3A_1121[%swap3A_1122, %swap3A_1123] {strides = array<i32>} : memref<64x128xf32, #tpu.memory_space<vmem>>, vector<1x16xf32>,
      %swap3A_1125 = vector.shape_cast %swap3A_1124 : vector<1x16xf32> to vector<16xf32>
      %swap3A_1126 = vector.shape_cast %add3A_1117 : vector<16xf32> to vector<1x16xf32>
      tpu.vector_store %swap3A_1121[%swap3A_1122, %swap3A_1123], %swap3A_1126 {strides = array<i32>} : memref<64x128xf32, #tpu.memory_space<vmem>>, vector<1x16xf32>,
      %mul3A_1127 = arith.mulf %get3A_1114, %bitcast_convert_type3A_1094 : vector<16xf32>
      %add3A_1128 = arith.addf %get3A_1114, %mul3A_1127 : vector<16xf32>
      %add3A_1129 = arith.addf %add3A_1128, %bitcast_convert_type3A_1098 : vector<16xf32>
      %swap3A_1130 = arith.constant 0 : i32
      %swap3A_1131 = arith.constant 0 : i32
      %swap3A_1132 = tpu.memref_slice %arg8[%scan3A_394, %swap3A_1130, %swap3A_1131] : memref<6x64x128xf32, #tpu.memory_space<vmem>> -> memref<1x64x128xf32, #tpu.memory_space<vmem>>
      %swap3A_1133 = tpu.memref_squeeze %swap3A_1132 : memref<1x64x128xf32, #tpu.memory_space<vmem>> -> memref<64x128xf32, #tpu.memory_space<vmem>>
      %swap3A_1134 = arith.index_cast %add3A_876 : i32 to index
      %swap3A_1135 = arith.constant 112 : index
      %swap3A_1136 = tpu.vector_load %swap3A_1133[%swap3A_1134, %swap3A_1135] {strides = array<i32>} : memref<64x128xf32, #tpu.memory_space<vmem>>, vector<1x16xf32>,
      %swap3A_1137 = vector.shape_cast %swap3A_1136 : vector<1x16xf32> to vector<16xf32>
      %swap3A_1138 = vector.shape_cast %add3A_1129 : vector<16xf32> to vector<1x16xf32>
      tpu.vector_store %swap3A_1133[%swap3A_1134, %swap3A_1135], %swap3A_1138 {strides = array<i32>} : memref<64x128xf32, #tpu.memory_space<vmem>>, vector<1x16xf32>,
    }
    %scan3A_399 = arith.constant 64 : i32
    %add3A_400 = arith.constant 128 : i32
    %add3A_401 = arith.addi %mul3A_2, %add3A_400 : i32
    %dma_start3A_402 = arith.constant 2 : i32
    %dma_start3A_403 = arith.constant 0 : i32
    %dma_start3A_404 = arith.constant 0 : i32
    %dma_start3A_405 = tpu.memref_slice %arg8[%dma_start3A_402, %dma_start3A_403, %dma_start3A_404] : memref<6x64x128xf32, #tpu.memory_space<vmem>> -> memref<1x64x128xf32, #tpu.memory_space<vmem>>
    %dma_start3A_406 = tpu.memref_squeeze %dma_start3A_405 : memref<1x64x128xf32, #tpu.memory_space<vmem>> -> memref<64x128xf32, #tpu.memory_space<vmem>>
    %dma_start3A_407 = arith.constant 0 : i32
    %dma_start3A_408 = tpu.memref_slice %arg5[%add3A_401, %dma_start3A_407] : memref<16384x128xf32, #tpu.memory_space<hbm>> -> memref<64x128xf32, #tpu.memory_space<hbm>>
    %dma_start3A_409 = arith.constant 0 : i32
    %dma_start3A_410 = tpu.memref_slice %arg5[%add3A_401, %dma_start3A_409] : memref<16384x128xf32, #tpu.memory_space<hbm>> -> memref<64x128xf32, #tpu.memory_space<hbm>>
    %dma_start3A_411 = arith.constant 0 : i32
    %dma_start3A_412 = arith.constant 0 : i32
    %dma_start3A_413 = tpu.memref_slice %arg8[%dma_start3A_402, %dma_start3A_411, %dma_start3A_412] : memref<6x64x128xf32, #tpu.memory_space<vmem>> -> memref<1x64x128xf32, #tpu.memory_space<vmem>>
    %dma_start3A_414 = tpu.memref_squeeze %dma_start3A_413 : memref<1x64x128xf32, #tpu.memory_space<vmem>> -> memref<64x128xf32, #tpu.memory_space<vmem>>
    tpu.enqueue_dma source(%dma_start3A_414 : memref<64x128xf32, #tpu.memory_space<vmem>>) target(%dma_start3A_410 : memref<64x128xf32, #tpu.memory_space<hbm>>) target_semaphore(%arg18 : memref<!tpu.dma_semaphore, #tpu.memory_space<semaphore_mem>>)
    %add3A_415 = arith.constant 320 : i32
    %add3A_416 = arith.addi %mul3A_2, %add3A_415 : i32
    %dma_start3A_417 = arith.constant 5 : i32
    %dma_start3A_418 = arith.constant 0 : i32
    %dma_start3A_419 = arith.constant 0 : i32
    %dma_start3A_420 = tpu.memref_slice %arg8[%dma_start3A_417, %dma_start3A_418, %dma_start3A_419] : memref<6x64x128xf32, #tpu.memory_space<vmem>> -> memref<1x64x128xf32, #tpu.memory_space<vmem>>
    %dma_start3A_421 = tpu.memref_squeeze %dma_start3A_420 : memref<1x64x128xf32, #tpu.memory_space<vmem>> -> memref<64x128xf32, #tpu.memory_space<vmem>>
    %dma_start3A_422 = arith.constant 0 : i32
    %dma_start3A_423 = tpu.memref_slice %arg2[%add3A_416, %dma_start3A_422] : memref<16384x128xf32, #tpu.memory_space<hbm>> -> memref<64x128xf32, #tpu.memory_space<hbm>>
    %dma_start3A_424 = arith.constant 0 : i32
    %dma_start3A_425 = arith.constant 0 : i32
    %dma_start3A_426 = tpu.memref_slice %arg8[%dma_start3A_417, %dma_start3A_424, %dma_start3A_425] : memref<6x64x128xf32, #tpu.memory_space<vmem>> -> memref<1x64x128xf32, #tpu.memory_space<vmem>>
    %dma_start3A_427 = tpu.memref_squeeze %dma_start3A_426 : memref<1x64x128xf32, #tpu.memory_space<vmem>> -> memref<64x128xf32, #tpu.memory_space<vmem>>
    %dma_start3A_428 = arith.constant 0 : i32
    %dma_start3A_429 = tpu.memref_slice %arg2[%add3A_416, %dma_start3A_428] : memref<16384x128xf32, #tpu.memory_space<hbm>> -> memref<64x128xf32, #tpu.memory_space<hbm>>
    tpu.enqueue_dma source(%dma_start3A_429 : memref<64x128xf32, #tpu.memory_space<hbm>>) target(%dma_start3A_427 : memref<64x128xf32, #tpu.memory_space<vmem>>) target_semaphore(%arg15 : memref<!tpu.dma_semaphore, #tpu.memory_space<semaphore_mem>>)
    %dma_wait3A_430 = arith.constant 5 : i32
    %dma_wait3A_431 = arith.constant 0 : i32
    %dma_wait3A_432 = tpu.memref_slice %arg6[%dma_wait3A_430, %dma_wait3A_431] : memref<8x64xi32, #tpu.memory_space<vmem>> -> memref<1x64xi32, #tpu.memory_space<vmem>>
    %dma_wait3A_433 = tpu.memref_squeeze %dma_wait3A_432 : memref<1x64xi32, #tpu.memory_space<vmem>> -> memref<64xi32, #tpu.memory_space<vmem>>
    %dma_wait3A_434 = tpu.memref_slice %arg3[%add3A_58] : memref<16384xi32, #tpu.memory_space<hbm>> -> memref<64xi32, #tpu.memory_space<hbm>>
    %dma_wait3A_435 = arith.constant 0 : i32
    %dma_wait3A_436 = tpu.memref_slice %arg6[%dma_wait3A_430, %dma_wait3A_435] : memref<8x64xi32, #tpu.memory_space<vmem>> -> memref<1x64xi32, #tpu.memory_space<vmem>>
    %dma_wait3A_437 = tpu.memref_squeeze %dma_wait3A_436 : memref<1x64xi32, #tpu.memory_space<vmem>> -> memref<64xi32, #tpu.memory_space<vmem>>
    %dma_wait3A_438 = tpu.memref_slice %arg3[%add3A_58] : memref<16384xi32, #tpu.memory_space<hbm>> -> memref<64xi32, #tpu.memory_space<hbm>>
    tpu.wait_dma2 semaphore(%arg9 : memref<!tpu.dma_semaphore, #tpu.memory_space<semaphore_mem>>) src(%dma_wait3A_438 : memref<64xi32, #tpu.memory_space<hbm>>) dst(%dma_wait3A_437 : memref<64xi32, #tpu.memory_space<vmem>>)
    %dma_start3A_439 = arith.constant 5 : i32
    %dma_start3A_440 = arith.constant 5 : i32
    %dma_start3A_441 = arith.constant 0 : i32
    %dma_start3A_442 = arith.constant 0 : i32
    %dma_start3A_443 = tpu.memref_slice %arg7[%dma_start3A_440, %dma_start3A_441, %dma_start3A_442] : memref<6x64x128xi32, #tpu.memory_space<vmem>> -> memref<1x64x128xi32, #tpu.memory_space<vmem>>
    %dma_start3A_444 = tpu.memref_squeeze %dma_start3A_443 : memref<1x64x128xi32, #tpu.memory_space<vmem>> -> memref<64x128xi32, #tpu.memory_space<vmem>>
    %dma_start3A_445 = arith.constant 0 : i32
    %dma_start3A_446 = tpu.memref_slice %arg6[%dma_start3A_439, %dma_start3A_445] : memref<8x64xi32, #tpu.memory_space<vmem>> -> memref<1x64xi32, #tpu.memory_space<vmem>>
    %dma_start3A_447 = tpu.memref_squeeze %dma_start3A_446 : memref<1x64xi32, #tpu.memory_space<vmem>> -> memref<64xi32, #tpu.memory_space<vmem>>
    %dma_start3A_448 = arith.constant 0 : i32
    %dma_start3A_449 = arith.constant 0 : i32
    %dma_start3A_450 = tpu.memref_slice %arg4[%dma_start3A_448, %dma_start3A_449] : memref<1000x128xi32, #tpu.memory_space<hbm>> -> memref<1000x128xi32, #tpu.memory_space<hbm>>
    tpu.enqueue_indirect_dma source(%dma_start3A_450 : memref<1000x128xi32, #tpu.memory_space<hbm>>) target(%dma_start3A_444 : memref<64x128xi32, #tpu.memory_space<vmem>>) offsets(%dma_start3A_447 : memref<64xi32, #tpu.memory_space<vmem>>) semaphore(%arg15 : memref<!tpu.dma_semaphore, #tpu.memory_space<semaphore_mem>>)
    %dma_wait3A_451 = arith.constant 3 : i32
    %dma_wait3A_452 = arith.constant 3 : i32
    %dma_wait3A_453 = arith.constant 0 : i32
    %dma_wait3A_454 = arith.constant 0 : i32
    %dma_wait3A_455 = tpu.memref_slice %arg7[%dma_wait3A_452, %dma_wait3A_453, %dma_wait3A_454] : memref<6x64x128xi32, #tpu.memory_space<vmem>> -> memref<1x64x128xi32, #tpu.memory_space<vmem>>
    %dma_wait3A_456 = tpu.memref_squeeze %dma_wait3A_455 : memref<1x64x128xi32, #tpu.memory_space<vmem>> -> memref<64x128xi32, #tpu.memory_space<vmem>>
    %dma_wait3A_457 = arith.constant 0 : i32
    %dma_wait3A_458 = tpu.memref_slice %arg6[%dma_wait3A_451, %dma_wait3A_457] : memref<8x64xi32, #tpu.memory_space<vmem>> -> memref<1x64xi32, #tpu.memory_space<vmem>>
    %dma_wait3A_459 = tpu.memref_squeeze %dma_wait3A_458 : memref<1x64xi32, #tpu.memory_space<vmem>> -> memref<64xi32, #tpu.memory_space<vmem>>
    %dma_wait3A_460 = arith.constant 0 : i32
    %dma_wait3A_461 = arith.constant 0 : i32
    %dma_wait3A_462 = tpu.memref_slice %arg4[%dma_wait3A_460, %dma_wait3A_461] : memref<1000x128xi32, #tpu.memory_space<hbm>> -> memref<1000x128xi32, #tpu.memory_space<hbm>>
    tpu.wait_indirect_dma semaphore(%arg13 : memref<!tpu.dma_semaphore, #tpu.memory_space<semaphore_mem>>) src(%dma_wait3A_462 : memref<1000x128xi32, #tpu.memory_space<hbm>>) dst(%dma_wait3A_456 : memref<64x128xi32, #tpu.memory_space<vmem>>)
    %dma_wait3A_463 = arith.constant 3 : i32
    %dma_wait3A_464 = arith.constant 0 : i32
    %dma_wait3A_465 = arith.constant 0 : i32
    %dma_wait3A_466 = tpu.memref_slice %arg8[%dma_wait3A_463, %dma_wait3A_464, %dma_wait3A_465] : memref<6x64x128xf32, #tpu.memory_space<vmem>> -> memref<1x64x128xf32, #tpu.memory_space<vmem>>
    %dma_wait3A_467 = tpu.memref_squeeze %dma_wait3A_466 : memref<1x64x128xf32, #tpu.memory_space<vmem>> -> memref<64x128xf32, #tpu.memory_space<vmem>>
    %dma_wait3A_468 = arith.constant 0 : i32
    %dma_wait3A_469 = tpu.memref_slice %arg2[%add3A_246, %dma_wait3A_468] : memref<16384x128xf32, #tpu.memory_space<hbm>> -> memref<64x128xf32, #tpu.memory_space<hbm>>
    %dma_wait3A_470 = arith.constant 0 : i32
    %dma_wait3A_471 = arith.constant 0 : i32
    %dma_wait3A_472 = tpu.memref_slice %arg8[%dma_wait3A_463, %dma_wait3A_470, %dma_wait3A_471] : memref<6x64x128xf32, #tpu.memory_space<vmem>> -> memref<1x64x128xf32, #tpu.memory_space<vmem>>
    %dma_wait3A_473 = tpu.memref_squeeze %dma_wait3A_472 : memref<1x64x128xf32, #tpu.memory_space<vmem>> -> memref<64x128xf32, #tpu.memory_space<vmem>>
    %dma_wait3A_474 = arith.constant 0 : i32
    %dma_wait3A_475 = tpu.memref_slice %arg2[%add3A_246, %dma_wait3A_474] : memref<16384x128xf32, #tpu.memory_space<hbm>> -> memref<64x128xf32, #tpu.memory_space<hbm>>
    tpu.wait_dma2 semaphore(%arg13 : memref<!tpu.dma_semaphore, #tpu.memory_space<semaphore_mem>>) src(%dma_wait3A_475 : memref<64x128xf32, #tpu.memory_space<hbm>>) dst(%dma_wait3A_473 : memref<64x128xf32, #tpu.memory_space<vmem>>)
    %scan3A_476 = arith.constant 0 : i32
    %scan3A_477 = arith.constant 3 : i32
    %scan3A_478 = arith.constant -65536 : i32
    %scan3A_479 = arith.constant 3 : i32
    %scan3A_480 = arith.constant 0 : i32
    %scan3A_481 = arith.constant 64 : i32
    %scan3A_482 = arith.addi %scan3A_480, %scan3A_481 : i32
    %scan3A_483 = arith.constant 1 : i32
    scf.for %scan3A_872 = %scan3A_480 to %scan3A_482 step %scan3A_483  : i32 {
      %mul3A_873 = arith.constant 1 : i32
      %mul3A_874 = arith.muli %scan3A_872, %mul3A_873 : i32
      %add3A_875 = arith.constant 0 : i32
      %add3A_876 = arith.addi %mul3A_874, %add3A_875 : i32
      %get3A = arith.constant 0 : i32
      %get3A_877 = arith.constant 0 : i32
      %get3A_878 = tpu.memref_slice %arg7[%scan3A_477, %get3A, %get3A_877] : memref<6x64x128xi32, #tpu.memory_space<vmem>> -> memref<1x64x128xi32, #tpu.memory_space<vmem>>
      %get3A_879 = tpu.memref_squeeze %get3A_878 : memref<1x64x128xi32, #tpu.memory_space<vmem>> -> memref<64x128xi32, #tpu.memory_space<vmem>>
      %get3A_880 = arith.index_cast %add3A_876 : i32 to index
      %get3A_881 = arith.constant 0 : index
      %get3A_882 = tpu.vector_load %get3A_879[%get3A_880, %get3A_881] {strides = array<i32>} : memref<64x128xi32, #tpu.memory_space<vmem>>, vector<1x16xi32>,
      %get3A_883 = vector.shape_cast %get3A_882 : vector<1x16xi32> to vector<16xi32>
      %get3A_884 = arith.constant 0 : i32
      %get3A_885 = arith.constant 0 : i32
      %get3A_886 = tpu.memref_slice %arg7[%scan3A_477, %get3A_884, %get3A_885] : memref<6x64x128xi32, #tpu.memory_space<vmem>> -> memref<1x64x128xi32, #tpu.memory_space<vmem>>
      %get3A_887 = tpu.memref_squeeze %get3A_886 : memref<1x64x128xi32, #tpu.memory_space<vmem>> -> memref<64x128xi32, #tpu.memory_space<vmem>>
      %get3A_888 = arith.index_cast %add3A_876 : i32 to index
      %get3A_889 = arith.constant 16 : index
      %get3A_890 = tpu.vector_load %get3A_887[%get3A_888, %get3A_889] {strides = array<i32>} : memref<64x128xi32, #tpu.memory_space<vmem>>, vector<1x16xi32>,
      %get3A_891 = vector.shape_cast %get3A_890 : vector<1x16xi32> to vector<16xi32>
      %broadcast_in_dim3A = arith.constant 16 : i32
      %broadcast_in_dim3A_892 = vector.broadcast %broadcast_in_dim3A : i32 to vector<16xi32>
      %broadcast_in_dim3A_893 = vector.broadcast %scan3A_478 : i32 to vector<16xi32>
      %shift_left3A = arith.shli %get3A_883, %broadcast_in_dim3A_892 : vector<16xi32>
      %bitcast_convert_type3A = tpu.bitcast %shift_left3A : vector<16xi32> -> vector<16xf32>
      %and3A = arith.andi %get3A_883, %broadcast_in_dim3A_893 : vector<16xi32>
      %bitcast_convert_type3A_894 = tpu.bitcast %and3A : vector<16xi32> -> vector<16xf32>
      %shift_left3A_895 = arith.shli %get3A_891, %broadcast_in_dim3A_892 : vector<16xi32>
      %bitcast_convert_type3A_896 = tpu.bitcast %shift_left3A_895 : vector<16xi32> -> vector<16xf32>
      %and3A_897 = arith.andi %get3A_891, %broadcast_in_dim3A_893 : vector<16xi32>
      %bitcast_convert_type3A_898 = tpu.bitcast %and3A_897 : vector<16xi32> -> vector<16xf32>
      %get3A_899 = arith.constant 0 : i32
      %get3A_900 = arith.constant 0 : i32
      %get3A_901 = tpu.memref_slice %arg8[%scan3A_479, %get3A_899, %get3A_900] : memref<6x64x128xf32, #tpu.memory_space<vmem>> -> memref<1x64x128xf32, #tpu.memory_space<vmem>>
      %get3A_902 = tpu.memref_squeeze %get3A_901 : memref<1x64x128xf32, #tpu.memory_space<vmem>> -> memref<64x128xf32, #tpu.memory_space<vmem>>
      %get3A_903 = arith.index_cast %add3A_876 : i32 to index
      %get3A_904 = arith.constant 0 : index
      %get3A_905 = tpu.vector_load %get3A_902[%get3A_903, %get3A_904] {strides = array<i32>} : memref<64x128xf32, #tpu.memory_space<vmem>>, vector<1x16xf32>,
      %get3A_906 = vector.shape_cast %get3A_905 : vector<1x16xf32> to vector<16xf32>
      %get3A_907 = arith.constant 0 : i32
      %get3A_908 = arith.constant 0 : i32
      %get3A_909 = tpu.memref_slice %arg8[%scan3A_479, %get3A_907, %get3A_908] : memref<6x64x128xf32, #tpu.memory_space<vmem>> -> memref<1x64x128xf32, #tpu.memory_space<vmem>>
      %get3A_910 = tpu.memref_squeeze %get3A_909 : memref<1x64x128xf32, #tpu.memory_space<vmem>> -> memref<64x128xf32, #tpu.memory_space<vmem>>
      %get3A_911 = arith.index_cast %add3A_876 : i32 to index
      %get3A_912 = arith.constant 16 : index
      %get3A_913 = tpu.vector_load %get3A_910[%get3A_911, %get3A_912] {strides = array<i32>} : memref<64x128xf32, #tpu.memory_space<vmem>>, vector<1x16xf32>,
      %get3A_914 = vector.shape_cast %get3A_913 : vector<1x16xf32> to vector<16xf32>
      %mul3A_915 = arith.mulf %get3A_906, %bitcast_convert_type3A : vector<16xf32>
      %add3A_916 = arith.addf %get3A_906, %mul3A_915 : vector<16xf32>
      %add3A_917 = arith.addf %add3A_916, %bitcast_convert_type3A_896 : vector<16xf32>
      %swap3A = arith.constant 0 : i32
      %swap3A_918 = arith.constant 0 : i32
      %swap3A_919 = tpu.memref_slice %arg8[%scan3A_479, %swap3A, %swap3A_918] : memref<6x64x128xf32, #tpu.memory_space<vmem>> -> memref<1x64x128xf32, #tpu.memory_space<vmem>>
      %swap3A_920 = tpu.memref_squeeze %swap3A_919 : memref<1x64x128xf32, #tpu.memory_space<vmem>> -> memref<64x128xf32, #tpu.memory_space<vmem>>
      %swap3A_921 = arith.index_cast %add3A_876 : i32 to index
      %swap3A_922 = arith.constant 0 : index
      %swap3A_923 = tpu.vector_load %swap3A_920[%swap3A_921, %swap3A_922] {strides = array<i32>} : memref<64x128xf32, #tpu.memory_space<vmem>>, vector<1x16xf32>,
      %swap3A_924 = vector.shape_cast %swap3A_923 : vector<1x16xf32> to vector<16xf32>
      %swap3A_925 = vector.shape_cast %add3A_917 : vector<16xf32> to vector<1x16xf32>
      tpu.vector_store %swap3A_920[%swap3A_921, %swap3A_922], %swap3A_925 {strides = array<i32>} : memref<64x128xf32, #tpu.memory_space<vmem>>, vector<1x16xf32>,
      %mul3A_926 = arith.mulf %get3A_914, %bitcast_convert_type3A_894 : vector<16xf32>
      %add3A_927 = arith.addf %get3A_914, %mul3A_926 : vector<16xf32>
      %add3A_928 = arith.addf %add3A_927, %bitcast_convert_type3A_898 : vector<16xf32>
      %swap3A_929 = arith.constant 0 : i32
      %swap3A_930 = arith.constant 0 : i32
      %swap3A_931 = tpu.memref_slice %arg8[%scan3A_479, %swap3A_929, %swap3A_930] : memref<6x64x128xf32, #tpu.memory_space<vmem>> -> memref<1x64x128xf32, #tpu.memory_space<vmem>>
      %swap3A_932 = tpu.memref_squeeze %swap3A_931 : memref<1x64x128xf32, #tpu.memory_space<vmem>> -> memref<64x128xf32, #tpu.memory_space<vmem>>
      %swap3A_933 = arith.index_cast %add3A_876 : i32 to index
      %swap3A_934 = arith.constant 16 : index
      %swap3A_935 = tpu.vector_load %swap3A_932[%swap3A_933, %swap3A_934] {strides = array<i32>} : memref<64x128xf32, #tpu.memory_space<vmem>>, vector<1x16xf32>,
      %swap3A_936 = vector.shape_cast %swap3A_935 : vector<1x16xf32> to vector<16xf32>
      %swap3A_937 = vector.shape_cast %add3A_928 : vector<16xf32> to vector<1x16xf32>
      tpu.vector_store %swap3A_932[%swap3A_933, %swap3A_934], %swap3A_937 {strides = array<i32>} : memref<64x128xf32, #tpu.memory_space<vmem>>, vector<1x16xf32>,
      %get3A_938 = arith.constant 0 : i32
      %get3A_939 = arith.constant 0 : i32
      %get3A_940 = tpu.memref_slice %arg7[%scan3A_477, %get3A_938, %get3A_939] : memref<6x64x128xi32, #tpu.memory_space<vmem>> -> memref<1x64x128xi32, #tpu.memory_space<vmem>>
      %get3A_941 = tpu.memref_squeeze %get3A_940 : memref<1x64x128xi32, #tpu.memory_space<vmem>> -> memref<64x128xi32, #tpu.memory_space<vmem>>
      %get3A_942 = arith.index_cast %add3A_876 : i32 to index
      %get3A_943 = arith.constant 32 : index
      %get3A_944 = tpu.vector_load %get3A_941[%get3A_942, %get3A_943] {strides = array<i32>} : memref<64x128xi32, #tpu.memory_space<vmem>>, vector<1x16xi32>,
      %get3A_945 = vector.shape_cast %get3A_944 : vector<1x16xi32> to vector<16xi32>
      %get3A_946 = arith.constant 0 : i32
      %get3A_947 = arith.constant 0 : i32
      %get3A_948 = tpu.memref_slice %arg7[%scan3A_477, %get3A_946, %get3A_947] : memref<6x64x128xi32, #tpu.memory_space<vmem>> -> memref<1x64x128xi32, #tpu.memory_space<vmem>>
      %get3A_949 = tpu.memref_squeeze %get3A_948 : memref<1x64x128xi32, #tpu.memory_space<vmem>> -> memref<64x128xi32, #tpu.memory_space<vmem>>
      %get3A_950 = arith.index_cast %add3A_876 : i32 to index
      %get3A_951 = arith.constant 48 : index
      %get3A_952 = tpu.vector_load %get3A_949[%get3A_950, %get3A_951] {strides = array<i32>} : memref<64x128xi32, #tpu.memory_space<vmem>>, vector<1x16xi32>,
      %get3A_953 = vector.shape_cast %get3A_952 : vector<1x16xi32> to vector<16xi32>
      %broadcast_in_dim3A_954 = arith.constant 16 : i32
      %broadcast_in_dim3A_955 = vector.broadcast %broadcast_in_dim3A_954 : i32 to vector<16xi32>
      %broadcast_in_dim3A_956 = vector.broadcast %scan3A_478 : i32 to vector<16xi32>
      %shift_left3A_957 = arith.shli %get3A_945, %broadcast_in_dim3A_955 : vector<16xi32>
      %bitcast_convert_type3A_958 = tpu.bitcast %shift_left3A_957 : vector<16xi32> -> vector<16xf32>
      %and3A_959 = arith.andi %get3A_945, %broadcast_in_dim3A_956 : vector<16xi32>
      %bitcast_convert_type3A_960 = tpu.bitcast %and3A_959 : vector<16xi32> -> vector<16xf32>
      %shift_left3A_961 = arith.shli %get3A_953, %broadcast_in_dim3A_955 : vector<16xi32>
      %bitcast_convert_type3A_962 = tpu.bitcast %shift_left3A_961 : vector<16xi32> -> vector<16xf32>
      %and3A_963 = arith.andi %get3A_953, %broadcast_in_dim3A_956 : vector<16xi32>
      %bitcast_convert_type3A_964 = tpu.bitcast %and3A_963 : vector<16xi32> -> vector<16xf32>
      %get3A_965 = arith.constant 0 : i32
      %get3A_966 = arith.constant 0 : i32
      %get3A_967 = tpu.memref_slice %arg8[%scan3A_479, %get3A_965, %get3A_966] : memref<6x64x128xf32, #tpu.memory_space<vmem>> -> memref<1x64x128xf32, #tpu.memory_space<vmem>>
      %get3A_968 = tpu.memref_squeeze %get3A_967 : memref<1x64x128xf32, #tpu.memory_space<vmem>> -> memref<64x128xf32, #tpu.memory_space<vmem>>
      %get3A_969 = arith.index_cast %add3A_876 : i32 to index
      %get3A_970 = arith.constant 32 : index
      %get3A_971 = tpu.vector_load %get3A_968[%get3A_969, %get3A_970] {strides = array<i32>} : memref<64x128xf32, #tpu.memory_space<vmem>>, vector<1x16xf32>,
      %get3A_972 = vector.shape_cast %get3A_971 : vector<1x16xf32> to vector<16xf32>
      %get3A_973 = arith.constant 0 : i32
      %get3A_974 = arith.constant 0 : i32
      %get3A_975 = tpu.memref_slice %arg8[%scan3A_479, %get3A_973, %get3A_974] : memref<6x64x128xf32, #tpu.memory_space<vmem>> -> memref<1x64x128xf32, #tpu.memory_space<vmem>>
      %get3A_976 = tpu.memref_squeeze %get3A_975 : memref<1x64x128xf32, #tpu.memory_space<vmem>> -> memref<64x128xf32, #tpu.memory_space<vmem>>
      %get3A_977 = arith.index_cast %add3A_876 : i32 to index
      %get3A_978 = arith.constant 48 : index
      %get3A_979 = tpu.vector_load %get3A_976[%get3A_977, %get3A_978] {strides = array<i32>} : memref<64x128xf32, #tpu.memory_space<vmem>>, vector<1x16xf32>,
      %get3A_980 = vector.shape_cast %get3A_979 : vector<1x16xf32> to vector<16xf32>
      %mul3A_981 = arith.mulf %get3A_972, %bitcast_convert_type3A_958 : vector<16xf32>
      %add3A_982 = arith.addf %get3A_972, %mul3A_981 : vector<16xf32>
      %add3A_983 = arith.addf %add3A_982, %bitcast_convert_type3A_962 : vector<16xf32>
      %swap3A_984 = arith.constant 0 : i32
      %swap3A_985 = arith.constant 0 : i32
      %swap3A_986 = tpu.memref_slice %arg8[%scan3A_479, %swap3A_984, %swap3A_985] : memref<6x64x128xf32, #tpu.memory_space<vmem>> -> memref<1x64x128xf32, #tpu.memory_space<vmem>>
      %swap3A_987 = tpu.memref_squeeze %swap3A_986 : memref<1x64x128xf32, #tpu.memory_space<vmem>> -> memref<64x128xf32, #tpu.memory_space<vmem>>
      %swap3A_988 = arith.index_cast %add3A_876 : i32 to index
      %swap3A_989 = arith.constant 32 : index
      %swap3A_990 = tpu.vector_load %swap3A_987[%swap3A_988, %swap3A_989] {strides = array<i32>} : memref<64x128xf32, #tpu.memory_space<vmem>>, vector<1x16xf32>,
      %swap3A_991 = vector.shape_cast %swap3A_990 : vector<1x16xf32> to vector<16xf32>
      %swap3A_992 = vector.shape_cast %add3A_983 : vector<16xf32> to vector<1x16xf32>
      tpu.vector_store %swap3A_987[%swap3A_988, %swap3A_989], %swap3A_992 {strides = array<i32>} : memref<64x128xf32, #tpu.memory_space<vmem>>, vector<1x16xf32>,
      %mul3A_993 = arith.mulf %get3A_980, %bitcast_convert_type3A_960 : vector<16xf32>
      %add3A_994 = arith.addf %get3A_980, %mul3A_993 : vector<16xf32>
      %add3A_995 = arith.addf %add3A_994, %bitcast_convert_type3A_964 : vector<16xf32>
      %swap3A_996 = arith.constant 0 : i32
      %swap3A_997 = arith.constant 0 : i32
      %swap3A_998 = tpu.memref_slice %arg8[%scan3A_479, %swap3A_996, %swap3A_997] : memref<6x64x128xf32, #tpu.memory_space<vmem>> -> memref<1x64x128xf32, #tpu.memory_space<vmem>>
      %swap3A_999 = tpu.memref_squeeze %swap3A_998 : memref<1x64x128xf32, #tpu.memory_space<vmem>> -> memref<64x128xf32, #tpu.memory_space<vmem>>
      %swap3A_1000 = arith.index_cast %add3A_876 : i32 to index
      %swap3A_1001 = arith.constant 48 : index
      %swap3A_1002 = tpu.vector_load %swap3A_999[%swap3A_1000, %swap3A_1001] {strides = array<i32>} : memref<64x128xf32, #tpu.memory_space<vmem>>, vector<1x16xf32>,
      %swap3A_1003 = vector.shape_cast %swap3A_1002 : vector<1x16xf32> to vector<16xf32>
      %swap3A_1004 = vector.shape_cast %add3A_995 : vector<16xf32> to vector<1x16xf32>
      tpu.vector_store %swap3A_999[%swap3A_1000, %swap3A_1001], %swap3A_1004 {strides = array<i32>} : memref<64x128xf32, #tpu.memory_space<vmem>>, vector<1x16xf32>,
      %get3A_1005 = arith.constant 0 : i32
      %get3A_1006 = arith.constant 0 : i32
      %get3A_1007 = tpu.memref_slice %arg7[%scan3A_477, %get3A_1005, %get3A_1006] : memref<6x64x128xi32, #tpu.memory_space<vmem>> -> memref<1x64x128xi32, #tpu.memory_space<vmem>>
      %get3A_1008 = tpu.memref_squeeze %get3A_1007 : memref<1x64x128xi32, #tpu.memory_space<vmem>> -> memref<64x128xi32, #tpu.memory_space<vmem>>
      %get3A_1009 = arith.index_cast %add3A_876 : i32 to index
      %get3A_1010 = arith.constant 64 : index
      %get3A_1011 = tpu.vector_load %get3A_1008[%get3A_1009, %get3A_1010] {strides = array<i32>} : memref<64x128xi32, #tpu.memory_space<vmem>>, vector<1x16xi32>,
      %get3A_1012 = vector.shape_cast %get3A_1011 : vector<1x16xi32> to vector<16xi32>
      %get3A_1013 = arith.constant 0 : i32
      %get3A_1014 = arith.constant 0 : i32
      %get3A_1015 = tpu.memref_slice %arg7[%scan3A_477, %get3A_1013, %get3A_1014] : memref<6x64x128xi32, #tpu.memory_space<vmem>> -> memref<1x64x128xi32, #tpu.memory_space<vmem>>
      %get3A_1016 = tpu.memref_squeeze %get3A_1015 : memref<1x64x128xi32, #tpu.memory_space<vmem>> -> memref<64x128xi32, #tpu.memory_space<vmem>>
      %get3A_1017 = arith.index_cast %add3A_876 : i32 to index
      %get3A_1018 = arith.constant 80 : index
      %get3A_1019 = tpu.vector_load %get3A_1016[%get3A_1017, %get3A_1018] {strides = array<i32>} : memref<64x128xi32, #tpu.memory_space<vmem>>, vector<1x16xi32>,
      %get3A_1020 = vector.shape_cast %get3A_1019 : vector<1x16xi32> to vector<16xi32>
      %broadcast_in_dim3A_1021 = arith.constant 16 : i32
      %broadcast_in_dim3A_1022 = vector.broadcast %broadcast_in_dim3A_1021 : i32 to vector<16xi32>
      %broadcast_in_dim3A_1023 = vector.broadcast %scan3A_478 : i32 to vector<16xi32>
      %shift_left3A_1024 = arith.shli %get3A_1012, %broadcast_in_dim3A_1022 : vector<16xi32>
      %bitcast_convert_type3A_1025 = tpu.bitcast %shift_left3A_1024 : vector<16xi32> -> vector<16xf32>
      %and3A_1026 = arith.andi %get3A_1012, %broadcast_in_dim3A_1023 : vector<16xi32>
      %bitcast_convert_type3A_1027 = tpu.bitcast %and3A_1026 : vector<16xi32> -> vector<16xf32>
      %shift_left3A_1028 = arith.shli %get3A_1020, %broadcast_in_dim3A_1022 : vector<16xi32>
      %bitcast_convert_type3A_1029 = tpu.bitcast %shift_left3A_1028 : vector<16xi32> -> vector<16xf32>
      %and3A_1030 = arith.andi %get3A_1020, %broadcast_in_dim3A_1023 : vector<16xi32>
      %bitcast_convert_type3A_1031 = tpu.bitcast %and3A_1030 : vector<16xi32> -> vector<16xf32>
      %get3A_1032 = arith.constant 0 : i32
      %get3A_1033 = arith.constant 0 : i32
      %get3A_1034 = tpu.memref_slice %arg8[%scan3A_479, %get3A_1032, %get3A_1033] : memref<6x64x128xf32, #tpu.memory_space<vmem>> -> memref<1x64x128xf32, #tpu.memory_space<vmem>>
      %get3A_1035 = tpu.memref_squeeze %get3A_1034 : memref<1x64x128xf32, #tpu.memory_space<vmem>> -> memref<64x128xf32, #tpu.memory_space<vmem>>
      %get3A_1036 = arith.index_cast %add3A_876 : i32 to index
      %get3A_1037 = arith.constant 64 : index
      %get3A_1038 = tpu.vector_load %get3A_1035[%get3A_1036, %get3A_1037] {strides = array<i32>} : memref<64x128xf32, #tpu.memory_space<vmem>>, vector<1x16xf32>,
      %get3A_1039 = vector.shape_cast %get3A_1038 : vector<1x16xf32> to vector<16xf32>
      %get3A_1040 = arith.constant 0 : i32
      %get3A_1041 = arith.constant 0 : i32
      %get3A_1042 = tpu.memref_slice %arg8[%scan3A_479, %get3A_1040, %get3A_1041] : memref<6x64x128xf32, #tpu.memory_space<vmem>> -> memref<1x64x128xf32, #tpu.memory_space<vmem>>
      %get3A_1043 = tpu.memref_squeeze %get3A_1042 : memref<1x64x128xf32, #tpu.memory_space<vmem>> -> memref<64x128xf32, #tpu.memory_space<vmem>>
      %get3A_1044 = arith.index_cast %add3A_876 : i32 to index
      %get3A_1045 = arith.constant 80 : index
      %get3A_1046 = tpu.vector_load %get3A_1043[%get3A_1044, %get3A_1045] {strides = array<i32>} : memref<64x128xf32, #tpu.memory_space<vmem>>, vector<1x16xf32>,
      %get3A_1047 = vector.shape_cast %get3A_1046 : vector<1x16xf32> to vector<16xf32>
      %mul3A_1048 = arith.mulf %get3A_1039, %bitcast_convert_type3A_1025 : vector<16xf32>
      %add3A_1049 = arith.addf %get3A_1039, %mul3A_1048 : vector<16xf32>
      %add3A_1050 = arith.addf %add3A_1049, %bitcast_convert_type3A_1029 : vector<16xf32>
      %swap3A_1051 = arith.constant 0 : i32
      %swap3A_1052 = arith.constant 0 : i32
      %swap3A_1053 = tpu.memref_slice %arg8[%scan3A_479, %swap3A_1051, %swap3A_1052] : memref<6x64x128xf32, #tpu.memory_space<vmem>> -> memref<1x64x128xf32, #tpu.memory_space<vmem>>
      %swap3A_1054 = tpu.memref_squeeze %swap3A_1053 : memref<1x64x128xf32, #tpu.memory_space<vmem>> -> memref<64x128xf32, #tpu.memory_space<vmem>>
      %swap3A_1055 = arith.index_cast %add3A_876 : i32 to index
      %swap3A_1056 = arith.constant 64 : index
      %swap3A_1057 = tpu.vector_load %swap3A_1054[%swap3A_1055, %swap3A_1056] {strides = array<i32>} : memref<64x128xf32, #tpu.memory_space<vmem>>, vector<1x16xf32>,
      %swap3A_1058 = vector.shape_cast %swap3A_1057 : vector<1x16xf32> to vector<16xf32>
      %swap3A_1059 = vector.shape_cast %add3A_1050 : vector<16xf32> to vector<1x16xf32>
      tpu.vector_store %swap3A_1054[%swap3A_1055, %swap3A_1056], %swap3A_1059 {strides = array<i32>} : memref<64x128xf32, #tpu.memory_space<vmem>>, vector<1x16xf32>,
      %mul3A_1060 = arith.mulf %get3A_1047, %bitcast_convert_type3A_1027 : vector<16xf32>
      %add3A_1061 = arith.addf %get3A_1047, %mul3A_1060 : vector<16xf32>
      %add3A_1062 = arith.addf %add3A_1061, %bitcast_convert_type3A_1031 : vector<16xf32>
      %swap3A_1063 = arith.constant 0 : i32
      %swap3A_1064 = arith.constant 0 : i32
      %swap3A_1065 = tpu.memref_slice %arg8[%scan3A_479, %swap3A_1063, %swap3A_1064] : memref<6x64x128xf32, #tpu.memory_space<vmem>> -> memref<1x64x128xf32, #tpu.memory_space<vmem>>
      %swap3A_1066 = tpu.memref_squeeze %swap3A_1065 : memref<1x64x128xf32, #tpu.memory_space<vmem>> -> memref<64x128xf32, #tpu.memory_space<vmem>>
      %swap3A_1067 = arith.index_cast %add3A_876 : i32 to index
      %swap3A_1068 = arith.constant 80 : index
      %swap3A_1069 = tpu.vector_load %swap3A_1066[%swap3A_1067, %swap3A_1068] {strides = array<i32>} : memref<64x128xf32, #tpu.memory_space<vmem>>, vector<1x16xf32>,
      %swap3A_1070 = vector.shape_cast %swap3A_1069 : vector<1x16xf32> to vector<16xf32>
      %swap3A_1071 = vector.shape_cast %add3A_1062 : vector<16xf32> to vector<1x16xf32>
      tpu.vector_store %swap3A_1066[%swap3A_1067, %swap3A_1068], %swap3A_1071 {strides = array<i32>} : memref<64x128xf32, #tpu.memory_space<vmem>>, vector<1x16xf32>,
      %get3A_1072 = arith.constant 0 : i32
      %get3A_1073 = arith.constant 0 : i32
      %get3A_1074 = tpu.memref_slice %arg7[%scan3A_477, %get3A_1072, %get3A_1073] : memref<6x64x128xi32, #tpu.memory_space<vmem>> -> memref<1x64x128xi32, #tpu.memory_space<vmem>>
      %get3A_1075 = tpu.memref_squeeze %get3A_1074 : memref<1x64x128xi32, #tpu.memory_space<vmem>> -> memref<64x128xi32, #tpu.memory_space<vmem>>
      %get3A_1076 = arith.index_cast %add3A_876 : i32 to index
      %get3A_1077 = arith.constant 96 : index
      %get3A_1078 = tpu.vector_load %get3A_1075[%get3A_1076, %get3A_1077] {strides = array<i32>} : memref<64x128xi32, #tpu.memory_space<vmem>>, vector<1x16xi32>,
      %get3A_1079 = vector.shape_cast %get3A_1078 : vector<1x16xi32> to vector<16xi32>
      %get3A_1080 = arith.constant 0 : i32
      %get3A_1081 = arith.constant 0 : i32
      %get3A_1082 = tpu.memref_slice %arg7[%scan3A_477, %get3A_1080, %get3A_1081] : memref<6x64x128xi32, #tpu.memory_space<vmem>> -> memref<1x64x128xi32, #tpu.memory_space<vmem>>
      %get3A_1083 = tpu.memref_squeeze %get3A_1082 : memref<1x64x128xi32, #tpu.memory_space<vmem>> -> memref<64x128xi32, #tpu.memory_space<vmem>>
      %get3A_1084 = arith.index_cast %add3A_876 : i32 to index
      %get3A_1085 = arith.constant 112 : index
      %get3A_1086 = tpu.vector_load %get3A_1083[%get3A_1084, %get3A_1085] {strides = array<i32>} : memref<64x128xi32, #tpu.memory_space<vmem>>, vector<1x16xi32>,
      %get3A_1087 = vector.shape_cast %get3A_1086 : vector<1x16xi32> to vector<16xi32>
      %broadcast_in_dim3A_1088 = arith.constant 16 : i32
      %broadcast_in_dim3A_1089 = vector.broadcast %broadcast_in_dim3A_1088 : i32 to vector<16xi32>
      %broadcast_in_dim3A_1090 = vector.broadcast %scan3A_478 : i32 to vector<16xi32>
      %shift_left3A_1091 = arith.shli %get3A_1079, %broadcast_in_dim3A_1089 : vector<16xi32>
      %bitcast_convert_type3A_1092 = tpu.bitcast %shift_left3A_1091 : vector<16xi32> -> vector<16xf32>
      %and3A_1093 = arith.andi %get3A_1079, %broadcast_in_dim3A_1090 : vector<16xi32>
      %bitcast_convert_type3A_1094 = tpu.bitcast %and3A_1093 : vector<16xi32> -> vector<16xf32>
      %shift_left3A_1095 = arith.shli %get3A_1087, %broadcast_in_dim3A_1089 : vector<16xi32>
      %bitcast_convert_type3A_1096 = tpu.bitcast %shift_left3A_1095 : vector<16xi32> -> vector<16xf32>
      %and3A_1097 = arith.andi %get3A_1087, %broadcast_in_dim3A_1090 : vector<16xi32>
      %bitcast_convert_type3A_1098 = tpu.bitcast %and3A_1097 : vector<16xi32> -> vector<16xf32>
      %get3A_1099 = arith.constant 0 : i32
      %get3A_1100 = arith.constant 0 : i32
      %get3A_1101 = tpu.memref_slice %arg8[%scan3A_479, %get3A_1099, %get3A_1100] : memref<6x64x128xf32, #tpu.memory_space<vmem>> -> memref<1x64x128xf32, #tpu.memory_space<vmem>>
      %get3A_1102 = tpu.memref_squeeze %get3A_1101 : memref<1x64x128xf32, #tpu.memory_space<vmem>> -> memref<64x128xf32, #tpu.memory_space<vmem>>
      %get3A_1103 = arith.index_cast %add3A_876 : i32 to index
      %get3A_1104 = arith.constant 96 : index
      %get3A_1105 = tpu.vector_load %get3A_1102[%get3A_1103, %get3A_1104] {strides = array<i32>} : memref<64x128xf32, #tpu.memory_space<vmem>>, vector<1x16xf32>,
      %get3A_1106 = vector.shape_cast %get3A_1105 : vector<1x16xf32> to vector<16xf32>
      %get3A_1107 = arith.constant 0 : i32
      %get3A_1108 = arith.constant 0 : i32
      %get3A_1109 = tpu.memref_slice %arg8[%scan3A_479, %get3A_1107, %get3A_1108] : memref<6x64x128xf32, #tpu.memory_space<vmem>> -> memref<1x64x128xf32, #tpu.memory_space<vmem>>
      %get3A_1110 = tpu.memref_squeeze %get3A_1109 : memref<1x64x128xf32, #tpu.memory_space<vmem>> -> memref<64x128xf32, #tpu.memory_space<vmem>>
      %get3A_1111 = arith.index_cast %add3A_876 : i32 to index
      %get3A_1112 = arith.constant 112 : index
      %get3A_1113 = tpu.vector_load %get3A_1110[%get3A_1111, %get3A_1112] {strides = array<i32>} : memref<64x128xf32, #tpu.memory_space<vmem>>, vector<1x16xf32>,
      %get3A_1114 = vector.shape_cast %get3A_1113 : vector<1x16xf32> to vector<16xf32>
      %mul3A_1115 = arith.mulf %get3A_1106, %bitcast_convert_type3A_1092 : vector<16xf32>
      %add3A_1116 = arith.addf %get3A_1106, %mul3A_1115 : vector<16xf32>
      %add3A_1117 = arith.addf %add3A_1116, %bitcast_convert_type3A_1096 : vector<16xf32>
      %swap3A_1118 = arith.constant 0 : i32
      %swap3A_1119 = arith.constant 0 : i32
      %swap3A_1120 = tpu.memref_slice %arg8[%scan3A_479, %swap3A_1118, %swap3A_1119] : memref<6x64x128xf32, #tpu.memory_space<vmem>> -> memref<1x64x128xf32, #tpu.memory_space<vmem>>
      %swap3A_1121 = tpu.memref_squeeze %swap3A_1120 : memref<1x64x128xf32, #tpu.memory_space<vmem>> -> memref<64x128xf32, #tpu.memory_space<vmem>>
      %swap3A_1122 = arith.index_cast %add3A_876 : i32 to index
      %swap3A_1123 = arith.constant 96 : index
      %swap3A_1124 = tpu.vector_load %swap3A_1121[%swap3A_1122, %swap3A_1123] {strides = array<i32>} : memref<64x128xf32, #tpu.memory_space<vmem>>, vector<1x16xf32>,
      %swap3A_1125 = vector.shape_cast %swap3A_1124 : vector<1x16xf32> to vector<16xf32>
      %swap3A_1126 = vector.shape_cast %add3A_1117 : vector<16xf32> to vector<1x16xf32>
      tpu.vector_store %swap3A_1121[%swap3A_1122, %swap3A_1123], %swap3A_1126 {strides = array<i32>} : memref<64x128xf32, #tpu.memory_space<vmem>>, vector<1x16xf32>,
      %mul3A_1127 = arith.mulf %get3A_1114, %bitcast_convert_type3A_1094 : vector<16xf32>
      %add3A_1128 = arith.addf %get3A_1114, %mul3A_1127 : vector<16xf32>
      %add3A_1129 = arith.addf %add3A_1128, %bitcast_convert_type3A_1098 : vector<16xf32>
      %swap3A_1130 = arith.constant 0 : i32
      %swap3A_1131 = arith.constant 0 : i32
      %swap3A_1132 = tpu.memref_slice %arg8[%scan3A_479, %swap3A_1130, %swap3A_1131] : memref<6x64x128xf32, #tpu.memory_space<vmem>> -> memref<1x64x128xf32, #tpu.memory_space<vmem>>
      %swap3A_1133 = tpu.memref_squeeze %swap3A_1132 : memref<1x64x128xf32, #tpu.memory_space<vmem>> -> memref<64x128xf32, #tpu.memory_space<vmem>>
      %swap3A_1134 = arith.index_cast %add3A_876 : i32 to index
      %swap3A_1135 = arith.constant 112 : index
      %swap3A_1136 = tpu.vector_load %swap3A_1133[%swap3A_1134, %swap3A_1135] {strides = array<i32>} : memref<64x128xf32, #tpu.memory_space<vmem>>, vector<1x16xf32>,
      %swap3A_1137 = vector.shape_cast %swap3A_1136 : vector<1x16xf32> to vector<16xf32>
      %swap3A_1138 = vector.shape_cast %add3A_1129 : vector<16xf32> to vector<1x16xf32>
      tpu.vector_store %swap3A_1133[%swap3A_1134, %swap3A_1135], %swap3A_1138 {strides = array<i32>} : memref<64x128xf32, #tpu.memory_space<vmem>>, vector<1x16xf32>,
    }
    %scan3A_484 = arith.constant 64 : i32
    %add3A_485 = arith.constant 192 : i32
    %add3A_486 = arith.addi %mul3A_2, %add3A_485 : i32
    %dma_start3A_487 = arith.constant 3 : i32
    %dma_start3A_488 = arith.constant 0 : i32
    %dma_start3A_489 = arith.constant 0 : i32
    %dma_start3A_490 = tpu.memref_slice %arg8[%dma_start3A_487, %dma_start3A_488, %dma_start3A_489] : memref<6x64x128xf32, #tpu.memory_space<vmem>> -> memref<1x64x128xf32, #tpu.memory_space<vmem>>
    %dma_start3A_491 = tpu.memref_squeeze %dma_start3A_490 : memref<1x64x128xf32, #tpu.memory_space<vmem>> -> memref<64x128xf32, #tpu.memory_space<vmem>>
    %dma_start3A_492 = arith.constant 0 : i32
    %dma_start3A_493 = tpu.memref_slice %arg5[%add3A_486, %dma_start3A_492] : memref<16384x128xf32, #tpu.memory_space<hbm>> -> memref<64x128xf32, #tpu.memory_space<hbm>>
    %dma_start3A_494 = arith.constant 0 : i32
    %dma_start3A_495 = tpu.memref_slice %arg5[%add3A_486, %dma_start3A_494] : memref<16384x128xf32, #tpu.memory_space<hbm>> -> memref<64x128xf32, #tpu.memory_space<hbm>>
    %dma_start3A_496 = arith.constant 0 : i32
    %dma_start3A_497 = arith.constant 0 : i32
    %dma_start3A_498 = tpu.memref_slice %arg8[%dma_start3A_487, %dma_start3A_496, %dma_start3A_497] : memref<6x64x128xf32, #tpu.memory_space<vmem>> -> memref<1x64x128xf32, #tpu.memory_space<vmem>>
    %dma_start3A_499 = tpu.memref_squeeze %dma_start3A_498 : memref<1x64x128xf32, #tpu.memory_space<vmem>> -> memref<64x128xf32, #tpu.memory_space<vmem>>
    tpu.enqueue_dma source(%dma_start3A_499 : memref<64x128xf32, #tpu.memory_space<vmem>>) target(%dma_start3A_495 : memref<64x128xf32, #tpu.memory_space<hbm>>) target_semaphore(%arg19 : memref<!tpu.dma_semaphore, #tpu.memory_space<semaphore_mem>>)
    %dma_wait3A_500 = arith.constant 0 : i32
    %dma_wait3A_501 = arith.constant 0 : i32
    %dma_wait3A_502 = arith.constant 0 : i32
    %dma_wait3A_503 = tpu.memref_slice %arg8[%dma_wait3A_500, %dma_wait3A_501, %dma_wait3A_502] : memref<6x64x128xf32, #tpu.memory_space<vmem>> -> memref<1x64x128xf32, #tpu.memory_space<vmem>>
    %dma_wait3A_504 = tpu.memref_squeeze %dma_wait3A_503 : memref<1x64x128xf32, #tpu.memory_space<vmem>> -> memref<64x128xf32, #tpu.memory_space<vmem>>
    %dma_wait3A_505 = arith.constant 0 : i32
    %dma_wait3A_506 = tpu.memref_slice %arg5[%add3A_231, %dma_wait3A_505] : memref<16384x128xf32, #tpu.memory_space<hbm>> -> memref<64x128xf32, #tpu.memory_space<hbm>>
    %dma_wait3A_507 = arith.constant 0 : i32
    %dma_wait3A_508 = tpu.memref_slice %arg5[%add3A_231, %dma_wait3A_507] : memref<16384x128xf32, #tpu.memory_space<hbm>> -> memref<64x128xf32, #tpu.memory_space<hbm>>
    %dma_wait3A_509 = arith.constant 0 : i32
    %dma_wait3A_510 = arith.constant 0 : i32
    %dma_wait3A_511 = tpu.memref_slice %arg8[%dma_wait3A_500, %dma_wait3A_509, %dma_wait3A_510] : memref<6x64x128xf32, #tpu.memory_space<vmem>> -> memref<1x64x128xf32, #tpu.memory_space<vmem>>
    %dma_wait3A_512 = tpu.memref_squeeze %dma_wait3A_511 : memref<1x64x128xf32, #tpu.memory_space<vmem>> -> memref<64x128xf32, #tpu.memory_space<vmem>>
    tpu.wait_dma2 semaphore(%arg16 : memref<!tpu.dma_semaphore, #tpu.memory_space<semaphore_mem>>) src(%dma_wait3A_512 : memref<64x128xf32, #tpu.memory_space<vmem>>) dst(%dma_wait3A_508 : memref<64x128xf32, #tpu.memory_space<hbm>>)
    %add3A_513 = arith.constant 384 : i32
    %add3A_514 = arith.addi %mul3A_2, %add3A_513 : i32
    %dma_start3A_515 = arith.constant 0 : i32
    %dma_start3A_516 = arith.constant 0 : i32
    %dma_start3A_517 = arith.constant 0 : i32
    %dma_start3A_518 = tpu.memref_slice %arg8[%dma_start3A_515, %dma_start3A_516, %dma_start3A_517] : memref<6x64x128xf32, #tpu.memory_space<vmem>> -> memref<1x64x128xf32, #tpu.memory_space<vmem>>
    %dma_start3A_519 = tpu.memref_squeeze %dma_start3A_518 : memref<1x64x128xf32, #tpu.memory_space<vmem>> -> memref<64x128xf32, #tpu.memory_space<vmem>>
    %dma_start3A_520 = arith.constant 0 : i32
    %dma_start3A_521 = tpu.memref_slice %arg2[%add3A_514, %dma_start3A_520] : memref<16384x128xf32, #tpu.memory_space<hbm>> -> memref<64x128xf32, #tpu.memory_space<hbm>>
    %dma_start3A_522 = arith.constant 0 : i32
    %dma_start3A_523 = arith.constant 0 : i32
    %dma_start3A_524 = tpu.memref_slice %arg8[%dma_start3A_515, %dma_start3A_522, %dma_start3A_523] : memref<6x64x128xf32, #tpu.memory_space<vmem>> -> memref<1x64x128xf32, #tpu.memory_space<vmem>>
    %dma_start3A_525 = tpu.memref_squeeze %dma_start3A_524 : memref<1x64x128xf32, #tpu.memory_space<vmem>> -> memref<64x128xf32, #tpu.memory_space<vmem>>
    %dma_start3A_526 = arith.constant 0 : i32
    %dma_start3A_527 = tpu.memref_slice %arg2[%add3A_514, %dma_start3A_526] : memref<16384x128xf32, #tpu.memory_space<hbm>> -> memref<64x128xf32, #tpu.memory_space<hbm>>
    tpu.enqueue_dma source(%dma_start3A_527 : memref<64x128xf32, #tpu.memory_space<hbm>>) target(%dma_start3A_525 : memref<64x128xf32, #tpu.memory_space<vmem>>) target_semaphore(%arg10 : memref<!tpu.dma_semaphore, #tpu.memory_space<semaphore_mem>>)
    %dma_wait3A_528 = arith.constant 6 : i32
    %dma_wait3A_529 = arith.constant 0 : i32
    %dma_wait3A_530 = tpu.memref_slice %arg6[%dma_wait3A_528, %dma_wait3A_529] : memref<8x64xi32, #tpu.memory_space<vmem>> -> memref<1x64xi32, #tpu.memory_space<vmem>>
    %dma_wait3A_531 = tpu.memref_squeeze %dma_wait3A_530 : memref<1x64xi32, #tpu.memory_space<vmem>> -> memref<64xi32, #tpu.memory_space<vmem>>
    %dma_wait3A_532 = tpu.memref_slice %arg3[%add3A_69] : memref<16384xi32, #tpu.memory_space<hbm>> -> memref<64xi32, #tpu.memory_space<hbm>>
    %dma_wait3A_533 = arith.constant 0 : i32
    %dma_wait3A_534 = tpu.memref_slice %arg6[%dma_wait3A_528, %dma_wait3A_533] : memref<8x64xi32, #tpu.memory_space<vmem>> -> memref<1x64xi32, #tpu.memory_space<vmem>>
    %dma_wait3A_535 = tpu.memref_squeeze %dma_wait3A_534 : memref<1x64xi32, #tpu.memory_space<vmem>> -> memref<64xi32, #tpu.memory_space<vmem>>
    %dma_wait3A_536 = tpu.memref_slice %arg3[%add3A_69] : memref<16384xi32, #tpu.memory_space<hbm>> -> memref<64xi32, #tpu.memory_space<hbm>>
    tpu.wait_dma2 semaphore(%arg9 : memref<!tpu.dma_semaphore, #tpu.memory_space<semaphore_mem>>) src(%dma_wait3A_536 : memref<64xi32, #tpu.memory_space<hbm>>) dst(%dma_wait3A_535 : memref<64xi32, #tpu.memory_space<vmem>>)
    %dma_start3A_537 = arith.constant 6 : i32
    %dma_start3A_538 = arith.constant 0 : i32
    %dma_start3A_539 = arith.constant 0 : i32
    %dma_start3A_540 = arith.constant 0 : i32
    %dma_start3A_541 = tpu.memref_slice %arg7[%dma_start3A_538, %dma_start3A_539, %dma_start3A_540] : memref<6x64x128xi32, #tpu.memory_space<vmem>> -> memref<1x64x128xi32, #tpu.memory_space<vmem>>
    %dma_start3A_542 = tpu.memref_squeeze %dma_start3A_541 : memref<1x64x128xi32, #tpu.memory_space<vmem>> -> memref<64x128xi32, #tpu.memory_space<vmem>>
    %dma_start3A_543 = arith.constant 0 : i32
    %dma_start3A_544 = tpu.memref_slice %arg6[%dma_start3A_537, %dma_start3A_543] : memref<8x64xi32, #tpu.memory_space<vmem>> -> memref<1x64xi32, #tpu.memory_space<vmem>>
    %dma_start3A_545 = tpu.memref_squeeze %dma_start3A_544 : memref<1x64xi32, #tpu.memory_space<vmem>> -> memref<64xi32, #tpu.memory_space<vmem>>
    %dma_start3A_546 = arith.constant 0 : i32
    %dma_start3A_547 = arith.constant 0 : i32
    %dma_start3A_548 = tpu.memref_slice %arg4[%dma_start3A_546, %dma_start3A_547] : memref<1000x128xi32, #tpu.memory_space<hbm>> -> memref<1000x128xi32, #tpu.memory_space<hbm>>
    tpu.enqueue_indirect_dma source(%dma_start3A_548 : memref<1000x128xi32, #tpu.memory_space<hbm>>) target(%dma_start3A_542 : memref<64x128xi32, #tpu.memory_space<vmem>>) offsets(%dma_start3A_545 : memref<64xi32, #tpu.memory_space<vmem>>) semaphore(%arg10 : memref<!tpu.dma_semaphore, #tpu.memory_space<semaphore_mem>>)
    %dma_wait3A_549 = arith.constant 4 : i32
    %dma_wait3A_550 = arith.constant 4 : i32
    %dma_wait3A_551 = arith.constant 0 : i32
    %dma_wait3A_552 = arith.constant 0 : i32
    %dma_wait3A_553 = tpu.memref_slice %arg7[%dma_wait3A_550, %dma_wait3A_551, %dma_wait3A_552] : memref<6x64x128xi32, #tpu.memory_space<vmem>> -> memref<1x64x128xi32, #tpu.memory_space<vmem>>
    %dma_wait3A_554 = tpu.memref_squeeze %dma_wait3A_553 : memref<1x64x128xi32, #tpu.memory_space<vmem>> -> memref<64x128xi32, #tpu.memory_space<vmem>>
    %dma_wait3A_555 = arith.constant 0 : i32
    %dma_wait3A_556 = tpu.memref_slice %arg6[%dma_wait3A_549, %dma_wait3A_555] : memref<8x64xi32, #tpu.memory_space<vmem>> -> memref<1x64xi32, #tpu.memory_space<vmem>>
    %dma_wait3A_557 = tpu.memref_squeeze %dma_wait3A_556 : memref<1x64xi32, #tpu.memory_space<vmem>> -> memref<64xi32, #tpu.memory_space<vmem>>
    %dma_wait3A_558 = arith.constant 0 : i32
    %dma_wait3A_559 = arith.constant 0 : i32
    %dma_wait3A_560 = tpu.memref_slice %arg4[%dma_wait3A_558, %dma_wait3A_559] : memref<1000x128xi32, #tpu.memory_space<hbm>> -> memref<1000x128xi32, #tpu.memory_space<hbm>>
    tpu.wait_indirect_dma semaphore(%arg14 : memref<!tpu.dma_semaphore, #tpu.memory_space<semaphore_mem>>) src(%dma_wait3A_560 : memref<1000x128xi32, #tpu.memory_space<hbm>>) dst(%dma_wait3A_554 : memref<64x128xi32, #tpu.memory_space<vmem>>)
    %dma_wait3A_561 = arith.constant 4 : i32
    %dma_wait3A_562 = arith.constant 0 : i32
    %dma_wait3A_563 = arith.constant 0 : i32
    %dma_wait3A_564 = tpu.memref_slice %arg8[%dma_wait3A_561, %dma_wait3A_562, %dma_wait3A_563] : memref<6x64x128xf32, #tpu.memory_space<vmem>> -> memref<1x64x128xf32, #tpu.memory_space<vmem>>
    %dma_wait3A_565 = tpu.memref_squeeze %dma_wait3A_564 : memref<1x64x128xf32, #tpu.memory_space<vmem>> -> memref<64x128xf32, #tpu.memory_space<vmem>>
    %dma_wait3A_566 = arith.constant 0 : i32
    %dma_wait3A_567 = tpu.memref_slice %arg2[%add3A_331, %dma_wait3A_566] : memref<16384x128xf32, #tpu.memory_space<hbm>> -> memref<64x128xf32, #tpu.memory_space<hbm>>
    %dma_wait3A_568 = arith.constant 0 : i32
    %dma_wait3A_569 = arith.constant 0 : i32
    %dma_wait3A_570 = tpu.memref_slice %arg8[%dma_wait3A_561, %dma_wait3A_568, %dma_wait3A_569] : memref<6x64x128xf32, #tpu.memory_space<vmem>> -> memref<1x64x128xf32, #tpu.memory_space<vmem>>
    %dma_wait3A_571 = tpu.memref_squeeze %dma_wait3A_570 : memref<1x64x128xf32, #tpu.memory_space<vmem>> -> memref<64x128xf32, #tpu.memory_space<vmem>>
    %dma_wait3A_572 = arith.constant 0 : i32
    %dma_wait3A_573 = tpu.memref_slice %arg2[%add3A_331, %dma_wait3A_572] : memref<16384x128xf32, #tpu.memory_space<hbm>> -> memref<64x128xf32, #tpu.memory_space<hbm>>
    tpu.wait_dma2 semaphore(%arg14 : memref<!tpu.dma_semaphore, #tpu.memory_space<semaphore_mem>>) src(%dma_wait3A_573 : memref<64x128xf32, #tpu.memory_space<hbm>>) dst(%dma_wait3A_571 : memref<64x128xf32, #tpu.memory_space<vmem>>)
    %scan3A_574 = arith.constant 0 : i32
    %scan3A_575 = arith.constant 4 : i32
    %scan3A_576 = arith.constant -65536 : i32
    %scan3A_577 = arith.constant 4 : i32
    %scan3A_578 = arith.constant 0 : i32
    %scan3A_579 = arith.constant 64 : i32
    %scan3A_580 = arith.addi %scan3A_578, %scan3A_579 : i32
    %scan3A_581 = arith.constant 1 : i32
    scf.for %scan3A_872 = %scan3A_578 to %scan3A_580 step %scan3A_581  : i32 {
      %mul3A_873 = arith.constant 1 : i32
      %mul3A_874 = arith.muli %scan3A_872, %mul3A_873 : i32
      %add3A_875 = arith.constant 0 : i32
      %add3A_876 = arith.addi %mul3A_874, %add3A_875 : i32
      %get3A = arith.constant 0 : i32
      %get3A_877 = arith.constant 0 : i32
      %get3A_878 = tpu.memref_slice %arg7[%scan3A_575, %get3A, %get3A_877] : memref<6x64x128xi32, #tpu.memory_space<vmem>> -> memref<1x64x128xi32, #tpu.memory_space<vmem>>
      %get3A_879 = tpu.memref_squeeze %get3A_878 : memref<1x64x128xi32, #tpu.memory_space<vmem>> -> memref<64x128xi32, #tpu.memory_space<vmem>>
      %get3A_880 = arith.index_cast %add3A_876 : i32 to index
      %get3A_881 = arith.constant 0 : index
      %get3A_882 = tpu.vector_load %get3A_879[%get3A_880, %get3A_881] {strides = array<i32>} : memref<64x128xi32, #tpu.memory_space<vmem>>, vector<1x16xi32>,
      %get3A_883 = vector.shape_cast %get3A_882 : vector<1x16xi32> to vector<16xi32>
      %get3A_884 = arith.constant 0 : i32
      %get3A_885 = arith.constant 0 : i32
      %get3A_886 = tpu.memref_slice %arg7[%scan3A_575, %get3A_884, %get3A_885] : memref<6x64x128xi32, #tpu.memory_space<vmem>> -> memref<1x64x128xi32, #tpu.memory_space<vmem>>
      %get3A_887 = tpu.memref_squeeze %get3A_886 : memref<1x64x128xi32, #tpu.memory_space<vmem>> -> memref<64x128xi32, #tpu.memory_space<vmem>>
      %get3A_888 = arith.index_cast %add3A_876 : i32 to index
      %get3A_889 = arith.constant 16 : index
      %get3A_890 = tpu.vector_load %get3A_887[%get3A_888, %get3A_889] {strides = array<i32>} : memref<64x128xi32, #tpu.memory_space<vmem>>, vector<1x16xi32>,
      %get3A_891 = vector.shape_cast %get3A_890 : vector<1x16xi32> to vector<16xi32>
      %broadcast_in_dim3A = arith.constant 16 : i32
      %broadcast_in_dim3A_892 = vector.broadcast %broadcast_in_dim3A : i32 to vector<16xi32>
      %broadcast_in_dim3A_893 = vector.broadcast %scan3A_576 : i32 to vector<16xi32>
      %shift_left3A = arith.shli %get3A_883, %broadcast_in_dim3A_892 : vector<16xi32>
      %bitcast_convert_type3A = tpu.bitcast %shift_left3A : vector<16xi32> -> vector<16xf32>
      %and3A = arith.andi %get3A_883, %broadcast_in_dim3A_893 : vector<16xi32>
      %bitcast_convert_type3A_894 = tpu.bitcast %and3A : vector<16xi32> -> vector<16xf32>
      %shift_left3A_895 = arith.shli %get3A_891, %broadcast_in_dim3A_892 : vector<16xi32>
      %bitcast_convert_type3A_896 = tpu.bitcast %shift_left3A_895 : vector<16xi32> -> vector<16xf32>
      %and3A_897 = arith.andi %get3A_891, %broadcast_in_dim3A_893 : vector<16xi32>
      %bitcast_convert_type3A_898 = tpu.bitcast %and3A_897 : vector<16xi32> -> vector<16xf32>
      %get3A_899 = arith.constant 0 : i32
      %get3A_900 = arith.constant 0 : i32
      %get3A_901 = tpu.memref_slice %arg8[%scan3A_577, %get3A_899, %get3A_900] : memref<6x64x128xf32, #tpu.memory_space<vmem>> -> memref<1x64x128xf32, #tpu.memory_space<vmem>>
      %get3A_902 = tpu.memref_squeeze %get3A_901 : memref<1x64x128xf32, #tpu.memory_space<vmem>> -> memref<64x128xf32, #tpu.memory_space<vmem>>
      %get3A_903 = arith.index_cast %add3A_876 : i32 to index
      %get3A_904 = arith.constant 0 : index
      %get3A_905 = tpu.vector_load %get3A_902[%get3A_903, %get3A_904] {strides = array<i32>} : memref<64x128xf32, #tpu.memory_space<vmem>>, vector<1x16xf32>,
      %get3A_906 = vector.shape_cast %get3A_905 : vector<1x16xf32> to vector<16xf32>
      %get3A_907 = arith.constant 0 : i32
      %get3A_908 = arith.constant 0 : i32
      %get3A_909 = tpu.memref_slice %arg8[%scan3A_577, %get3A_907, %get3A_908] : memref<6x64x128xf32, #tpu.memory_space<vmem>> -> memref<1x64x128xf32, #tpu.memory_space<vmem>>
      %get3A_910 = tpu.memref_squeeze %get3A_909 : memref<1x64x128xf32, #tpu.memory_space<vmem>> -> memref<64x128xf32, #tpu.memory_space<vmem>>
      %get3A_911 = arith.index_cast %add3A_876 : i32 to index
      %get3A_912 = arith.constant 16 : index
      %get3A_913 = tpu.vector_load %get3A_910[%get3A_911, %get3A_912] {strides = array<i32>} : memref<64x128xf32, #tpu.memory_space<vmem>>, vector<1x16xf32>,
      %get3A_914 = vector.shape_cast %get3A_913 : vector<1x16xf32> to vector<16xf32>
      %mul3A_915 = arith.mulf %get3A_906, %bitcast_convert_type3A : vector<16xf32>
      %add3A_916 = arith.addf %get3A_906, %mul3A_915 : vector<16xf32>
      %add3A_917 = arith.addf %add3A_916, %bitcast_convert_type3A_896 : vector<16xf32>
      %swap3A = arith.constant 0 : i32
      %swap3A_918 = arith.constant 0 : i32
      %swap3A_919 = tpu.memref_slice %arg8[%scan3A_577, %swap3A, %swap3A_918] : memref<6x64x128xf32, #tpu.memory_space<vmem>> -> memref<1x64x128xf32, #tpu.memory_space<vmem>>
      %swap3A_920 = tpu.memref_squeeze %swap3A_919 : memref<1x64x128xf32, #tpu.memory_space<vmem>> -> memref<64x128xf32, #tpu.memory_space<vmem>>
      %swap3A_921 = arith.index_cast %add3A_876 : i32 to index
      %swap3A_922 = arith.constant 0 : index
      %swap3A_923 = tpu.vector_load %swap3A_920[%swap3A_921, %swap3A_922] {strides = array<i32>} : memref<64x128xf32, #tpu.memory_space<vmem>>, vector<1x16xf32>,
      %swap3A_924 = vector.shape_cast %swap3A_923 : vector<1x16xf32> to vector<16xf32>
      %swap3A_925 = vector.shape_cast %add3A_917 : vector<16xf32> to vector<1x16xf32>
      tpu.vector_store %swap3A_920[%swap3A_921, %swap3A_922], %swap3A_925 {strides = array<i32>} : memref<64x128xf32, #tpu.memory_space<vmem>>, vector<1x16xf32>,
      %mul3A_926 = arith.mulf %get3A_914, %bitcast_convert_type3A_894 : vector<16xf32>
      %add3A_927 = arith.addf %get3A_914, %mul3A_926 : vector<16xf32>
      %add3A_928 = arith.addf %add3A_927, %bitcast_convert_type3A_898 : vector<16xf32>
      %swap3A_929 = arith.constant 0 : i32
      %swap3A_930 = arith.constant 0 : i32
      %swap3A_931 = tpu.memref_slice %arg8[%scan3A_577, %swap3A_929, %swap3A_930] : memref<6x64x128xf32, #tpu.memory_space<vmem>> -> memref<1x64x128xf32, #tpu.memory_space<vmem>>
      %swap3A_932 = tpu.memref_squeeze %swap3A_931 : memref<1x64x128xf32, #tpu.memory_space<vmem>> -> memref<64x128xf32, #tpu.memory_space<vmem>>
      %swap3A_933 = arith.index_cast %add3A_876 : i32 to index
      %swap3A_934 = arith.constant 16 : index
      %swap3A_935 = tpu.vector_load %swap3A_932[%swap3A_933, %swap3A_934] {strides = array<i32>} : memref<64x128xf32, #tpu.memory_space<vmem>>, vector<1x16xf32>,
      %swap3A_936 = vector.shape_cast %swap3A_935 : vector<1x16xf32> to vector<16xf32>
      %swap3A_937 = vector.shape_cast %add3A_928 : vector<16xf32> to vector<1x16xf32>
      tpu.vector_store %swap3A_932[%swap3A_933, %swap3A_934], %swap3A_937 {strides = array<i32>} : memref<64x128xf32, #tpu.memory_space<vmem>>, vector<1x16xf32>,
      %get3A_938 = arith.constant 0 : i32
      %get3A_939 = arith.constant 0 : i32
      %get3A_940 = tpu.memref_slice %arg7[%scan3A_575, %get3A_938, %get3A_939] : memref<6x64x128xi32, #tpu.memory_space<vmem>> -> memref<1x64x128xi32, #tpu.memory_space<vmem>>
      %get3A_941 = tpu.memref_squeeze %get3A_940 : memref<1x64x128xi32, #tpu.memory_space<vmem>> -> memref<64x128xi32, #tpu.memory_space<vmem>>
      %get3A_942 = arith.index_cast %add3A_876 : i32 to index
      %get3A_943 = arith.constant 32 : index
      %get3A_944 = tpu.vector_load %get3A_941[%get3A_942, %get3A_943] {strides = array<i32>} : memref<64x128xi32, #tpu.memory_space<vmem>>, vector<1x16xi32>,
      %get3A_945 = vector.shape_cast %get3A_944 : vector<1x16xi32> to vector<16xi32>
      %get3A_946 = arith.constant 0 : i32
      %get3A_947 = arith.constant 0 : i32
      %get3A_948 = tpu.memref_slice %arg7[%scan3A_575, %get3A_946, %get3A_947] : memref<6x64x128xi32, #tpu.memory_space<vmem>> -> memref<1x64x128xi32, #tpu.memory_space<vmem>>
      %get3A_949 = tpu.memref_squeeze %get3A_948 : memref<1x64x128xi32, #tpu.memory_space<vmem>> -> memref<64x128xi32, #tpu.memory_space<vmem>>
      %get3A_950 = arith.index_cast %add3A_876 : i32 to index
      %get3A_951 = arith.constant 48 : index
      %get3A_952 = tpu.vector_load %get3A_949[%get3A_950, %get3A_951] {strides = array<i32>} : memref<64x128xi32, #tpu.memory_space<vmem>>, vector<1x16xi32>,
      %get3A_953 = vector.shape_cast %get3A_952 : vector<1x16xi32> to vector<16xi32>
      %broadcast_in_dim3A_954 = arith.constant 16 : i32
      %broadcast_in_dim3A_955 = vector.broadcast %broadcast_in_dim3A_954 : i32 to vector<16xi32>
      %broadcast_in_dim3A_956 = vector.broadcast %scan3A_576 : i32 to vector<16xi32>
      %shift_left3A_957 = arith.shli %get3A_945, %broadcast_in_dim3A_955 : vector<16xi32>
      %bitcast_convert_type3A_958 = tpu.bitcast %shift_left3A_957 : vector<16xi32> -> vector<16xf32>
      %and3A_959 = arith.andi %get3A_945, %broadcast_in_dim3A_956 : vector<16xi32>
      %bitcast_convert_type3A_960 = tpu.bitcast %and3A_959 : vector<16xi32> -> vector<16xf32>
      %shift_left3A_961 = arith.shli %get3A_953, %broadcast_in_dim3A_955 : vector<16xi32>
      %bitcast_convert_type3A_962 = tpu.bitcast %shift_left3A_961 : vector<16xi32> -> vector<16xf32>
      %and3A_963 = arith.andi %get3A_953, %broadcast_in_dim3A_956 : vector<16xi32>
      %bitcast_convert_type3A_964 = tpu.bitcast %and3A_963 : vector<16xi32> -> vector<16xf32>
      %get3A_965 = arith.constant 0 : i32
      %get3A_966 = arith.constant 0 : i32
      %get3A_967 = tpu.memref_slice %arg8[%scan3A_577, %get3A_965, %get3A_966] : memref<6x64x128xf32, #tpu.memory_space<vmem>> -> memref<1x64x128xf32, #tpu.memory_space<vmem>>
      %get3A_968 = tpu.memref_squeeze %get3A_967 : memref<1x64x128xf32, #tpu.memory_space<vmem>> -> memref<64x128xf32, #tpu.memory_space<vmem>>
      %get3A_969 = arith.index_cast %add3A_876 : i32 to index
      %get3A_970 = arith.constant 32 : index
      %get3A_971 = tpu.vector_load %get3A_968[%get3A_969, %get3A_970] {strides = array<i32>} : memref<64x128xf32, #tpu.memory_space<vmem>>, vector<1x16xf32>,
      %get3A_972 = vector.shape_cast %get3A_971 : vector<1x16xf32> to vector<16xf32>
      %get3A_973 = arith.constant 0 : i32
      %get3A_974 = arith.constant 0 : i32
      %get3A_975 = tpu.memref_slice %arg8[%scan3A_577, %get3A_973, %get3A_974] : memref<6x64x128xf32, #tpu.memory_space<vmem>> -> memref<1x64x128xf32, #tpu.memory_space<vmem>>
      %get3A_976 = tpu.memref_squeeze %get3A_975 : memref<1x64x128xf32, #tpu.memory_space<vmem>> -> memref<64x128xf32, #tpu.memory_space<vmem>>
      %get3A_977 = arith.index_cast %add3A_876 : i32 to index
      %get3A_978 = arith.constant 48 : index
      %get3A_979 = tpu.vector_load %get3A_976[%get3A_977, %get3A_978] {strides = array<i32>} : memref<64x128xf32, #tpu.memory_space<vmem>>, vector<1x16xf32>,
      %get3A_980 = vector.shape_cast %get3A_979 : vector<1x16xf32> to vector<16xf32>
      %mul3A_981 = arith.mulf %get3A_972, %bitcast_convert_type3A_958 : vector<16xf32>
      %add3A_982 = arith.addf %get3A_972, %mul3A_981 : vector<16xf32>
      %add3A_983 = arith.addf %add3A_982, %bitcast_convert_type3A_962 : vector<16xf32>
      %swap3A_984 = arith.constant 0 : i32
      %swap3A_985 = arith.constant 0 : i32
      %swap3A_986 = tpu.memref_slice %arg8[%scan3A_577, %swap3A_984, %swap3A_985] : memref<6x64x128xf32, #tpu.memory_space<vmem>> -> memref<1x64x128xf32, #tpu.memory_space<vmem>>
      %swap3A_987 = tpu.memref_squeeze %swap3A_986 : memref<1x64x128xf32, #tpu.memory_space<vmem>> -> memref<64x128xf32, #tpu.memory_space<vmem>>
      %swap3A_988 = arith.index_cast %add3A_876 : i32 to index
      %swap3A_989 = arith.constant 32 : index
      %swap3A_990 = tpu.vector_load %swap3A_987[%swap3A_988, %swap3A_989] {strides = array<i32>} : memref<64x128xf32, #tpu.memory_space<vmem>>, vector<1x16xf32>,
      %swap3A_991 = vector.shape_cast %swap3A_990 : vector<1x16xf32> to vector<16xf32>
      %swap3A_992 = vector.shape_cast %add3A_983 : vector<16xf32> to vector<1x16xf32>
      tpu.vector_store %swap3A_987[%swap3A_988, %swap3A_989], %swap3A_992 {strides = array<i32>} : memref<64x128xf32, #tpu.memory_space<vmem>>, vector<1x16xf32>,
      %mul3A_993 = arith.mulf %get3A_980, %bitcast_convert_type3A_960 : vector<16xf32>
      %add3A_994 = arith.addf %get3A_980, %mul3A_993 : vector<16xf32>
      %add3A_995 = arith.addf %add3A_994, %bitcast_convert_type3A_964 : vector<16xf32>
      %swap3A_996 = arith.constant 0 : i32
      %swap3A_997 = arith.constant 0 : i32
      %swap3A_998 = tpu.memref_slice %arg8[%scan3A_577, %swap3A_996, %swap3A_997] : memref<6x64x128xf32, #tpu.memory_space<vmem>> -> memref<1x64x128xf32, #tpu.memory_space<vmem>>
      %swap3A_999 = tpu.memref_squeeze %swap3A_998 : memref<1x64x128xf32, #tpu.memory_space<vmem>> -> memref<64x128xf32, #tpu.memory_space<vmem>>
      %swap3A_1000 = arith.index_cast %add3A_876 : i32 to index
      %swap3A_1001 = arith.constant 48 : index
      %swap3A_1002 = tpu.vector_load %swap3A_999[%swap3A_1000, %swap3A_1001] {strides = array<i32>} : memref<64x128xf32, #tpu.memory_space<vmem>>, vector<1x16xf32>,
      %swap3A_1003 = vector.shape_cast %swap3A_1002 : vector<1x16xf32> to vector<16xf32>
      %swap3A_1004 = vector.shape_cast %add3A_995 : vector<16xf32> to vector<1x16xf32>
      tpu.vector_store %swap3A_999[%swap3A_1000, %swap3A_1001], %swap3A_1004 {strides = array<i32>} : memref<64x128xf32, #tpu.memory_space<vmem>>, vector<1x16xf32>,
      %get3A_1005 = arith.constant 0 : i32
      %get3A_1006 = arith.constant 0 : i32
      %get3A_1007 = tpu.memref_slice %arg7[%scan3A_575, %get3A_1005, %get3A_1006] : memref<6x64x128xi32, #tpu.memory_space<vmem>> -> memref<1x64x128xi32, #tpu.memory_space<vmem>>
      %get3A_1008 = tpu.memref_squeeze %get3A_1007 : memref<1x64x128xi32, #tpu.memory_space<vmem>> -> memref<64x128xi32, #tpu.memory_space<vmem>>
      %get3A_1009 = arith.index_cast %add3A_876 : i32 to index
      %get3A_1010 = arith.constant 64 : index
      %get3A_1011 = tpu.vector_load %get3A_1008[%get3A_1009, %get3A_1010] {strides = array<i32>} : memref<64x128xi32, #tpu.memory_space<vmem>>, vector<1x16xi32>,
      %get3A_1012 = vector.shape_cast %get3A_1011 : vector<1x16xi32> to vector<16xi32>
      %get3A_1013 = arith.constant 0 : i32
      %get3A_1014 = arith.constant 0 : i32
      %get3A_1015 = tpu.memref_slice %arg7[%scan3A_575, %get3A_1013, %get3A_1014] : memref<6x64x128xi32, #tpu.memory_space<vmem>> -> memref<1x64x128xi32, #tpu.memory_space<vmem>>
      %get3A_1016 = tpu.memref_squeeze %get3A_1015 : memref<1x64x128xi32, #tpu.memory_space<vmem>> -> memref<64x128xi32, #tpu.memory_space<vmem>>
      %get3A_1017 = arith.index_cast %add3A_876 : i32 to index
      %get3A_1018 = arith.constant 80 : index
      %get3A_1019 = tpu.vector_load %get3A_1016[%get3A_1017, %get3A_1018] {strides = array<i32>} : memref<64x128xi32, #tpu.memory_space<vmem>>, vector<1x16xi32>,
      %get3A_1020 = vector.shape_cast %get3A_1019 : vector<1x16xi32> to vector<16xi32>
      %broadcast_in_dim3A_1021 = arith.constant 16 : i32
      %broadcast_in_dim3A_1022 = vector.broadcast %broadcast_in_dim3A_1021 : i32 to vector<16xi32>
      %broadcast_in_dim3A_1023 = vector.broadcast %scan3A_576 : i32 to vector<16xi32>
      %shift_left3A_1024 = arith.shli %get3A_1012, %broadcast_in_dim3A_1022 : vector<16xi32>
      %bitcast_convert_type3A_1025 = tpu.bitcast %shift_left3A_1024 : vector<16xi32> -> vector<16xf32>
      %and3A_1026 = arith.andi %get3A_1012, %broadcast_in_dim3A_1023 : vector<16xi32>
      %bitcast_convert_type3A_1027 = tpu.bitcast %and3A_1026 : vector<16xi32> -> vector<16xf32>
      %shift_left3A_1028 = arith.shli %get3A_1020, %broadcast_in_dim3A_1022 : vector<16xi32>
      %bitcast_convert_type3A_1029 = tpu.bitcast %shift_left3A_1028 : vector<16xi32> -> vector<16xf32>
      %and3A_1030 = arith.andi %get3A_1020, %broadcast_in_dim3A_1023 : vector<16xi32>
      %bitcast_convert_type3A_1031 = tpu.bitcast %and3A_1030 : vector<16xi32> -> vector<16xf32>
      %get3A_1032 = arith.constant 0 : i32
      %get3A_1033 = arith.constant 0 : i32
      %get3A_1034 = tpu.memref_slice %arg8[%scan3A_577, %get3A_1032, %get3A_1033] : memref<6x64x128xf32, #tpu.memory_space<vmem>> -> memref<1x64x128xf32, #tpu.memory_space<vmem>>
      %get3A_1035 = tpu.memref_squeeze %get3A_1034 : memref<1x64x128xf32, #tpu.memory_space<vmem>> -> memref<64x128xf32, #tpu.memory_space<vmem>>
      %get3A_1036 = arith.index_cast %add3A_876 : i32 to index
      %get3A_1037 = arith.constant 64 : index
      %get3A_1038 = tpu.vector_load %get3A_1035[%get3A_1036, %get3A_1037] {strides = array<i32>} : memref<64x128xf32, #tpu.memory_space<vmem>>, vector<1x16xf32>,
      %get3A_1039 = vector.shape_cast %get3A_1038 : vector<1x16xf32> to vector<16xf32>
      %get3A_1040 = arith.constant 0 : i32
      %get3A_1041 = arith.constant 0 : i32
      %get3A_1042 = tpu.memref_slice %arg8[%scan3A_577, %get3A_1040, %get3A_1041] : memref<6x64x128xf32, #tpu.memory_space<vmem>> -> memref<1x64x128xf32, #tpu.memory_space<vmem>>
      %get3A_1043 = tpu.memref_squeeze %get3A_1042 : memref<1x64x128xf32, #tpu.memory_space<vmem>> -> memref<64x128xf32, #tpu.memory_space<vmem>>
      %get3A_1044 = arith.index_cast %add3A_876 : i32 to index
      %get3A_1045 = arith.constant 80 : index
      %get3A_1046 = tpu.vector_load %get3A_1043[%get3A_1044, %get3A_1045] {strides = array<i32>} : memref<64x128xf32, #tpu.memory_space<vmem>>, vector<1x16xf32>,
      %get3A_1047 = vector.shape_cast %get3A_1046 : vector<1x16xf32> to vector<16xf32>
      %mul3A_1048 = arith.mulf %get3A_1039, %bitcast_convert_type3A_1025 : vector<16xf32>
      %add3A_1049 = arith.addf %get3A_1039, %mul3A_1048 : vector<16xf32>
      %add3A_1050 = arith.addf %add3A_1049, %bitcast_convert_type3A_1029 : vector<16xf32>
      %swap3A_1051 = arith.constant 0 : i32
      %swap3A_1052 = arith.constant 0 : i32
      %swap3A_1053 = tpu.memref_slice %arg8[%scan3A_577, %swap3A_1051, %swap3A_1052] : memref<6x64x128xf32, #tpu.memory_space<vmem>> -> memref<1x64x128xf32, #tpu.memory_space<vmem>>
      %swap3A_1054 = tpu.memref_squeeze %swap3A_1053 : memref<1x64x128xf32, #tpu.memory_space<vmem>> -> memref<64x128xf32, #tpu.memory_space<vmem>>
      %swap3A_1055 = arith.index_cast %add3A_876 : i32 to index
      %swap3A_1056 = arith.constant 64 : index
      %swap3A_1057 = tpu.vector_load %swap3A_1054[%swap3A_1055, %swap3A_1056] {strides = array<i32>} : memref<64x128xf32, #tpu.memory_space<vmem>>, vector<1x16xf32>,
      %swap3A_1058 = vector.shape_cast %swap3A_1057 : vector<1x16xf32> to vector<16xf32>
      %swap3A_1059 = vector.shape_cast %add3A_1050 : vector<16xf32> to vector<1x16xf32>
      tpu.vector_store %swap3A_1054[%swap3A_1055, %swap3A_1056], %swap3A_1059 {strides = array<i32>} : memref<64x128xf32, #tpu.memory_space<vmem>>, vector<1x16xf32>,
      %mul3A_1060 = arith.mulf %get3A_1047, %bitcast_convert_type3A_1027 : vector<16xf32>
      %add3A_1061 = arith.addf %get3A_1047, %mul3A_1060 : vector<16xf32>
      %add3A_1062 = arith.addf %add3A_1061, %bitcast_convert_type3A_1031 : vector<16xf32>
      %swap3A_1063 = arith.constant 0 : i32
      %swap3A_1064 = arith.constant 0 : i32
      %swap3A_1065 = tpu.memref_slice %arg8[%scan3A_577, %swap3A_1063, %swap3A_1064] : memref<6x64x128xf32, #tpu.memory_space<vmem>> -> memref<1x64x128xf32, #tpu.memory_space<vmem>>
      %swap3A_1066 = tpu.memref_squeeze %swap3A_1065 : memref<1x64x128xf32, #tpu.memory_space<vmem>> -> memref<64x128xf32, #tpu.memory_space<vmem>>
      %swap3A_1067 = arith.index_cast %add3A_876 : i32 to index
      %swap3A_1068 = arith.constant 80 : index
      %swap3A_1069 = tpu.vector_load %swap3A_1066[%swap3A_1067, %swap3A_1068] {strides = array<i32>} : memref<64x128xf32, #tpu.memory_space<vmem>>, vector<1x16xf32>,
      %swap3A_1070 = vector.shape_cast %swap3A_1069 : vector<1x16xf32> to vector<16xf32>
      %swap3A_1071 = vector.shape_cast %add3A_1062 : vector<16xf32> to vector<1x16xf32>
      tpu.vector_store %swap3A_1066[%swap3A_1067, %swap3A_1068], %swap3A_1071 {strides = array<i32>} : memref<64x128xf32, #tpu.memory_space<vmem>>, vector<1x16xf32>,
      %get3A_1072 = arith.constant 0 : i32
      %get3A_1073 = arith.constant 0 : i32
      %get3A_1074 = tpu.memref_slice %arg7[%scan3A_575, %get3A_1072, %get3A_1073] : memref<6x64x128xi32, #tpu.memory_space<vmem>> -> memref<1x64x128xi32, #tpu.memory_space<vmem>>
      %get3A_1075 = tpu.memref_squeeze %get3A_1074 : memref<1x64x128xi32, #tpu.memory_space<vmem>> -> memref<64x128xi32, #tpu.memory_space<vmem>>
      %get3A_1076 = arith.index_cast %add3A_876 : i32 to index
      %get3A_1077 = arith.constant 96 : index
      %get3A_1078 = tpu.vector_load %get3A_1075[%get3A_1076, %get3A_1077] {strides = array<i32>} : memref<64x128xi32, #tpu.memory_space<vmem>>, vector<1x16xi32>,
      %get3A_1079 = vector.shape_cast %get3A_1078 : vector<1x16xi32> to vector<16xi32>
      %get3A_1080 = arith.constant 0 : i32
      %get3A_1081 = arith.constant 0 : i32
      %get3A_1082 = tpu.memref_slice %arg7[%scan3A_575, %get3A_1080, %get3A_1081] : memref<6x64x128xi32, #tpu.memory_space<vmem>> -> memref<1x64x128xi32, #tpu.memory_space<vmem>>
      %get3A_1083 = tpu.memref_squeeze %get3A_1082 : memref<1x64x128xi32, #tpu.memory_space<vmem>> -> memref<64x128xi32, #tpu.memory_space<vmem>>
      %get3A_1084 = arith.index_cast %add3A_876 : i32 to index
      %get3A_1085 = arith.constant 112 : index
      %get3A_1086 = tpu.vector_load %get3A_1083[%get3A_1084, %get3A_1085] {strides = array<i32>} : memref<64x128xi32, #tpu.memory_space<vmem>>, vector<1x16xi32>,
      %get3A_1087 = vector.shape_cast %get3A_1086 : vector<1x16xi32> to vector<16xi32>
      %broadcast_in_dim3A_1088 = arith.constant 16 : i32
      %broadcast_in_dim3A_1089 = vector.broadcast %broadcast_in_dim3A_1088 : i32 to vector<16xi32>
      %broadcast_in_dim3A_1090 = vector.broadcast %scan3A_576 : i32 to vector<16xi32>
      %shift_left3A_1091 = arith.shli %get3A_1079, %broadcast_in_dim3A_1089 : vector<16xi32>
      %bitcast_convert_type3A_1092 = tpu.bitcast %shift_left3A_1091 : vector<16xi32> -> vector<16xf32>
      %and3A_1093 = arith.andi %get3A_1079, %broadcast_in_dim3A_1090 : vector<16xi32>
      %bitcast_convert_type3A_1094 = tpu.bitcast %and3A_1093 : vector<16xi32> -> vector<16xf32>
      %shift_left3A_1095 = arith.shli %get3A_1087, %broadcast_in_dim3A_1089 : vector<16xi32>
      %bitcast_convert_type3A_1096 = tpu.bitcast %shift_left3A_1095 : vector<16xi32> -> vector<16xf32>
      %and3A_1097 = arith.andi %get3A_1087, %broadcast_in_dim3A_1090 : vector<16xi32>
      %bitcast_convert_type3A_1098 = tpu.bitcast %and3A_1097 : vector<16xi32> -> vector<16xf32>
      %get3A_1099 = arith.constant 0 : i32
      %get3A_1100 = arith.constant 0 : i32
      %get3A_1101 = tpu.memref_slice %arg8[%scan3A_577, %get3A_1099, %get3A_1100] : memref<6x64x128xf32, #tpu.memory_space<vmem>> -> memref<1x64x128xf32, #tpu.memory_space<vmem>>
      %get3A_1102 = tpu.memref_squeeze %get3A_1101 : memref<1x64x128xf32, #tpu.memory_space<vmem>> -> memref<64x128xf32, #tpu.memory_space<vmem>>
      %get3A_1103 = arith.index_cast %add3A_876 : i32 to index
      %get3A_1104 = arith.constant 96 : index
      %get3A_1105 = tpu.vector_load %get3A_1102[%get3A_1103, %get3A_1104] {strides = array<i32>} : memref<64x128xf32, #tpu.memory_space<vmem>>, vector<1x16xf32>,
      %get3A_1106 = vector.shape_cast %get3A_1105 : vector<1x16xf32> to vector<16xf32>
      %get3A_1107 = arith.constant 0 : i32
      %get3A_1108 = arith.constant 0 : i32
      %get3A_1109 = tpu.memref_slice %arg8[%scan3A_577, %get3A_1107, %get3A_1108] : memref<6x64x128xf32, #tpu.memory_space<vmem>> -> memref<1x64x128xf32, #tpu.memory_space<vmem>>
      %get3A_1110 = tpu.memref_squeeze %get3A_1109 : memref<1x64x128xf32, #tpu.memory_space<vmem>> -> memref<64x128xf32, #tpu.memory_space<vmem>>
      %get3A_1111 = arith.index_cast %add3A_876 : i32 to index
      %get3A_1112 = arith.constant 112 : index
      %get3A_1113 = tpu.vector_load %get3A_1110[%get3A_1111, %get3A_1112] {strides = array<i32>} : memref<64x128xf32, #tpu.memory_space<vmem>>, vector<1x16xf32>,
      %get3A_1114 = vector.shape_cast %get3A_1113 : vector<1x16xf32> to vector<16xf32>
      %mul3A_1115 = arith.mulf %get3A_1106, %bitcast_convert_type3A_1092 : vector<16xf32>
      %add3A_1116 = arith.addf %get3A_1106, %mul3A_1115 : vector<16xf32>
      %add3A_1117 = arith.addf %add3A_1116, %bitcast_convert_type3A_1096 : vector<16xf32>
      %swap3A_1118 = arith.constant 0 : i32
      %swap3A_1119 = arith.constant 0 : i32
      %swap3A_1120 = tpu.memref_slice %arg8[%scan3A_577, %swap3A_1118, %swap3A_1119] : memref<6x64x128xf32, #tpu.memory_space<vmem>> -> memref<1x64x128xf32, #tpu.memory_space<vmem>>
      %swap3A_1121 = tpu.memref_squeeze %swap3A_1120 : memref<1x64x128xf32, #tpu.memory_space<vmem>> -> memref<64x128xf32, #tpu.memory_space<vmem>>
      %swap3A_1122 = arith.index_cast %add3A_876 : i32 to index
      %swap3A_1123 = arith.constant 96 : index
      %swap3A_1124 = tpu.vector_load %swap3A_1121[%swap3A_1122, %swap3A_1123] {strides = array<i32>} : memref<64x128xf32, #tpu.memory_space<vmem>>, vector<1x16xf32>,
      %swap3A_1125 = vector.shape_cast %swap3A_1124 : vector<1x16xf32> to vector<16xf32>
      %swap3A_1126 = vector.shape_cast %add3A_1117 : vector<16xf32> to vector<1x16xf32>
      tpu.vector_store %swap3A_1121[%swap3A_1122, %swap3A_1123], %swap3A_1126 {strides = array<i32>} : memref<64x128xf32, #tpu.memory_space<vmem>>, vector<1x16xf32>,
      %mul3A_1127 = arith.mulf %get3A_1114, %bitcast_convert_type3A_1094 : vector<16xf32>
      %add3A_1128 = arith.addf %get3A_1114, %mul3A_1127 : vector<16xf32>
      %add3A_1129 = arith.addf %add3A_1128, %bitcast_convert_type3A_1098 : vector<16xf32>
      %swap3A_1130 = arith.constant 0 : i32
      %swap3A_1131 = arith.constant 0 : i32
      %swap3A_1132 = tpu.memref_slice %arg8[%scan3A_577, %swap3A_1130, %swap3A_1131] : memref<6x64x128xf32, #tpu.memory_space<vmem>> -> memref<1x64x128xf32, #tpu.memory_space<vmem>>
      %swap3A_1133 = tpu.memref_squeeze %swap3A_1132 : memref<1x64x128xf32, #tpu.memory_space<vmem>> -> memref<64x128xf32, #tpu.memory_space<vmem>>
      %swap3A_1134 = arith.index_cast %add3A_876 : i32 to index
      %swap3A_1135 = arith.constant 112 : index
      %swap3A_1136 = tpu.vector_load %swap3A_1133[%swap3A_1134, %swap3A_1135] {strides = array<i32>} : memref<64x128xf32, #tpu.memory_space<vmem>>, vector<1x16xf32>,
      %swap3A_1137 = vector.shape_cast %swap3A_1136 : vector<1x16xf32> to vector<16xf32>
      %swap3A_1138 = vector.shape_cast %add3A_1129 : vector<16xf32> to vector<1x16xf32>
      tpu.vector_store %swap3A_1133[%swap3A_1134, %swap3A_1135], %swap3A_1138 {strides = array<i32>} : memref<64x128xf32, #tpu.memory_space<vmem>>, vector<1x16xf32>,
    }
    %scan3A_582 = arith.constant 64 : i32
    %add3A_583 = arith.constant 256 : i32
    %add3A_584 = arith.addi %mul3A_2, %add3A_583 : i32
    %dma_start3A_585 = arith.constant 4 : i32
    %dma_start3A_586 = arith.constant 0 : i32
    %dma_start3A_587 = arith.constant 0 : i32
    %dma_start3A_588 = tpu.memref_slice %arg8[%dma_start3A_585, %dma_start3A_586, %dma_start3A_587] : memref<6x64x128xf32, #tpu.memory_space<vmem>> -> memref<1x64x128xf32, #tpu.memory_space<vmem>>
    %dma_start3A_589 = tpu.memref_squeeze %dma_start3A_588 : memref<1x64x128xf32, #tpu.memory_space<vmem>> -> memref<64x128xf32, #tpu.memory_space<vmem>>
    %dma_start3A_590 = arith.constant 0 : i32
    %dma_start3A_591 = tpu.memref_slice %arg5[%add3A_584, %dma_start3A_590] : memref<16384x128xf32, #tpu.memory_space<hbm>> -> memref<64x128xf32, #tpu.memory_space<hbm>>
    %dma_start3A_592 = arith.constant 0 : i32
    %dma_start3A_593 = tpu.memref_slice %arg5[%add3A_584, %dma_start3A_592] : memref<16384x128xf32, #tpu.memory_space<hbm>> -> memref<64x128xf32, #tpu.memory_space<hbm>>
    %dma_start3A_594 = arith.constant 0 : i32
    %dma_start3A_595 = arith.constant 0 : i32
    %dma_start3A_596 = tpu.memref_slice %arg8[%dma_start3A_585, %dma_start3A_594, %dma_start3A_595] : memref<6x64x128xf32, #tpu.memory_space<vmem>> -> memref<1x64x128xf32, #tpu.memory_space<vmem>>
    %dma_start3A_597 = tpu.memref_squeeze %dma_start3A_596 : memref<1x64x128xf32, #tpu.memory_space<vmem>> -> memref<64x128xf32, #tpu.memory_space<vmem>>
    tpu.enqueue_dma source(%dma_start3A_597 : memref<64x128xf32, #tpu.memory_space<vmem>>) target(%dma_start3A_593 : memref<64x128xf32, #tpu.memory_space<hbm>>) target_semaphore(%arg20 : memref<!tpu.dma_semaphore, #tpu.memory_space<semaphore_mem>>)
    %dma_wait3A_598 = arith.constant 1 : i32
    %dma_wait3A_599 = arith.constant 0 : i32
    %dma_wait3A_600 = arith.constant 0 : i32
    %dma_wait3A_601 = tpu.memref_slice %arg8[%dma_wait3A_598, %dma_wait3A_599, %dma_wait3A_600] : memref<6x64x128xf32, #tpu.memory_space<vmem>> -> memref<1x64x128xf32, #tpu.memory_space<vmem>>
    %dma_wait3A_602 = tpu.memref_squeeze %dma_wait3A_601 : memref<1x64x128xf32, #tpu.memory_space<vmem>> -> memref<64x128xf32, #tpu.memory_space<vmem>>
    %dma_wait3A_603 = arith.constant 0 : i32
    %dma_wait3A_604 = tpu.memref_slice %arg5[%add3A_316, %dma_wait3A_603] : memref<16384x128xf32, #tpu.memory_space<hbm>> -> memref<64x128xf32, #tpu.memory_space<hbm>>
    %dma_wait3A_605 = arith.constant 0 : i32
    %dma_wait3A_606 = tpu.memref_slice %arg5[%add3A_316, %dma_wait3A_605] : memref<16384x128xf32, #tpu.memory_space<hbm>> -> memref<64x128xf32, #tpu.memory_space<hbm>>
    %dma_wait3A_607 = arith.constant 0 : i32
    %dma_wait3A_608 = arith.constant 0 : i32
    %dma_wait3A_609 = tpu.memref_slice %arg8[%dma_wait3A_598, %dma_wait3A_607, %dma_wait3A_608] : memref<6x64x128xf32, #tpu.memory_space<vmem>> -> memref<1x64x128xf32, #tpu.memory_space<vmem>>
    %dma_wait3A_610 = tpu.memref_squeeze %dma_wait3A_609 : memref<1x64x128xf32, #tpu.memory_space<vmem>> -> memref<64x128xf32, #tpu.memory_space<vmem>>
    tpu.wait_dma2 semaphore(%arg17 : memref<!tpu.dma_semaphore, #tpu.memory_space<semaphore_mem>>) src(%dma_wait3A_610 : memref<64x128xf32, #tpu.memory_space<vmem>>) dst(%dma_wait3A_606 : memref<64x128xf32, #tpu.memory_space<hbm>>)
    %add3A_611 = arith.constant 448 : i32
    %add3A_612 = arith.addi %mul3A_2, %add3A_611 : i32
    %dma_start3A_613 = arith.constant 1 : i32
    %dma_start3A_614 = arith.constant 0 : i32
    %dma_start3A_615 = arith.constant 0 : i32
    %dma_start3A_616 = tpu.memref_slice %arg8[%dma_start3A_613, %dma_start3A_614, %dma_start3A_615] : memref<6x64x128xf32, #tpu.memory_space<vmem>> -> memref<1x64x128xf32, #tpu.memory_space<vmem>>
    %dma_start3A_617 = tpu.memref_squeeze %dma_start3A_616 : memref<1x64x128xf32, #tpu.memory_space<vmem>> -> memref<64x128xf32, #tpu.memory_space<vmem>>
    %dma_start3A_618 = arith.constant 0 : i32
    %dma_start3A_619 = tpu.memref_slice %arg2[%add3A_612, %dma_start3A_618] : memref<16384x128xf32, #tpu.memory_space<hbm>> -> memref<64x128xf32, #tpu.memory_space<hbm>>
    %dma_start3A_620 = arith.constant 0 : i32
    %dma_start3A_621 = arith.constant 0 : i32
    %dma_start3A_622 = tpu.memref_slice %arg8[%dma_start3A_613, %dma_start3A_620, %dma_start3A_621] : memref<6x64x128xf32, #tpu.memory_space<vmem>> -> memref<1x64x128xf32, #tpu.memory_space<vmem>>
    %dma_start3A_623 = tpu.memref_squeeze %dma_start3A_622 : memref<1x64x128xf32, #tpu.memory_space<vmem>> -> memref<64x128xf32, #tpu.memory_space<vmem>>
    %dma_start3A_624 = arith.constant 0 : i32
    %dma_start3A_625 = tpu.memref_slice %arg2[%add3A_612, %dma_start3A_624] : memref<16384x128xf32, #tpu.memory_space<hbm>> -> memref<64x128xf32, #tpu.memory_space<hbm>>
    tpu.enqueue_dma source(%dma_start3A_625 : memref<64x128xf32, #tpu.memory_space<hbm>>) target(%dma_start3A_623 : memref<64x128xf32, #tpu.memory_space<vmem>>) target_semaphore(%arg11 : memref<!tpu.dma_semaphore, #tpu.memory_space<semaphore_mem>>)
    %dma_wait3A_626 = arith.constant 7 : i32
    %dma_wait3A_627 = arith.constant 0 : i32
    %dma_wait3A_628 = tpu.memref_slice %arg6[%dma_wait3A_626, %dma_wait3A_627] : memref<8x64xi32, #tpu.memory_space<vmem>> -> memref<1x64xi32, #tpu.memory_space<vmem>>
    %dma_wait3A_629 = tpu.memref_squeeze %dma_wait3A_628 : memref<1x64xi32, #tpu.memory_space<vmem>> -> memref<64xi32, #tpu.memory_space<vmem>>
    %dma_wait3A_630 = tpu.memref_slice %arg3[%add3A_80] : memref<16384xi32, #tpu.memory_space<hbm>> -> memref<64xi32, #tpu.memory_space<hbm>>
    %dma_wait3A_631 = arith.constant 0 : i32
    %dma_wait3A_632 = tpu.memref_slice %arg6[%dma_wait3A_626, %dma_wait3A_631] : memref<8x64xi32, #tpu.memory_space<vmem>> -> memref<1x64xi32, #tpu.memory_space<vmem>>
    %dma_wait3A_633 = tpu.memref_squeeze %dma_wait3A_632 : memref<1x64xi32, #tpu.memory_space<vmem>> -> memref<64xi32, #tpu.memory_space<vmem>>
    %dma_wait3A_634 = tpu.memref_slice %arg3[%add3A_80] : memref<16384xi32, #tpu.memory_space<hbm>> -> memref<64xi32, #tpu.memory_space<hbm>>
    tpu.wait_dma2 semaphore(%arg9 : memref<!tpu.dma_semaphore, #tpu.memory_space<semaphore_mem>>) src(%dma_wait3A_634 : memref<64xi32, #tpu.memory_space<hbm>>) dst(%dma_wait3A_633 : memref<64xi32, #tpu.memory_space<vmem>>)
    %dma_start3A_635 = arith.constant 7 : i32
    %dma_start3A_636 = arith.constant 1 : i32
    %dma_start3A_637 = arith.constant 0 : i32
    %dma_start3A_638 = arith.constant 0 : i32
    %dma_start3A_639 = tpu.memref_slice %arg7[%dma_start3A_636, %dma_start3A_637, %dma_start3A_638] : memref<6x64x128xi32, #tpu.memory_space<vmem>> -> memref<1x64x128xi32, #tpu.memory_space<vmem>>
    %dma_start3A_640 = tpu.memref_squeeze %dma_start3A_639 : memref<1x64x128xi32, #tpu.memory_space<vmem>> -> memref<64x128xi32, #tpu.memory_space<vmem>>
    %dma_start3A_641 = arith.constant 0 : i32
    %dma_start3A_642 = tpu.memref_slice %arg6[%dma_start3A_635, %dma_start3A_641] : memref<8x64xi32, #tpu.memory_space<vmem>> -> memref<1x64xi32, #tpu.memory_space<vmem>>
    %dma_start3A_643 = tpu.memref_squeeze %dma_start3A_642 : memref<1x64xi32, #tpu.memory_space<vmem>> -> memref<64xi32, #tpu.memory_space<vmem>>
    %dma_start3A_644 = arith.constant 0 : i32
    %dma_start3A_645 = arith.constant 0 : i32
    %dma_start3A_646 = tpu.memref_slice %arg4[%dma_start3A_644, %dma_start3A_645] : memref<1000x128xi32, #tpu.memory_space<hbm>> -> memref<1000x128xi32, #tpu.memory_space<hbm>>
    tpu.enqueue_indirect_dma source(%dma_start3A_646 : memref<1000x128xi32, #tpu.memory_space<hbm>>) target(%dma_start3A_640 : memref<64x128xi32, #tpu.memory_space<vmem>>) offsets(%dma_start3A_643 : memref<64xi32, #tpu.memory_space<vmem>>) semaphore(%arg11 : memref<!tpu.dma_semaphore, #tpu.memory_space<semaphore_mem>>)
    %dma_wait3A_647 = arith.constant 5 : i32
    %dma_wait3A_648 = arith.constant 5 : i32
    %dma_wait3A_649 = arith.constant 0 : i32
    %dma_wait3A_650 = arith.constant 0 : i32
    %dma_wait3A_651 = tpu.memref_slice %arg7[%dma_wait3A_648, %dma_wait3A_649, %dma_wait3A_650] : memref<6x64x128xi32, #tpu.memory_space<vmem>> -> memref<1x64x128xi32, #tpu.memory_space<vmem>>
    %dma_wait3A_652 = tpu.memref_squeeze %dma_wait3A_651 : memref<1x64x128xi32, #tpu.memory_space<vmem>> -> memref<64x128xi32, #tpu.memory_space<vmem>>
    %dma_wait3A_653 = arith.constant 0 : i32
    %dma_wait3A_654 = tpu.memref_slice %arg6[%dma_wait3A_647, %dma_wait3A_653] : memref<8x64xi32, #tpu.memory_space<vmem>> -> memref<1x64xi32, #tpu.memory_space<vmem>>
    %dma_wait3A_655 = tpu.memref_squeeze %dma_wait3A_654 : memref<1x64xi32, #tpu.memory_space<vmem>> -> memref<64xi32, #tpu.memory_space<vmem>>
    %dma_wait3A_656 = arith.constant 0 : i32
    %dma_wait3A_657 = arith.constant 0 : i32
    %dma_wait3A_658 = tpu.memref_slice %arg4[%dma_wait3A_656, %dma_wait3A_657] : memref<1000x128xi32, #tpu.memory_space<hbm>> -> memref<1000x128xi32, #tpu.memory_space<hbm>>
    tpu.wait_indirect_dma semaphore(%arg15 : memref<!tpu.dma_semaphore, #tpu.memory_space<semaphore_mem>>) src(%dma_wait3A_658 : memref<1000x128xi32, #tpu.memory_space<hbm>>) dst(%dma_wait3A_652 : memref<64x128xi32, #tpu.memory_space<vmem>>)
    %dma_wait3A_659 = arith.constant 5 : i32
    %dma_wait3A_660 = arith.constant 0 : i32
    %dma_wait3A_661 = arith.constant 0 : i32
    %dma_wait3A_662 = tpu.memref_slice %arg8[%dma_wait3A_659, %dma_wait3A_660, %dma_wait3A_661] : memref<6x64x128xf32, #tpu.memory_space<vmem>> -> memref<1x64x128xf32, #tpu.memory_space<vmem>>
    %dma_wait3A_663 = tpu.memref_squeeze %dma_wait3A_662 : memref<1x64x128xf32, #tpu.memory_space<vmem>> -> memref<64x128xf32, #tpu.memory_space<vmem>>
    %dma_wait3A_664 = arith.constant 0 : i32
    %dma_wait3A_665 = tpu.memref_slice %arg2[%add3A_416, %dma_wait3A_664] : memref<16384x128xf32, #tpu.memory_space<hbm>> -> memref<64x128xf32, #tpu.memory_space<hbm>>
    %dma_wait3A_666 = arith.constant 0 : i32
    %dma_wait3A_667 = arith.constant 0 : i32
    %dma_wait3A_668 = tpu.memref_slice %arg8[%dma_wait3A_659, %dma_wait3A_666, %dma_wait3A_667] : memref<6x64x128xf32, #tpu.memory_space<vmem>> -> memref<1x64x128xf32, #tpu.memory_space<vmem>>
    %dma_wait3A_669 = tpu.memref_squeeze %dma_wait3A_668 : memref<1x64x128xf32, #tpu.memory_space<vmem>> -> memref<64x128xf32, #tpu.memory_space<vmem>>
    %dma_wait3A_670 = arith.constant 0 : i32
    %dma_wait3A_671 = tpu.memref_slice %arg2[%add3A_416, %dma_wait3A_670] : memref<16384x128xf32, #tpu.memory_space<hbm>> -> memref<64x128xf32, #tpu.memory_space<hbm>>
    tpu.wait_dma2 semaphore(%arg15 : memref<!tpu.dma_semaphore, #tpu.memory_space<semaphore_mem>>) src(%dma_wait3A_671 : memref<64x128xf32, #tpu.memory_space<hbm>>) dst(%dma_wait3A_669 : memref<64x128xf32, #tpu.memory_space<vmem>>)
    %scan3A_672 = arith.constant 0 : i32
    %scan3A_673 = arith.constant 5 : i32
    %scan3A_674 = arith.constant -65536 : i32
    %scan3A_675 = arith.constant 5 : i32
    %scan3A_676 = arith.constant 0 : i32
    %scan3A_677 = arith.constant 64 : i32
    %scan3A_678 = arith.addi %scan3A_676, %scan3A_677 : i32
    %scan3A_679 = arith.constant 1 : i32
    scf.for %scan3A_872 = %scan3A_676 to %scan3A_678 step %scan3A_679  : i32 {
      %mul3A_873 = arith.constant 1 : i32
      %mul3A_874 = arith.muli %scan3A_872, %mul3A_873 : i32
      %add3A_875 = arith.constant 0 : i32
      %add3A_876 = arith.addi %mul3A_874, %add3A_875 : i32
      %get3A = arith.constant 0 : i32
      %get3A_877 = arith.constant 0 : i32
      %get3A_878 = tpu.memref_slice %arg7[%scan3A_673, %get3A, %get3A_877] : memref<6x64x128xi32, #tpu.memory_space<vmem>> -> memref<1x64x128xi32, #tpu.memory_space<vmem>>
      %get3A_879 = tpu.memref_squeeze %get3A_878 : memref<1x64x128xi32, #tpu.memory_space<vmem>> -> memref<64x128xi32, #tpu.memory_space<vmem>>
      %get3A_880 = arith.index_cast %add3A_876 : i32 to index
      %get3A_881 = arith.constant 0 : index
      %get3A_882 = tpu.vector_load %get3A_879[%get3A_880, %get3A_881] {strides = array<i32>} : memref<64x128xi32, #tpu.memory_space<vmem>>, vector<1x16xi32>,
      %get3A_883 = vector.shape_cast %get3A_882 : vector<1x16xi32> to vector<16xi32>
      %get3A_884 = arith.constant 0 : i32
      %get3A_885 = arith.constant 0 : i32
      %get3A_886 = tpu.memref_slice %arg7[%scan3A_673, %get3A_884, %get3A_885] : memref<6x64x128xi32, #tpu.memory_space<vmem>> -> memref<1x64x128xi32, #tpu.memory_space<vmem>>
      %get3A_887 = tpu.memref_squeeze %get3A_886 : memref<1x64x128xi32, #tpu.memory_space<vmem>> -> memref<64x128xi32, #tpu.memory_space<vmem>>
      %get3A_888 = arith.index_cast %add3A_876 : i32 to index
      %get3A_889 = arith.constant 16 : index
      %get3A_890 = tpu.vector_load %get3A_887[%get3A_888, %get3A_889] {strides = array<i32>} : memref<64x128xi32, #tpu.memory_space<vmem>>, vector<1x16xi32>,
      %get3A_891 = vector.shape_cast %get3A_890 : vector<1x16xi32> to vector<16xi32>
      %broadcast_in_dim3A = arith.constant 16 : i32
      %broadcast_in_dim3A_892 = vector.broadcast %broadcast_in_dim3A : i32 to vector<16xi32>
      %broadcast_in_dim3A_893 = vector.broadcast %scan3A_674 : i32 to vector<16xi32>
      %shift_left3A = arith.shli %get3A_883, %broadcast_in_dim3A_892 : vector<16xi32>
      %bitcast_convert_type3A = tpu.bitcast %shift_left3A : vector<16xi32> -> vector<16xf32>
      %and3A = arith.andi %get3A_883, %broadcast_in_dim3A_893 : vector<16xi32>
      %bitcast_convert_type3A_894 = tpu.bitcast %and3A : vector<16xi32> -> vector<16xf32>
      %shift_left3A_895 = arith.shli %get3A_891, %broadcast_in_dim3A_892 : vector<16xi32>
      %bitcast_convert_type3A_896 = tpu.bitcast %shift_left3A_895 : vector<16xi32> -> vector<16xf32>
      %and3A_897 = arith.andi %get3A_891, %broadcast_in_dim3A_893 : vector<16xi32>
      %bitcast_convert_type3A_898 = tpu.bitcast %and3A_897 : vector<16xi32> -> vector<16xf32>
      %get3A_899 = arith.constant 0 : i32
      %get3A_900 = arith.constant 0 : i32
      %get3A_901 = tpu.memref_slice %arg8[%scan3A_675, %get3A_899, %get3A_900] : memref<6x64x128xf32, #tpu.memory_space<vmem>> -> memref<1x64x128xf32, #tpu.memory_space<vmem>>
      %get3A_902 = tpu.memref_squeeze %get3A_901 : memref<1x64x128xf32, #tpu.memory_space<vmem>> -> memref<64x128xf32, #tpu.memory_space<vmem>>
      %get3A_903 = arith.index_cast %add3A_876 : i32 to index
      %get3A_904 = arith.constant 0 : index
      %get3A_905 = tpu.vector_load %get3A_902[%get3A_903, %get3A_904] {strides = array<i32>} : memref<64x128xf32, #tpu.memory_space<vmem>>, vector<1x16xf32>,
      %get3A_906 = vector.shape_cast %get3A_905 : vector<1x16xf32> to vector<16xf32>
      %get3A_907 = arith.constant 0 : i32
      %get3A_908 = arith.constant 0 : i32
      %get3A_909 = tpu.memref_slice %arg8[%scan3A_675, %get3A_907, %get3A_908] : memref<6x64x128xf32, #tpu.memory_space<vmem>> -> memref<1x64x128xf32, #tpu.memory_space<vmem>>
      %get3A_910 = tpu.memref_squeeze %get3A_909 : memref<1x64x128xf32, #tpu.memory_space<vmem>> -> memref<64x128xf32, #tpu.memory_space<vmem>>
      %get3A_911 = arith.index_cast %add3A_876 : i32 to index
      %get3A_912 = arith.constant 16 : index
      %get3A_913 = tpu.vector_load %get3A_910[%get3A_911, %get3A_912] {strides = array<i32>} : memref<64x128xf32, #tpu.memory_space<vmem>>, vector<1x16xf32>,
      %get3A_914 = vector.shape_cast %get3A_913 : vector<1x16xf32> to vector<16xf32>
      %mul3A_915 = arith.mulf %get3A_906, %bitcast_convert_type3A : vector<16xf32>
      %add3A_916 = arith.addf %get3A_906, %mul3A_915 : vector<16xf32>
      %add3A_917 = arith.addf %add3A_916, %bitcast_convert_type3A_896 : vector<16xf32>
      %swap3A = arith.constant 0 : i32
      %swap3A_918 = arith.constant 0 : i32
      %swap3A_919 = tpu.memref_slice %arg8[%scan3A_675, %swap3A, %swap3A_918] : memref<6x64x128xf32, #tpu.memory_space<vmem>> -> memref<1x64x128xf32, #tpu.memory_space<vmem>>
      %swap3A_920 = tpu.memref_squeeze %swap3A_919 : memref<1x64x128xf32, #tpu.memory_space<vmem>> -> memref<64x128xf32, #tpu.memory_space<vmem>>
      %swap3A_921 = arith.index_cast %add3A_876 : i32 to index
      %swap3A_922 = arith.constant 0 : index
      %swap3A_923 = tpu.vector_load %swap3A_920[%swap3A_921, %swap3A_922] {strides = array<i32>} : memref<64x128xf32, #tpu.memory_space<vmem>>, vector<1x16xf32>,
      %swap3A_924 = vector.shape_cast %swap3A_923 : vector<1x16xf32> to vector<16xf32>
      %swap3A_925 = vector.shape_cast %add3A_917 : vector<16xf32> to vector<1x16xf32>
      tpu.vector_store %swap3A_920[%swap3A_921, %swap3A_922], %swap3A_925 {strides = array<i32>} : memref<64x128xf32, #tpu.memory_space<vmem>>, vector<1x16xf32>,
      %mul3A_926 = arith.mulf %get3A_914, %bitcast_convert_type3A_894 : vector<16xf32>
      %add3A_927 = arith.addf %get3A_914, %mul3A_926 : vector<16xf32>
      %add3A_928 = arith.addf %add3A_927, %bitcast_convert_type3A_898 : vector<16xf32>
      %swap3A_929 = arith.constant 0 : i32
      %swap3A_930 = arith.constant 0 : i32
      %swap3A_931 = tpu.memref_slice %arg8[%scan3A_675, %swap3A_929, %swap3A_930] : memref<6x64x128xf32, #tpu.memory_space<vmem>> -> memref<1x64x128xf32, #tpu.memory_space<vmem>>
      %swap3A_932 = tpu.memref_squeeze %swap3A_931 : memref<1x64x128xf32, #tpu.memory_space<vmem>> -> memref<64x128xf32, #tpu.memory_space<vmem>>
      %swap3A_933 = arith.index_cast %add3A_876 : i32 to index
      %swap3A_934 = arith.constant 16 : index
      %swap3A_935 = tpu.vector_load %swap3A_932[%swap3A_933, %swap3A_934] {strides = array<i32>} : memref<64x128xf32, #tpu.memory_space<vmem>>, vector<1x16xf32>,
      %swap3A_936 = vector.shape_cast %swap3A_935 : vector<1x16xf32> to vector<16xf32>
      %swap3A_937 = vector.shape_cast %add3A_928 : vector<16xf32> to vector<1x16xf32>
      tpu.vector_store %swap3A_932[%swap3A_933, %swap3A_934], %swap3A_937 {strides = array<i32>} : memref<64x128xf32, #tpu.memory_space<vmem>>, vector<1x16xf32>,
      %get3A_938 = arith.constant 0 : i32
      %get3A_939 = arith.constant 0 : i32
      %get3A_940 = tpu.memref_slice %arg7[%scan3A_673, %get3A_938, %get3A_939] : memref<6x64x128xi32, #tpu.memory_space<vmem>> -> memref<1x64x128xi32, #tpu.memory_space<vmem>>
      %get3A_941 = tpu.memref_squeeze %get3A_940 : memref<1x64x128xi32, #tpu.memory_space<vmem>> -> memref<64x128xi32, #tpu.memory_space<vmem>>
      %get3A_942 = arith.index_cast %add3A_876 : i32 to index
      %get3A_943 = arith.constant 32 : index
      %get3A_944 = tpu.vector_load %get3A_941[%get3A_942, %get3A_943] {strides = array<i32>} : memref<64x128xi32, #tpu.memory_space<vmem>>, vector<1x16xi32>,
      %get3A_945 = vector.shape_cast %get3A_944 : vector<1x16xi32> to vector<16xi32>
      %get3A_946 = arith.constant 0 : i32
      %get3A_947 = arith.constant 0 : i32
      %get3A_948 = tpu.memref_slice %arg7[%scan3A_673, %get3A_946, %get3A_947] : memref<6x64x128xi32, #tpu.memory_space<vmem>> -> memref<1x64x128xi32, #tpu.memory_space<vmem>>
      %get3A_949 = tpu.memref_squeeze %get3A_948 : memref<1x64x128xi32, #tpu.memory_space<vmem>> -> memref<64x128xi32, #tpu.memory_space<vmem>>
      %get3A_950 = arith.index_cast %add3A_876 : i32 to index
      %get3A_951 = arith.constant 48 : index
      %get3A_952 = tpu.vector_load %get3A_949[%get3A_950, %get3A_951] {strides = array<i32>} : memref<64x128xi32, #tpu.memory_space<vmem>>, vector<1x16xi32>,
      %get3A_953 = vector.shape_cast %get3A_952 : vector<1x16xi32> to vector<16xi32>
      %broadcast_in_dim3A_954 = arith.constant 16 : i32
      %broadcast_in_dim3A_955 = vector.broadcast %broadcast_in_dim3A_954 : i32 to vector<16xi32>
      %broadcast_in_dim3A_956 = vector.broadcast %scan3A_674 : i32 to vector<16xi32>
      %shift_left3A_957 = arith.shli %get3A_945, %broadcast_in_dim3A_955 : vector<16xi32>
      %bitcast_convert_type3A_958 = tpu.bitcast %shift_left3A_957 : vector<16xi32> -> vector<16xf32>
      %and3A_959 = arith.andi %get3A_945, %broadcast_in_dim3A_956 : vector<16xi32>
      %bitcast_convert_type3A_960 = tpu.bitcast %and3A_959 : vector<16xi32> -> vector<16xf32>
      %shift_left3A_961 = arith.shli %get3A_953, %broadcast_in_dim3A_955 : vector<16xi32>
      %bitcast_convert_type3A_962 = tpu.bitcast %shift_left3A_961 : vector<16xi32> -> vector<16xf32>
      %and3A_963 = arith.andi %get3A_953, %broadcast_in_dim3A_956 : vector<16xi32>
      %bitcast_convert_type3A_964 = tpu.bitcast %and3A_963 : vector<16xi32> -> vector<16xf32>
      %get3A_965 = arith.constant 0 : i32
      %get3A_966 = arith.constant 0 : i32
      %get3A_967 = tpu.memref_slice %arg8[%scan3A_675, %get3A_965, %get3A_966] : memref<6x64x128xf32, #tpu.memory_space<vmem>> -> memref<1x64x128xf32, #tpu.memory_space<vmem>>
      %get3A_968 = tpu.memref_squeeze %get3A_967 : memref<1x64x128xf32, #tpu.memory_space<vmem>> -> memref<64x128xf32, #tpu.memory_space<vmem>>
      %get3A_969 = arith.index_cast %add3A_876 : i32 to index
      %get3A_970 = arith.constant 32 : index
      %get3A_971 = tpu.vector_load %get3A_968[%get3A_969, %get3A_970] {strides = array<i32>} : memref<64x128xf32, #tpu.memory_space<vmem>>, vector<1x16xf32>,
      %get3A_972 = vector.shape_cast %get3A_971 : vector<1x16xf32> to vector<16xf32>
      %get3A_973 = arith.constant 0 : i32
      %get3A_974 = arith.constant 0 : i32
      %get3A_975 = tpu.memref_slice %arg8[%scan3A_675, %get3A_973, %get3A_974] : memref<6x64x128xf32, #tpu.memory_space<vmem>> -> memref<1x64x128xf32, #tpu.memory_space<vmem>>
      %get3A_976 = tpu.memref_squeeze %get3A_975 : memref<1x64x128xf32, #tpu.memory_space<vmem>> -> memref<64x128xf32, #tpu.memory_space<vmem>>
      %get3A_977 = arith.index_cast %add3A_876 : i32 to index
      %get3A_978 = arith.constant 48 : index
      %get3A_979 = tpu.vector_load %get3A_976[%get3A_977, %get3A_978] {strides = array<i32>} : memref<64x128xf32, #tpu.memory_space<vmem>>, vector<1x16xf32>,
      %get3A_980 = vector.shape_cast %get3A_979 : vector<1x16xf32> to vector<16xf32>
      %mul3A_981 = arith.mulf %get3A_972, %bitcast_convert_type3A_958 : vector<16xf32>
      %add3A_982 = arith.addf %get3A_972, %mul3A_981 : vector<16xf32>
      %add3A_983 = arith.addf %add3A_982, %bitcast_convert_type3A_962 : vector<16xf32>
      %swap3A_984 = arith.constant 0 : i32
      %swap3A_985 = arith.constant 0 : i32
      %swap3A_986 = tpu.memref_slice %arg8[%scan3A_675, %swap3A_984, %swap3A_985] : memref<6x64x128xf32, #tpu.memory_space<vmem>> -> memref<1x64x128xf32, #tpu.memory_space<vmem>>
      %swap3A_987 = tpu.memref_squeeze %swap3A_986 : memref<1x64x128xf32, #tpu.memory_space<vmem>> -> memref<64x128xf32, #tpu.memory_space<vmem>>
      %swap3A_988 = arith.index_cast %add3A_876 : i32 to index
      %swap3A_989 = arith.constant 32 : index
      %swap3A_990 = tpu.vector_load %swap3A_987[%swap3A_988, %swap3A_989] {strides = array<i32>} : memref<64x128xf32, #tpu.memory_space<vmem>>, vector<1x16xf32>,
      %swap3A_991 = vector.shape_cast %swap3A_990 : vector<1x16xf32> to vector<16xf32>
      %swap3A_992 = vector.shape_cast %add3A_983 : vector<16xf32> to vector<1x16xf32>
      tpu.vector_store %swap3A_987[%swap3A_988, %swap3A_989], %swap3A_992 {strides = array<i32>} : memref<64x128xf32, #tpu.memory_space<vmem>>, vector<1x16xf32>,
      %mul3A_993 = arith.mulf %get3A_980, %bitcast_convert_type3A_960 : vector<16xf32>
      %add3A_994 = arith.addf %get3A_980, %mul3A_993 : vector<16xf32>
      %add3A_995 = arith.addf %add3A_994, %bitcast_convert_type3A_964 : vector<16xf32>
      %swap3A_996 = arith.constant 0 : i32
      %swap3A_997 = arith.constant 0 : i32
      %swap3A_998 = tpu.memref_slice %arg8[%scan3A_675, %swap3A_996, %swap3A_997] : memref<6x64x128xf32, #tpu.memory_space<vmem>> -> memref<1x64x128xf32, #tpu.memory_space<vmem>>
      %swap3A_999 = tpu.memref_squeeze %swap3A_998 : memref<1x64x128xf32, #tpu.memory_space<vmem>> -> memref<64x128xf32, #tpu.memory_space<vmem>>
      %swap3A_1000 = arith.index_cast %add3A_876 : i32 to index
      %swap3A_1001 = arith.constant 48 : index
      %swap3A_1002 = tpu.vector_load %swap3A_999[%swap3A_1000, %swap3A_1001] {strides = array<i32>} : memref<64x128xf32, #tpu.memory_space<vmem>>, vector<1x16xf32>,
      %swap3A_1003 = vector.shape_cast %swap3A_1002 : vector<1x16xf32> to vector<16xf32>
      %swap3A_1004 = vector.shape_cast %add3A_995 : vector<16xf32> to vector<1x16xf32>
      tpu.vector_store %swap3A_999[%swap3A_1000, %swap3A_1001], %swap3A_1004 {strides = array<i32>} : memref<64x128xf32, #tpu.memory_space<vmem>>, vector<1x16xf32>,
      %get3A_1005 = arith.constant 0 : i32
      %get3A_1006 = arith.constant 0 : i32
      %get3A_1007 = tpu.memref_slice %arg7[%scan3A_673, %get3A_1005, %get3A_1006] : memref<6x64x128xi32, #tpu.memory_space<vmem>> -> memref<1x64x128xi32, #tpu.memory_space<vmem>>
      %get3A_1008 = tpu.memref_squeeze %get3A_1007 : memref<1x64x128xi32, #tpu.memory_space<vmem>> -> memref<64x128xi32, #tpu.memory_space<vmem>>
      %get3A_1009 = arith.index_cast %add3A_876 : i32 to index
      %get3A_1010 = arith.constant 64 : index
      %get3A_1011 = tpu.vector_load %get3A_1008[%get3A_1009, %get3A_1010] {strides = array<i32>} : memref<64x128xi32, #tpu.memory_space<vmem>>, vector<1x16xi32>,
      %get3A_1012 = vector.shape_cast %get3A_1011 : vector<1x16xi32> to vector<16xi32>
      %get3A_1013 = arith.constant 0 : i32
      %get3A_1014 = arith.constant 0 : i32
      %get3A_1015 = tpu.memref_slice %arg7[%scan3A_673, %get3A_1013, %get3A_1014] : memref<6x64x128xi32, #tpu.memory_space<vmem>> -> memref<1x64x128xi32, #tpu.memory_space<vmem>>
      %get3A_1016 = tpu.memref_squeeze %get3A_1015 : memref<1x64x128xi32, #tpu.memory_space<vmem>> -> memref<64x128xi32, #tpu.memory_space<vmem>>
      %get3A_1017 = arith.index_cast %add3A_876 : i32 to index
      %get3A_1018 = arith.constant 80 : index
      %get3A_1019 = tpu.vector_load %get3A_1016[%get3A_1017, %get3A_1018] {strides = array<i32>} : memref<64x128xi32, #tpu.memory_space<vmem>>, vector<1x16xi32>,
      %get3A_1020 = vector.shape_cast %get3A_1019 : vector<1x16xi32> to vector<16xi32>
      %broadcast_in_dim3A_1021 = arith.constant 16 : i32
      %broadcast_in_dim3A_1022 = vector.broadcast %broadcast_in_dim3A_1021 : i32 to vector<16xi32>
      %broadcast_in_dim3A_1023 = vector.broadcast %scan3A_674 : i32 to vector<16xi32>
      %shift_left3A_1024 = arith.shli %get3A_1012, %broadcast_in_dim3A_1022 : vector<16xi32>
      %bitcast_convert_type3A_1025 = tpu.bitcast %shift_left3A_1024 : vector<16xi32> -> vector<16xf32>
      %and3A_1026 = arith.andi %get3A_1012, %broadcast_in_dim3A_1023 : vector<16xi32>
      %bitcast_convert_type3A_1027 = tpu.bitcast %and3A_1026 : vector<16xi32> -> vector<16xf32>
      %shift_left3A_1028 = arith.shli %get3A_1020, %broadcast_in_dim3A_1022 : vector<16xi32>
      %bitcast_convert_type3A_1029 = tpu.bitcast %shift_left3A_1028 : vector<16xi32> -> vector<16xf32>
      %and3A_1030 = arith.andi %get3A_1020, %broadcast_in_dim3A_1023 : vector<16xi32>
      %bitcast_convert_type3A_1031 = tpu.bitcast %and3A_1030 : vector<16xi32> -> vector<16xf32>
      %get3A_1032 = arith.constant 0 : i32
      %get3A_1033 = arith.constant 0 : i32
      %get3A_1034 = tpu.memref_slice %arg8[%scan3A_675, %get3A_1032, %get3A_1033] : memref<6x64x128xf32, #tpu.memory_space<vmem>> -> memref<1x64x128xf32, #tpu.memory_space<vmem>>
      %get3A_1035 = tpu.memref_squeeze %get3A_1034 : memref<1x64x128xf32, #tpu.memory_space<vmem>> -> memref<64x128xf32, #tpu.memory_space<vmem>>
      %get3A_1036 = arith.index_cast %add3A_876 : i32 to index
      %get3A_1037 = arith.constant 64 : index
      %get3A_1038 = tpu.vector_load %get3A_1035[%get3A_1036, %get3A_1037] {strides = array<i32>} : memref<64x128xf32, #tpu.memory_space<vmem>>, vector<1x16xf32>,
      %get3A_1039 = vector.shape_cast %get3A_1038 : vector<1x16xf32> to vector<16xf32>
      %get3A_1040 = arith.constant 0 : i32
      %get3A_1041 = arith.constant 0 : i32
      %get3A_1042 = tpu.memref_slice %arg8[%scan3A_675, %get3A_1040, %get3A_1041] : memref<6x64x128xf32, #tpu.memory_space<vmem>> -> memref<1x64x128xf32, #tpu.memory_space<vmem>>
      %get3A_1043 = tpu.memref_squeeze %get3A_1042 : memref<1x64x128xf32, #tpu.memory_space<vmem>> -> memref<64x128xf32, #tpu.memory_space<vmem>>
      %get3A_1044 = arith.index_cast %add3A_876 : i32 to index
      %get3A_1045 = arith.constant 80 : index
      %get3A_1046 = tpu.vector_load %get3A_1043[%get3A_1044, %get3A_1045] {strides = array<i32>} : memref<64x128xf32, #tpu.memory_space<vmem>>, vector<1x16xf32>,
      %get3A_1047 = vector.shape_cast %get3A_1046 : vector<1x16xf32> to vector<16xf32>
      %mul3A_1048 = arith.mulf %get3A_1039, %bitcast_convert_type3A_1025 : vector<16xf32>
      %add3A_1049 = arith.addf %get3A_1039, %mul3A_1048 : vector<16xf32>
      %add3A_1050 = arith.addf %add3A_1049, %bitcast_convert_type3A_1029 : vector<16xf32>
      %swap3A_1051 = arith.constant 0 : i32
      %swap3A_1052 = arith.constant 0 : i32
      %swap3A_1053 = tpu.memref_slice %arg8[%scan3A_675, %swap3A_1051, %swap3A_1052] : memref<6x64x128xf32, #tpu.memory_space<vmem>> -> memref<1x64x128xf32, #tpu.memory_space<vmem>>
      %swap3A_1054 = tpu.memref_squeeze %swap3A_1053 : memref<1x64x128xf32, #tpu.memory_space<vmem>> -> memref<64x128xf32, #tpu.memory_space<vmem>>
      %swap3A_1055 = arith.index_cast %add3A_876 : i32 to index
      %swap3A_1056 = arith.constant 64 : index
      %swap3A_1057 = tpu.vector_load %swap3A_1054[%swap3A_1055, %swap3A_1056] {strides = array<i32>} : memref<64x128xf32, #tpu.memory_space<vmem>>, vector<1x16xf32>,
      %swap3A_1058 = vector.shape_cast %swap3A_1057 : vector<1x16xf32> to vector<16xf32>
      %swap3A_1059 = vector.shape_cast %add3A_1050 : vector<16xf32> to vector<1x16xf32>
      tpu.vector_store %swap3A_1054[%swap3A_1055, %swap3A_1056], %swap3A_1059 {strides = array<i32>} : memref<64x128xf32, #tpu.memory_space<vmem>>, vector<1x16xf32>,
      %mul3A_1060 = arith.mulf %get3A_1047, %bitcast_convert_type3A_1027 : vector<16xf32>
      %add3A_1061 = arith.addf %get3A_1047, %mul3A_1060 : vector<16xf32>
      %add3A_1062 = arith.addf %add3A_1061, %bitcast_convert_type3A_1031 : vector<16xf32>
      %swap3A_1063 = arith.constant 0 : i32
      %swap3A_1064 = arith.constant 0 : i32
      %swap3A_1065 = tpu.memref_slice %arg8[%scan3A_675, %swap3A_1063, %swap3A_1064] : memref<6x64x128xf32, #tpu.memory_space<vmem>> -> memref<1x64x128xf32, #tpu.memory_space<vmem>>
      %swap3A_1066 = tpu.memref_squeeze %swap3A_1065 : memref<1x64x128xf32, #tpu.memory_space<vmem>> -> memref<64x128xf32, #tpu.memory_space<vmem>>
      %swap3A_1067 = arith.index_cast %add3A_876 : i32 to index
      %swap3A_1068 = arith.constant 80 : index
      %swap3A_1069 = tpu.vector_load %swap3A_1066[%swap3A_1067, %swap3A_1068] {strides = array<i32>} : memref<64x128xf32, #tpu.memory_space<vmem>>, vector<1x16xf32>,
      %swap3A_1070 = vector.shape_cast %swap3A_1069 : vector<1x16xf32> to vector<16xf32>
      %swap3A_1071 = vector.shape_cast %add3A_1062 : vector<16xf32> to vector<1x16xf32>
      tpu.vector_store %swap3A_1066[%swap3A_1067, %swap3A_1068], %swap3A_1071 {strides = array<i32>} : memref<64x128xf32, #tpu.memory_space<vmem>>, vector<1x16xf32>,
      %get3A_1072 = arith.constant 0 : i32
      %get3A_1073 = arith.constant 0 : i32
      %get3A_1074 = tpu.memref_slice %arg7[%scan3A_673, %get3A_1072, %get3A_1073] : memref<6x64x128xi32, #tpu.memory_space<vmem>> -> memref<1x64x128xi32, #tpu.memory_space<vmem>>
      %get3A_1075 = tpu.memref_squeeze %get3A_1074 : memref<1x64x128xi32, #tpu.memory_space<vmem>> -> memref<64x128xi32, #tpu.memory_space<vmem>>
      %get3A_1076 = arith.index_cast %add3A_876 : i32 to index
      %get3A_1077 = arith.constant 96 : index
      %get3A_1078 = tpu.vector_load %get3A_1075[%get3A_1076, %get3A_1077] {strides = array<i32>} : memref<64x128xi32, #tpu.memory_space<vmem>>, vector<1x16xi32>,
      %get3A_1079 = vector.shape_cast %get3A_1078 : vector<1x16xi32> to vector<16xi32>
      %get3A_1080 = arith.constant 0 : i32
      %get3A_1081 = arith.constant 0 : i32
      %get3A_1082 = tpu.memref_slice %arg7[%scan3A_673, %get3A_1080, %get3A_1081] : memref<6x64x128xi32, #tpu.memory_space<vmem>> -> memref<1x64x128xi32, #tpu.memory_space<vmem>>
      %get3A_1083 = tpu.memref_squeeze %get3A_1082 : memref<1x64x128xi32, #tpu.memory_space<vmem>> -> memref<64x128xi32, #tpu.memory_space<vmem>>
      %get3A_1084 = arith.index_cast %add3A_876 : i32 to index
      %get3A_1085 = arith.constant 112 : index
      %get3A_1086 = tpu.vector_load %get3A_1083[%get3A_1084, %get3A_1085] {strides = array<i32>} : memref<64x128xi32, #tpu.memory_space<vmem>>, vector<1x16xi32>,
      %get3A_1087 = vector.shape_cast %get3A_1086 : vector<1x16xi32> to vector<16xi32>
      %broadcast_in_dim3A_1088 = arith.constant 16 : i32
      %broadcast_in_dim3A_1089 = vector.broadcast %broadcast_in_dim3A_1088 : i32 to vector<16xi32>
      %broadcast_in_dim3A_1090 = vector.broadcast %scan3A_674 : i32 to vector<16xi32>
      %shift_left3A_1091 = arith.shli %get3A_1079, %broadcast_in_dim3A_1089 : vector<16xi32>
      %bitcast_convert_type3A_1092 = tpu.bitcast %shift_left3A_1091 : vector<16xi32> -> vector<16xf32>
      %and3A_1093 = arith.andi %get3A_1079, %broadcast_in_dim3A_1090 : vector<16xi32>
      %bitcast_convert_type3A_1094 = tpu.bitcast %and3A_1093 : vector<16xi32> -> vector<16xf32>
      %shift_left3A_1095 = arith.shli %get3A_1087, %broadcast_in_dim3A_1089 : vector<16xi32>
      %bitcast_convert_type3A_1096 = tpu.bitcast %shift_left3A_1095 : vector<16xi32> -> vector<16xf32>
      %and3A_1097 = arith.andi %get3A_1087, %broadcast_in_dim3A_1090 : vector<16xi32>
      %bitcast_convert_type3A_1098 = tpu.bitcast %and3A_1097 : vector<16xi32> -> vector<16xf32>
      %get3A_1099 = arith.constant 0 : i32
      %get3A_1100 = arith.constant 0 : i32
      %get3A_1101 = tpu.memref_slice %arg8[%scan3A_675, %get3A_1099, %get3A_1100] : memref<6x64x128xf32, #tpu.memory_space<vmem>> -> memref<1x64x128xf32, #tpu.memory_space<vmem>>
      %get3A_1102 = tpu.memref_squeeze %get3A_1101 : memref<1x64x128xf32, #tpu.memory_space<vmem>> -> memref<64x128xf32, #tpu.memory_space<vmem>>
      %get3A_1103 = arith.index_cast %add3A_876 : i32 to index
      %get3A_1104 = arith.constant 96 : index
      %get3A_1105 = tpu.vector_load %get3A_1102[%get3A_1103, %get3A_1104] {strides = array<i32>} : memref<64x128xf32, #tpu.memory_space<vmem>>, vector<1x16xf32>,
      %get3A_1106 = vector.shape_cast %get3A_1105 : vector<1x16xf32> to vector<16xf32>
      %get3A_1107 = arith.constant 0 : i32
      %get3A_1108 = arith.constant 0 : i32
      %get3A_1109 = tpu.memref_slice %arg8[%scan3A_675, %get3A_1107, %get3A_1108] : memref<6x64x128xf32, #tpu.memory_space<vmem>> -> memref<1x64x128xf32, #tpu.memory_space<vmem>>
      %get3A_1110 = tpu.memref_squeeze %get3A_1109 : memref<1x64x128xf32, #tpu.memory_space<vmem>> -> memref<64x128xf32, #tpu.memory_space<vmem>>
      %get3A_1111 = arith.index_cast %add3A_876 : i32 to index
      %get3A_1112 = arith.constant 112 : index
      %get3A_1113 = tpu.vector_load %get3A_1110[%get3A_1111, %get3A_1112] {strides = array<i32>} : memref<64x128xf32, #tpu.memory_space<vmem>>, vector<1x16xf32>,
      %get3A_1114 = vector.shape_cast %get3A_1113 : vector<1x16xf32> to vector<16xf32>
      %mul3A_1115 = arith.mulf %get3A_1106, %bitcast_convert_type3A_1092 : vector<16xf32>
      %add3A_1116 = arith.addf %get3A_1106, %mul3A_1115 : vector<16xf32>
      %add3A_1117 = arith.addf %add3A_1116, %bitcast_convert_type3A_1096 : vector<16xf32>
      %swap3A_1118 = arith.constant 0 : i32
      %swap3A_1119 = arith.constant 0 : i32
      %swap3A_1120 = tpu.memref_slice %arg8[%scan3A_675, %swap3A_1118, %swap3A_1119] : memref<6x64x128xf32, #tpu.memory_space<vmem>> -> memref<1x64x128xf32, #tpu.memory_space<vmem>>
      %swap3A_1121 = tpu.memref_squeeze %swap3A_1120 : memref<1x64x128xf32, #tpu.memory_space<vmem>> -> memref<64x128xf32, #tpu.memory_space<vmem>>
      %swap3A_1122 = arith.index_cast %add3A_876 : i32 to index
      %swap3A_1123 = arith.constant 96 : index
      %swap3A_1124 = tpu.vector_load %swap3A_1121[%swap3A_1122, %swap3A_1123] {strides = array<i32>} : memref<64x128xf32, #tpu.memory_space<vmem>>, vector<1x16xf32>,
      %swap3A_1125 = vector.shape_cast %swap3A_1124 : vector<1x16xf32> to vector<16xf32>
      %swap3A_1126 = vector.shape_cast %add3A_1117 : vector<16xf32> to vector<1x16xf32>
      tpu.vector_store %swap3A_1121[%swap3A_1122, %swap3A_1123], %swap3A_1126 {strides = array<i32>} : memref<64x128xf32, #tpu.memory_space<vmem>>, vector<1x16xf32>,
      %mul3A_1127 = arith.mulf %get3A_1114, %bitcast_convert_type3A_1094 : vector<16xf32>
      %add3A_1128 = arith.addf %get3A_1114, %mul3A_1127 : vector<16xf32>
      %add3A_1129 = arith.addf %add3A_1128, %bitcast_convert_type3A_1098 : vector<16xf32>
      %swap3A_1130 = arith.constant 0 : i32
      %swap3A_1131 = arith.constant 0 : i32
      %swap3A_1132 = tpu.memref_slice %arg8[%scan3A_675, %swap3A_1130, %swap3A_1131] : memref<6x64x128xf32, #tpu.memory_space<vmem>> -> memref<1x64x128xf32, #tpu.memory_space<vmem>>
      %swap3A_1133 = tpu.memref_squeeze %swap3A_1132 : memref<1x64x128xf32, #tpu.memory_space<vmem>> -> memref<64x128xf32, #tpu.memory_space<vmem>>
      %swap3A_1134 = arith.index_cast %add3A_876 : i32 to index
      %swap3A_1135 = arith.constant 112 : index
      %swap3A_1136 = tpu.vector_load %swap3A_1133[%swap3A_1134, %swap3A_1135] {strides = array<i32>} : memref<64x128xf32, #tpu.memory_space<vmem>>, vector<1x16xf32>,
      %swap3A_1137 = vector.shape_cast %swap3A_1136 : vector<1x16xf32> to vector<16xf32>
      %swap3A_1138 = vector.shape_cast %add3A_1129 : vector<16xf32> to vector<1x16xf32>
      tpu.vector_store %swap3A_1133[%swap3A_1134, %swap3A_1135], %swap3A_1138 {strides = array<i32>} : memref<64x128xf32, #tpu.memory_space<vmem>>, vector<1x16xf32>,
    }
    %scan3A_680 = arith.constant 64 : i32
    %add3A_681 = arith.constant 320 : i32
    %add3A_682 = arith.addi %mul3A_2, %add3A_681 : i32
    %dma_start3A_683 = arith.constant 5 : i32
    %dma_start3A_684 = arith.constant 0 : i32
    %dma_start3A_685 = arith.constant 0 : i32
    %dma_start3A_686 = tpu.memref_slice %arg8[%dma_start3A_683, %dma_start3A_684, %dma_start3A_685] : memref<6x64x128xf32, #tpu.memory_space<vmem>> -> memref<1x64x128xf32, #tpu.memory_space<vmem>>
    %dma_start3A_687 = tpu.memref_squeeze %dma_start3A_686 : memref<1x64x128xf32, #tpu.memory_space<vmem>> -> memref<64x128xf32, #tpu.memory_space<vmem>>
    %dma_start3A_688 = arith.constant 0 : i32
    %dma_start3A_689 = tpu.memref_slice %arg5[%add3A_682, %dma_start3A_688] : memref<16384x128xf32, #tpu.memory_space<hbm>> -> memref<64x128xf32, #tpu.memory_space<hbm>>
    %dma_start3A_690 = arith.constant 0 : i32
    %dma_start3A_691 = tpu.memref_slice %arg5[%add3A_682, %dma_start3A_690] : memref<16384x128xf32, #tpu.memory_space<hbm>> -> memref<64x128xf32, #tpu.memory_space<hbm>>
    %dma_start3A_692 = arith.constant 0 : i32
    %dma_start3A_693 = arith.constant 0 : i32
    %dma_start3A_694 = tpu.memref_slice %arg8[%dma_start3A_683, %dma_start3A_692, %dma_start3A_693] : memref<6x64x128xf32, #tpu.memory_space<vmem>> -> memref<1x64x128xf32, #tpu.memory_space<vmem>>
    %dma_start3A_695 = tpu.memref_squeeze %dma_start3A_694 : memref<1x64x128xf32, #tpu.memory_space<vmem>> -> memref<64x128xf32, #tpu.memory_space<vmem>>
    tpu.enqueue_dma source(%dma_start3A_695 : memref<64x128xf32, #tpu.memory_space<vmem>>) target(%dma_start3A_691 : memref<64x128xf32, #tpu.memory_space<hbm>>) target_semaphore(%arg21 : memref<!tpu.dma_semaphore, #tpu.memory_space<semaphore_mem>>)
    %dma_wait3A_696 = arith.constant 6 : i32
    %dma_wait3A_697 = arith.constant 0 : i32
    %dma_wait3A_698 = arith.constant 0 : i32
    %dma_wait3A_699 = arith.constant 0 : i32
    %dma_wait3A_700 = tpu.memref_slice %arg7[%dma_wait3A_697, %dma_wait3A_698, %dma_wait3A_699] : memref<6x64x128xi32, #tpu.memory_space<vmem>> -> memref<1x64x128xi32, #tpu.memory_space<vmem>>
    %dma_wait3A_701 = tpu.memref_squeeze %dma_wait3A_700 : memref<1x64x128xi32, #tpu.memory_space<vmem>> -> memref<64x128xi32, #tpu.memory_space<vmem>>
    %dma_wait3A_702 = arith.constant 0 : i32
    %dma_wait3A_703 = tpu.memref_slice %arg6[%dma_wait3A_696, %dma_wait3A_702] : memref<8x64xi32, #tpu.memory_space<vmem>> -> memref<1x64xi32, #tpu.memory_space<vmem>>
    %dma_wait3A_704 = tpu.memref_squeeze %dma_wait3A_703 : memref<1x64xi32, #tpu.memory_space<vmem>> -> memref<64xi32, #tpu.memory_space<vmem>>
    %dma_wait3A_705 = arith.constant 0 : i32
    %dma_wait3A_706 = arith.constant 0 : i32
    %dma_wait3A_707 = tpu.memref_slice %arg4[%dma_wait3A_705, %dma_wait3A_706] : memref<1000x128xi32, #tpu.memory_space<hbm>> -> memref<1000x128xi32, #tpu.memory_space<hbm>>
    tpu.wait_indirect_dma semaphore(%arg10 : memref<!tpu.dma_semaphore, #tpu.memory_space<semaphore_mem>>) src(%dma_wait3A_707 : memref<1000x128xi32, #tpu.memory_space<hbm>>) dst(%dma_wait3A_701 : memref<64x128xi32, #tpu.memory_space<vmem>>)
    %dma_wait3A_708 = arith.constant 0 : i32
    %dma_wait3A_709 = arith.constant 0 : i32
    %dma_wait3A_710 = arith.constant 0 : i32
    %dma_wait3A_711 = tpu.memref_slice %arg8[%dma_wait3A_708, %dma_wait3A_709, %dma_wait3A_710] : memref<6x64x128xf32, #tpu.memory_space<vmem>> -> memref<1x64x128xf32, #tpu.memory_space<vmem>>
    %dma_wait3A_712 = tpu.memref_squeeze %dma_wait3A_711 : memref<1x64x128xf32, #tpu.memory_space<vmem>> -> memref<64x128xf32, #tpu.memory_space<vmem>>
    %dma_wait3A_713 = arith.constant 0 : i32
    %dma_wait3A_714 = tpu.memref_slice %arg2[%add3A_514, %dma_wait3A_713] : memref<16384x128xf32, #tpu.memory_space<hbm>> -> memref<64x128xf32, #tpu.memory_space<hbm>>
    %dma_wait3A_715 = arith.constant 0 : i32
    %dma_wait3A_716 = arith.constant 0 : i32
    %dma_wait3A_717 = tpu.memref_slice %arg8[%dma_wait3A_708, %dma_wait3A_715, %dma_wait3A_716] : memref<6x64x128xf32, #tpu.memory_space<vmem>> -> memref<1x64x128xf32, #tpu.memory_space<vmem>>
    %dma_wait3A_718 = tpu.memref_squeeze %dma_wait3A_717 : memref<1x64x128xf32, #tpu.memory_space<vmem>> -> memref<64x128xf32, #tpu.memory_space<vmem>>
    %dma_wait3A_719 = arith.constant 0 : i32
    %dma_wait3A_720 = tpu.memref_slice %arg2[%add3A_514, %dma_wait3A_719] : memref<16384x128xf32, #tpu.memory_space<hbm>> -> memref<64x128xf32, #tpu.memory_space<hbm>>
    tpu.wait_dma2 semaphore(%arg10 : memref<!tpu.dma_semaphore, #tpu.memory_space<semaphore_mem>>) src(%dma_wait3A_720 : memref<64x128xf32, #tpu.memory_space<hbm>>) dst(%dma_wait3A_718 : memref<64x128xf32, #tpu.memory_space<vmem>>)
    %scan3A_721 = arith.constant 0 : i32
    %scan3A_722 = arith.constant 0 : i32
    %scan3A_723 = arith.constant -65536 : i32
    %scan3A_724 = arith.constant 0 : i32
    %scan3A_725 = arith.constant 0 : i32
    %scan3A_726 = arith.constant 64 : i32
    %scan3A_727 = arith.addi %scan3A_725, %scan3A_726 : i32
    %scan3A_728 = arith.constant 1 : i32
    scf.for %scan3A_872 = %scan3A_725 to %scan3A_727 step %scan3A_728  : i32 {
      %mul3A_873 = arith.constant 1 : i32
      %mul3A_874 = arith.muli %scan3A_872, %mul3A_873 : i32
      %add3A_875 = arith.constant 0 : i32
      %add3A_876 = arith.addi %mul3A_874, %add3A_875 : i32
      %get3A = arith.constant 0 : i32
      %get3A_877 = arith.constant 0 : i32
      %get3A_878 = tpu.memref_slice %arg7[%scan3A_722, %get3A, %get3A_877] : memref<6x64x128xi32, #tpu.memory_space<vmem>> -> memref<1x64x128xi32, #tpu.memory_space<vmem>>
      %get3A_879 = tpu.memref_squeeze %get3A_878 : memref<1x64x128xi32, #tpu.memory_space<vmem>> -> memref<64x128xi32, #tpu.memory_space<vmem>>
      %get3A_880 = arith.index_cast %add3A_876 : i32 to index
      %get3A_881 = arith.constant 0 : index
      %get3A_882 = tpu.vector_load %get3A_879[%get3A_880, %get3A_881] {strides = array<i32>} : memref<64x128xi32, #tpu.memory_space<vmem>>, vector<1x16xi32>,
      %get3A_883 = vector.shape_cast %get3A_882 : vector<1x16xi32> to vector<16xi32>
      %get3A_884 = arith.constant 0 : i32
      %get3A_885 = arith.constant 0 : i32
      %get3A_886 = tpu.memref_slice %arg7[%scan3A_722, %get3A_884, %get3A_885] : memref<6x64x128xi32, #tpu.memory_space<vmem>> -> memref<1x64x128xi32, #tpu.memory_space<vmem>>
      %get3A_887 = tpu.memref_squeeze %get3A_886 : memref<1x64x128xi32, #tpu.memory_space<vmem>> -> memref<64x128xi32, #tpu.memory_space<vmem>>
      %get3A_888 = arith.index_cast %add3A_876 : i32 to index
      %get3A_889 = arith.constant 16 : index
      %get3A_890 = tpu.vector_load %get3A_887[%get3A_888, %get3A_889] {strides = array<i32>} : memref<64x128xi32, #tpu.memory_space<vmem>>, vector<1x16xi32>,
      %get3A_891 = vector.shape_cast %get3A_890 : vector<1x16xi32> to vector<16xi32>
      %broadcast_in_dim3A = arith.constant 16 : i32
      %broadcast_in_dim3A_892 = vector.broadcast %broadcast_in_dim3A : i32 to vector<16xi32>
      %broadcast_in_dim3A_893 = vector.broadcast %scan3A_723 : i32 to vector<16xi32>
      %shift_left3A = arith.shli %get3A_883, %broadcast_in_dim3A_892 : vector<16xi32>
      %bitcast_convert_type3A = tpu.bitcast %shift_left3A : vector<16xi32> -> vector<16xf32>
      %and3A = arith.andi %get3A_883, %broadcast_in_dim3A_893 : vector<16xi32>
      %bitcast_convert_type3A_894 = tpu.bitcast %and3A : vector<16xi32> -> vector<16xf32>
      %shift_left3A_895 = arith.shli %get3A_891, %broadcast_in_dim3A_892 : vector<16xi32>
      %bitcast_convert_type3A_896 = tpu.bitcast %shift_left3A_895 : vector<16xi32> -> vector<16xf32>
      %and3A_897 = arith.andi %get3A_891, %broadcast_in_dim3A_893 : vector<16xi32>
      %bitcast_convert_type3A_898 = tpu.bitcast %and3A_897 : vector<16xi32> -> vector<16xf32>
      %get3A_899 = arith.constant 0 : i32
      %get3A_900 = arith.constant 0 : i32
      %get3A_901 = tpu.memref_slice %arg8[%scan3A_724, %get3A_899, %get3A_900] : memref<6x64x128xf32, #tpu.memory_space<vmem>> -> memref<1x64x128xf32, #tpu.memory_space<vmem>>
      %get3A_902 = tpu.memref_squeeze %get3A_901 : memref<1x64x128xf32, #tpu.memory_space<vmem>> -> memref<64x128xf32, #tpu.memory_space<vmem>>
      %get3A_903 = arith.index_cast %add3A_876 : i32 to index
      %get3A_904 = arith.constant 0 : index
      %get3A_905 = tpu.vector_load %get3A_902[%get3A_903, %get3A_904] {strides = array<i32>} : memref<64x128xf32, #tpu.memory_space<vmem>>, vector<1x16xf32>,
      %get3A_906 = vector.shape_cast %get3A_905 : vector<1x16xf32> to vector<16xf32>
      %get3A_907 = arith.constant 0 : i32
      %get3A_908 = arith.constant 0 : i32
      %get3A_909 = tpu.memref_slice %arg8[%scan3A_724, %get3A_907, %get3A_908] : memref<6x64x128xf32, #tpu.memory_space<vmem>> -> memref<1x64x128xf32, #tpu.memory_space<vmem>>
      %get3A_910 = tpu.memref_squeeze %get3A_909 : memref<1x64x128xf32, #tpu.memory_space<vmem>> -> memref<64x128xf32, #tpu.memory_space<vmem>>
      %get3A_911 = arith.index_cast %add3A_876 : i32 to index
      %get3A_912 = arith.constant 16 : index
      %get3A_913 = tpu.vector_load %get3A_910[%get3A_911, %get3A_912] {strides = array<i32>} : memref<64x128xf32, #tpu.memory_space<vmem>>, vector<1x16xf32>,
      %get3A_914 = vector.shape_cast %get3A_913 : vector<1x16xf32> to vector<16xf32>
      %mul3A_915 = arith.mulf %get3A_906, %bitcast_convert_type3A : vector<16xf32>
      %add3A_916 = arith.addf %get3A_906, %mul3A_915 : vector<16xf32>
      %add3A_917 = arith.addf %add3A_916, %bitcast_convert_type3A_896 : vector<16xf32>
      %swap3A = arith.constant 0 : i32
      %swap3A_918 = arith.constant 0 : i32
      %swap3A_919 = tpu.memref_slice %arg8[%scan3A_724, %swap3A, %swap3A_918] : memref<6x64x128xf32, #tpu.memory_space<vmem>> -> memref<1x64x128xf32, #tpu.memory_space<vmem>>
      %swap3A_920 = tpu.memref_squeeze %swap3A_919 : memref<1x64x128xf32, #tpu.memory_space<vmem>> -> memref<64x128xf32, #tpu.memory_space<vmem>>
      %swap3A_921 = arith.index_cast %add3A_876 : i32 to index
      %swap3A_922 = arith.constant 0 : index
      %swap3A_923 = tpu.vector_load %swap3A_920[%swap3A_921, %swap3A_922] {strides = array<i32>} : memref<64x128xf32, #tpu.memory_space<vmem>>, vector<1x16xf32>,
      %swap3A_924 = vector.shape_cast %swap3A_923 : vector<1x16xf32> to vector<16xf32>
      %swap3A_925 = vector.shape_cast %add3A_917 : vector<16xf32> to vector<1x16xf32>
      tpu.vector_store %swap3A_920[%swap3A_921, %swap3A_922], %swap3A_925 {strides = array<i32>} : memref<64x128xf32, #tpu.memory_space<vmem>>, vector<1x16xf32>,
      %mul3A_926 = arith.mulf %get3A_914, %bitcast_convert_type3A_894 : vector<16xf32>
      %add3A_927 = arith.addf %get3A_914, %mul3A_926 : vector<16xf32>
      %add3A_928 = arith.addf %add3A_927, %bitcast_convert_type3A_898 : vector<16xf32>
      %swap3A_929 = arith.constant 0 : i32
      %swap3A_930 = arith.constant 0 : i32
      %swap3A_931 = tpu.memref_slice %arg8[%scan3A_724, %swap3A_929, %swap3A_930] : memref<6x64x128xf32, #tpu.memory_space<vmem>> -> memref<1x64x128xf32, #tpu.memory_space<vmem>>
      %swap3A_932 = tpu.memref_squeeze %swap3A_931 : memref<1x64x128xf32, #tpu.memory_space<vmem>> -> memref<64x128xf32, #tpu.memory_space<vmem>>
      %swap3A_933 = arith.index_cast %add3A_876 : i32 to index
      %swap3A_934 = arith.constant 16 : index
      %swap3A_935 = tpu.vector_load %swap3A_932[%swap3A_933, %swap3A_934] {strides = array<i32>} : memref<64x128xf32, #tpu.memory_space<vmem>>, vector<1x16xf32>,
      %swap3A_936 = vector.shape_cast %swap3A_935 : vector<1x16xf32> to vector<16xf32>
      %swap3A_937 = vector.shape_cast %add3A_928 : vector<16xf32> to vector<1x16xf32>
      tpu.vector_store %swap3A_932[%swap3A_933, %swap3A_934], %swap3A_937 {strides = array<i32>} : memref<64x128xf32, #tpu.memory_space<vmem>>, vector<1x16xf32>,
      %get3A_938 = arith.constant 0 : i32
      %get3A_939 = arith.constant 0 : i32
      %get3A_940 = tpu.memref_slice %arg7[%scan3A_722, %get3A_938, %get3A_939] : memref<6x64x128xi32, #tpu.memory_space<vmem>> -> memref<1x64x128xi32, #tpu.memory_space<vmem>>
      %get3A_941 = tpu.memref_squeeze %get3A_940 : memref<1x64x128xi32, #tpu.memory_space<vmem>> -> memref<64x128xi32, #tpu.memory_space<vmem>>
      %get3A_942 = arith.index_cast %add3A_876 : i32 to index
      %get3A_943 = arith.constant 32 : index
      %get3A_944 = tpu.vector_load %get3A_941[%get3A_942, %get3A_943] {strides = array<i32>} : memref<64x128xi32, #tpu.memory_space<vmem>>, vector<1x16xi32>,
      %get3A_945 = vector.shape_cast %get3A_944 : vector<1x16xi32> to vector<16xi32>
      %get3A_946 = arith.constant 0 : i32
      %get3A_947 = arith.constant 0 : i32
      %get3A_948 = tpu.memref_slice %arg7[%scan3A_722, %get3A_946, %get3A_947] : memref<6x64x128xi32, #tpu.memory_space<vmem>> -> memref<1x64x128xi32, #tpu.memory_space<vmem>>
      %get3A_949 = tpu.memref_squeeze %get3A_948 : memref<1x64x128xi32, #tpu.memory_space<vmem>> -> memref<64x128xi32, #tpu.memory_space<vmem>>
      %get3A_950 = arith.index_cast %add3A_876 : i32 to index
      %get3A_951 = arith.constant 48 : index
      %get3A_952 = tpu.vector_load %get3A_949[%get3A_950, %get3A_951] {strides = array<i32>} : memref<64x128xi32, #tpu.memory_space<vmem>>, vector<1x16xi32>,
      %get3A_953 = vector.shape_cast %get3A_952 : vector<1x16xi32> to vector<16xi32>
      %broadcast_in_dim3A_954 = arith.constant 16 : i32
      %broadcast_in_dim3A_955 = vector.broadcast %broadcast_in_dim3A_954 : i32 to vector<16xi32>
      %broadcast_in_dim3A_956 = vector.broadcast %scan3A_723 : i32 to vector<16xi32>
      %shift_left3A_957 = arith.shli %get3A_945, %broadcast_in_dim3A_955 : vector<16xi32>
      %bitcast_convert_type3A_958 = tpu.bitcast %shift_left3A_957 : vector<16xi32> -> vector<16xf32>
      %and3A_959 = arith.andi %get3A_945, %broadcast_in_dim3A_956 : vector<16xi32>
      %bitcast_convert_type3A_960 = tpu.bitcast %and3A_959 : vector<16xi32> -> vector<16xf32>
      %shift_left3A_961 = arith.shli %get3A_953, %broadcast_in_dim3A_955 : vector<16xi32>
      %bitcast_convert_type3A_962 = tpu.bitcast %shift_left3A_961 : vector<16xi32> -> vector<16xf32>
      %and3A_963 = arith.andi %get3A_953, %broadcast_in_dim3A_956 : vector<16xi32>
      %bitcast_convert_type3A_964 = tpu.bitcast %and3A_963 : vector<16xi32> -> vector<16xf32>
      %get3A_965 = arith.constant 0 : i32
      %get3A_966 = arith.constant 0 : i32
      %get3A_967 = tpu.memref_slice %arg8[%scan3A_724, %get3A_965, %get3A_966] : memref<6x64x128xf32, #tpu.memory_space<vmem>> -> memref<1x64x128xf32, #tpu.memory_space<vmem>>
      %get3A_968 = tpu.memref_squeeze %get3A_967 : memref<1x64x128xf32, #tpu.memory_space<vmem>> -> memref<64x128xf32, #tpu.memory_space<vmem>>
      %get3A_969 = arith.index_cast %add3A_876 : i32 to index
      %get3A_970 = arith.constant 32 : index
      %get3A_971 = tpu.vector_load %get3A_968[%get3A_969, %get3A_970] {strides = array<i32>} : memref<64x128xf32, #tpu.memory_space<vmem>>, vector<1x16xf32>,
      %get3A_972 = vector.shape_cast %get3A_971 : vector<1x16xf32> to vector<16xf32>
      %get3A_973 = arith.constant 0 : i32
      %get3A_974 = arith.constant 0 : i32
      %get3A_975 = tpu.memref_slice %arg8[%scan3A_724, %get3A_973, %get3A_974] : memref<6x64x128xf32, #tpu.memory_space<vmem>> -> memref<1x64x128xf32, #tpu.memory_space<vmem>>
      %get3A_976 = tpu.memref_squeeze %get3A_975 : memref<1x64x128xf32, #tpu.memory_space<vmem>> -> memref<64x128xf32, #tpu.memory_space<vmem>>
      %get3A_977 = arith.index_cast %add3A_876 : i32 to index
      %get3A_978 = arith.constant 48 : index
      %get3A_979 = tpu.vector_load %get3A_976[%get3A_977, %get3A_978] {strides = array<i32>} : memref<64x128xf32, #tpu.memory_space<vmem>>, vector<1x16xf32>,
      %get3A_980 = vector.shape_cast %get3A_979 : vector<1x16xf32> to vector<16xf32>
      %mul3A_981 = arith.mulf %get3A_972, %bitcast_convert_type3A_958 : vector<16xf32>
      %add3A_982 = arith.addf %get3A_972, %mul3A_981 : vector<16xf32>
      %add3A_983 = arith.addf %add3A_982, %bitcast_convert_type3A_962 : vector<16xf32>
      %swap3A_984 = arith.constant 0 : i32
      %swap3A_985 = arith.constant 0 : i32
      %swap3A_986 = tpu.memref_slice %arg8[%scan3A_724, %swap3A_984, %swap3A_985] : memref<6x64x128xf32, #tpu.memory_space<vmem>> -> memref<1x64x128xf32, #tpu.memory_space<vmem>>
      %swap3A_987 = tpu.memref_squeeze %swap3A_986 : memref<1x64x128xf32, #tpu.memory_space<vmem>> -> memref<64x128xf32, #tpu.memory_space<vmem>>
      %swap3A_988 = arith.index_cast %add3A_876 : i32 to index
      %swap3A_989 = arith.constant 32 : index
      %swap3A_990 = tpu.vector_load %swap3A_987[%swap3A_988, %swap3A_989] {strides = array<i32>} : memref<64x128xf32, #tpu.memory_space<vmem>>, vector<1x16xf32>,
      %swap3A_991 = vector.shape_cast %swap3A_990 : vector<1x16xf32> to vector<16xf32>
      %swap3A_992 = vector.shape_cast %add3A_983 : vector<16xf32> to vector<1x16xf32>
      tpu.vector_store %swap3A_987[%swap3A_988, %swap3A_989], %swap3A_992 {strides = array<i32>} : memref<64x128xf32, #tpu.memory_space<vmem>>, vector<1x16xf32>,
      %mul3A_993 = arith.mulf %get3A_980, %bitcast_convert_type3A_960 : vector<16xf32>
      %add3A_994 = arith.addf %get3A_980, %mul3A_993 : vector<16xf32>
      %add3A_995 = arith.addf %add3A_994, %bitcast_convert_type3A_964 : vector<16xf32>
      %swap3A_996 = arith.constant 0 : i32
      %swap3A_997 = arith.constant 0 : i32
      %swap3A_998 = tpu.memref_slice %arg8[%scan3A_724, %swap3A_996, %swap3A_997] : memref<6x64x128xf32, #tpu.memory_space<vmem>> -> memref<1x64x128xf32, #tpu.memory_space<vmem>>
      %swap3A_999 = tpu.memref_squeeze %swap3A_998 : memref<1x64x128xf32, #tpu.memory_space<vmem>> -> memref<64x128xf32, #tpu.memory_space<vmem>>
      %swap3A_1000 = arith.index_cast %add3A_876 : i32 to index
      %swap3A_1001 = arith.constant 48 : index
      %swap3A_1002 = tpu.vector_load %swap3A_999[%swap3A_1000, %swap3A_1001] {strides = array<i32>} : memref<64x128xf32, #tpu.memory_space<vmem>>, vector<1x16xf32>,
      %swap3A_1003 = vector.shape_cast %swap3A_1002 : vector<1x16xf32> to vector<16xf32>
      %swap3A_1004 = vector.shape_cast %add3A_995 : vector<16xf32> to vector<1x16xf32>
      tpu.vector_store %swap3A_999[%swap3A_1000, %swap3A_1001], %swap3A_1004 {strides = array<i32>} : memref<64x128xf32, #tpu.memory_space<vmem>>, vector<1x16xf32>,
      %get3A_1005 = arith.constant 0 : i32
      %get3A_1006 = arith.constant 0 : i32
      %get3A_1007 = tpu.memref_slice %arg7[%scan3A_722, %get3A_1005, %get3A_1006] : memref<6x64x128xi32, #tpu.memory_space<vmem>> -> memref<1x64x128xi32, #tpu.memory_space<vmem>>
      %get3A_1008 = tpu.memref_squeeze %get3A_1007 : memref<1x64x128xi32, #tpu.memory_space<vmem>> -> memref<64x128xi32, #tpu.memory_space<vmem>>
      %get3A_1009 = arith.index_cast %add3A_876 : i32 to index
      %get3A_1010 = arith.constant 64 : index
      %get3A_1011 = tpu.vector_load %get3A_1008[%get3A_1009, %get3A_1010] {strides = array<i32>} : memref<64x128xi32, #tpu.memory_space<vmem>>, vector<1x16xi32>,
      %get3A_1012 = vector.shape_cast %get3A_1011 : vector<1x16xi32> to vector<16xi32>
      %get3A_1013 = arith.constant 0 : i32
      %get3A_1014 = arith.constant 0 : i32
      %get3A_1015 = tpu.memref_slice %arg7[%scan3A_722, %get3A_1013, %get3A_1014] : memref<6x64x128xi32, #tpu.memory_space<vmem>> -> memref<1x64x128xi32, #tpu.memory_space<vmem>>
      %get3A_1016 = tpu.memref_squeeze %get3A_1015 : memref<1x64x128xi32, #tpu.memory_space<vmem>> -> memref<64x128xi32, #tpu.memory_space<vmem>>
      %get3A_1017 = arith.index_cast %add3A_876 : i32 to index
      %get3A_1018 = arith.constant 80 : index
      %get3A_1019 = tpu.vector_load %get3A_1016[%get3A_1017, %get3A_1018] {strides = array<i32>} : memref<64x128xi32, #tpu.memory_space<vmem>>, vector<1x16xi32>,
      %get3A_1020 = vector.shape_cast %get3A_1019 : vector<1x16xi32> to vector<16xi32>
      %broadcast_in_dim3A_1021 = arith.constant 16 : i32
      %broadcast_in_dim3A_1022 = vector.broadcast %broadcast_in_dim3A_1021 : i32 to vector<16xi32>
      %broadcast_in_dim3A_1023 = vector.broadcast %scan3A_723 : i32 to vector<16xi32>
      %shift_left3A_1024 = arith.shli %get3A_1012, %broadcast_in_dim3A_1022 : vector<16xi32>
      %bitcast_convert_type3A_1025 = tpu.bitcast %shift_left3A_1024 : vector<16xi32> -> vector<16xf32>
      %and3A_1026 = arith.andi %get3A_1012, %broadcast_in_dim3A_1023 : vector<16xi32>
      %bitcast_convert_type3A_1027 = tpu.bitcast %and3A_1026 : vector<16xi32> -> vector<16xf32>
      %shift_left3A_1028 = arith.shli %get3A_1020, %broadcast_in_dim3A_1022 : vector<16xi32>
      %bitcast_convert_type3A_1029 = tpu.bitcast %shift_left3A_1028 : vector<16xi32> -> vector<16xf32>
      %and3A_1030 = arith.andi %get3A_1020, %broadcast_in_dim3A_1023 : vector<16xi32>
      %bitcast_convert_type3A_1031 = tpu.bitcast %and3A_1030 : vector<16xi32> -> vector<16xf32>
      %get3A_1032 = arith.constant 0 : i32
      %get3A_1033 = arith.constant 0 : i32
      %get3A_1034 = tpu.memref_slice %arg8[%scan3A_724, %get3A_1032, %get3A_1033] : memref<6x64x128xf32, #tpu.memory_space<vmem>> -> memref<1x64x128xf32, #tpu.memory_space<vmem>>
      %get3A_1035 = tpu.memref_squeeze %get3A_1034 : memref<1x64x128xf32, #tpu.memory_space<vmem>> -> memref<64x128xf32, #tpu.memory_space<vmem>>
      %get3A_1036 = arith.index_cast %add3A_876 : i32 to index
      %get3A_1037 = arith.constant 64 : index
      %get3A_1038 = tpu.vector_load %get3A_1035[%get3A_1036, %get3A_1037] {strides = array<i32>} : memref<64x128xf32, #tpu.memory_space<vmem>>, vector<1x16xf32>,
      %get3A_1039 = vector.shape_cast %get3A_1038 : vector<1x16xf32> to vector<16xf32>
      %get3A_1040 = arith.constant 0 : i32
      %get3A_1041 = arith.constant 0 : i32
      %get3A_1042 = tpu.memref_slice %arg8[%scan3A_724, %get3A_1040, %get3A_1041] : memref<6x64x128xf32, #tpu.memory_space<vmem>> -> memref<1x64x128xf32, #tpu.memory_space<vmem>>
      %get3A_1043 = tpu.memref_squeeze %get3A_1042 : memref<1x64x128xf32, #tpu.memory_space<vmem>> -> memref<64x128xf32, #tpu.memory_space<vmem>>
      %get3A_1044 = arith.index_cast %add3A_876 : i32 to index
      %get3A_1045 = arith.constant 80 : index
      %get3A_1046 = tpu.vector_load %get3A_1043[%get3A_1044, %get3A_1045] {strides = array<i32>} : memref<64x128xf32, #tpu.memory_space<vmem>>, vector<1x16xf32>,
      %get3A_1047 = vector.shape_cast %get3A_1046 : vector<1x16xf32> to vector<16xf32>
      %mul3A_1048 = arith.mulf %get3A_1039, %bitcast_convert_type3A_1025 : vector<16xf32>
      %add3A_1049 = arith.addf %get3A_1039, %mul3A_1048 : vector<16xf32>
      %add3A_1050 = arith.addf %add3A_1049, %bitcast_convert_type3A_1029 : vector<16xf32>
      %swap3A_1051 = arith.constant 0 : i32
      %swap3A_1052 = arith.constant 0 : i32
      %swap3A_1053 = tpu.memref_slice %arg8[%scan3A_724, %swap3A_1051, %swap3A_1052] : memref<6x64x128xf32, #tpu.memory_space<vmem>> -> memref<1x64x128xf32, #tpu.memory_space<vmem>>
      %swap3A_1054 = tpu.memref_squeeze %swap3A_1053 : memref<1x64x128xf32, #tpu.memory_space<vmem>> -> memref<64x128xf32, #tpu.memory_space<vmem>>
      %swap3A_1055 = arith.index_cast %add3A_876 : i32 to index
      %swap3A_1056 = arith.constant 64 : index
      %swap3A_1057 = tpu.vector_load %swap3A_1054[%swap3A_1055, %swap3A_1056] {strides = array<i32>} : memref<64x128xf32, #tpu.memory_space<vmem>>, vector<1x16xf32>,
      %swap3A_1058 = vector.shape_cast %swap3A_1057 : vector<1x16xf32> to vector<16xf32>
      %swap3A_1059 = vector.shape_cast %add3A_1050 : vector<16xf32> to vector<1x16xf32>
      tpu.vector_store %swap3A_1054[%swap3A_1055, %swap3A_1056], %swap3A_1059 {strides = array<i32>} : memref<64x128xf32, #tpu.memory_space<vmem>>, vector<1x16xf32>,
      %mul3A_1060 = arith.mulf %get3A_1047, %bitcast_convert_type3A_1027 : vector<16xf32>
      %add3A_1061 = arith.addf %get3A_1047, %mul3A_1060 : vector<16xf32>
      %add3A_1062 = arith.addf %add3A_1061, %bitcast_convert_type3A_1031 : vector<16xf32>
      %swap3A_1063 = arith.constant 0 : i32
      %swap3A_1064 = arith.constant 0 : i32
      %swap3A_1065 = tpu.memref_slice %arg8[%scan3A_724, %swap3A_1063, %swap3A_1064] : memref<6x64x128xf32, #tpu.memory_space<vmem>> -> memref<1x64x128xf32, #tpu.memory_space<vmem>>
      %swap3A_1066 = tpu.memref_squeeze %swap3A_1065 : memref<1x64x128xf32, #tpu.memory_space<vmem>> -> memref<64x128xf32, #tpu.memory_space<vmem>>
      %swap3A_1067 = arith.index_cast %add3A_876 : i32 to index
      %swap3A_1068 = arith.constant 80 : index
      %swap3A_1069 = tpu.vector_load %swap3A_1066[%swap3A_1067, %swap3A_1068] {strides = array<i32>} : memref<64x128xf32, #tpu.memory_space<vmem>>, vector<1x16xf32>,
      %swap3A_1070 = vector.shape_cast %swap3A_1069 : vector<1x16xf32> to vector<16xf32>
      %swap3A_1071 = vector.shape_cast %add3A_1062 : vector<16xf32> to vector<1x16xf32>
      tpu.vector_store %swap3A_1066[%swap3A_1067, %swap3A_1068], %swap3A_1071 {strides = array<i32>} : memref<64x128xf32, #tpu.memory_space<vmem>>, vector<1x16xf32>,
      %get3A_1072 = arith.constant 0 : i32
      %get3A_1073 = arith.constant 0 : i32
      %get3A_1074 = tpu.memref_slice %arg7[%scan3A_722, %get3A_1072, %get3A_1073] : memref<6x64x128xi32, #tpu.memory_space<vmem>> -> memref<1x64x128xi32, #tpu.memory_space<vmem>>
      %get3A_1075 = tpu.memref_squeeze %get3A_1074 : memref<1x64x128xi32, #tpu.memory_space<vmem>> -> memref<64x128xi32, #tpu.memory_space<vmem>>
      %get3A_1076 = arith.index_cast %add3A_876 : i32 to index
      %get3A_1077 = arith.constant 96 : index
      %get3A_1078 = tpu.vector_load %get3A_1075[%get3A_1076, %get3A_1077] {strides = array<i32>} : memref<64x128xi32, #tpu.memory_space<vmem>>, vector<1x16xi32>,
      %get3A_1079 = vector.shape_cast %get3A_1078 : vector<1x16xi32> to vector<16xi32>
      %get3A_1080 = arith.constant 0 : i32
      %get3A_1081 = arith.constant 0 : i32
      %get3A_1082 = tpu.memref_slice %arg7[%scan3A_722, %get3A_1080, %get3A_1081] : memref<6x64x128xi32, #tpu.memory_space<vmem>> -> memref<1x64x128xi32, #tpu.memory_space<vmem>>
      %get3A_1083 = tpu.memref_squeeze %get3A_1082 : memref<1x64x128xi32, #tpu.memory_space<vmem>> -> memref<64x128xi32, #tpu.memory_space<vmem>>
      %get3A_1084 = arith.index_cast %add3A_876 : i32 to index
      %get3A_1085 = arith.constant 112 : index
      %get3A_1086 = tpu.vector_load %get3A_1083[%get3A_1084, %get3A_1085] {strides = array<i32>} : memref<64x128xi32, #tpu.memory_space<vmem>>, vector<1x16xi32>,
      %get3A_1087 = vector.shape_cast %get3A_1086 : vector<1x16xi32> to vector<16xi32>
      %broadcast_in_dim3A_1088 = arith.constant 16 : i32
      %broadcast_in_dim3A_1089 = vector.broadcast %broadcast_in_dim3A_1088 : i32 to vector<16xi32>
      %broadcast_in_dim3A_1090 = vector.broadcast %scan3A_723 : i32 to vector<16xi32>
      %shift_left3A_1091 = arith.shli %get3A_1079, %broadcast_in_dim3A_1089 : vector<16xi32>
      %bitcast_convert_type3A_1092 = tpu.bitcast %shift_left3A_1091 : vector<16xi32> -> vector<16xf32>
      %and3A_1093 = arith.andi %get3A_1079, %broadcast_in_dim3A_1090 : vector<16xi32>
      %bitcast_convert_type3A_1094 = tpu.bitcast %and3A_1093 : vector<16xi32> -> vector<16xf32>
      %shift_left3A_1095 = arith.shli %get3A_1087, %broadcast_in_dim3A_1089 : vector<16xi32>
      %bitcast_convert_type3A_1096 = tpu.bitcast %shift_left3A_1095 : vector<16xi32> -> vector<16xf32>
      %and3A_1097 = arith.andi %get3A_1087, %broadcast_in_dim3A_1090 : vector<16xi32>
      %bitcast_convert_type3A_1098 = tpu.bitcast %and3A_1097 : vector<16xi32> -> vector<16xf32>
      %get3A_1099 = arith.constant 0 : i32
      %get3A_1100 = arith.constant 0 : i32
      %get3A_1101 = tpu.memref_slice %arg8[%scan3A_724, %get3A_1099, %get3A_1100] : memref<6x64x128xf32, #tpu.memory_space<vmem>> -> memref<1x64x128xf32, #tpu.memory_space<vmem>>
      %get3A_1102 = tpu.memref_squeeze %get3A_1101 : memref<1x64x128xf32, #tpu.memory_space<vmem>> -> memref<64x128xf32, #tpu.memory_space<vmem>>
      %get3A_1103 = arith.index_cast %add3A_876 : i32 to index
      %get3A_1104 = arith.constant 96 : index
      %get3A_1105 = tpu.vector_load %get3A_1102[%get3A_1103, %get3A_1104] {strides = array<i32>} : memref<64x128xf32, #tpu.memory_space<vmem>>, vector<1x16xf32>,
      %get3A_1106 = vector.shape_cast %get3A_1105 : vector<1x16xf32> to vector<16xf32>
      %get3A_1107 = arith.constant 0 : i32
      %get3A_1108 = arith.constant 0 : i32
      %get3A_1109 = tpu.memref_slice %arg8[%scan3A_724, %get3A_1107, %get3A_1108] : memref<6x64x128xf32, #tpu.memory_space<vmem>> -> memref<1x64x128xf32, #tpu.memory_space<vmem>>
      %get3A_1110 = tpu.memref_squeeze %get3A_1109 : memref<1x64x128xf32, #tpu.memory_space<vmem>> -> memref<64x128xf32, #tpu.memory_space<vmem>>
      %get3A_1111 = arith.index_cast %add3A_876 : i32 to index
      %get3A_1112 = arith.constant 112 : index
      %get3A_1113 = tpu.vector_load %get3A_1110[%get3A_1111, %get3A_1112] {strides = array<i32>} : memref<64x128xf32, #tpu.memory_space<vmem>>, vector<1x16xf32>,
      %get3A_1114 = vector.shape_cast %get3A_1113 : vector<1x16xf32> to vector<16xf32>
      %mul3A_1115 = arith.mulf %get3A_1106, %bitcast_convert_type3A_1092 : vector<16xf32>
      %add3A_1116 = arith.addf %get3A_1106, %mul3A_1115 : vector<16xf32>
      %add3A_1117 = arith.addf %add3A_1116, %bitcast_convert_type3A_1096 : vector<16xf32>
      %swap3A_1118 = arith.constant 0 : i32
      %swap3A_1119 = arith.constant 0 : i32
      %swap3A_1120 = tpu.memref_slice %arg8[%scan3A_724, %swap3A_1118, %swap3A_1119] : memref<6x64x128xf32, #tpu.memory_space<vmem>> -> memref<1x64x128xf32, #tpu.memory_space<vmem>>
      %swap3A_1121 = tpu.memref_squeeze %swap3A_1120 : memref<1x64x128xf32, #tpu.memory_space<vmem>> -> memref<64x128xf32, #tpu.memory_space<vmem>>
      %swap3A_1122 = arith.index_cast %add3A_876 : i32 to index
      %swap3A_1123 = arith.constant 96 : index
      %swap3A_1124 = tpu.vector_load %swap3A_1121[%swap3A_1122, %swap3A_1123] {strides = array<i32>} : memref<64x128xf32, #tpu.memory_space<vmem>>, vector<1x16xf32>,
      %swap3A_1125 = vector.shape_cast %swap3A_1124 : vector<1x16xf32> to vector<16xf32>
      %swap3A_1126 = vector.shape_cast %add3A_1117 : vector<16xf32> to vector<1x16xf32>
      tpu.vector_store %swap3A_1121[%swap3A_1122, %swap3A_1123], %swap3A_1126 {strides = array<i32>} : memref<64x128xf32, #tpu.memory_space<vmem>>, vector<1x16xf32>,
      %mul3A_1127 = arith.mulf %get3A_1114, %bitcast_convert_type3A_1094 : vector<16xf32>
      %add3A_1128 = arith.addf %get3A_1114, %mul3A_1127 : vector<16xf32>
      %add3A_1129 = arith.addf %add3A_1128, %bitcast_convert_type3A_1098 : vector<16xf32>
      %swap3A_1130 = arith.constant 0 : i32
      %swap3A_1131 = arith.constant 0 : i32
      %swap3A_1132 = tpu.memref_slice %arg8[%scan3A_724, %swap3A_1130, %swap3A_1131] : memref<6x64x128xf32, #tpu.memory_space<vmem>> -> memref<1x64x128xf32, #tpu.memory_space<vmem>>
      %swap3A_1133 = tpu.memref_squeeze %swap3A_1132 : memref<1x64x128xf32, #tpu.memory_space<vmem>> -> memref<64x128xf32, #tpu.memory_space<vmem>>
      %swap3A_1134 = arith.index_cast %add3A_876 : i32 to index
      %swap3A_1135 = arith.constant 112 : index
      %swap3A_1136 = tpu.vector_load %swap3A_1133[%swap3A_1134, %swap3A_1135] {strides = array<i32>} : memref<64x128xf32, #tpu.memory_space<vmem>>, vector<1x16xf32>,
      %swap3A_1137 = vector.shape_cast %swap3A_1136 : vector<1x16xf32> to vector<16xf32>
      %swap3A_1138 = vector.shape_cast %add3A_1129 : vector<16xf32> to vector<1x16xf32>
      tpu.vector_store %swap3A_1133[%swap3A_1134, %swap3A_1135], %swap3A_1138 {strides = array<i32>} : memref<64x128xf32, #tpu.memory_space<vmem>>, vector<1x16xf32>,
    }
    %scan3A_729 = arith.constant 64 : i32
    %add3A_730 = arith.constant 384 : i32
    %add3A_731 = arith.addi %mul3A_2, %add3A_730 : i32
    %dma_start3A_732 = arith.constant 0 : i32
    %dma_start3A_733 = arith.constant 0 : i32
    %dma_start3A_734 = arith.constant 0 : i32
    %dma_start3A_735 = tpu.memref_slice %arg8[%dma_start3A_732, %dma_start3A_733, %dma_start3A_734] : memref<6x64x128xf32, #tpu.memory_space<vmem>> -> memref<1x64x128xf32, #tpu.memory_space<vmem>>
    %dma_start3A_736 = tpu.memref_squeeze %dma_start3A_735 : memref<1x64x128xf32, #tpu.memory_space<vmem>> -> memref<64x128xf32, #tpu.memory_space<vmem>>
    %dma_start3A_737 = arith.constant 0 : i32
    %dma_start3A_738 = tpu.memref_slice %arg5[%add3A_731, %dma_start3A_737] : memref<16384x128xf32, #tpu.memory_space<hbm>> -> memref<64x128xf32, #tpu.memory_space<hbm>>
    %dma_start3A_739 = arith.constant 0 : i32
    %dma_start3A_740 = tpu.memref_slice %arg5[%add3A_731, %dma_start3A_739] : memref<16384x128xf32, #tpu.memory_space<hbm>> -> memref<64x128xf32, #tpu.memory_space<hbm>>
    %dma_start3A_741 = arith.constant 0 : i32
    %dma_start3A_742 = arith.constant 0 : i32
    %dma_start3A_743 = tpu.memref_slice %arg8[%dma_start3A_732, %dma_start3A_741, %dma_start3A_742] : memref<6x64x128xf32, #tpu.memory_space<vmem>> -> memref<1x64x128xf32, #tpu.memory_space<vmem>>
    %dma_start3A_744 = tpu.memref_squeeze %dma_start3A_743 : memref<1x64x128xf32, #tpu.memory_space<vmem>> -> memref<64x128xf32, #tpu.memory_space<vmem>>
    tpu.enqueue_dma source(%dma_start3A_744 : memref<64x128xf32, #tpu.memory_space<vmem>>) target(%dma_start3A_740 : memref<64x128xf32, #tpu.memory_space<hbm>>) target_semaphore(%arg16 : memref<!tpu.dma_semaphore, #tpu.memory_space<semaphore_mem>>)
    %dma_wait3A_745 = arith.constant 7 : i32
    %dma_wait3A_746 = arith.constant 1 : i32
    %dma_wait3A_747 = arith.constant 0 : i32
    %dma_wait3A_748 = arith.constant 0 : i32
    %dma_wait3A_749 = tpu.memref_slice %arg7[%dma_wait3A_746, %dma_wait3A_747, %dma_wait3A_748] : memref<6x64x128xi32, #tpu.memory_space<vmem>> -> memref<1x64x128xi32, #tpu.memory_space<vmem>>
    %dma_wait3A_750 = tpu.memref_squeeze %dma_wait3A_749 : memref<1x64x128xi32, #tpu.memory_space<vmem>> -> memref<64x128xi32, #tpu.memory_space<vmem>>
    %dma_wait3A_751 = arith.constant 0 : i32
    %dma_wait3A_752 = tpu.memref_slice %arg6[%dma_wait3A_745, %dma_wait3A_751] : memref<8x64xi32, #tpu.memory_space<vmem>> -> memref<1x64xi32, #tpu.memory_space<vmem>>
    %dma_wait3A_753 = tpu.memref_squeeze %dma_wait3A_752 : memref<1x64xi32, #tpu.memory_space<vmem>> -> memref<64xi32, #tpu.memory_space<vmem>>
    %dma_wait3A_754 = arith.constant 0 : i32
    %dma_wait3A_755 = arith.constant 0 : i32
    %dma_wait3A_756 = tpu.memref_slice %arg4[%dma_wait3A_754, %dma_wait3A_755] : memref<1000x128xi32, #tpu.memory_space<hbm>> -> memref<1000x128xi32, #tpu.memory_space<hbm>>
    tpu.wait_indirect_dma semaphore(%arg11 : memref<!tpu.dma_semaphore, #tpu.memory_space<semaphore_mem>>) src(%dma_wait3A_756 : memref<1000x128xi32, #tpu.memory_space<hbm>>) dst(%dma_wait3A_750 : memref<64x128xi32, #tpu.memory_space<vmem>>)
    %dma_wait3A_757 = arith.constant 1 : i32
    %dma_wait3A_758 = arith.constant 0 : i32
    %dma_wait3A_759 = arith.constant 0 : i32
    %dma_wait3A_760 = tpu.memref_slice %arg8[%dma_wait3A_757, %dma_wait3A_758, %dma_wait3A_759] : memref<6x64x128xf32, #tpu.memory_space<vmem>> -> memref<1x64x128xf32, #tpu.memory_space<vmem>>
    %dma_wait3A_761 = tpu.memref_squeeze %dma_wait3A_760 : memref<1x64x128xf32, #tpu.memory_space<vmem>> -> memref<64x128xf32, #tpu.memory_space<vmem>>
    %dma_wait3A_762 = arith.constant 0 : i32
    %dma_wait3A_763 = tpu.memref_slice %arg2[%add3A_612, %dma_wait3A_762] : memref<16384x128xf32, #tpu.memory_space<hbm>> -> memref<64x128xf32, #tpu.memory_space<hbm>>
    %dma_wait3A_764 = arith.constant 0 : i32
    %dma_wait3A_765 = arith.constant 0 : i32
    %dma_wait3A_766 = tpu.memref_slice %arg8[%dma_wait3A_757, %dma_wait3A_764, %dma_wait3A_765] : memref<6x64x128xf32, #tpu.memory_space<vmem>> -> memref<1x64x128xf32, #tpu.memory_space<vmem>>
    %dma_wait3A_767 = tpu.memref_squeeze %dma_wait3A_766 : memref<1x64x128xf32, #tpu.memory_space<vmem>> -> memref<64x128xf32, #tpu.memory_space<vmem>>
    %dma_wait3A_768 = arith.constant 0 : i32
    %dma_wait3A_769 = tpu.memref_slice %arg2[%add3A_612, %dma_wait3A_768] : memref<16384x128xf32, #tpu.memory_space<hbm>> -> memref<64x128xf32, #tpu.memory_space<hbm>>
    tpu.wait_dma2 semaphore(%arg11 : memref<!tpu.dma_semaphore, #tpu.memory_space<semaphore_mem>>) src(%dma_wait3A_769 : memref<64x128xf32, #tpu.memory_space<hbm>>) dst(%dma_wait3A_767 : memref<64x128xf32, #tpu.memory_space<vmem>>)
    %scan3A_770 = arith.constant 0 : i32
    %scan3A_771 = arith.constant 1 : i32
    %scan3A_772 = arith.constant -65536 : i32
    %scan3A_773 = arith.constant 1 : i32
    %scan3A_774 = arith.constant 0 : i32
    %scan3A_775 = arith.constant 64 : i32
    %scan3A_776 = arith.addi %scan3A_774, %scan3A_775 : i32
    %scan3A_777 = arith.constant 1 : i32
    scf.for %scan3A_872 = %scan3A_774 to %scan3A_776 step %scan3A_777  : i32 {
      %mul3A_873 = arith.constant 1 : i32
      %mul3A_874 = arith.muli %scan3A_872, %mul3A_873 : i32
      %add3A_875 = arith.constant 0 : i32
      %add3A_876 = arith.addi %mul3A_874, %add3A_875 : i32
      %get3A = arith.constant 0 : i32
      %get3A_877 = arith.constant 0 : i32
      %get3A_878 = tpu.memref_slice %arg7[%scan3A_771, %get3A, %get3A_877] : memref<6x64x128xi32, #tpu.memory_space<vmem>> -> memref<1x64x128xi32, #tpu.memory_space<vmem>>
      %get3A_879 = tpu.memref_squeeze %get3A_878 : memref<1x64x128xi32, #tpu.memory_space<vmem>> -> memref<64x128xi32, #tpu.memory_space<vmem>>
      %get3A_880 = arith.index_cast %add3A_876 : i32 to index
      %get3A_881 = arith.constant 0 : index
      %get3A_882 = tpu.vector_load %get3A_879[%get3A_880, %get3A_881] {strides = array<i32>} : memref<64x128xi32, #tpu.memory_space<vmem>>, vector<1x16xi32>,
      %get3A_883 = vector.shape_cast %get3A_882 : vector<1x16xi32> to vector<16xi32>
      %get3A_884 = arith.constant 0 : i32
      %get3A_885 = arith.constant 0 : i32
      %get3A_886 = tpu.memref_slice %arg7[%scan3A_771, %get3A_884, %get3A_885] : memref<6x64x128xi32, #tpu.memory_space<vmem>> -> memref<1x64x128xi32, #tpu.memory_space<vmem>>
      %get3A_887 = tpu.memref_squeeze %get3A_886 : memref<1x64x128xi32, #tpu.memory_space<vmem>> -> memref<64x128xi32, #tpu.memory_space<vmem>>
      %get3A_888 = arith.index_cast %add3A_876 : i32 to index
      %get3A_889 = arith.constant 16 : index
      %get3A_890 = tpu.vector_load %get3A_887[%get3A_888, %get3A_889] {strides = array<i32>} : memref<64x128xi32, #tpu.memory_space<vmem>>, vector<1x16xi32>,
      %get3A_891 = vector.shape_cast %get3A_890 : vector<1x16xi32> to vector<16xi32>
      %broadcast_in_dim3A = arith.constant 16 : i32
      %broadcast_in_dim3A_892 = vector.broadcast %broadcast_in_dim3A : i32 to vector<16xi32>
      %broadcast_in_dim3A_893 = vector.broadcast %scan3A_772 : i32 to vector<16xi32>
      %shift_left3A = arith.shli %get3A_883, %broadcast_in_dim3A_892 : vector<16xi32>
      %bitcast_convert_type3A = tpu.bitcast %shift_left3A : vector<16xi32> -> vector<16xf32>
      %and3A = arith.andi %get3A_883, %broadcast_in_dim3A_893 : vector<16xi32>
      %bitcast_convert_type3A_894 = tpu.bitcast %and3A : vector<16xi32> -> vector<16xf32>
      %shift_left3A_895 = arith.shli %get3A_891, %broadcast_in_dim3A_892 : vector<16xi32>
      %bitcast_convert_type3A_896 = tpu.bitcast %shift_left3A_895 : vector<16xi32> -> vector<16xf32>
      %and3A_897 = arith.andi %get3A_891, %broadcast_in_dim3A_893 : vector<16xi32>
      %bitcast_convert_type3A_898 = tpu.bitcast %and3A_897 : vector<16xi32> -> vector<16xf32>
      %get3A_899 = arith.constant 0 : i32
      %get3A_900 = arith.constant 0 : i32
      %get3A_901 = tpu.memref_slice %arg8[%scan3A_773, %get3A_899, %get3A_900] : memref<6x64x128xf32, #tpu.memory_space<vmem>> -> memref<1x64x128xf32, #tpu.memory_space<vmem>>
      %get3A_902 = tpu.memref_squeeze %get3A_901 : memref<1x64x128xf32, #tpu.memory_space<vmem>> -> memref<64x128xf32, #tpu.memory_space<vmem>>
      %get3A_903 = arith.index_cast %add3A_876 : i32 to index
      %get3A_904 = arith.constant 0 : index
      %get3A_905 = tpu.vector_load %get3A_902[%get3A_903, %get3A_904] {strides = array<i32>} : memref<64x128xf32, #tpu.memory_space<vmem>>, vector<1x16xf32>,
      %get3A_906 = vector.shape_cast %get3A_905 : vector<1x16xf32> to vector<16xf32>
      %get3A_907 = arith.constant 0 : i32
      %get3A_908 = arith.constant 0 : i32
      %get3A_909 = tpu.memref_slice %arg8[%scan3A_773, %get3A_907, %get3A_908] : memref<6x64x128xf32, #tpu.memory_space<vmem>> -> memref<1x64x128xf32, #tpu.memory_space<vmem>>
      %get3A_910 = tpu.memref_squeeze %get3A_909 : memref<1x64x128xf32, #tpu.memory_space<vmem>> -> memref<64x128xf32, #tpu.memory_space<vmem>>
      %get3A_911 = arith.index_cast %add3A_876 : i32 to index
      %get3A_912 = arith.constant 16 : index
      %get3A_913 = tpu.vector_load %get3A_910[%get3A_911, %get3A_912] {strides = array<i32>} : memref<64x128xf32, #tpu.memory_space<vmem>>, vector<1x16xf32>,
      %get3A_914 = vector.shape_cast %get3A_913 : vector<1x16xf32> to vector<16xf32>
      %mul3A_915 = arith.mulf %get3A_906, %bitcast_convert_type3A : vector<16xf32>
      %add3A_916 = arith.addf %get3A_906, %mul3A_915 : vector<16xf32>
      %add3A_917 = arith.addf %add3A_916, %bitcast_convert_type3A_896 : vector<16xf32>
      %swap3A = arith.constant 0 : i32
      %swap3A_918 = arith.constant 0 : i32
      %swap3A_919 = tpu.memref_slice %arg8[%scan3A_773, %swap3A, %swap3A_918] : memref<6x64x128xf32, #tpu.memory_space<vmem>> -> memref<1x64x128xf32, #tpu.memory_space<vmem>>
      %swap3A_920 = tpu.memref_squeeze %swap3A_919 : memref<1x64x128xf32, #tpu.memory_space<vmem>> -> memref<64x128xf32, #tpu.memory_space<vmem>>
      %swap3A_921 = arith.index_cast %add3A_876 : i32 to index
      %swap3A_922 = arith.constant 0 : index
      %swap3A_923 = tpu.vector_load %swap3A_920[%swap3A_921, %swap3A_922] {strides = array<i32>} : memref<64x128xf32, #tpu.memory_space<vmem>>, vector<1x16xf32>,
      %swap3A_924 = vector.shape_cast %swap3A_923 : vector<1x16xf32> to vector<16xf32>
      %swap3A_925 = vector.shape_cast %add3A_917 : vector<16xf32> to vector<1x16xf32>
      tpu.vector_store %swap3A_920[%swap3A_921, %swap3A_922], %swap3A_925 {strides = array<i32>} : memref<64x128xf32, #tpu.memory_space<vmem>>, vector<1x16xf32>,
      %mul3A_926 = arith.mulf %get3A_914, %bitcast_convert_type3A_894 : vector<16xf32>
      %add3A_927 = arith.addf %get3A_914, %mul3A_926 : vector<16xf32>
      %add3A_928 = arith.addf %add3A_927, %bitcast_convert_type3A_898 : vector<16xf32>
      %swap3A_929 = arith.constant 0 : i32
      %swap3A_930 = arith.constant 0 : i32
      %swap3A_931 = tpu.memref_slice %arg8[%scan3A_773, %swap3A_929, %swap3A_930] : memref<6x64x128xf32, #tpu.memory_space<vmem>> -> memref<1x64x128xf32, #tpu.memory_space<vmem>>
      %swap3A_932 = tpu.memref_squeeze %swap3A_931 : memref<1x64x128xf32, #tpu.memory_space<vmem>> -> memref<64x128xf32, #tpu.memory_space<vmem>>
      %swap3A_933 = arith.index_cast %add3A_876 : i32 to index
      %swap3A_934 = arith.constant 16 : index
      %swap3A_935 = tpu.vector_load %swap3A_932[%swap3A_933, %swap3A_934] {strides = array<i32>} : memref<64x128xf32, #tpu.memory_space<vmem>>, vector<1x16xf32>,
      %swap3A_936 = vector.shape_cast %swap3A_935 : vector<1x16xf32> to vector<16xf32>
      %swap3A_937 = vector.shape_cast %add3A_928 : vector<16xf32> to vector<1x16xf32>
      tpu.vector_store %swap3A_932[%swap3A_933, %swap3A_934], %swap3A_937 {strides = array<i32>} : memref<64x128xf32, #tpu.memory_space<vmem>>, vector<1x16xf32>,
      %get3A_938 = arith.constant 0 : i32
      %get3A_939 = arith.constant 0 : i32
      %get3A_940 = tpu.memref_slice %arg7[%scan3A_771, %get3A_938, %get3A_939] : memref<6x64x128xi32, #tpu.memory_space<vmem>> -> memref<1x64x128xi32, #tpu.memory_space<vmem>>
      %get3A_941 = tpu.memref_squeeze %get3A_940 : memref<1x64x128xi32, #tpu.memory_space<vmem>> -> memref<64x128xi32, #tpu.memory_space<vmem>>
      %get3A_942 = arith.index_cast %add3A_876 : i32 to index
      %get3A_943 = arith.constant 32 : index
      %get3A_944 = tpu.vector_load %get3A_941[%get3A_942, %get3A_943] {strides = array<i32>} : memref<64x128xi32, #tpu.memory_space<vmem>>, vector<1x16xi32>,
      %get3A_945 = vector.shape_cast %get3A_944 : vector<1x16xi32> to vector<16xi32>
      %get3A_946 = arith.constant 0 : i32
      %get3A_947 = arith.constant 0 : i32
      %get3A_948 = tpu.memref_slice %arg7[%scan3A_771, %get3A_946, %get3A_947] : memref<6x64x128xi32, #tpu.memory_space<vmem>> -> memref<1x64x128xi32, #tpu.memory_space<vmem>>
      %get3A_949 = tpu.memref_squeeze %get3A_948 : memref<1x64x128xi32, #tpu.memory_space<vmem>> -> memref<64x128xi32, #tpu.memory_space<vmem>>
      %get3A_950 = arith.index_cast %add3A_876 : i32 to index
      %get3A_951 = arith.constant 48 : index
      %get3A_952 = tpu.vector_load %get3A_949[%get3A_950, %get3A_951] {strides = array<i32>} : memref<64x128xi32, #tpu.memory_space<vmem>>, vector<1x16xi32>,
      %get3A_953 = vector.shape_cast %get3A_952 : vector<1x16xi32> to vector<16xi32>
      %broadcast_in_dim3A_954 = arith.constant 16 : i32
      %broadcast_in_dim3A_955 = vector.broadcast %broadcast_in_dim3A_954 : i32 to vector<16xi32>
      %broadcast_in_dim3A_956 = vector.broadcast %scan3A_772 : i32 to vector<16xi32>
      %shift_left3A_957 = arith.shli %get3A_945, %broadcast_in_dim3A_955 : vector<16xi32>
      %bitcast_convert_type3A_958 = tpu.bitcast %shift_left3A_957 : vector<16xi32> -> vector<16xf32>
      %and3A_959 = arith.andi %get3A_945, %broadcast_in_dim3A_956 : vector<16xi32>
      %bitcast_convert_type3A_960 = tpu.bitcast %and3A_959 : vector<16xi32> -> vector<16xf32>
      %shift_left3A_961 = arith.shli %get3A_953, %broadcast_in_dim3A_955 : vector<16xi32>
      %bitcast_convert_type3A_962 = tpu.bitcast %shift_left3A_961 : vector<16xi32> -> vector<16xf32>
      %and3A_963 = arith.andi %get3A_953, %broadcast_in_dim3A_956 : vector<16xi32>
      %bitcast_convert_type3A_964 = tpu.bitcast %and3A_963 : vector<16xi32> -> vector<16xf32>
      %get3A_965 = arith.constant 0 : i32
      %get3A_966 = arith.constant 0 : i32
      %get3A_967 = tpu.memref_slice %arg8[%scan3A_773, %get3A_965, %get3A_966] : memref<6x64x128xf32, #tpu.memory_space<vmem>> -> memref<1x64x128xf32, #tpu.memory_space<vmem>>
      %get3A_968 = tpu.memref_squeeze %get3A_967 : memref<1x64x128xf32, #tpu.memory_space<vmem>> -> memref<64x128xf32, #tpu.memory_space<vmem>>
      %get3A_969 = arith.index_cast %add3A_876 : i32 to index
      %get3A_970 = arith.constant 32 : index
      %get3A_971 = tpu.vector_load %get3A_968[%get3A_969, %get3A_970] {strides = array<i32>} : memref<64x128xf32, #tpu.memory_space<vmem>>, vector<1x16xf32>,
      %get3A_972 = vector.shape_cast %get3A_971 : vector<1x16xf32> to vector<16xf32>
      %get3A_973 = arith.constant 0 : i32
      %get3A_974 = arith.constant 0 : i32
      %get3A_975 = tpu.memref_slice %arg8[%scan3A_773, %get3A_973, %get3A_974] : memref<6x64x128xf32, #tpu.memory_space<vmem>> -> memref<1x64x128xf32, #tpu.memory_space<vmem>>
      %get3A_976 = tpu.memref_squeeze %get3A_975 : memref<1x64x128xf32, #tpu.memory_space<vmem>> -> memref<64x128xf32, #tpu.memory_space<vmem>>
      %get3A_977 = arith.index_cast %add3A_876 : i32 to index
      %get3A_978 = arith.constant 48 : index
      %get3A_979 = tpu.vector_load %get3A_976[%get3A_977, %get3A_978] {strides = array<i32>} : memref<64x128xf32, #tpu.memory_space<vmem>>, vector<1x16xf32>,
      %get3A_980 = vector.shape_cast %get3A_979 : vector<1x16xf32> to vector<16xf32>
      %mul3A_981 = arith.mulf %get3A_972, %bitcast_convert_type3A_958 : vector<16xf32>
      %add3A_982 = arith.addf %get3A_972, %mul3A_981 : vector<16xf32>
      %add3A_983 = arith.addf %add3A_982, %bitcast_convert_type3A_962 : vector<16xf32>
      %swap3A_984 = arith.constant 0 : i32
      %swap3A_985 = arith.constant 0 : i32
      %swap3A_986 = tpu.memref_slice %arg8[%scan3A_773, %swap3A_984, %swap3A_985] : memref<6x64x128xf32, #tpu.memory_space<vmem>> -> memref<1x64x128xf32, #tpu.memory_space<vmem>>
      %swap3A_987 = tpu.memref_squeeze %swap3A_986 : memref<1x64x128xf32, #tpu.memory_space<vmem>> -> memref<64x128xf32, #tpu.memory_space<vmem>>
      %swap3A_988 = arith.index_cast %add3A_876 : i32 to index
      %swap3A_989 = arith.constant 32 : index
      %swap3A_990 = tpu.vector_load %swap3A_987[%swap3A_988, %swap3A_989] {strides = array<i32>} : memref<64x128xf32, #tpu.memory_space<vmem>>, vector<1x16xf32>,
      %swap3A_991 = vector.shape_cast %swap3A_990 : vector<1x16xf32> to vector<16xf32>
      %swap3A_992 = vector.shape_cast %add3A_983 : vector<16xf32> to vector<1x16xf32>
      tpu.vector_store %swap3A_987[%swap3A_988, %swap3A_989], %swap3A_992 {strides = array<i32>} : memref<64x128xf32, #tpu.memory_space<vmem>>, vector<1x16xf32>,
      %mul3A_993 = arith.mulf %get3A_980, %bitcast_convert_type3A_960 : vector<16xf32>
      %add3A_994 = arith.addf %get3A_980, %mul3A_993 : vector<16xf32>
      %add3A_995 = arith.addf %add3A_994, %bitcast_convert_type3A_964 : vector<16xf32>
      %swap3A_996 = arith.constant 0 : i32
      %swap3A_997 = arith.constant 0 : i32
      %swap3A_998 = tpu.memref_slice %arg8[%scan3A_773, %swap3A_996, %swap3A_997] : memref<6x64x128xf32, #tpu.memory_space<vmem>> -> memref<1x64x128xf32, #tpu.memory_space<vmem>>
      %swap3A_999 = tpu.memref_squeeze %swap3A_998 : memref<1x64x128xf32, #tpu.memory_space<vmem>> -> memref<64x128xf32, #tpu.memory_space<vmem>>
      %swap3A_1000 = arith.index_cast %add3A_876 : i32 to index
      %swap3A_1001 = arith.constant 48 : index
      %swap3A_1002 = tpu.vector_load %swap3A_999[%swap3A_1000, %swap3A_1001] {strides = array<i32>} : memref<64x128xf32, #tpu.memory_space<vmem>>, vector<1x16xf32>,
      %swap3A_1003 = vector.shape_cast %swap3A_1002 : vector<1x16xf32> to vector<16xf32>
      %swap3A_1004 = vector.shape_cast %add3A_995 : vector<16xf32> to vector<1x16xf32>
      tpu.vector_store %swap3A_999[%swap3A_1000, %swap3A_1001], %swap3A_1004 {strides = array<i32>} : memref<64x128xf32, #tpu.memory_space<vmem>>, vector<1x16xf32>,
      %get3A_1005 = arith.constant 0 : i32
      %get3A_1006 = arith.constant 0 : i32
      %get3A_1007 = tpu.memref_slice %arg7[%scan3A_771, %get3A_1005, %get3A_1006] : memref<6x64x128xi32, #tpu.memory_space<vmem>> -> memref<1x64x128xi32, #tpu.memory_space<vmem>>
      %get3A_1008 = tpu.memref_squeeze %get3A_1007 : memref<1x64x128xi32, #tpu.memory_space<vmem>> -> memref<64x128xi32, #tpu.memory_space<vmem>>
      %get3A_1009 = arith.index_cast %add3A_876 : i32 to index
      %get3A_1010 = arith.constant 64 : index
      %get3A_1011 = tpu.vector_load %get3A_1008[%get3A_1009, %get3A_1010] {strides = array<i32>} : memref<64x128xi32, #tpu.memory_space<vmem>>, vector<1x16xi32>,
      %get3A_1012 = vector.shape_cast %get3A_1011 : vector<1x16xi32> to vector<16xi32>
      %get3A_1013 = arith.constant 0 : i32
      %get3A_1014 = arith.constant 0 : i32
      %get3A_1015 = tpu.memref_slice %arg7[%scan3A_771, %get3A_1013, %get3A_1014] : memref<6x64x128xi32, #tpu.memory_space<vmem>> -> memref<1x64x128xi32, #tpu.memory_space<vmem>>
      %get3A_1016 = tpu.memref_squeeze %get3A_1015 : memref<1x64x128xi32, #tpu.memory_space<vmem>> -> memref<64x128xi32, #tpu.memory_space<vmem>>
      %get3A_1017 = arith.index_cast %add3A_876 : i32 to index
      %get3A_1018 = arith.constant 80 : index
      %get3A_1019 = tpu.vector_load %get3A_1016[%get3A_1017, %get3A_1018] {strides = array<i32>} : memref<64x128xi32, #tpu.memory_space<vmem>>, vector<1x16xi32>,
      %get3A_1020 = vector.shape_cast %get3A_1019 : vector<1x16xi32> to vector<16xi32>
      %broadcast_in_dim3A_1021 = arith.constant 16 : i32
      %broadcast_in_dim3A_1022 = vector.broadcast %broadcast_in_dim3A_1021 : i32 to vector<16xi32>
      %broadcast_in_dim3A_1023 = vector.broadcast %scan3A_772 : i32 to vector<16xi32>
      %shift_left3A_1024 = arith.shli %get3A_1012, %broadcast_in_dim3A_1022 : vector<16xi32>
      %bitcast_convert_type3A_1025 = tpu.bitcast %shift_left3A_1024 : vector<16xi32> -> vector<16xf32>
      %and3A_1026 = arith.andi %get3A_1012, %broadcast_in_dim3A_1023 : vector<16xi32>
      %bitcast_convert_type3A_1027 = tpu.bitcast %and3A_1026 : vector<16xi32> -> vector<16xf32>
      %shift_left3A_1028 = arith.shli %get3A_1020, %broadcast_in_dim3A_1022 : vector<16xi32>
      %bitcast_convert_type3A_1029 = tpu.bitcast %shift_left3A_1028 : vector<16xi32> -> vector<16xf32>
      %and3A_1030 = arith.andi %get3A_1020, %broadcast_in_dim3A_1023 : vector<16xi32>
      %bitcast_convert_type3A_1031 = tpu.bitcast %and3A_1030 : vector<16xi32> -> vector<16xf32>
      %get3A_1032 = arith.constant 0 : i32
      %get3A_1033 = arith.constant 0 : i32
      %get3A_1034 = tpu.memref_slice %arg8[%scan3A_773, %get3A_1032, %get3A_1033] : memref<6x64x128xf32, #tpu.memory_space<vmem>> -> memref<1x64x128xf32, #tpu.memory_space<vmem>>
      %get3A_1035 = tpu.memref_squeeze %get3A_1034 : memref<1x64x128xf32, #tpu.memory_space<vmem>> -> memref<64x128xf32, #tpu.memory_space<vmem>>
      %get3A_1036 = arith.index_cast %add3A_876 : i32 to index
      %get3A_1037 = arith.constant 64 : index
      %get3A_1038 = tpu.vector_load %get3A_1035[%get3A_1036, %get3A_1037] {strides = array<i32>} : memref<64x128xf32, #tpu.memory_space<vmem>>, vector<1x16xf32>,
      %get3A_1039 = vector.shape_cast %get3A_1038 : vector<1x16xf32> to vector<16xf32>
      %get3A_1040 = arith.constant 0 : i32
      %get3A_1041 = arith.constant 0 : i32
      %get3A_1042 = tpu.memref_slice %arg8[%scan3A_773, %get3A_1040, %get3A_1041] : memref<6x64x128xf32, #tpu.memory_space<vmem>> -> memref<1x64x128xf32, #tpu.memory_space<vmem>>
      %get3A_1043 = tpu.memref_squeeze %get3A_1042 : memref<1x64x128xf32, #tpu.memory_space<vmem>> -> memref<64x128xf32, #tpu.memory_space<vmem>>
      %get3A_1044 = arith.index_cast %add3A_876 : i32 to index
      %get3A_1045 = arith.constant 80 : index
      %get3A_1046 = tpu.vector_load %get3A_1043[%get3A_1044, %get3A_1045] {strides = array<i32>} : memref<64x128xf32, #tpu.memory_space<vmem>>, vector<1x16xf32>,
      %get3A_1047 = vector.shape_cast %get3A_1046 : vector<1x16xf32> to vector<16xf32>
      %mul3A_1048 = arith.mulf %get3A_1039, %bitcast_convert_type3A_1025 : vector<16xf32>
      %add3A_1049 = arith.addf %get3A_1039, %mul3A_1048 : vector<16xf32>
      %add3A_1050 = arith.addf %add3A_1049, %bitcast_convert_type3A_1029 : vector<16xf32>
      %swap3A_1051 = arith.constant 0 : i32
      %swap3A_1052 = arith.constant 0 : i32
      %swap3A_1053 = tpu.memref_slice %arg8[%scan3A_773, %swap3A_1051, %swap3A_1052] : memref<6x64x128xf32, #tpu.memory_space<vmem>> -> memref<1x64x128xf32, #tpu.memory_space<vmem>>
      %swap3A_1054 = tpu.memref_squeeze %swap3A_1053 : memref<1x64x128xf32, #tpu.memory_space<vmem>> -> memref<64x128xf32, #tpu.memory_space<vmem>>
      %swap3A_1055 = arith.index_cast %add3A_876 : i32 to index
      %swap3A_1056 = arith.constant 64 : index
      %swap3A_1057 = tpu.vector_load %swap3A_1054[%swap3A_1055, %swap3A_1056] {strides = array<i32>} : memref<64x128xf32, #tpu.memory_space<vmem>>, vector<1x16xf32>,
      %swap3A_1058 = vector.shape_cast %swap3A_1057 : vector<1x16xf32> to vector<16xf32>
      %swap3A_1059 = vector.shape_cast %add3A_1050 : vector<16xf32> to vector<1x16xf32>
      tpu.vector_store %swap3A_1054[%swap3A_1055, %swap3A_1056], %swap3A_1059 {strides = array<i32>} : memref<64x128xf32, #tpu.memory_space<vmem>>, vector<1x16xf32>,
      %mul3A_1060 = arith.mulf %get3A_1047, %bitcast_convert_type3A_1027 : vector<16xf32>
      %add3A_1061 = arith.addf %get3A_1047, %mul3A_1060 : vector<16xf32>
      %add3A_1062 = arith.addf %add3A_1061, %bitcast_convert_type3A_1031 : vector<16xf32>
      %swap3A_1063 = arith.constant 0 : i32
      %swap3A_1064 = arith.constant 0 : i32
      %swap3A_1065 = tpu.memref_slice %arg8[%scan3A_773, %swap3A_1063, %swap3A_1064] : memref<6x64x128xf32, #tpu.memory_space<vmem>> -> memref<1x64x128xf32, #tpu.memory_space<vmem>>
      %swap3A_1066 = tpu.memref_squeeze %swap3A_1065 : memref<1x64x128xf32, #tpu.memory_space<vmem>> -> memref<64x128xf32, #tpu.memory_space<vmem>>
      %swap3A_1067 = arith.index_cast %add3A_876 : i32 to index
      %swap3A_1068 = arith.constant 80 : index
      %swap3A_1069 = tpu.vector_load %swap3A_1066[%swap3A_1067, %swap3A_1068] {strides = array<i32>} : memref<64x128xf32, #tpu.memory_space<vmem>>, vector<1x16xf32>,
      %swap3A_1070 = vector.shape_cast %swap3A_1069 : vector<1x16xf32> to vector<16xf32>
      %swap3A_1071 = vector.shape_cast %add3A_1062 : vector<16xf32> to vector<1x16xf32>
      tpu.vector_store %swap3A_1066[%swap3A_1067, %swap3A_1068], %swap3A_1071 {strides = array<i32>} : memref<64x128xf32, #tpu.memory_space<vmem>>, vector<1x16xf32>,
      %get3A_1072 = arith.constant 0 : i32
      %get3A_1073 = arith.constant 0 : i32
      %get3A_1074 = tpu.memref_slice %arg7[%scan3A_771, %get3A_1072, %get3A_1073] : memref<6x64x128xi32, #tpu.memory_space<vmem>> -> memref<1x64x128xi32, #tpu.memory_space<vmem>>
      %get3A_1075 = tpu.memref_squeeze %get3A_1074 : memref<1x64x128xi32, #tpu.memory_space<vmem>> -> memref<64x128xi32, #tpu.memory_space<vmem>>
      %get3A_1076 = arith.index_cast %add3A_876 : i32 to index
      %get3A_1077 = arith.constant 96 : index
      %get3A_1078 = tpu.vector_load %get3A_1075[%get3A_1076, %get3A_1077] {strides = array<i32>} : memref<64x128xi32, #tpu.memory_space<vmem>>, vector<1x16xi32>,
      %get3A_1079 = vector.shape_cast %get3A_1078 : vector<1x16xi32> to vector<16xi32>
      %get3A_1080 = arith.constant 0 : i32
      %get3A_1081 = arith.constant 0 : i32
      %get3A_1082 = tpu.memref_slice %arg7[%scan3A_771, %get3A_1080, %get3A_1081] : memref<6x64x128xi32, #tpu.memory_space<vmem>> -> memref<1x64x128xi32, #tpu.memory_space<vmem>>
      %get3A_1083 = tpu.memref_squeeze %get3A_1082 : memref<1x64x128xi32, #tpu.memory_space<vmem>> -> memref<64x128xi32, #tpu.memory_space<vmem>>
      %get3A_1084 = arith.index_cast %add3A_876 : i32 to index
      %get3A_1085 = arith.constant 112 : index
      %get3A_1086 = tpu.vector_load %get3A_1083[%get3A_1084, %get3A_1085] {strides = array<i32>} : memref<64x128xi32, #tpu.memory_space<vmem>>, vector<1x16xi32>,
      %get3A_1087 = vector.shape_cast %get3A_1086 : vector<1x16xi32> to vector<16xi32>
      %broadcast_in_dim3A_1088 = arith.constant 16 : i32
      %broadcast_in_dim3A_1089 = vector.broadcast %broadcast_in_dim3A_1088 : i32 to vector<16xi32>
      %broadcast_in_dim3A_1090 = vector.broadcast %scan3A_772 : i32 to vector<16xi32>
      %shift_left3A_1091 = arith.shli %get3A_1079, %broadcast_in_dim3A_1089 : vector<16xi32>
      %bitcast_convert_type3A_1092 = tpu.bitcast %shift_left3A_1091 : vector<16xi32> -> vector<16xf32>
      %and3A_1093 = arith.andi %get3A_1079, %broadcast_in_dim3A_1090 : vector<16xi32>
      %bitcast_convert_type3A_1094 = tpu.bitcast %and3A_1093 : vector<16xi32> -> vector<16xf32>
      %shift_left3A_1095 = arith.shli %get3A_1087, %broadcast_in_dim3A_1089 : vector<16xi32>
      %bitcast_convert_type3A_1096 = tpu.bitcast %shift_left3A_1095 : vector<16xi32> -> vector<16xf32>
      %and3A_1097 = arith.andi %get3A_1087, %broadcast_in_dim3A_1090 : vector<16xi32>
      %bitcast_convert_type3A_1098 = tpu.bitcast %and3A_1097 : vector<16xi32> -> vector<16xf32>
      %get3A_1099 = arith.constant 0 : i32
      %get3A_1100 = arith.constant 0 : i32
      %get3A_1101 = tpu.memref_slice %arg8[%scan3A_773, %get3A_1099, %get3A_1100] : memref<6x64x128xf32, #tpu.memory_space<vmem>> -> memref<1x64x128xf32, #tpu.memory_space<vmem>>
      %get3A_1102 = tpu.memref_squeeze %get3A_1101 : memref<1x64x128xf32, #tpu.memory_space<vmem>> -> memref<64x128xf32, #tpu.memory_space<vmem>>
      %get3A_1103 = arith.index_cast %add3A_876 : i32 to index
      %get3A_1104 = arith.constant 96 : index
      %get3A_1105 = tpu.vector_load %get3A_1102[%get3A_1103, %get3A_1104] {strides = array<i32>} : memref<64x128xf32, #tpu.memory_space<vmem>>, vector<1x16xf32>,
      %get3A_1106 = vector.shape_cast %get3A_1105 : vector<1x16xf32> to vector<16xf32>
      %get3A_1107 = arith.constant 0 : i32
      %get3A_1108 = arith.constant 0 : i32
      %get3A_1109 = tpu.memref_slice %arg8[%scan3A_773, %get3A_1107, %get3A_1108] : memref<6x64x128xf32, #tpu.memory_space<vmem>> -> memref<1x64x128xf32, #tpu.memory_space<vmem>>
      %get3A_1110 = tpu.memref_squeeze %get3A_1109 : memref<1x64x128xf32, #tpu.memory_space<vmem>> -> memref<64x128xf32, #tpu.memory_space<vmem>>
      %get3A_1111 = arith.index_cast %add3A_876 : i32 to index
      %get3A_1112 = arith.constant 112 : index
      %get3A_1113 = tpu.vector_load %get3A_1110[%get3A_1111, %get3A_1112] {strides = array<i32>} : memref<64x128xf32, #tpu.memory_space<vmem>>, vector<1x16xf32>,
      %get3A_1114 = vector.shape_cast %get3A_1113 : vector<1x16xf32> to vector<16xf32>
      %mul3A_1115 = arith.mulf %get3A_1106, %bitcast_convert_type3A_1092 : vector<16xf32>
      %add3A_1116 = arith.addf %get3A_1106, %mul3A_1115 : vector<16xf32>
      %add3A_1117 = arith.addf %add3A_1116, %bitcast_convert_type3A_1096 : vector<16xf32>
      %swap3A_1118 = arith.constant 0 : i32
      %swap3A_1119 = arith.constant 0 : i32
      %swap3A_1120 = tpu.memref_slice %arg8[%scan3A_773, %swap3A_1118, %swap3A_1119] : memref<6x64x128xf32, #tpu.memory_space<vmem>> -> memref<1x64x128xf32, #tpu.memory_space<vmem>>
      %swap3A_1121 = tpu.memref_squeeze %swap3A_1120 : memref<1x64x128xf32, #tpu.memory_space<vmem>> -> memref<64x128xf32, #tpu.memory_space<vmem>>
      %swap3A_1122 = arith.index_cast %add3A_876 : i32 to index
      %swap3A_1123 = arith.constant 96 : index
      %swap3A_1124 = tpu.vector_load %swap3A_1121[%swap3A_1122, %swap3A_1123] {strides = array<i32>} : memref<64x128xf32, #tpu.memory_space<vmem>>, vector<1x16xf32>,
      %swap3A_1125 = vector.shape_cast %swap3A_1124 : vector<1x16xf32> to vector<16xf32>
      %swap3A_1126 = vector.shape_cast %add3A_1117 : vector<16xf32> to vector<1x16xf32>
      tpu.vector_store %swap3A_1121[%swap3A_1122, %swap3A_1123], %swap3A_1126 {strides = array<i32>} : memref<64x128xf32, #tpu.memory_space<vmem>>, vector<1x16xf32>,
      %mul3A_1127 = arith.mulf %get3A_1114, %bitcast_convert_type3A_1094 : vector<16xf32>
      %add3A_1128 = arith.addf %get3A_1114, %mul3A_1127 : vector<16xf32>
      %add3A_1129 = arith.addf %add3A_1128, %bitcast_convert_type3A_1098 : vector<16xf32>
      %swap3A_1130 = arith.constant 0 : i32
      %swap3A_1131 = arith.constant 0 : i32
      %swap3A_1132 = tpu.memref_slice %arg8[%scan3A_773, %swap3A_1130, %swap3A_1131] : memref<6x64x128xf32, #tpu.memory_space<vmem>> -> memref<1x64x128xf32, #tpu.memory_space<vmem>>
      %swap3A_1133 = tpu.memref_squeeze %swap3A_1132 : memref<1x64x128xf32, #tpu.memory_space<vmem>> -> memref<64x128xf32, #tpu.memory_space<vmem>>
      %swap3A_1134 = arith.index_cast %add3A_876 : i32 to index
      %swap3A_1135 = arith.constant 112 : index
      %swap3A_1136 = tpu.vector_load %swap3A_1133[%swap3A_1134, %swap3A_1135] {strides = array<i32>} : memref<64x128xf32, #tpu.memory_space<vmem>>, vector<1x16xf32>,
      %swap3A_1137 = vector.shape_cast %swap3A_1136 : vector<1x16xf32> to vector<16xf32>
      %swap3A_1138 = vector.shape_cast %add3A_1129 : vector<16xf32> to vector<1x16xf32>
      tpu.vector_store %swap3A_1133[%swap3A_1134, %swap3A_1135], %swap3A_1138 {strides = array<i32>} : memref<64x128xf32, #tpu.memory_space<vmem>>, vector<1x16xf32>,
    }
    %scan3A_778 = arith.constant 64 : i32
    %add3A_779 = arith.constant 448 : i32
    %add3A_780 = arith.addi %mul3A_2, %add3A_779 : i32
    %dma_start3A_781 = arith.constant 1 : i32
    %dma_start3A_782 = arith.constant 0 : i32
    %dma_start3A_783 = arith.constant 0 : i32
    %dma_start3A_784 = tpu.memref_slice %arg8[%dma_start3A_781, %dma_start3A_782, %dma_start3A_783] : memref<6x64x128xf32, #tpu.memory_space<vmem>> -> memref<1x64x128xf32, #tpu.memory_space<vmem>>
    %dma_start3A_785 = tpu.memref_squeeze %dma_start3A_784 : memref<1x64x128xf32, #tpu.memory_space<vmem>> -> memref<64x128xf32, #tpu.memory_space<vmem>>
    %dma_start3A_786 = arith.constant 0 : i32
    %dma_start3A_787 = tpu.memref_slice %arg5[%add3A_780, %dma_start3A_786] : memref<16384x128xf32, #tpu.memory_space<hbm>> -> memref<64x128xf32, #tpu.memory_space<hbm>>
    %dma_start3A_788 = arith.constant 0 : i32
    %dma_start3A_789 = tpu.memref_slice %arg5[%add3A_780, %dma_start3A_788] : memref<16384x128xf32, #tpu.memory_space<hbm>> -> memref<64x128xf32, #tpu.memory_space<hbm>>
    %dma_start3A_790 = arith.constant 0 : i32
    %dma_start3A_791 = arith.constant 0 : i32
    %dma_start3A_792 = tpu.memref_slice %arg8[%dma_start3A_781, %dma_start3A_790, %dma_start3A_791] : memref<6x64x128xf32, #tpu.memory_space<vmem>> -> memref<1x64x128xf32, #tpu.memory_space<vmem>>
    %dma_start3A_793 = tpu.memref_squeeze %dma_start3A_792 : memref<1x64x128xf32, #tpu.memory_space<vmem>> -> memref<64x128xf32, #tpu.memory_space<vmem>>
    tpu.enqueue_dma source(%dma_start3A_793 : memref<64x128xf32, #tpu.memory_space<vmem>>) target(%dma_start3A_789 : memref<64x128xf32, #tpu.memory_space<hbm>>) target_semaphore(%arg17 : memref<!tpu.dma_semaphore, #tpu.memory_space<semaphore_mem>>)
    %dma_wait3A_794 = arith.constant 0 : i32
    %dma_wait3A_795 = arith.constant 0 : i32
    %dma_wait3A_796 = arith.constant 0 : i32
    %dma_wait3A_797 = tpu.memref_slice %arg8[%dma_wait3A_794, %dma_wait3A_795, %dma_wait3A_796] : memref<6x64x128xf32, #tpu.memory_space<vmem>> -> memref<1x64x128xf32, #tpu.memory_space<vmem>>
    %dma_wait3A_798 = tpu.memref_squeeze %dma_wait3A_797 : memref<1x64x128xf32, #tpu.memory_space<vmem>> -> memref<64x128xf32, #tpu.memory_space<vmem>>
    %dma_wait3A_799 = arith.constant 0 : i32
    %dma_wait3A_800 = tpu.memref_slice %arg5[%add3A_731, %dma_wait3A_799] : memref<16384x128xf32, #tpu.memory_space<hbm>> -> memref<64x128xf32, #tpu.memory_space<hbm>>
    %dma_wait3A_801 = arith.constant 0 : i32
    %dma_wait3A_802 = tpu.memref_slice %arg5[%add3A_731, %dma_wait3A_801] : memref<16384x128xf32, #tpu.memory_space<hbm>> -> memref<64x128xf32, #tpu.memory_space<hbm>>
    %dma_wait3A_803 = arith.constant 0 : i32
    %dma_wait3A_804 = arith.constant 0 : i32
    %dma_wait3A_805 = tpu.memref_slice %arg8[%dma_wait3A_794, %dma_wait3A_803, %dma_wait3A_804] : memref<6x64x128xf32, #tpu.memory_space<vmem>> -> memref<1x64x128xf32, #tpu.memory_space<vmem>>
    %dma_wait3A_806 = tpu.memref_squeeze %dma_wait3A_805 : memref<1x64x128xf32, #tpu.memory_space<vmem>> -> memref<64x128xf32, #tpu.memory_space<vmem>>
    tpu.wait_dma2 semaphore(%arg16 : memref<!tpu.dma_semaphore, #tpu.memory_space<semaphore_mem>>) src(%dma_wait3A_806 : memref<64x128xf32, #tpu.memory_space<vmem>>) dst(%dma_wait3A_802 : memref<64x128xf32, #tpu.memory_space<hbm>>)
    %dma_wait3A_807 = arith.constant 1 : i32
    %dma_wait3A_808 = arith.constant 0 : i32
    %dma_wait3A_809 = arith.constant 0 : i32
    %dma_wait3A_810 = tpu.memref_slice %arg8[%dma_wait3A_807, %dma_wait3A_808, %dma_wait3A_809] : memref<6x64x128xf32, #tpu.memory_space<vmem>> -> memref<1x64x128xf32, #tpu.memory_space<vmem>>
    %dma_wait3A_811 = tpu.memref_squeeze %dma_wait3A_810 : memref<1x64x128xf32, #tpu.memory_space<vmem>> -> memref<64x128xf32, #tpu.memory_space<vmem>>
    %dma_wait3A_812 = arith.constant 0 : i32
    %dma_wait3A_813 = tpu.memref_slice %arg5[%add3A_780, %dma_wait3A_812] : memref<16384x128xf32, #tpu.memory_space<hbm>> -> memref<64x128xf32, #tpu.memory_space<hbm>>
    %dma_wait3A_814 = arith.constant 0 : i32
    %dma_wait3A_815 = tpu.memref_slice %arg5[%add3A_780, %dma_wait3A_814] : memref<16384x128xf32, #tpu.memory_space<hbm>> -> memref<64x128xf32, #tpu.memory_space<hbm>>
    %dma_wait3A_816 = arith.constant 0 : i32
    %dma_wait3A_817 = arith.constant 0 : i32
    %dma_wait3A_818 = tpu.memref_slice %arg8[%dma_wait3A_807, %dma_wait3A_816, %dma_wait3A_817] : memref<6x64x128xf32, #tpu.memory_space<vmem>> -> memref<1x64x128xf32, #tpu.memory_space<vmem>>
    %dma_wait3A_819 = tpu.memref_squeeze %dma_wait3A_818 : memref<1x64x128xf32, #tpu.memory_space<vmem>> -> memref<64x128xf32, #tpu.memory_space<vmem>>
    tpu.wait_dma2 semaphore(%arg17 : memref<!tpu.dma_semaphore, #tpu.memory_space<semaphore_mem>>) src(%dma_wait3A_819 : memref<64x128xf32, #tpu.memory_space<vmem>>) dst(%dma_wait3A_815 : memref<64x128xf32, #tpu.memory_space<hbm>>)
    %dma_wait3A_820 = arith.constant 2 : i32
    %dma_wait3A_821 = arith.constant 0 : i32
    %dma_wait3A_822 = arith.constant 0 : i32
    %dma_wait3A_823 = tpu.memref_slice %arg8[%dma_wait3A_820, %dma_wait3A_821, %dma_wait3A_822] : memref<6x64x128xf32, #tpu.memory_space<vmem>> -> memref<1x64x128xf32, #tpu.memory_space<vmem>>
    %dma_wait3A_824 = tpu.memref_squeeze %dma_wait3A_823 : memref<1x64x128xf32, #tpu.memory_space<vmem>> -> memref<64x128xf32, #tpu.memory_space<vmem>>
    %dma_wait3A_825 = arith.constant 0 : i32
    %dma_wait3A_826 = tpu.memref_slice %arg5[%add3A_401, %dma_wait3A_825] : memref<16384x128xf32, #tpu.memory_space<hbm>> -> memref<64x128xf32, #tpu.memory_space<hbm>>
    %dma_wait3A_827 = arith.constant 0 : i32
    %dma_wait3A_828 = tpu.memref_slice %arg5[%add3A_401, %dma_wait3A_827] : memref<16384x128xf32, #tpu.memory_space<hbm>> -> memref<64x128xf32, #tpu.memory_space<hbm>>
    %dma_wait3A_829 = arith.constant 0 : i32
    %dma_wait3A_830 = arith.constant 0 : i32
    %dma_wait3A_831 = tpu.memref_slice %arg8[%dma_wait3A_820, %dma_wait3A_829, %dma_wait3A_830] : memref<6x64x128xf32, #tpu.memory_space<vmem>> -> memref<1x64x128xf32, #tpu.memory_space<vmem>>
    %dma_wait3A_832 = tpu.memref_squeeze %dma_wait3A_831 : memref<1x64x128xf32, #tpu.memory_space<vmem>> -> memref<64x128xf32, #tpu.memory_space<vmem>>
    tpu.wait_dma2 semaphore(%arg18 : memref<!tpu.dma_semaphore, #tpu.memory_space<semaphore_mem>>) src(%dma_wait3A_832 : memref<64x128xf32, #tpu.memory_space<vmem>>) dst(%dma_wait3A_828 : memref<64x128xf32, #tpu.memory_space<hbm>>)
    %dma_wait3A_833 = arith.constant 3 : i32
    %dma_wait3A_834 = arith.constant 0 : i32
    %dma_wait3A_835 = arith.constant 0 : i32
    %dma_wait3A_836 = tpu.memref_slice %arg8[%dma_wait3A_833, %dma_wait3A_834, %dma_wait3A_835] : memref<6x64x128xf32, #tpu.memory_space<vmem>> -> memref<1x64x128xf32, #tpu.memory_space<vmem>>
    %dma_wait3A_837 = tpu.memref_squeeze %dma_wait3A_836 : memref<1x64x128xf32, #tpu.memory_space<vmem>> -> memref<64x128xf32, #tpu.memory_space<vmem>>
    %dma_wait3A_838 = arith.constant 0 : i32
    %dma_wait3A_839 = tpu.memref_slice %arg5[%add3A_486, %dma_wait3A_838] : memref<16384x128xf32, #tpu.memory_space<hbm>> -> memref<64x128xf32, #tpu.memory_space<hbm>>
    %dma_wait3A_840 = arith.constant 0 : i32
    %dma_wait3A_841 = tpu.memref_slice %arg5[%add3A_486, %dma_wait3A_840] : memref<16384x128xf32, #tpu.memory_space<hbm>> -> memref<64x128xf32, #tpu.memory_space<hbm>>
    %dma_wait3A_842 = arith.constant 0 : i32
    %dma_wait3A_843 = arith.constant 0 : i32
    %dma_wait3A_844 = tpu.memref_slice %arg8[%dma_wait3A_833, %dma_wait3A_842, %dma_wait3A_843] : memref<6x64x128xf32, #tpu.memory_space<vmem>> -> memref<1x64x128xf32, #tpu.memory_space<vmem>>
    %dma_wait3A_845 = tpu.memref_squeeze %dma_wait3A_844 : memref<1x64x128xf32, #tpu.memory_space<vmem>> -> memref<64x128xf32, #tpu.memory_space<vmem>>
    tpu.wait_dma2 semaphore(%arg19 : memref<!tpu.dma_semaphore, #tpu.memory_space<semaphore_mem>>) src(%dma_wait3A_845 : memref<64x128xf32, #tpu.memory_space<vmem>>) dst(%dma_wait3A_841 : memref<64x128xf32, #tpu.memory_space<hbm>>)
    %dma_wait3A_846 = arith.constant 4 : i32
    %dma_wait3A_847 = arith.constant 0 : i32
    %dma_wait3A_848 = arith.constant 0 : i32
    %dma_wait3A_849 = tpu.memref_slice %arg8[%dma_wait3A_846, %dma_wait3A_847, %dma_wait3A_848] : memref<6x64x128xf32, #tpu.memory_space<vmem>> -> memref<1x64x128xf32, #tpu.memory_space<vmem>>
    %dma_wait3A_850 = tpu.memref_squeeze %dma_wait3A_849 : memref<1x64x128xf32, #tpu.memory_space<vmem>> -> memref<64x128xf32, #tpu.memory_space<vmem>>
    %dma_wait3A_851 = arith.constant 0 : i32
    %dma_wait3A_852 = tpu.memref_slice %arg5[%add3A_584, %dma_wait3A_851] : memref<16384x128xf32, #tpu.memory_space<hbm>> -> memref<64x128xf32, #tpu.memory_space<hbm>>
    %dma_wait3A_853 = arith.constant 0 : i32
    %dma_wait3A_854 = tpu.memref_slice %arg5[%add3A_584, %dma_wait3A_853] : memref<16384x128xf32, #tpu.memory_space<hbm>> -> memref<64x128xf32, #tpu.memory_space<hbm>>
    %dma_wait3A_855 = arith.constant 0 : i32
    %dma_wait3A_856 = arith.constant 0 : i32
    %dma_wait3A_857 = tpu.memref_slice %arg8[%dma_wait3A_846, %dma_wait3A_855, %dma_wait3A_856] : memref<6x64x128xf32, #tpu.memory_space<vmem>> -> memref<1x64x128xf32, #tpu.memory_space<vmem>>
    %dma_wait3A_858 = tpu.memref_squeeze %dma_wait3A_857 : memref<1x64x128xf32, #tpu.memory_space<vmem>> -> memref<64x128xf32, #tpu.memory_space<vmem>>
    tpu.wait_dma2 semaphore(%arg20 : memref<!tpu.dma_semaphore, #tpu.memory_space<semaphore_mem>>) src(%dma_wait3A_858 : memref<64x128xf32, #tpu.memory_space<vmem>>) dst(%dma_wait3A_854 : memref<64x128xf32, #tpu.memory_space<hbm>>)
    %dma_wait3A_859 = arith.constant 5 : i32
    %dma_wait3A_860 = arith.constant 0 : i32
    %dma_wait3A_861 = arith.constant 0 : i32
    %dma_wait3A_862 = tpu.memref_slice %arg8[%dma_wait3A_859, %dma_wait3A_860, %dma_wait3A_861] : memref<6x64x128xf32, #tpu.memory_space<vmem>> -> memref<1x64x128xf32, #tpu.memory_space<vmem>>
    %dma_wait3A_863 = tpu.memref_squeeze %dma_wait3A_862 : memref<1x64x128xf32, #tpu.memory_space<vmem>> -> memref<64x128xf32, #tpu.memory_space<vmem>>
    %dma_wait3A_864 = arith.constant 0 : i32
    %dma_wait3A_865 = tpu.memref_slice %arg5[%add3A_682, %dma_wait3A_864] : memref<16384x128xf32, #tpu.memory_space<hbm>> -> memref<64x128xf32, #tpu.memory_space<hbm>>
    %dma_wait3A_866 = arith.constant 0 : i32
    %dma_wait3A_867 = tpu.memref_slice %arg5[%add3A_682, %dma_wait3A_866] : memref<16384x128xf32, #tpu.memory_space<hbm>> -> memref<64x128xf32, #tpu.memory_space<hbm>>
    %dma_wait3A_868 = arith.constant 0 : i32
    %dma_wait3A_869 = arith.constant 0 : i32
    %dma_wait3A_870 = tpu.memref_slice %arg8[%dma_wait3A_859, %dma_wait3A_868, %dma_wait3A_869] : memref<6x64x128xf32, #tpu.memory_space<vmem>> -> memref<1x64x128xf32, #tpu.memory_space<vmem>>
    %dma_wait3A_871 = tpu.memref_squeeze %dma_wait3A_870 : memref<1x64x128xf32, #tpu.memory_space<vmem>> -> memref<64x128xf32, #tpu.memory_space<vmem>>
    tpu.wait_dma2 semaphore(%arg21 : memref<!tpu.dma_semaphore, #tpu.memory_space<semaphore_mem>>) src(%dma_wait3A_871 : memref<64x128xf32, #tpu.memory_space<vmem>>) dst(%dma_wait3A_867 : memref<64x128xf32, #tpu.memory_space<hbm>>)
    return
  }
}

</mosaic_0001>

<sc_bundles>
// kernel: kernel.3.cloned.1.call-start
scs
__scs_entry_jumppad:
0x0: {  	(pc) =	sbr.rel $0x88, $3  }
0x1: {  	(tag) =	ssettag $0x0;
	lr =	simm.s32 $0x1  }
0x2: {  	[smem:$0x3F9D] =	sst lr;
	_ =	strace $0xD0000000  }
0x3: {  	_ = 	snop  }
0x4: {  	_ = 	snop  }
0x5: {  	_ = 	snop  }
0x6: {  	_ = 	snop  }
0x7: {  	_ = 	snop  }
__scs_overlays_trampoline_lowered:
0x8: {  	[smem:$0x3FAC] =	sst s0  }
0x9: {  	[smem:$0x3FAD] =	sst s1  }
0xa: {  	[smem:$0x3FAE] =	sst s2  }
0xb: {  	[smem:$0x3FAF] =	sst s3  }
0xc: {  	[smem:$0x3FB0] =	sst s4  }
0xd: {  	[smem:$0x3FB1] =	sst s5  }
0xe: {  	[smem:$0x3FB2] =	sst s6  }
0xf: {  	[smem:$0x3FB3] =	sst s7  }
0x10: {  	[smem:$0x3FB4] =	sst s8  }
0x11: {  	[smem:$0x3FB5] =	sst s9;
	s0 =	simm.s32 @!p0 $0x0  }
0x12: {  	s1 =	sld [smem:$0x3F9B];
	s0 =	simm.s32 @p0 $0x1  }
0x13: {  	[smem:$0x3FB6] =	sst s0;
	s0 =	simm.s32 @!p1 $0x0  }
0x14: {  	s2 =	sld [smem:$0x3F9A];
	s0 =	simm.s32 @p1 $0x1  }
0x15: {  	[smem:$0x3FB7] =	sst s0;
	s0 =	simm.s32 @!p2 $0x0  }
0x16: {  	s3 =	sld [smem:$0x3FDB];
	s0 =	simm.s32 @p2 $0x1  }
0x17: {  	s4 =	simm.s32 $0x1BF5;
	[smem:$0x3FB9] =	sst s0  }
0x18: {  	s0 =	sld [smem:$0x3F9C];
	_ =	swait.ge [sflag:s4], $0x0  }
0x19: {  	s7 =	sld [smem:$0x3F9D]  }
0x1a: {  	s8 =	sadd.s32 $0xFFFFE003, lr  }
0x1b: {  	s9 =	sadd.s32 $0xFFFFFEF7, lr;
	s5 =	simm.s32 $0xFFFFFFFF;
	p2 =	slt.u32 s8, $0xFFFFF086  }
0x1c: {  	p1 =	slt.u32 s9, $0xF7A;
	s5 =	simm.s32 @!p2 $0x0  }
0x1d: {  	s5 =	simm.s32 @p1 $0x1;
	p0 =	seq.s32 s7, s2  }
0x1e: {  	s7 =	smul.u32 @!p0 $0xF7A, s2;
	p2 =	seq.s32 @!p0 s5, $0x0  }
0x1f: {  	s9 =	smul.u32 $0xF7A, s1;
	s8 =	simm.s32 @!p0 $0x1BF5;
	p2 =	por !p2, p0  }
0x20: {  	[sflag:s8] =	ssyncset.s32 @!p0 $0xFFFFF086;
	s6 =	sadd.s32 @!p0 s3, s7;
	s7 =	simm.s32 @!p0 $0x108  }
0x21: {  	s3 =	sadd.s32 s3, s9;
	s6 =	sadd.s32 @!p0 $0x88, s6;
	s7 =	simm.s32 @p2 $0x1082  }
0x22: {  	[simem:s7], [sflag:s8] =	dma.local @!p0 [hbm:s6], $0xF7A  }
0x23: {  	s9 =	sor.u32 $0xD0000000, s2;
	s6 =	simm.s32 $0x108;
	_ =	swait.ge @!p0 [sflag:s8], $0x0  }
0x24: {  	s3 =	sadd.s32 $0x88, s3;
	s6 =	simm.s32 @!p1 $0x1082;
	[sflag:s4] =	ssyncset.s32 $0xFFFFF086  }
0x25: {  	[simem:s6], [sflag:s4] =	dma.local [hbm:s3], $0xF7A  }
0x26: {  	[smem:$0x3F9D] =	sst s1;
	(tag) =	ssettag s2;
	_ =	strace s9  }
0x27: {  	s1 =	sld [smem:$0x3FAD]  }
0x28: {  	s2 =	sld [smem:$0x3FAE]  }
0x29: {  	s4 =	sld [smem:$0x3FB0]  }
0x2a: {  	p0 =	seq.s32 s5, $0x0;
	s5 =	sld [smem:$0x3FB1]  }
0x2b: {  	s6 =	sld [smem:$0x3FB2]  }
0x2c: {  	s7 =	sld [smem:$0x3FB3]  }
0x2d: {  	s3 =	simm.s32 $0x108;
	s8 =	sld [smem:$0x3FB4]  }
0x2e: {  	s3 =	simm.s32 @!p0 $0x1082;
	s9 =	sld [smem:$0x3FB5]  }
0x2f: {  	lr =	sadd.s32 s0, s3;
	s0 =	sld [smem:$0x3FAC]  }
0x30: {  	s3 =	sld [smem:$0x3FAF]  }
0x31: {  	[smem:$0x3FB8] =	sst s10  }
0x32: {  	s10 =	sld [smem:$0x3FB6];
	_ =	sdelay $0x3  }
0x33: {  	p0 =	seq.s32 s10, $0x1;
	s10 =	sld [smem:$0x3FB8];
	_ =	sdelay $0x3  }
0x34: {  	[smem:$0x3FB8] =	sst s10  }
0x35: {  	s10 =	sld [smem:$0x3FB7];
	_ =	sdelay $0x3  }
0x36: {  	p1 =	seq.s32 s10, $0x1;
	s10 =	sld [smem:$0x3FB8];
	_ =	sdelay $0x3  }
0x37: {  	[smem:$0x3FB8] =	sst s10  }
0x38: {  	s10 =	sld [smem:$0x3FB9]  }
0x39: {  	_ = 	snop;
	(pc) =	sbr.ind lr, $3  }
0x3a: {  	_ = 	snop  }
0x3b: {  	_ = 	snop  }
0x3c: {  	p2 =	seq.s32 s10, $0x1;
	s10 =	sld [smem:$0x3FB8]  }
0x3d: {  	_ =	shalt  }
0x3e: {  	_ =	shalt  }
0x3f: {  	_ =	shalt  }
0x40: {  	_ =	shalt  }
0x41: {  	_ =	shalt  }
0x42: {  	_ =	shalt  }
0x43: {  	_ =	shalt  }
0x44: {  	_ =	shalt  }
0x45: {  	_ =	shalt  }
0x46: {  	_ =	shalt  }
0x47: {  	_ =	shalt  }
0x48: {  	_ =	shalt  }
0x49: {  	_ =	shalt  }
0x4a: {  	_ =	shalt  }
0x4b: {  	_ =	shalt  }
0x4c: {  	_ =	shalt  }
0x4d: {  	_ =	shalt  }
0x4e: {  	_ =	shalt  }
0x4f: {  	_ =	shalt  }
0x50: {  	_ =	shalt  }
0x51: {  	_ =	shalt  }
0x52: {  	_ =	shalt  }
0x53: {  	_ =	shalt  }
0x54: {  	_ =	shalt  }
0x55: {  	_ =	shalt  }
0x56: {  	_ =	shalt  }
0x57: {  	_ =	shalt  }
0x58: {  	_ =	shalt  }
0x59: {  	_ =	shalt  }
0x5a: {  	_ =	shalt  }
0x5b: {  	_ =	shalt  }
0x5c: {  	_ =	shalt  }
0x5d: {  	_ =	shalt  }
0x5e: {  	_ =	shalt  }
0x5f: {  	_ =	shalt  }
0x60: {  	_ =	shalt  }
0x61: {  	_ =	shalt  }
0x62: {  	_ =	shalt  }
0x63: {  	_ =	shalt  }
0x64: {  	_ =	shalt  }
0x65: {  	_ =	shalt  }
0x66: {  	_ =	shalt  }
0x67: {  	_ =	shalt  }
0x68: {  	_ =	shalt  }
0x69: {  	_ =	shalt  }
0x6a: {  	_ =	shalt  }
0x6b: {  	_ =	shalt  }
0x6c: {  	_ =	shalt  }
0x6d: {  	_ =	shalt  }
0x6e: {  	_ =	shalt  }
0x6f: {  	_ =	shalt  }
0x70: {  	_ =	shalt  }
0x71: {  	_ =	shalt  }
0x72: {  	_ =	shalt  }
0x73: {  	_ =	shalt  }
0x74: {  	_ =	shalt  }
0x75: {  	_ =	shalt  }
0x76: {  	_ =	shalt  }
0x77: {  	_ =	shalt  }
0x78: {  	_ =	shalt  }
0x79: {  	_ =	shalt  }
0x7a: {  	_ =	shalt  }
0x7b: {  	_ =	shalt  }
0x7c: {  	_ =	shalt  }
0x7d: {  	_ =	shalt  }
0x7e: {  	_ =	shalt  }
0x7f: {  	_ =	shalt  }
0x80: {  	_ =	shalt  }
0x81: {  	_ =	shalt  }
0x82: {  	_ =	shalt  }
0x83: {  	_ =	shalt  }
0x84: {  	_ =	shalt  }
0x85: {  	_ =	shalt  }
0x86: {  	_ =	shalt  }
0x87: {  	_ =	shalt  }
.Lfunc_end0:
.L_simem_size_0:
called_computation_lowered:
.L_overlay_start_0:
0x88: {  	s2 =	sld [smem:$0x3FD9]  }
0x89: {  	s3 =	sld [smem:$0x3FFE];
	_ =	sdelay $0x1  }
0x8a: {  	s1 =	srdreg.scid  }
0x8b: {  	s0 =	sand.u32 $0x1, s1  }
0x8c: {  	s17 =	sshll.u32 s0, $0xA;
	s2 =	sadd.s32 s3, s2  }
0x8d: {  	s2 =	sadd.s32 s2, s17  }
0x8e: {  	[smem:$0x3FC4] =	sst s2  }
0x8f: {  	_ = 	snop  }
0x90: {  	s2 =	sld [smem:$0x3FC9]  }
0x91: {  	s18 =	sld [smem:$0x3FC8]  }
0x92: {  	s4 =	sld [smem:$0x3FD0];
	(tm) =	ssettm $0x1  }
0x93: {  	s5 =	sld [smem:$0x3FFB];
	_ =	sdelay $0x3  }
0x94: {  	_ =	strace s5  }
0x95: {  	s5 =	sld [smem:$0x3FFC];
	_ =	sdelay $0x3  }
0x96: {  	_ =	strace s5  }
0x97: {  	s5 =	sld [smem:$0x3FFD];
	_ =	sdelay $0x3  }
0x98: {  	_ =	strace s5  }
0x99: {  	_ =	strace $0x8FFFFFFF  }
0x9a: {  	s19 =	sld [smem:$0x3FDB];
	_ =	sdelay $0x1  }
0x9b: {  	s6 =	simm.s32 $_scs_section_size  }
0x9c: {  	s7 =	simm.s32 $_size__tile_overlayer_lowered;
	s8 =	simm.s32 $_tile_overlayer_lowered  }
0x9d: {  	s22 =	simm.s32 $0x1BFF;
	s21 =	sshll.u32 s8, $0x1;
	s5 =	sadd.s32 s6, s19  }
0x9e: {  	s9 =	simm.s32 $0x0;
	s20 =	sshll.u32 s7, $0x1;
	s7 =	sadd.s32 s21, s5  }
0x9f: {  	[timem:s9], [sflag:s22] =	dma.local [hbm:s7], s20  }
0xa0: {  	_ =	swait.ge [sflag:s22], s20  }
0xa1: {  	s6 =	ssub.s32 $0x0, s20;
	[sflag:s22] =	ssyncset.done $0x0  }
0xa2: {  	[sflag:s22] =	ssyncadd.s32 s6;
	_ =	sdelay $0x1  }
0xa3: {  	s23 =	simm.s32 $0x1B8B  }
0xa4: {  	_ =	swait.ge [sflag:s23], $0x1  }
0xa5: {  	[sflag:s23] =	ssyncset.done $0x0  }
0xa6: {  	s25 =	simm.s32 $0x1B8E;
	s24 =	sld [smem:$0x3FFE];
	[sflag:s23] =	ssyncadd.s32 $0xFFFFFFFF  }
0xa7: {  	s26 =	simm.s32 $execute0_lowered;
	[smem:$0x3FD2] =	sst s25  }
0xa8: {  	s7 =	sshll.u32 s26, $0x1;
	_ =	strace $0x80000046;
	[dreg:$0x1] =	wrdreg $0xFFFFFFFF  }
0xa9: {  	s28 =	simm.s32 $_size_execute0_lowered;
	s5 =	sadd.s32 s5, s7;
	[dreg:$0x0] =	wrdreg $0x0  }
0xaa: {  	s7 =	sshll.u32 s28, $0x1;
	[dreg:$0x2] =	wrdreg s5  }
0xab: {  	[dreg:$0x3] =	wrdreg s7  }
0xac: {  	[dreg:$0x4] =	wrdreg $0xC0  }
0xad: {  	_ =	task [dreg:s9], $0x5FFFF  }
0xae: {  	[dreg:$0x1] =	wrdreg $0xFFFFFFFF  }
0xaf: {  	[dreg:$0x0] =	wrdreg $0x60  }
0xb0: {  	[dreg:$0x2] =	wrdreg s2  }
0xb1: {  	[dreg:$0x3] =	wrdreg s18  }
0xb2: {  	[dreg:$0x4] =	wrdreg s24  }
0xb3: {  	[dreg:$0x5] =	wrdreg s4  }
0xb4: {  	[dreg:$0x6] =	wrdreg $0x9  }
0xb5: {  	_ =	task.clear_ibuf [dreg:s9], $0x7FFFF;
	_ =	strace $0x90000046  }
0xb6: {  	s29 =	simm.s32 $0x9;
	_ =	strace $0x80000048  }
0xb7: {  	_ =	swait.ge [sflag:s29], $0x1  }
0xb8: {  	[sflag:s29] =	ssyncadd.s32 $0xFFFFFFFF  }
0xb9: {  	_ =	strace $0x90000048  }
0xba: {  	_ =	sfence  }
0xbb: {  	s30 =	sld [smem:$0x0];
	_ =	sdelay $0x2  }
0xbc: {  	s31 =	sshll.u32 s1, $0xD;
	s1 =	sshrl.u32 s1, $0x2  }
0xbd: {  	s3 =	sand.u32 $0x4000, s31;
	s1 =	sadd.s32 s1, s30  }
0xbe: {  	s0 =	sor.u32 s3, s0;
	s1 =	sshll.u32 s1, $0x11  }
0xbf: {  	s0 =	sor.u32 s1, s0  }
0xc0: {  	s0 =	sadd.s32 $0x8F2B, s0  }
0xc1: {  	[sflag:s0] =	ssyncadd.remote.s32 $0x1  }
0xc2: {  	_ =	sfence.sel $0xFFFF  }
0xc3: {  	[dreg:$0x0] =	wrdreg $0xFFFFFFFF;
	(pc) =	sbr.abs _section_cstart, $3  }
0xc4: {  	[dreg:$0x1] =	wrdreg $0xFFFFFFFF  }
0xc5: {  	_ =	task.clear_ibuf [dreg:s9], $0x2FFFF;
	_ =	strace $0x9FFFFFFF  }
0xc6: {  	(tm) =	ssettm $0x7FFFFFFF  }
0xc7: {  	_ =	shalt  }
tec
execute0_lowered:
.L_overlay_start_1:
0x0: {  	(tag) =	ssettag $0x1  }
0x1: {  	s2 =	rddreg [dreg:$0x0]  }
0x2: {  	s0 =	srdreg.scid;
	s3 =	rddreg [dreg:$0x1]  }
0x3: {  	s1 =	stileid.u32;
	s6 =	rddreg [dreg:$0x3]  }
0x4: {  	s30 =	simm.s32 $0x3;
	s31 =	simm.s32 $0x14400;
	s0 =	sand.u32 $0x1, s0  }
0x5: {  	s4 =	sshll.u32 s1, $0xA;
	s1 =	simm.s32 $0x0;
	s5 =	sshll.u32 s0, $0x9  }
0x6: {  	[smem:$0x7FF] =	sst s1;
	s0 =	ssub.s32 $0x2, s0;
	s4 =	sor.u32 s5, s4  }
0x7: {  	s7 =	sshrl.u32 s0, $0x1;
	s5 =	sor.u32 $0x40, s4;
	s8 =	sshrl.u32 s4, $0x3  }
0x8: {  	s0 =	ssub.s32 s0, s7;
	s16 =	sor.u32 $0xC0, s4;
	s17 =	sor.u32 $0x100, s4  }
0x9: {  	s20 =	sor.u32 $0x140, s4;
	s21 =	sor.u32 $0x180, s4;
	s23 =	sshll.u32 s4, $0x4  }
0xa: {  	s7 =	simm.s32 $0x40;
	s9 =	sshrl.u32 s5, $0x3;
	s26 =	sadd.s32 s3, s8  }
0xb: {  	s11 =	sshrl.u32 s16, $0x3;
	s12 =	sshrl.u32 s17, $0x3;
	s13 =	sshrl.u32 s20, $0x3  }
0xc: {  	s14 =	sshrl.u32 s21, $0x3;
	s24 =	sshll.u32 s5, $0x4;
	s29 =	smax.u32 s0, $0x1  }
0xd: {  	s5 =	simm.s32 $0xC400;
	[dreg:$0x5] =	wrdreg s26;
	s8 =	sadd.s32 s3, s9  }
0xe: {  	s0 =	simm.s32 $0x5;
	s18 =	sadd.s32 s3, s11;
	[dreg:$0x6] =	wrdreg s8  }
0xf: {  	s9 =	sor.u32 $0x80, s4;
	s19 =	sadd.s32 s3, s12;
	[dreg:$0x8] =	wrdreg s18  }
0x10: {  	s12 =	sor.u32 $0x1C0, s4;
	s13 =	sadd.s32 s3, s13;
	[dreg:$0x9] =	wrdreg s19  }
0x11: {  	s22 =	sadd.s32 s3, s14;
	s26 =	sadd.s32 s2, s23;
	[dreg:$0xa] =	wrdreg s13  }
0x12: {  	s4 =	sadd.s32 s6, s24;
	s10 =	sshrl.u32 s9, $0x3;
	[dreg:$0xb] =	wrdreg s22  }
0x13: {  	s15 =	sshrl.u32 s12, $0x3;
	s25 =	sshll.u32 s9, $0x4;
	[dreg:$0xd] =	wrdreg s26  }
0x14: {  	s13 =	sadd.s32 s2, s24;
	[dreg:$0x12] =	wrdreg s4;
	s19 =	sshll.u32 s20, $0x4  }
0x15: {  	s20 =	sshll.u32 s21, $0x4;
	s10 =	sadd.s32 s3, s10;
	[dreg:$0xe] =	wrdreg s13  }
0x16: {  	s22 =	sshll.u32 s12, $0x4;
	s3 =	sadd.s32 s3, s15;
	[dreg:$0x7] =	wrdreg s10  }
0x17: {  	s9 =	simm.s32 $0xE400;
	s14 =	sadd.s32 s2, s25;
	[dreg:$0xc] =	wrdreg s3  }
0x18: {  	s12 =	simm.s32 $0x2;
	s18 =	sadd.s32 s6, s25;
	[dreg:$0xf] =	wrdreg s14  }
0x19: {  	s4 =	simm.s32 $0xB;
	s15 =	sshll.u32 s16, $0x4;
	[dreg:$0x14] =	wrdreg s18  }
0x1a: {  	s24 =	sadd.s32 s2, s19;
	s3 =	sadd.s32 s6, s23;
	s23 =	rddreg [dreg:$0x2]  }
0x1b: {  	s16 =	sshll.u32 s17, $0x4;
	s25 =	sadd.s32 s2, s20;
	[dreg:$0x17] =	wrdreg s24  }
0x1c: {  	s26 =	sadd.s32 s6, s19;
	s13 =	simm.s32 $0x12400;
	[dreg:$0x18] =	wrdreg s25  }
0x1d: {  	s19 =	simm.s32 $0xD;
	s8 =	sadd.s32 s2, s15;
	[dreg:$0x1a] =	wrdreg s26  }
0x1e: {  	s17 =	sadd.s32 s2, s16;
	s21 =	sadd.s32 s6, s16;
	[dreg:$0x10] =	wrdreg s3  }
0x1f: {  	s2 =	sadd.s32 s2, s22;
	s25 =	sadd.s32 s6, s20;
	[dreg:$0x11] =	wrdreg s8  }
0x20: {  	s26 =	sadd.s32 s6, s22;
	s20 =	simm.s32 $0x4;
	[dreg:$0x13] =	wrdreg s17  }
0x21: {  	s14 =	simm.s32 $0x16400;
	s16 =	simm.s32 $0x9;
	[dreg:$0x16] =	wrdreg s21  }
0x22: {  	s18 =	simm.s32 $0xC;
	s3 =	sadd.s32 s6, s15;
	[dreg:$0x19] =	wrdreg s2  }
0x23: {  	s28 =	sadd.s32 $0x600, s23;
	s6 =	simm.s32 $0x1;
	s15 =	simm.s32 $0x8  }
0x24: {  	s2 =	simm.s32 $0x6;
	s17 =	simm.s32 $0xA;
	[dreg:$0x15] =	wrdreg s3  }
0x25: {  	s8 =	simm.s32 $0x0;
	s3 =	simm.s32 $0x7;
	_ =	strace $0x80000047  }
.LBB2_1:
0x26: {  	s10 =	rddreg [dreg:$0x5]  }
0x27: {  	[tilespmem:s1], [sflag:$0x1] =	stream.linear.gather [hbm4b:s10+s1], $0x40, $0x38;
	[tilespmem:$0x18400] =	vst v63  }
0x28: {  	s22 =	rddreg [dreg:$0x6];
	s21 =	simm.s32 $0x80  }
0x29: {  	[tilespmem:s21], [sflag:$0x1] =	stream.linear.gather [hbm4b:s22+s1], $0x40, $0x38;
	[tilespmem:$0x18400] =	vst v63  }
0x2a: {  	s23 =	rddreg [dreg:$0x7];
	s22 =	simm.s32 $0x100  }
0x2b: {  	[tilespmem:s22], [sflag:$0x1] =	stream.linear.gather [hbm4b:s23+s1], $0x40, $0x38;
	[tilespmem:$0x18400] =	vst v63  }
0x2c: {  	s24 =	rddreg [dreg:$0x8];
	s11 =	simm.s32 $0x180  }
0x2d: {  	[tilespmem:s11], [sflag:$0x1] =	stream.linear.gather [hbm4b:s24+s1], $0x40, $0x38;
	[tilespmem:$0x18400] =	vst v63  }
0x2e: {  	s23 =	rddreg [dreg:$0x9];
	s11 =	simm.s32 $0x200  }
0x2f: {  	[tilespmem:s11], [sflag:$0x1] =	stream.linear.gather [hbm4b:s23+s1], $0x40, $0x38;
	[tilespmem:$0x18400] =	vst v63  }
0x30: {  	s24 =	rddreg [dreg:$0xa];
	s23 =	simm.s32 $0x280  }
0x31: {  	[tilespmem:s23], [sflag:$0x1] =	stream.linear.gather [hbm4b:s24+s1], $0x40, $0x38;
	[tilespmem:$0x18400] =	vst v63  }
0x32: {  	s23 =	simm.s32 $0x300;
	s24 =	rddreg [dreg:$0xb]  }
0x33: {  	[tilespmem:s23], [sflag:$0x1] =	stream.linear.gather [hbm4b:s24+s1], $0x40, $0x38;
	[tilespmem:$0x18400] =	vst v63  }
0x34: {  	s10 =	rddreg [dreg:$0xc];
	s24 =	simm.s32 $0x380  }
0x35: {  	[tilespmem:s24], [sflag:$0x1] =	stream.linear.gather [hbm4b:s10+s1], $0x40, $0x38;
	[tilespmem:$0x18400] =	vst v63  }
0x36: {  	s10 =	rddreg [dreg:$0xd]  }
0x37: {  	[tilespmem:s5], [sflag:$0x2] =	stream.linear.gather [hbm4b:s10+s1], $0x2000, $0x38;
	[tilespmem:$0x18400] =	vst v63  }
0x38: {  	_ =	swait.ge [sflag:s6], $0x40  }
0x39: {  	[sflag:s6] =	ssyncset.done $0x0  }
0x3a: {  	s24 =	simm.s32 $0x400;
	[sflag:s6] =	ssyncadd.s32 $0xFFFFFFC0  }
0x3b: {  	[tilespmem:s24], [sflag:$0x2] =	stream.indirect.gather [hbm4b:s28+s7], $0x80, s1, s7, $0xb8;
	[tilespmem:$0x18400] =	vst v63  }
0x3c: {  	s10 =	rddreg [dreg:$0xe]  }
0x3d: {  	[tilespmem:s9], [sflag:$0x3] =	stream.linear.gather [hbm4b:s10+s1], $0x2000, $0x38;
	[tilespmem:$0x18400] =	vst v63  }
0x3e: {  	_ =	swait.ge [sflag:s6], $0x40  }
0x3f: {  	[sflag:s6] =	ssyncset.done $0x0  }
0x40: {  	s10 =	simm.s32 $0x2400;
	[sflag:s6] =	ssyncadd.s32 $0xFFFFFFC0  }
0x41: {  	[tilespmem:s10], [sflag:$0x3] =	stream.indirect.gather [hbm4b:s28+s7], $0x80, s21, s7, $0xb8;
	[tilespmem:$0x18400] =	vst v63  }
0x42: {  	s10 =	rddreg [dreg:$0xf];
	s21 =	simm.s32 $0x10400  }
0x43: {  	[tilespmem:s21], [sflag:$0x4] =	stream.linear.gather [hbm4b:s10+s1], $0x2000, $0x38;
	[tilespmem:$0x18400] =	vst v63  }
0x44: {  	_ =	swait.ge [sflag:s6], $0x40  }
0x45: {  	[sflag:s6] =	ssyncset.done $0x0  }
0x46: {  	s21 =	simm.s32 $0x4400;
	[sflag:s6] =	ssyncadd.s32 $0xFFFFFFC0  }
0x47: {  	[tilespmem:s21], [sflag:$0x4] =	stream.indirect.gather [hbm4b:s28+s7], $0x80, s22, s7, $0xb8;
	[tilespmem:$0x18400] =	vst v63  }
0x48: {  	_ =	swait.ge [sflag:s12], $0x2000  }
0x49: {  	[sflag:s12] =	ssyncset.done $0x0  }
0x4a: {  	[sflag:s12] =	ssyncadd.s32 $0xFFFFE000  }
0x4b: {  	_ =	swait.ge [sflag:s12], $0x2000  }
0x4c: {  	[sflag:s12] =	ssyncset.done $0x0  }
0x4d: {  	s21 =	simm.s32 $0x0;
	[sflag:s12] =	ssyncadd.s32 $0xFFFFE000  }
0x4e: {  	v1 =	vld [tilespmem:s21+$0x410]  }
0x4f: {  	v2 =	vld [tilespmem:s21+$0x430]  }
0x50: {  	v0 =	vld [tilespmem:s21+$0x450]  }
0x51: {  	v6 =	vld [tilespmem:s21+$0x400]  }
0x52: {  	v14 =	vld [tilespmem:s21+$0x420]  }
0x53: {  	v7 =	vld [tilespmem:s21+$0x440]  }
0x54: {  	v3 =	vld [tilespmem:s21+$0x460]  }
0x55: {  	v13 =	vld [tilespmem:s21+$0xC400]  }
0x56: {  	v12 =	vld [tilespmem:s21+$0xC410]  }
0x57: {  	v8 =	vld [tilespmem:s21+$0xC420];
	v9 =	vshll.u32 v1, $0x10  }
0x58: {  	v11 =	vld [tilespmem:s21+$0xC430];
	v5 =	vand.u32 $0xFFFF0000, v1;
	v4 =	vshll.u32 v2, $0x10;
	v2 =	vand.u32 $0xFFFF0000, v2  }
0x59: {  	v10 =	vld [tilespmem:s21+$0xC440];
	v15 =	vshll.u32 v6, $0x10;
	v17 =	vand.u32 $0xFFFF0000, v6;
	v1 =	vshll.u32 v0, $0x10  }
0x5a: {  	s10 =	simm.s32 $0x200;
	v16 =	vshll.u32 v14, $0x10;
	v14 =	vand.u32 $0xFFFF0000, v14;
	v6 =	vld [tilespmem:s21+$0xC450];
	v15 =	vmul.f32 v15, v13  }
.LBB2_2:
0x5b: {  	p0 =	sne.s32 s10, $0x7E00;
	v17 =	vmul.f32 v17, v12;
	v18 =	vshll.u32 v7, $0x10;
	v7 =	vand.u32 $0xFFFF0000, v7;
	v19 =	vld [tilespmem:s21+$0xC460]  }
0x5c: {  	s22 =	sshra.s32 s10, $0x2;
	v13 =	vadd.f32 v15, v13;
	v15 =	vmul.f32 v16, v8;
	v16 =	vshll.u32 v3, $0x10;
	v20 =	vld [tilespmem:s21+$0xC470]  }
0x5d: {  	v3 =	vand.u32 $0xFFFF0000, v3;
	v21 =	vld [tilespmem:s22+$0x410];
	v12 =	vadd.f32 v17, v12;
	v14 =	vmul.f32 v14, v11  }
0x5e: {  	v9 =	vadd.f32 v9, v13;
	v8 =	vadd.f32 v15, v8;
	v13 =	vmul.f32 v18, v10;
	v15 =	vld [tilespmem:s21+$0x470]  }
0x5f: {  	v17 =	vld [tilespmem:s22+$0x430];
	v5 =	vadd.f32 v5, v12;
	v11 =	vadd.f32 v14, v11;
	v7 =	vmul.f32 v7, v6  }
0x60: {  	v12 =	vld [tilespmem:s22+$0x450];
	[tilespmem:s21+$0xC400] =	vst v9;
	v4 =	vadd.f32 v4, v8;
	v8 =	vadd.f32 v13, v10;
	v9 =	vmul.f32 v16, v19  }
0x61: {  	v10 =	vld [tilespmem:s22+$0x400];
	[tilespmem:s21+$0xC410] =	vst v5;
	v2 =	vadd.f32 v2, v11;
	v5 =	vadd.f32 v7, v6;
	v3 =	vmul.f32 v3, v20  }
0x62: {  	v0 =	vand.u32 $0xFFFF0000, v0;
	v6 =	vld [tilespmem:s22+$0x420];
	[tilespmem:s21+$0xC420] =	vst v4;
	v1 =	vadd.f32 v1, v8;
	v4 =	vadd.f32 v9, v19  }
0x63: {  	v7 =	vld [tilespmem:s22+$0x440];
	[tilespmem:s21+$0xC430] =	vst v2;
	v8 =	vadd.f32 v0, v5;
	v2 =	vshll.u32 v15, $0x10;
	v5 =	vadd.f32 v3, v20  }
0x64: {  	v3 =	vld [tilespmem:s22+$0x460];
	[tilespmem:s21+$0xC440] =	vst v1;
	v1 =	vand.u32 $0xFFFF0000, v15;
	v2 =	vadd.f32 v2, v4  }
0x65: {  	v13 =	vld [tilespmem:s22+$0xC400];
	[tilespmem:s21+$0xC450] =	vst v8;
	v1 =	vadd.f32 v1, v5;
	v0 =	vmov v12  }
.Ltmp0:
0x66: {  	v12 =	vld [tilespmem:s22+$0xC410];
	[tilespmem:s21+$0xC460] =	vst v2;
	(pc) =	sbr.rel @p0 .LBB2_2-.Ltmp0, $4  }
0x67: {  	v9 =	vshll.u32 v21, $0x10;
	v8 =	vld [tilespmem:s22+$0xC420];
	[tilespmem:s21+$0xC470] =	vst v1;
	s21 =	smov.u32 s22  }
0x68: {  	v4 =	vshll.u32 v17, $0x10;
	v5 =	vand.u32 $0xFFFF0000, v21;
	v2 =	vand.u32 $0xFFFF0000, v17;
	v11 =	vld [tilespmem:s21+$0xC430]  }
0x69: {  	v14 =	vshll.u32 v10, $0x10;
	v17 =	vand.u32 $0xFFFF0000, v10;
	v1 =	vshll.u32 v0, $0x10;
	v10 =	vld [tilespmem:s21+$0xC440]  }
0x6a: {  	s10 =	sadd.s32 $0x200, s10;
	v16 =	vshll.u32 v6, $0x10;
	v15 =	vmul.f32 v14, v13;
	v14 =	vand.u32 $0xFFFF0000, v6;
	v6 =	vld [tilespmem:s21+$0xC450]  }
0x6b: {  	v17 =	vmul.f32 v17, v12;
	v18 =	vshll.u32 v7, $0x10;
	v7 =	vand.u32 $0xFFFF0000, v7;
	v19 =	vld [tilespmem:s21+$0xC460]  }
0x6c: {  	v20 =	vld [tilespmem:s21+$0xC470];
	v13 =	vadd.f32 v15, v13;
	v15 =	vmul.f32 v16, v8;
	v16 =	vshll.u32 v3, $0x10  }
0x6d: {  	v3 =	vand.u32 $0xFFFF0000, v3;
	v12 =	vadd.f32 v17, v12;
	v14 =	vmul.f32 v14, v11  }
0x6e: {  	v9 =	vadd.f32 v9, v13;
	v8 =	vadd.f32 v15, v8;
	v13 =	vmul.f32 v18, v10;
	v15 =	vld [tilespmem:s21+$0x470]  }
0x6f: {  	v5 =	vadd.f32 v5, v12;
	v11 =	vadd.f32 v14, v11;
	v7 =	vmul.f32 v7, v6  }
0x70: {  	[tilespmem:s21+$0xC400] =	vst v9;
	v4 =	vadd.f32 v4, v8;
	v8 =	vadd.f32 v13, v10;
	v9 =	vmul.f32 v16, v19  }
0x71: {  	v3 =	vmul.f32 v3, v20;
	[tilespmem:s21+$0xC410] =	vst v5;
	v2 =	vadd.f32 v2, v11;
	v5 =	vadd.f32 v7, v6  }
0x72: {  	v0 =	vand.u32 $0xFFFF0000, v0;
	[tilespmem:s21+$0xC420] =	vst v4;
	v1 =	vadd.f32 v1, v8;
	v4 =	vadd.f32 v9, v19  }
0x73: {  	v3 =	vadd.f32 v3, v20;
	[tilespmem:s21+$0xC430] =	vst v2;
	v0 =	vadd.f32 v0, v5;
	v2 =	vshll.u32 v15, $0x10  }
0x74: {  	[tilespmem:s21+$0xC440] =	vst v1;
	v1 =	vand.u32 $0xFFFF0000, v15;
	v2 =	vadd.f32 v2, v4  }
0x75: {  	[tilespmem:s21+$0xC450] =	vst v0;
	v0 =	vadd.f32 v1, v3  }
0x76: {  	[tilespmem:s21+$0xC460] =	vst v2  }
0x77: {  	s10 =	simm.s32 $0x0;
	s22 =	rddreg [dreg:$0x10];
	[tilespmem:s21+$0xC470] =	vst v0  }
0x78: {  	[hbm4b:s22+s10] =	stream.linear.scatter [tilespmem:s5], [sflag:$0x8], $0x2000, $0x38;
	[tilespmem:$0x18400] =	vst v63  }
0x79: {  	s22 =	rddreg [dreg:$0x11]  }
0x7a: {  	[tilespmem:s13], [sflag:$0x5] =	stream.linear.gather [hbm4b:s22+s10], $0x2000, $0x38;
	[tilespmem:$0x18400] =	vst v63  }
0x7b: {  	_ =	swait.ge [sflag:s6], $0x40  }
0x7c: {  	[sflag:s6] =	ssyncset.done $0x0  }
0x7d: {  	s21 =	simm.s32 $0x180;
	s22 =	simm.s32 $0x6400;
	[sflag:s6] =	ssyncadd.s32 $0xFFFFFFC0  }
0x7e: {  	[tilespmem:s22], [sflag:$0x5] =	stream.indirect.gather [hbm4b:s28+s7], $0x80, s21, s7, $0xb8;
	[tilespmem:$0x18400] =	vst v63  }
0x7f: {  	_ =	swait.ge [sflag:s30], $0x2000  }
0x80: {  	[sflag:s30] =	ssyncset.done $0x0  }
0x81: {  	[sflag:s30] =	ssyncadd.s32 $0xFFFFE000  }
0x82: {  	_ =	swait.ge [sflag:s30], $0x2000  }
0x83: {  	[sflag:s30] =	ssyncset.done $0x0  }
0x84: {  	s21 =	simm.s32 $0x0;
	[sflag:s30] =	ssyncadd.s32 $0xFFFFE000  }
0x85: {  	v1 =	vld [tilespmem:s21+$0x2410]  }
0x86: {  	v2 =	vld [tilespmem:s21+$0x2430]  }
0x87: {  	v0 =	vld [tilespmem:s21+$0x2450]  }
0x88: {  	v6 =	vld [tilespmem:s21+$0x2400]  }
0x89: {  	v14 =	vld [tilespmem:s21+$0x2420]  }
0x8a: {  	v7 =	vld [tilespmem:s21+$0x2440]  }
0x8b: {  	v3 =	vld [tilespmem:s21+$0x2460]  }
0x8c: {  	v13 =	vld [tilespmem:s21+$0xE400]  }
0x8d: {  	v12 =	vld [tilespmem:s21+$0xE410]  }
0x8e: {  	v8 =	vld [tilespmem:s21+$0xE420];
	v9 =	vshll.u32 v1, $0x10  }
0x8f: {  	v11 =	vld [tilespmem:s21+$0xE430];
	v5 =	vand.u32 $0xFFFF0000, v1;
	v4 =	vshll.u32 v2, $0x10;
	v2 =	vand.u32 $0xFFFF0000, v2  }
0x90: {  	v10 =	vld [tilespmem:s21+$0xE440];
	v15 =	vshll.u32 v6, $0x10;
	v17 =	vand.u32 $0xFFFF0000, v6;
	v1 =	vshll.u32 v0, $0x10  }
0x91: {  	s10 =	simm.s32 $0x200;
	v16 =	vshll.u32 v14, $0x10;
	v14 =	vand.u32 $0xFFFF0000, v14;
	v6 =	vld [tilespmem:s21+$0xE450];
	v15 =	vmul.f32 v15, v13  }
.LBB2_4:
0x92: {  	p0 =	sne.s32 s10, $0x7E00;
	v17 =	vmul.f32 v17, v12;
	v18 =	vshll.u32 v7, $0x10;
	v7 =	vand.u32 $0xFFFF0000, v7;
	v19 =	vld [tilespmem:s21+$0xE460]  }
0x93: {  	s22 =	sshra.s32 s10, $0x2;
	v13 =	vadd.f32 v15, v13;
	v15 =	vmul.f32 v16, v8;
	v16 =	vshll.u32 v3, $0x10;
	v20 =	vld [tilespmem:s21+$0xE470]  }
0x94: {  	v3 =	vand.u32 $0xFFFF0000, v3;
	v21 =	vld [tilespmem:s22+$0x2410];
	v12 =	vadd.f32 v17, v12;
	v14 =	vmul.f32 v14, v11  }
0x95: {  	v9 =	vadd.f32 v9, v13;
	v8 =	vadd.f32 v15, v8;
	v13 =	vmul.f32 v18, v10;
	v15 =	vld [tilespmem:s21+$0x2470]  }
0x96: {  	v17 =	vld [tilespmem:s22+$0x2430];
	v5 =	vadd.f32 v5, v12;
	v11 =	vadd.f32 v14, v11;
	v7 =	vmul.f32 v7, v6  }
0x97: {  	v12 =	vld [tilespmem:s22+$0x2450];
	[tilespmem:s21+$0xE400] =	vst v9;
	v4 =	vadd.f32 v4, v8;
	v8 =	vadd.f32 v13, v10;
	v9 =	vmul.f32 v16, v19  }
0x98: {  	v10 =	vld [tilespmem:s22+$0x2400];
	[tilespmem:s21+$0xE410] =	vst v5;
	v2 =	vadd.f32 v2, v11;
	v5 =	vadd.f32 v7, v6;
	v3 =	vmul.f32 v3, v20  }
0x99: {  	v0 =	vand.u32 $0xFFFF0000, v0;
	v6 =	vld [tilespmem:s22+$0x2420];
	[tilespmem:s21+$0xE420] =	vst v4;
	v1 =	vadd.f32 v1, v8;
	v4 =	vadd.f32 v9, v19  }
0x9a: {  	v7 =	vld [tilespmem:s22+$0x2440];
	[tilespmem:s21+$0xE430] =	vst v2;
	v8 =	vadd.f32 v0, v5;
	v2 =	vshll.u32 v15, $0x10;
	v5 =	vadd.f32 v3, v20  }
0x9b: {  	v3 =	vld [tilespmem:s22+$0x2460];
	[tilespmem:s21+$0xE440] =	vst v1;
	v1 =	vand.u32 $0xFFFF0000, v15;
	v2 =	vadd.f32 v2, v4  }
0x9c: {  	v13 =	vld [tilespmem:s22+$0xE400];
	[tilespmem:s21+$0xE450] =	vst v8;
	v1 =	vadd.f32 v1, v5;
	v0 =	vmov v12  }
.Ltmp1:
0x9d: {  	v12 =	vld [tilespmem:s22+$0xE410];
	[tilespmem:s21+$0xE460] =	vst v2;
	(pc) =	sbr.rel @p0 .LBB2_4-.Ltmp1, $4  }
0x9e: {  	v9 =	vshll.u32 v21, $0x10;
	v8 =	vld [tilespmem:s22+$0xE420];
	[tilespmem:s21+$0xE470] =	vst v1;
	s21 =	smov.u32 s22  }
0x9f: {  	v4 =	vshll.u32 v17, $0x10;
	v5 =	vand.u32 $0xFFFF0000, v21;
	v2 =	vand.u32 $0xFFFF0000, v17;
	v11 =	vld [tilespmem:s21+$0xE430]  }
0xa0: {  	v14 =	vshll.u32 v10, $0x10;
	v17 =	vand.u32 $0xFFFF0000, v10;
	v1 =	vshll.u32 v0, $0x10;
	v10 =	vld [tilespmem:s21+$0xE440]  }
0xa1: {  	s10 =	sadd.s32 $0x200, s10;
	v16 =	vshll.u32 v6, $0x10;
	v15 =	vmul.f32 v14, v13;
	v14 =	vand.u32 $0xFFFF0000, v6;
	v6 =	vld [tilespmem:s21+$0xE450]  }
0xa2: {  	v17 =	vmul.f32 v17, v12;
	v18 =	vshll.u32 v7, $0x10;
	v7 =	vand.u32 $0xFFFF0000, v7;
	v19 =	vld [tilespmem:s21+$0xE460]  }
0xa3: {  	v20 =	vld [tilespmem:s21+$0xE470];
	v13 =	vadd.f32 v15, v13;
	v15 =	vmul.f32 v16, v8;
	v16 =	vshll.u32 v3, $0x10  }
0xa4: {  	v3 =	vand.u32 $0xFFFF0000, v3;
	v12 =	vadd.f32 v17, v12;
	v14 =	vmul.f32 v14, v11  }
0xa5: {  	v9 =	vadd.f32 v9, v13;
	v8 =	vadd.f32 v15, v8;
	v13 =	vmul.f32 v18, v10;
	v15 =	vld [tilespmem:s21+$0x2470]  }
0xa6: {  	v5 =	vadd.f32 v5, v12;
	v11 =	vadd.f32 v14, v11;
	v7 =	vmul.f32 v7, v6  }
0xa7: {  	[tilespmem:s21+$0xE400] =	vst v9;
	v4 =	vadd.f32 v4, v8;
	v8 =	vadd.f32 v13, v10;
	v9 =	vmul.f32 v16, v19  }
0xa8: {  	v3 =	vmul.f32 v3, v20;
	[tilespmem:s21+$0xE410] =	vst v5;
	v2 =	vadd.f32 v2, v11;
	v5 =	vadd.f32 v7, v6  }
0xa9: {  	v0 =	vand.u32 $0xFFFF0000, v0;
	[tilespmem:s21+$0xE420] =	vst v4;
	v1 =	vadd.f32 v1, v8;
	v4 =	vadd.f32 v9, v19  }
0xaa: {  	v3 =	vadd.f32 v3, v20;
	[tilespmem:s21+$0xE430] =	vst v2;
	v0 =	vadd.f32 v0, v5;
	v2 =	vshll.u32 v15, $0x10  }
0xab: {  	[tilespmem:s21+$0xE440] =	vst v1;
	v1 =	vand.u32 $0xFFFF0000, v15;
	v2 =	vadd.f32 v2, v4  }
0xac: {  	[tilespmem:s21+$0xE450] =	vst v0;
	v0 =	vadd.f32 v1, v3  }
0xad: {  	[tilespmem:s21+$0xE460] =	vst v2  }
0xae: {  	s10 =	simm.s32 $0x0;
	s22 =	rddreg [dreg:$0x12];
	[tilespmem:s21+$0xE470] =	vst v0  }
0xaf: {  	[hbm4b:s22+s10] =	stream.linear.scatter [tilespmem:s9], [sflag:$0x9], $0x2000, $0x38;
	[tilespmem:$0x18400] =	vst v63  }
0xb0: {  	s22 =	rddreg [dreg:$0x13]  }
0xb1: {  	[tilespmem:s31], [sflag:$0x6] =	stream.linear.gather [hbm4b:s22+s10], $0x2000, $0x38;
	[tilespmem:$0x18400] =	vst v63  }
0xb2: {  	_ =	swait.ge [sflag:s6], $0x40  }
0xb3: {  	[sflag:s6] =	ssyncset.done $0x0  }
0xb4: {  	s22 =	simm.s32 $0x8400;
	[sflag:s6] =	ssyncadd.s32 $0xFFFFFFC0  }
0xb5: {  	[tilespmem:s22], [sflag:$0x6] =	stream.indirect.gather [hbm4b:s28+s7], $0x80, s11, s7, $0xb8;
	[tilespmem:$0x18400] =	vst v63  }
0xb6: {  	_ =	swait.ge [sflag:s20], $0x2000  }
0xb7: {  	[sflag:s20] =	ssyncset.done $0x0  }
0xb8: {  	[sflag:s20] =	ssyncadd.s32 $0xFFFFE000  }
0xb9: {  	_ =	swait.ge [sflag:s20], $0x2000  }
0xba: {  	[sflag:s20] =	ssyncset.done $0x0  }
0xbb: {  	s21 =	simm.s32 $0x0;
	[sflag:s20] =	ssyncadd.s32 $0xFFFFE000  }
0xbc: {  	v1 =	vld [tilespmem:s21+$0x4410]  }
0xbd: {  	v2 =	vld [tilespmem:s21+$0x4430]  }
0xbe: {  	v0 =	vld [tilespmem:s21+$0x4450]  }
0xbf: {  	v6 =	vld [tilespmem:s21+$0x4400]  }
0xc0: {  	v14 =	vld [tilespmem:s21+$0x4420]  }
0xc1: {  	v7 =	vld [tilespmem:s21+$0x4440]  }
0xc2: {  	v3 =	vld [tilespmem:s21+$0x4460]  }
0xc3: {  	v13 =	vld [tilespmem:s21+$0x10400]  }
0xc4: {  	v12 =	vld [tilespmem:s21+$0x10410]  }
0xc5: {  	v8 =	vld [tilespmem:s21+$0x10420];
	v9 =	vshll.u32 v1, $0x10  }
0xc6: {  	v11 =	vld [tilespmem:s21+$0x10430];
	v5 =	vand.u32 $0xFFFF0000, v1;
	v4 =	vshll.u32 v2, $0x10;
	v2 =	vand.u32 $0xFFFF0000, v2  }
0xc7: {  	v10 =	vld [tilespmem:s21+$0x10440];
	v15 =	vshll.u32 v6, $0x10;
	v17 =	vand.u32 $0xFFFF0000, v6;
	v1 =	vshll.u32 v0, $0x10  }
0xc8: {  	s10 =	simm.s32 $0x200;
	v16 =	vshll.u32 v14, $0x10;
	v14 =	vand.u32 $0xFFFF0000, v14;
	v6 =	vld [tilespmem:s21+$0x10450];
	v15 =	vmul.f32 v15, v13  }
.LBB2_6:
0xc9: {  	p0 =	sne.s32 s10, $0x7E00;
	v17 =	vmul.f32 v17, v12;
	v18 =	vshll.u32 v7, $0x10;
	v7 =	vand.u32 $0xFFFF0000, v7;
	v19 =	vld [tilespmem:s21+$0x10460]  }
0xca: {  	s22 =	sshra.s32 s10, $0x2;
	v13 =	vadd.f32 v15, v13;
	v15 =	vmul.f32 v16, v8;
	v16 =	vshll.u32 v3, $0x10;
	v20 =	vld [tilespmem:s21+$0x10470]  }
0xcb: {  	v3 =	vand.u32 $0xFFFF0000, v3;
	v21 =	vld [tilespmem:s22+$0x4410];
	v12 =	vadd.f32 v17, v12;
	v14 =	vmul.f32 v14, v11  }
0xcc: {  	v9 =	vadd.f32 v9, v13;
	v8 =	vadd.f32 v15, v8;
	v13 =	vmul.f32 v18, v10;
	v15 =	vld [tilespmem:s21+$0x4470]  }
0xcd: {  	v17 =	vld [tilespmem:s22+$0x4430];
	v5 =	vadd.f32 v5, v12;
	v11 =	vadd.f32 v14, v11;
	v7 =	vmul.f32 v7, v6  }
0xce: {  	v12 =	vld [tilespmem:s22+$0x4450];
	[tilespmem:s21+$0x10400] =	vst v9;
	v4 =	vadd.f32 v4, v8;
	v8 =	vadd.f32 v13, v10;
	v9 =	vmul.f32 v16, v19  }
0xcf: {  	v10 =	vld [tilespmem:s22+$0x4400];
	[tilespmem:s21+$0x10410] =	vst v5;
	v2 =	vadd.f32 v2, v11;
	v5 =	vadd.f32 v7, v6;
	v3 =	vmul.f32 v3, v20  }
0xd0: {  	v0 =	vand.u32 $0xFFFF0000, v0;
	v6 =	vld [tilespmem:s22+$0x4420];
	[tilespmem:s21+$0x10420] =	vst v4;
	v1 =	vadd.f32 v1, v8;
	v4 =	vadd.f32 v9, v19  }
0xd1: {  	v7 =	vld [tilespmem:s22+$0x4440];
	[tilespmem:s21+$0x10430] =	vst v2;
	v8 =	vadd.f32 v0, v5;
	v2 =	vshll.u32 v15, $0x10;
	v5 =	vadd.f32 v3, v20  }
0xd2: {  	v3 =	vld [tilespmem:s22+$0x4460];
	[tilespmem:s21+$0x10440] =	vst v1;
	v1 =	vand.u32 $0xFFFF0000, v15;
	v2 =	vadd.f32 v2, v4  }
0xd3: {  	v13 =	vld [tilespmem:s22+$0x10400];
	[tilespmem:s21+$0x10450] =	vst v8;
	v1 =	vadd.f32 v1, v5;
	v0 =	vmov v12  }
.Ltmp2:
0xd4: {  	v12 =	vld [tilespmem:s22+$0x10410];
	[tilespmem:s21+$0x10460] =	vst v2;
	(pc) =	sbr.rel @p0 .LBB2_6-.Ltmp2, $4  }
0xd5: {  	v9 =	vshll.u32 v21, $0x10;
	v8 =	vld [tilespmem:s22+$0x10420];
	[tilespmem:s21+$0x10470] =	vst v1;
	s21 =	smov.u32 s22  }
0xd6: {  	v4 =	vshll.u32 v17, $0x10;
	v5 =	vand.u32 $0xFFFF0000, v21;
	v2 =	vand.u32 $0xFFFF0000, v17;
	v11 =	vld [tilespmem:s21+$0x10430]  }
0xd7: {  	v14 =	vshll.u32 v10, $0x10;
	v17 =	vand.u32 $0xFFFF0000, v10;
	v1 =	vshll.u32 v0, $0x10;
	v10 =	vld [tilespmem:s21+$0x10440]  }
0xd8: {  	s10 =	sadd.s32 $0x200, s10;
	v16 =	vshll.u32 v6, $0x10;
	v15 =	vmul.f32 v14, v13;
	v14 =	vand.u32 $0xFFFF0000, v6;
	v6 =	vld [tilespmem:s21+$0x10450]  }
0xd9: {  	v17 =	vmul.f32 v17, v12;
	v18 =	vshll.u32 v7, $0x10;
	v7 =	vand.u32 $0xFFFF0000, v7;
	v19 =	vld [tilespmem:s21+$0x10460]  }
0xda: {  	v20 =	vld [tilespmem:s21+$0x10470];
	v13 =	vadd.f32 v15, v13;
	v15 =	vmul.f32 v16, v8;
	v16 =	vshll.u32 v3, $0x10  }
0xdb: {  	v3 =	vand.u32 $0xFFFF0000, v3;
	v12 =	vadd.f32 v17, v12;
	v14 =	vmul.f32 v14, v11  }
0xdc: {  	v9 =	vadd.f32 v9, v13;
	v8 =	vadd.f32 v15, v8;
	v13 =	vmul.f32 v18, v10;
	v15 =	vld [tilespmem:s21+$0x4470]  }
0xdd: {  	v5 =	vadd.f32 v5, v12;
	v11 =	vadd.f32 v14, v11;
	v7 =	vmul.f32 v7, v6  }
0xde: {  	[tilespmem:s21+$0x10400] =	vst v9;
	v4 =	vadd.f32 v4, v8;
	v8 =	vadd.f32 v13, v10;
	v9 =	vmul.f32 v16, v19  }
0xdf: {  	v3 =	vmul.f32 v3, v20;
	[tilespmem:s21+$0x10410] =	vst v5;
	v2 =	vadd.f32 v2, v11;
	v5 =	vadd.f32 v7, v6  }
0xe0: {  	v0 =	vand.u32 $0xFFFF0000, v0;
	[tilespmem:s21+$0x10420] =	vst v4;
	v1 =	vadd.f32 v1, v8;
	v4 =	vadd.f32 v9, v19  }
0xe1: {  	v3 =	vadd.f32 v3, v20;
	[tilespmem:s21+$0x10430] =	vst v2;
	v0 =	vadd.f32 v0, v5;
	v2 =	vshll.u32 v15, $0x10  }
0xe2: {  	[tilespmem:s21+$0x10440] =	vst v1;
	v1 =	vand.u32 $0xFFFF0000, v15;
	v2 =	vadd.f32 v2, v4  }
0xe3: {  	[tilespmem:s21+$0x10450] =	vst v0;
	v0 =	vadd.f32 v1, v3  }
0xe4: {  	[tilespmem:s21+$0x10460] =	vst v2  }
0xe5: {  	s10 =	simm.s32 $0x0;
	s22 =	rddreg [dreg:$0x14];
	s11 =	simm.s32 $0x10400;
	[tilespmem:s21+$0x10470] =	vst v0  }
0xe6: {  	[hbm4b:s22+s10] =	stream.linear.scatter [tilespmem:s11], [sflag:$0xA], $0x2000, $0x38;
	[tilespmem:$0x18400] =	vst v63  }
0xe7: {  	s11 =	rddreg [dreg:$0x17]  }
0xe8: {  	[tilespmem:s14], [sflag:$0x7] =	stream.linear.gather [hbm4b:s11+s10], $0x2000, $0x38;
	[tilespmem:$0x18400] =	vst v63  }
0xe9: {  	_ =	swait.ge [sflag:s6], $0x40  }
0xea: {  	[sflag:s6] =	ssyncset.done $0x0  }
0xeb: {  	s21 =	simm.s32 $0x280;
	s22 =	simm.s32 $0xA400;
	[sflag:s6] =	ssyncadd.s32 $0xFFFFFFC0  }
0xec: {  	[tilespmem:s22], [sflag:$0x7] =	stream.indirect.gather [hbm4b:s28+s7], $0x80, s21, s7, $0xb8;
	[tilespmem:$0x18400] =	vst v63  }
0xed: {  	_ =	swait.ge [sflag:s0], $0x2000  }
0xee: {  	[sflag:s0] =	ssyncset.done $0x0  }
0xef: {  	[sflag:s0] =	ssyncadd.s32 $0xFFFFE000  }
0xf0: {  	_ =	swait.ge [sflag:s0], $0x2000  }
0xf1: {  	[sflag:s0] =	ssyncset.done $0x0  }
0xf2: {  	s21 =	simm.s32 $0x0;
	[sflag:s0] =	ssyncadd.s32 $0xFFFFE000  }
0xf3: {  	v1 =	vld [tilespmem:s21+$0x6410]  }
0xf4: {  	v2 =	vld [tilespmem:s21+$0x6430]  }
0xf5: {  	v0 =	vld [tilespmem:s21+$0x6450]  }
0xf6: {  	v6 =	vld [tilespmem:s21+$0x6400]  }
0xf7: {  	v14 =	vld [tilespmem:s21+$0x6420]  }
0xf8: {  	v7 =	vld [tilespmem:s21+$0x6440]  }
0xf9: {  	v3 =	vld [tilespmem:s21+$0x6460]  }
0xfa: {  	v13 =	vld [tilespmem:s21+$0x12400]  }
0xfb: {  	v12 =	vld [tilespmem:s21+$0x12410]  }
0xfc: {  	v8 =	vld [tilespmem:s21+$0x12420];
	v9 =	vshll.u32 v1, $0x10  }
0xfd: {  	v11 =	vld [tilespmem:s21+$0x12430];
	v5 =	vand.u32 $0xFFFF0000, v1;
	v4 =	vshll.u32 v2, $0x10;
	v2 =	vand.u32 $0xFFFF0000, v2  }
0xfe: {  	v10 =	vld [tilespmem:s21+$0x12440];
	v15 =	vshll.u32 v6, $0x10;
	v17 =	vand.u32 $0xFFFF0000, v6;
	v1 =	vshll.u32 v0, $0x10  }
0xff: {  	s10 =	simm.s32 $0x200;
	v16 =	vshll.u32 v14, $0x10;
	v14 =	vand.u32 $0xFFFF0000, v14;
	v6 =	vld [tilespmem:s21+$0x12450];
	v15 =	vmul.f32 v15, v13  }
.LBB2_8:
0x100: {  	p0 =	sne.s32 s10, $0x7E00;
	v17 =	vmul.f32 v17, v12;
	v18 =	vshll.u32 v7, $0x10;
	v7 =	vand.u32 $0xFFFF0000, v7;
	v19 =	vld [tilespmem:s21+$0x12460]  }
0x101: {  	s22 =	sshra.s32 s10, $0x2;
	v13 =	vadd.f32 v15, v13;
	v15 =	vmul.f32 v16, v8;
	v16 =	vshll.u32 v3, $0x10;
	v20 =	vld [tilespmem:s21+$0x12470]  }
0x102: {  	v3 =	vand.u32 $0xFFFF0000, v3;
	v21 =	vld [tilespmem:s22+$0x6410];
	v12 =	vadd.f32 v17, v12;
	v14 =	vmul.f32 v14, v11  }
0x103: {  	v9 =	vadd.f32 v9, v13;
	v8 =	vadd.f32 v15, v8;
	v13 =	vmul.f32 v18, v10;
	v15 =	vld [tilespmem:s21+$0x6470]  }
0x104: {  	v17 =	vld [tilespmem:s22+$0x6430];
	v5 =	vadd.f32 v5, v12;
	v11 =	vadd.f32 v14, v11;
	v7 =	vmul.f32 v7, v6  }
0x105: {  	v12 =	vld [tilespmem:s22+$0x6450];
	[tilespmem:s21+$0x12400] =	vst v9;
	v4 =	vadd.f32 v4, v8;
	v8 =	vadd.f32 v13, v10;
	v9 =	vmul.f32 v16, v19  }
0x106: {  	v10 =	vld [tilespmem:s22+$0x6400];
	[tilespmem:s21+$0x12410] =	vst v5;
	v2 =	vadd.f32 v2, v11;
	v5 =	vadd.f32 v7, v6;
	v3 =	vmul.f32 v3, v20  }
0x107: {  	v0 =	vand.u32 $0xFFFF0000, v0;
	v6 =	vld [tilespmem:s22+$0x6420];
	[tilespmem:s21+$0x12420] =	vst v4;
	v1 =	vadd.f32 v1, v8;
	v4 =	vadd.f32 v9, v19  }
0x108: {  	v7 =	vld [tilespmem:s22+$0x6440];
	[tilespmem:s21+$0x12430] =	vst v2;
	v8 =	vadd.f32 v0, v5;
	v2 =	vshll.u32 v15, $0x10;
	v5 =	vadd.f32 v3, v20  }
0x109: {  	v3 =	vld [tilespmem:s22+$0x6460];
	[tilespmem:s21+$0x12440] =	vst v1;
	v1 =	vand.u32 $0xFFFF0000, v15;
	v2 =	vadd.f32 v2, v4  }
0x10a: {  	v13 =	vld [tilespmem:s22+$0x12400];
	[tilespmem:s21+$0x12450] =	vst v8;
	v1 =	vadd.f32 v1, v5;
	v0 =	vmov v12  }
.Ltmp3:
0x10b: {  	v12 =	vld [tilespmem:s22+$0x12410];
	[tilespmem:s21+$0x12460] =	vst v2;
	(pc) =	sbr.rel @p0 .LBB2_8-.Ltmp3, $4  }
0x10c: {  	v9 =	vshll.u32 v21, $0x10;
	v8 =	vld [tilespmem:s22+$0x12420];
	[tilespmem:s21+$0x12470] =	vst v1;
	s21 =	smov.u32 s22  }
0x10d: {  	v4 =	vshll.u32 v17, $0x10;
	v5 =	vand.u32 $0xFFFF0000, v21;
	v2 =	vand.u32 $0xFFFF0000, v17;
	v11 =	vld [tilespmem:s21+$0x12430]  }
0x10e: {  	v14 =	vshll.u32 v10, $0x10;
	v17 =	vand.u32 $0xFFFF0000, v10;
	v1 =	vshll.u32 v0, $0x10;
	v10 =	vld [tilespmem:s21+$0x12440]  }
0x10f: {  	s10 =	sadd.s32 $0x200, s10;
	v16 =	vshll.u32 v6, $0x10;
	v15 =	vmul.f32 v14, v13;
	v14 =	vand.u32 $0xFFFF0000, v6;
	v6 =	vld [tilespmem:s21+$0x12450]  }
0x110: {  	v17 =	vmul.f32 v17, v12;
	v18 =	vshll.u32 v7, $0x10;
	v7 =	vand.u32 $0xFFFF0000, v7;
	v19 =	vld [tilespmem:s21+$0x12460]  }
0x111: {  	v20 =	vld [tilespmem:s21+$0x12470];
	v13 =	vadd.f32 v15, v13;
	v15 =	vmul.f32 v16, v8;
	v16 =	vshll.u32 v3, $0x10  }
0x112: {  	v3 =	vand.u32 $0xFFFF0000, v3;
	v12 =	vadd.f32 v17, v12;
	v14 =	vmul.f32 v14, v11  }
0x113: {  	v9 =	vadd.f32 v9, v13;
	v8 =	vadd.f32 v15, v8;
	v13 =	vmul.f32 v18, v10;
	v15 =	vld [tilespmem:s21+$0x6470]  }
0x114: {  	v5 =	vadd.f32 v5, v12;
	v11 =	vadd.f32 v14, v11;
	v7 =	vmul.f32 v7, v6  }
0x115: {  	[tilespmem:s21+$0x12400] =	vst v9;
	v4 =	vadd.f32 v4, v8;
	v8 =	vadd.f32 v13, v10;
	v9 =	vmul.f32 v16, v19  }
0x116: {  	v3 =	vmul.f32 v3, v20;
	[tilespmem:s21+$0x12410] =	vst v5;
	v2 =	vadd.f32 v2, v11;
	v5 =	vadd.f32 v7, v6  }
0x117: {  	v0 =	vand.u32 $0xFFFF0000, v0;
	[tilespmem:s21+$0x12420] =	vst v4;
	v1 =	vadd.f32 v1, v8;
	v4 =	vadd.f32 v9, v19  }
0x118: {  	v3 =	vadd.f32 v3, v20;
	[tilespmem:s21+$0x12430] =	vst v2;
	v0 =	vadd.f32 v0, v5;
	v2 =	vshll.u32 v15, $0x10  }
0x119: {  	[tilespmem:s21+$0x12440] =	vst v1;
	v1 =	vand.u32 $0xFFFF0000, v15;
	v2 =	vadd.f32 v2, v4  }
0x11a: {  	[tilespmem:s21+$0x12450] =	vst v0;
	v0 =	vadd.f32 v1, v3  }
0x11b: {  	[tilespmem:s21+$0x12460] =	vst v2  }
0x11c: {  	s10 =	simm.s32 $0x0;
	s11 =	rddreg [dreg:$0x15];
	[tilespmem:s21+$0x12470] =	vst v0  }
0x11d: {  	[hbm4b:s11+s10] =	stream.linear.scatter [tilespmem:s13], [sflag:$0xB], $0x2000, $0x38;
	[tilespmem:$0x18400] =	vst v63  }
0x11e: {  	_ =	swait.ge [sflag:s15], $0x2000  }
0x11f: {  	[sflag:s15] =	ssyncset.done $0x0  }
0x120: {  	s22 =	rddreg [dreg:$0x18];
	[sflag:s15] =	ssyncadd.s32 $0xFFFFE000  }
0x121: {  	[tilespmem:s5], [sflag:$0x2] =	stream.linear.gather [hbm4b:s22+s10], $0x2000, $0x38;
	[tilespmem:$0x18400] =	vst v63  }
0x122: {  	_ =	swait.ge [sflag:s6], $0x40  }
0x123: {  	[sflag:s6] =	ssyncset.done $0x0  }
0x124: {  	[sflag:s6] =	ssyncadd.s32 $0xFFFFFFC0  }
0x125: {  	[tilespmem:s24], [sflag:$0x2] =	stream.indirect.gather [hbm4b:s28+s7], $0x80, s23, s7, $0xb8;
	[tilespmem:$0x18400] =	vst v63  }
0x126: {  	_ =	swait.ge [sflag:s2], $0x2000  }
0x127: {  	[sflag:s2] =	ssyncset.done $0x0  }
0x128: {  	[sflag:s2] =	ssyncadd.s32 $0xFFFFE000  }
0x129: {  	_ =	swait.ge [sflag:s2], $0x2000  }
0x12a: {  	[sflag:s2] =	ssyncset.done $0x0  }
0x12b: {  	s21 =	simm.s32 $0x0;
	[sflag:s2] =	ssyncadd.s32 $0xFFFFE000  }
0x12c: {  	v1 =	vld [tilespmem:s21+$0x8410]  }
0x12d: {  	v2 =	vld [tilespmem:s21+$0x8430]  }
0x12e: {  	v0 =	vld [tilespmem:s21+$0x8450]  }
0x12f: {  	v6 =	vld [tilespmem:s21+$0x8400]  }
0x130: {  	v14 =	vld [tilespmem:s21+$0x8420]  }
0x131: {  	v7 =	vld [tilespmem:s21+$0x8440]  }
0x132: {  	v3 =	vld [tilespmem:s21+$0x8460]  }
0x133: {  	v13 =	vld [tilespmem:s21+$0x14400]  }
0x134: {  	v12 =	vld [tilespmem:s21+$0x14410]  }
0x135: {  	v8 =	vld [tilespmem:s21+$0x14420];
	v9 =	vshll.u32 v1, $0x10  }
0x136: {  	v11 =	vld [tilespmem:s21+$0x14430];
	v5 =	vand.u32 $0xFFFF0000, v1;
	v4 =	vshll.u32 v2, $0x10;
	v2 =	vand.u32 $0xFFFF0000, v2  }
0x137: {  	v10 =	vld [tilespmem:s21+$0x14440];
	v15 =	vshll.u32 v6, $0x10;
	v17 =	vand.u32 $0xFFFF0000, v6;
	v1 =	vshll.u32 v0, $0x10  }
0x138: {  	s10 =	simm.s32 $0x200;
	v16 =	vshll.u32 v14, $0x10;
	v14 =	vand.u32 $0xFFFF0000, v14;
	v6 =	vld [tilespmem:s21+$0x14450];
	v15 =	vmul.f32 v15, v13  }
.LBB2_10:
0x139: {  	p0 =	sne.s32 s10, $0x7E00;
	v17 =	vmul.f32 v17, v12;
	v18 =	vshll.u32 v7, $0x10;
	v7 =	vand.u32 $0xFFFF0000, v7;
	v19 =	vld [tilespmem:s21+$0x14460]  }
0x13a: {  	s22 =	sshra.s32 s10, $0x2;
	v13 =	vadd.f32 v15, v13;
	v15 =	vmul.f32 v16, v8;
	v16 =	vshll.u32 v3, $0x10;
	v20 =	vld [tilespmem:s21+$0x14470]  }
0x13b: {  	v3 =	vand.u32 $0xFFFF0000, v3;
	v21 =	vld [tilespmem:s22+$0x8410];
	v12 =	vadd.f32 v17, v12;
	v14 =	vmul.f32 v14, v11  }
0x13c: {  	v9 =	vadd.f32 v9, v13;
	v8 =	vadd.f32 v15, v8;
	v13 =	vmul.f32 v18, v10;
	v15 =	vld [tilespmem:s21+$0x8470]  }
0x13d: {  	v17 =	vld [tilespmem:s22+$0x8430];
	v5 =	vadd.f32 v5, v12;
	v11 =	vadd.f32 v14, v11;
	v7 =	vmul.f32 v7, v6  }
0x13e: {  	v12 =	vld [tilespmem:s22+$0x8450];
	[tilespmem:s21+$0x14400] =	vst v9;
	v4 =	vadd.f32 v4, v8;
	v8 =	vadd.f32 v13, v10;
	v9 =	vmul.f32 v16, v19  }
0x13f: {  	v10 =	vld [tilespmem:s22+$0x8400];
	[tilespmem:s21+$0x14410] =	vst v5;
	v2 =	vadd.f32 v2, v11;
	v5 =	vadd.f32 v7, v6;
	v3 =	vmul.f32 v3, v20  }
0x140: {  	v0 =	vand.u32 $0xFFFF0000, v0;
	v6 =	vld [tilespmem:s22+$0x8420];
	[tilespmem:s21+$0x14420] =	vst v4;
	v1 =	vadd.f32 v1, v8;
	v4 =	vadd.f32 v9, v19  }
0x141: {  	v7 =	vld [tilespmem:s22+$0x8440];
	[tilespmem:s21+$0x14430] =	vst v2;
	v8 =	vadd.f32 v0, v5;
	v2 =	vshll.u32 v15, $0x10;
	v5 =	vadd.f32 v3, v20  }
0x142: {  	v3 =	vld [tilespmem:s22+$0x8460];
	[tilespmem:s21+$0x14440] =	vst v1;
	v1 =	vand.u32 $0xFFFF0000, v15;
	v2 =	vadd.f32 v2, v4  }
0x143: {  	v13 =	vld [tilespmem:s22+$0x14400];
	[tilespmem:s21+$0x14450] =	vst v8;
	v1 =	vadd.f32 v1, v5;
	v0 =	vmov v12  }
.Ltmp4:
0x144: {  	v12 =	vld [tilespmem:s22+$0x14410];
	[tilespmem:s21+$0x14460] =	vst v2;
	(pc) =	sbr.rel @p0 .LBB2_10-.Ltmp4, $4  }
0x145: {  	v9 =	vshll.u32 v21, $0x10;
	v8 =	vld [tilespmem:s22+$0x14420];
	[tilespmem:s21+$0x14470] =	vst v1;
	s21 =	smov.u32 s22  }
0x146: {  	v4 =	vshll.u32 v17, $0x10;
	v5 =	vand.u32 $0xFFFF0000, v21;
	v2 =	vand.u32 $0xFFFF0000, v17;
	v11 =	vld [tilespmem:s21+$0x14430]  }
0x147: {  	v14 =	vshll.u32 v10, $0x10;
	v17 =	vand.u32 $0xFFFF0000, v10;
	v1 =	vshll.u32 v0, $0x10;
	v10 =	vld [tilespmem:s21+$0x14440]  }
0x148: {  	s10 =	sadd.s32 $0x200, s10;
	v16 =	vshll.u32 v6, $0x10;
	v15 =	vmul.f32 v14, v13;
	v14 =	vand.u32 $0xFFFF0000, v6;
	v6 =	vld [tilespmem:s21+$0x14450]  }
0x149: {  	v17 =	vmul.f32 v17, v12;
	v18 =	vshll.u32 v7, $0x10;
	v7 =	vand.u32 $0xFFFF0000, v7;
	v19 =	vld [tilespmem:s21+$0x14460]  }
0x14a: {  	v20 =	vld [tilespmem:s21+$0x14470];
	v13 =	vadd.f32 v15, v13;
	v15 =	vmul.f32 v16, v8;
	v16 =	vshll.u32 v3, $0x10  }
0x14b: {  	v3 =	vand.u32 $0xFFFF0000, v3;
	v12 =	vadd.f32 v17, v12;
	v14 =	vmul.f32 v14, v11  }
0x14c: {  	v9 =	vadd.f32 v9, v13;
	v8 =	vadd.f32 v15, v8;
	v13 =	vmul.f32 v18, v10;
	v15 =	vld [tilespmem:s21+$0x8470]  }
0x14d: {  	v5 =	vadd.f32 v5, v12;
	v11 =	vadd.f32 v14, v11;
	v7 =	vmul.f32 v7, v6  }
0x14e: {  	[tilespmem:s21+$0x14400] =	vst v9;
	v4 =	vadd.f32 v4, v8;
	v8 =	vadd.f32 v13, v10;
	v9 =	vmul.f32 v16, v19  }
0x14f: {  	v3 =	vmul.f32 v3, v20;
	[tilespmem:s21+$0x14410] =	vst v5;
	v2 =	vadd.f32 v2, v11;
	v5 =	vadd.f32 v7, v6  }
0x150: {  	v0 =	vand.u32 $0xFFFF0000, v0;
	[tilespmem:s21+$0x14420] =	vst v4;
	v1 =	vadd.f32 v1, v8;
	v4 =	vadd.f32 v9, v19  }
0x151: {  	v3 =	vadd.f32 v3, v20;
	[tilespmem:s21+$0x14430] =	vst v2;
	v0 =	vadd.f32 v0, v5;
	v2 =	vshll.u32 v15, $0x10  }
0x152: {  	[tilespmem:s21+$0x14440] =	vst v1;
	v1 =	vand.u32 $0xFFFF0000, v15;
	v2 =	vadd.f32 v2, v4  }
0x153: {  	[tilespmem:s21+$0x14450] =	vst v0;
	v0 =	vadd.f32 v1, v3  }
0x154: {  	[tilespmem:s21+$0x14460] =	vst v2  }
0x155: {  	s10 =	simm.s32 $0x0;
	s22 =	rddreg [dreg:$0x16];
	[tilespmem:s21+$0x14470] =	vst v0  }
0x156: {  	[hbm4b:s22+s10] =	stream.linear.scatter [tilespmem:s31], [sflag:$0xC], $0x2000, $0x38;
	[tilespmem:$0x18400] =	vst v63  }
0x157: {  	_ =	swait.ge [sflag:s16], $0x2000  }
0x158: {  	[sflag:s16] =	ssyncset.done $0x0  }
0x159: {  	s11 =	rddreg [dreg:$0x19];
	[sflag:s16] =	ssyncadd.s32 $0xFFFFE000  }
0x15a: {  	[tilespmem:s9], [sflag:$0x3] =	stream.linear.gather [hbm4b:s11+s10], $0x2000, $0x38;
	[tilespmem:$0x18400] =	vst v63  }
0x15b: {  	_ =	swait.ge [sflag:s6], $0x40  }
0x15c: {  	[sflag:s6] =	ssyncset.done $0x0  }
0x15d: {  	s23 =	simm.s32 $0x380;
	s24 =	simm.s32 $0x2400;
	[sflag:s6] =	ssyncadd.s32 $0xFFFFFFC0  }
0x15e: {  	[tilespmem:s24], [sflag:$0x3] =	stream.indirect.gather [hbm4b:s28+s7], $0x80, s23, s7, $0xb8;
	[tilespmem:$0x18400] =	vst v63  }
0x15f: {  	_ =	swait.ge [sflag:s3], $0x2000  }
0x160: {  	[sflag:s3] =	ssyncset.done $0x0  }
0x161: {  	[sflag:s3] =	ssyncadd.s32 $0xFFFFE000  }
0x162: {  	_ =	swait.ge [sflag:s3], $0x2000  }
0x163: {  	[sflag:s3] =	ssyncset.done $0x0  }
0x164: {  	s21 =	simm.s32 $0x0;
	[sflag:s3] =	ssyncadd.s32 $0xFFFFE000  }
0x165: {  	v1 =	vld [tilespmem:s21+$0xA410]  }
0x166: {  	v2 =	vld [tilespmem:s21+$0xA430]  }
0x167: {  	v0 =	vld [tilespmem:s21+$0xA450]  }
0x168: {  	v6 =	vld [tilespmem:s21+$0xA400]  }
0x169: {  	v14 =	vld [tilespmem:s21+$0xA420]  }
0x16a: {  	v7 =	vld [tilespmem:s21+$0xA440]  }
0x16b: {  	v3 =	vld [tilespmem:s21+$0xA460]  }
0x16c: {  	v13 =	vld [tilespmem:s21+$0x16400]  }
0x16d: {  	v12 =	vld [tilespmem:s21+$0x16410]  }
0x16e: {  	v8 =	vld [tilespmem:s21+$0x16420];
	v9 =	vshll.u32 v1, $0x10  }
0x16f: {  	v11 =	vld [tilespmem:s21+$0x16430];
	v5 =	vand.u32 $0xFFFF0000, v1;
	v4 =	vshll.u32 v2, $0x10;
	v2 =	vand.u32 $0xFFFF0000, v2  }
0x170: {  	v10 =	vld [tilespmem:s21+$0x16440];
	v15 =	vshll.u32 v6, $0x10;
	v17 =	vand.u32 $0xFFFF0000, v6;
	v1 =	vshll.u32 v0, $0x10  }
0x171: {  	s10 =	simm.s32 $0x200;
	v16 =	vshll.u32 v14, $0x10;
	v14 =	vand.u32 $0xFFFF0000, v14;
	v6 =	vld [tilespmem:s21+$0x16450];
	v15 =	vmul.f32 v15, v13  }
.LBB2_12:
0x172: {  	p0 =	sne.s32 s10, $0x7E00;
	v17 =	vmul.f32 v17, v12;
	v18 =	vshll.u32 v7, $0x10;
	v7 =	vand.u32 $0xFFFF0000, v7;
	v19 =	vld [tilespmem:s21+$0x16460]  }
0x173: {  	s22 =	sshra.s32 s10, $0x2;
	v13 =	vadd.f32 v15, v13;
	v15 =	vmul.f32 v16, v8;
	v16 =	vshll.u32 v3, $0x10;
	v20 =	vld [tilespmem:s21+$0x16470]  }
0x174: {  	v3 =	vand.u32 $0xFFFF0000, v3;
	v21 =	vld [tilespmem:s22+$0xA410];
	v12 =	vadd.f32 v17, v12;
	v14 =	vmul.f32 v14, v11  }
0x175: {  	v9 =	vadd.f32 v9, v13;
	v8 =	vadd.f32 v15, v8;
	v13 =	vmul.f32 v18, v10;
	v15 =	vld [tilespmem:s21+$0xA470]  }
0x176: {  	v17 =	vld [tilespmem:s22+$0xA430];
	v5 =	vadd.f32 v5, v12;
	v11 =	vadd.f32 v14, v11;
	v7 =	vmul.f32 v7, v6  }
0x177: {  	v12 =	vld [tilespmem:s22+$0xA450];
	[tilespmem:s21+$0x16400] =	vst v9;
	v4 =	vadd.f32 v4, v8;
	v8 =	vadd.f32 v13, v10;
	v9 =	vmul.f32 v16, v19  }
0x178: {  	v10 =	vld [tilespmem:s22+$0xA400];
	[tilespmem:s21+$0x16410] =	vst v5;
	v2 =	vadd.f32 v2, v11;
	v5 =	vadd.f32 v7, v6;
	v3 =	vmul.f32 v3, v20  }
0x179: {  	v0 =	vand.u32 $0xFFFF0000, v0;
	v6 =	vld [tilespmem:s22+$0xA420];
	[tilespmem:s21+$0x16420] =	vst v4;
	v1 =	vadd.f32 v1, v8;
	v4 =	vadd.f32 v9, v19  }
0x17a: {  	v7 =	vld [tilespmem:s22+$0xA440];
	[tilespmem:s21+$0x16430] =	vst v2;
	v8 =	vadd.f32 v0, v5;
	v2 =	vshll.u32 v15, $0x10;
	v5 =	vadd.f32 v3, v20  }
0x17b: {  	v3 =	vld [tilespmem:s22+$0xA460];
	[tilespmem:s21+$0x16440] =	vst v1;
	v1 =	vand.u32 $0xFFFF0000, v15;
	v2 =	vadd.f32 v2, v4  }
0x17c: {  	v13 =	vld [tilespmem:s22+$0x16400];
	[tilespmem:s21+$0x16450] =	vst v8;
	v1 =	vadd.f32 v1, v5;
	v0 =	vmov v12  }
.Ltmp5:
0x17d: {  	v12 =	vld [tilespmem:s22+$0x16410];
	[tilespmem:s21+$0x16460] =	vst v2;
	(pc) =	sbr.rel @p0 .LBB2_12-.Ltmp5, $4  }
0x17e: {  	v9 =	vshll.u32 v21, $0x10;
	v8 =	vld [tilespmem:s22+$0x16420];
	[tilespmem:s21+$0x16470] =	vst v1;
	s21 =	smov.u32 s22  }
0x17f: {  	v4 =	vshll.u32 v17, $0x10;
	v5 =	vand.u32 $0xFFFF0000, v21;
	v2 =	vand.u32 $0xFFFF0000, v17;
	v11 =	vld [tilespmem:s21+$0x16430]  }
0x180: {  	v14 =	vshll.u32 v10, $0x10;
	v17 =	vand.u32 $0xFFFF0000, v10;
	v1 =	vshll.u32 v0, $0x10;
	v10 =	vld [tilespmem:s21+$0x16440]  }
0x181: {  	s10 =	sadd.s32 $0x200, s10;
	v16 =	vshll.u32 v6, $0x10;
	v15 =	vmul.f32 v14, v13;
	v14 =	vand.u32 $0xFFFF0000, v6;
	v6 =	vld [tilespmem:s21+$0x16450]  }
0x182: {  	v17 =	vmul.f32 v17, v12;
	v18 =	vshll.u32 v7, $0x10;
	v7 =	vand.u32 $0xFFFF0000, v7;
	v19 =	vld [tilespmem:s21+$0x16460]  }
0x183: {  	v20 =	vld [tilespmem:s21+$0x16470];
	v13 =	vadd.f32 v15, v13;
	v15 =	vmul.f32 v16, v8;
	v16 =	vshll.u32 v3, $0x10  }
0x184: {  	v3 =	vand.u32 $0xFFFF0000, v3;
	v12 =	vadd.f32 v17, v12;
	v14 =	vmul.f32 v14, v11  }
0x185: {  	v9 =	vadd.f32 v9, v13;
	v8 =	vadd.f32 v15, v8;
	v13 =	vmul.f32 v18, v10;
	v15 =	vld [tilespmem:s21+$0xA470]  }
0x186: {  	v5 =	vadd.f32 v5, v12;
	v11 =	vadd.f32 v14, v11;
	v7 =	vmul.f32 v7, v6  }
0x187: {  	[tilespmem:s21+$0x16400] =	vst v9;
	v4 =	vadd.f32 v4, v8;
	v8 =	vadd.f32 v13, v10;
	v9 =	vmul.f32 v16, v19  }
0x188: {  	v3 =	vmul.f32 v3, v20;
	[tilespmem:s21+$0x16410] =	vst v5;
	v2 =	vadd.f32 v2, v11;
	v5 =	vadd.f32 v7, v6  }
0x189: {  	v0 =	vand.u32 $0xFFFF0000, v0;
	[tilespmem:s21+$0x16420] =	vst v4;
	v1 =	vadd.f32 v1, v8;
	v4 =	vadd.f32 v9, v19  }
0x18a: {  	v3 =	vadd.f32 v3, v20;
	[tilespmem:s21+$0x16430] =	vst v2;
	v0 =	vadd.f32 v0, v5;
	v2 =	vshll.u32 v15, $0x10  }
0x18b: {  	[tilespmem:s21+$0x16440] =	vst v1;
	v1 =	vand.u32 $0xFFFF0000, v15;
	v2 =	vadd.f32 v2, v4  }
0x18c: {  	[tilespmem:s21+$0x16450] =	vst v0;
	v0 =	vadd.f32 v1, v3  }
0x18d: {  	[tilespmem:s21+$0x16460] =	vst v2  }
0x18e: {  	s10 =	simm.s32 $0x0;
	s11 =	rddreg [dreg:$0x1a];
	[tilespmem:s21+$0x16470] =	vst v0  }
0x18f: {  	[hbm4b:s11+s10] =	stream.linear.scatter [tilespmem:s14], [sflag:$0xD], $0x2000, $0x38;
	[tilespmem:$0x18400] =	vst v63  }
0x190: {  	_ =	swait.ge [sflag:s12], $0x2000  }
0x191: {  	[sflag:s12] =	ssyncset.done $0x0  }
0x192: {  	[sflag:s12] =	ssyncadd.s32 $0xFFFFE000  }
0x193: {  	_ =	swait.ge [sflag:s12], $0x2000  }
0x194: {  	[sflag:s12] =	ssyncset.done $0x0  }
0x195: {  	s21 =	simm.s32 $0x0;
	[sflag:s12] =	ssyncadd.s32 $0xFFFFE000  }
0x196: {  	v1 =	vld [tilespmem:s21+$0x410]  }
0x197: {  	v2 =	vld [tilespmem:s21+$0x430]  }
0x198: {  	v0 =	vld [tilespmem:s21+$0x450]  }
0x199: {  	v6 =	vld [tilespmem:s21+$0x400]  }
0x19a: {  	v14 =	vld [tilespmem:s21+$0x420]  }
0x19b: {  	v7 =	vld [tilespmem:s21+$0x440]  }
0x19c: {  	v3 =	vld [tilespmem:s21+$0x460]  }
0x19d: {  	v13 =	vld [tilespmem:s21+$0xC400]  }
0x19e: {  	v12 =	vld [tilespmem:s21+$0xC410]  }
0x19f: {  	v8 =	vld [tilespmem:s21+$0xC420];
	v9 =	vshll.u32 v1, $0x10  }
0x1a0: {  	v11 =	vld [tilespmem:s21+$0xC430];
	v5 =	vand.u32 $0xFFFF0000, v1;
	v4 =	vshll.u32 v2, $0x10;
	v2 =	vand.u32 $0xFFFF0000, v2  }
0x1a1: {  	v10 =	vld [tilespmem:s21+$0xC440];
	v15 =	vshll.u32 v6, $0x10;
	v17 =	vand.u32 $0xFFFF0000, v6;
	v1 =	vshll.u32 v0, $0x10  }
0x1a2: {  	s10 =	simm.s32 $0x200;
	v16 =	vshll.u32 v14, $0x10;
	v14 =	vand.u32 $0xFFFF0000, v14;
	v6 =	vld [tilespmem:s21+$0xC450];
	v15 =	vmul.f32 v15, v13  }
.LBB2_14:
0x1a3: {  	p0 =	sne.s32 s10, $0x7E00;
	v17 =	vmul.f32 v17, v12;
	v18 =	vshll.u32 v7, $0x10;
	v7 =	vand.u32 $0xFFFF0000, v7;
	v19 =	vld [tilespmem:s21+$0xC460]  }
0x1a4: {  	s22 =	sshra.s32 s10, $0x2;
	v13 =	vadd.f32 v15, v13;
	v15 =	vmul.f32 v16, v8;
	v16 =	vshll.u32 v3, $0x10;
	v20 =	vld [tilespmem:s21+$0xC470]  }
0x1a5: {  	v3 =	vand.u32 $0xFFFF0000, v3;
	v21 =	vld [tilespmem:s22+$0x410];
	v12 =	vadd.f32 v17, v12;
	v14 =	vmul.f32 v14, v11  }
0x1a6: {  	v9 =	vadd.f32 v9, v13;
	v8 =	vadd.f32 v15, v8;
	v13 =	vmul.f32 v18, v10;
	v15 =	vld [tilespmem:s21+$0x470]  }
0x1a7: {  	v17 =	vld [tilespmem:s22+$0x430];
	v5 =	vadd.f32 v5, v12;
	v11 =	vadd.f32 v14, v11;
	v7 =	vmul.f32 v7, v6  }
0x1a8: {  	v12 =	vld [tilespmem:s22+$0x450];
	[tilespmem:s21+$0xC400] =	vst v9;
	v4 =	vadd.f32 v4, v8;
	v8 =	vadd.f32 v13, v10;
	v9 =	vmul.f32 v16, v19  }
0x1a9: {  	v10 =	vld [tilespmem:s22+$0x400];
	[tilespmem:s21+$0xC410] =	vst v5;
	v2 =	vadd.f32 v2, v11;
	v5 =	vadd.f32 v7, v6;
	v3 =	vmul.f32 v3, v20  }
0x1aa: {  	v0 =	vand.u32 $0xFFFF0000, v0;
	v6 =	vld [tilespmem:s22+$0x420];
	[tilespmem:s21+$0xC420] =	vst v4;
	v1 =	vadd.f32 v1, v8;
	v4 =	vadd.f32 v9, v19  }
0x1ab: {  	v7 =	vld [tilespmem:s22+$0x440];
	[tilespmem:s21+$0xC430] =	vst v2;
	v8 =	vadd.f32 v0, v5;
	v2 =	vshll.u32 v15, $0x10;
	v5 =	vadd.f32 v3, v20  }
0x1ac: {  	v3 =	vld [tilespmem:s22+$0x460];
	[tilespmem:s21+$0xC440] =	vst v1;
	v1 =	vand.u32 $0xFFFF0000, v15;
	v2 =	vadd.f32 v2, v4  }
0x1ad: {  	v13 =	vld [tilespmem:s22+$0xC400];
	[tilespmem:s21+$0xC450] =	vst v8;
	v1 =	vadd.f32 v1, v5;
	v0 =	vmov v12  }
.Ltmp6:
0x1ae: {  	v12 =	vld [tilespmem:s22+$0xC410];
	[tilespmem:s21+$0xC460] =	vst v2;
	(pc) =	sbr.rel @p0 .LBB2_14-.Ltmp6, $4  }
0x1af: {  	v9 =	vshll.u32 v21, $0x10;
	v8 =	vld [tilespmem:s22+$0xC420];
	[tilespmem:s21+$0xC470] =	vst v1;
	s21 =	smov.u32 s22  }
0x1b0: {  	v4 =	vshll.u32 v17, $0x10;
	v5 =	vand.u32 $0xFFFF0000, v21;
	v2 =	vand.u32 $0xFFFF0000, v17;
	v11 =	vld [tilespmem:s21+$0xC430]  }
0x1b1: {  	v14 =	vshll.u32 v10, $0x10;
	v17 =	vand.u32 $0xFFFF0000, v10;
	v1 =	vshll.u32 v0, $0x10;
	v10 =	vld [tilespmem:s21+$0xC440]  }
0x1b2: {  	s10 =	sadd.s32 $0x200, s10;
	v16 =	vshll.u32 v6, $0x10;
	v15 =	vmul.f32 v14, v13;
	v14 =	vand.u32 $0xFFFF0000, v6;
	v6 =	vld [tilespmem:s21+$0xC450]  }
0x1b3: {  	v17 =	vmul.f32 v17, v12;
	v18 =	vshll.u32 v7, $0x10;
	v7 =	vand.u32 $0xFFFF0000, v7;
	v19 =	vld [tilespmem:s21+$0xC460]  }
0x1b4: {  	v20 =	vld [tilespmem:s21+$0xC470];
	v13 =	vadd.f32 v15, v13;
	v15 =	vmul.f32 v16, v8;
	v16 =	vshll.u32 v3, $0x10  }
0x1b5: {  	v3 =	vand.u32 $0xFFFF0000, v3;
	v12 =	vadd.f32 v17, v12;
	v14 =	vmul.f32 v14, v11  }
0x1b6: {  	v9 =	vadd.f32 v9, v13;
	v8 =	vadd.f32 v15, v8;
	v13 =	vmul.f32 v18, v10;
	v15 =	vld [tilespmem:s21+$0x470]  }
0x1b7: {  	v5 =	vadd.f32 v5, v12;
	v11 =	vadd.f32 v14, v11;
	v7 =	vmul.f32 v7, v6  }
0x1b8: {  	[tilespmem:s21+$0xC400] =	vst v9;
	v4 =	vadd.f32 v4, v8;
	v8 =	vadd.f32 v13, v10;
	v9 =	vmul.f32 v16, v19  }
0x1b9: {  	v3 =	vmul.f32 v3, v20;
	[tilespmem:s21+$0xC410] =	vst v5;
	v2 =	vadd.f32 v2, v11;
	v5 =	vadd.f32 v7, v6  }
0x1ba: {  	v0 =	vand.u32 $0xFFFF0000, v0;
	[tilespmem:s21+$0xC420] =	vst v4;
	v1 =	vadd.f32 v1, v8;
	v4 =	vadd.f32 v9, v19  }
0x1bb: {  	v3 =	vadd.f32 v3, v20;
	[tilespmem:s21+$0xC430] =	vst v2;
	v0 =	vadd.f32 v0, v5;
	v2 =	vshll.u32 v15, $0x10  }
0x1bc: {  	[tilespmem:s21+$0xC440] =	vst v1;
	v1 =	vand.u32 $0xFFFF0000, v15;
	v2 =	vadd.f32 v2, v4  }
0x1bd: {  	[tilespmem:s21+$0xC450] =	vst v0;
	v0 =	vadd.f32 v1, v3  }
0x1be: {  	[tilespmem:s21+$0xC460] =	vst v2  }
0x1bf: {  	s10 =	simm.s32 $0x0;
	[tilespmem:s21+$0xC470] =	vst v0  }
0x1c0: {  	[hbm4b:s25+s10] =	stream.linear.scatter [tilespmem:s5], [sflag:$0x8], $0x2000, $0x38;
	[tilespmem:$0x18400] =	vst v63  }
0x1c1: {  	_ =	swait.ge [sflag:s30], $0x2000  }
0x1c2: {  	[sflag:s30] =	ssyncset.done $0x0  }
0x1c3: {  	[sflag:s30] =	ssyncadd.s32 $0xFFFFE000  }
0x1c4: {  	_ =	swait.ge [sflag:s30], $0x2000  }
0x1c5: {  	[sflag:s30] =	ssyncset.done $0x0  }
0x1c6: {  	s21 =	simm.s32 $0x0;
	[sflag:s30] =	ssyncadd.s32 $0xFFFFE000  }
0x1c7: {  	v1 =	vld [tilespmem:s21+$0x2410]  }
0x1c8: {  	v2 =	vld [tilespmem:s21+$0x2430]  }
0x1c9: {  	v0 =	vld [tilespmem:s21+$0x2450]  }
0x1ca: {  	v6 =	vld [tilespmem:s21+$0x2400]  }
0x1cb: {  	v14 =	vld [tilespmem:s21+$0x2420]  }
0x1cc: {  	v7 =	vld [tilespmem:s21+$0x2440]  }
0x1cd: {  	v3 =	vld [tilespmem:s21+$0x2460]  }
0x1ce: {  	v13 =	vld [tilespmem:s21+$0xE400]  }
0x1cf: {  	v12 =	vld [tilespmem:s21+$0xE410]  }
0x1d0: {  	v8 =	vld [tilespmem:s21+$0xE420];
	v9 =	vshll.u32 v1, $0x10  }
0x1d1: {  	v11 =	vld [tilespmem:s21+$0xE430];
	v5 =	vand.u32 $0xFFFF0000, v1;
	v4 =	vshll.u32 v2, $0x10;
	v2 =	vand.u32 $0xFFFF0000, v2  }
0x1d2: {  	v10 =	vld [tilespmem:s21+$0xE440];
	v15 =	vshll.u32 v6, $0x10;
	v17 =	vand.u32 $0xFFFF0000, v6;
	v1 =	vshll.u32 v0, $0x10  }
0x1d3: {  	s10 =	simm.s32 $0x200;
	v16 =	vshll.u32 v14, $0x10;
	v14 =	vand.u32 $0xFFFF0000, v14;
	v6 =	vld [tilespmem:s21+$0xE450];
	v15 =	vmul.f32 v15, v13  }
.LBB2_16:
0x1d4: {  	p0 =	sne.s32 s10, $0x7E00;
	v17 =	vmul.f32 v17, v12;
	v18 =	vshll.u32 v7, $0x10;
	v7 =	vand.u32 $0xFFFF0000, v7;
	v19 =	vld [tilespmem:s21+$0xE460]  }
0x1d5: {  	s22 =	sshra.s32 s10, $0x2;
	v13 =	vadd.f32 v15, v13;
	v15 =	vmul.f32 v16, v8;
	v16 =	vshll.u32 v3, $0x10;
	v20 =	vld [tilespmem:s21+$0xE470]  }
0x1d6: {  	v3 =	vand.u32 $0xFFFF0000, v3;
	v21 =	vld [tilespmem:s22+$0x2410];
	v12 =	vadd.f32 v17, v12;
	v14 =	vmul.f32 v14, v11  }
0x1d7: {  	v9 =	vadd.f32 v9, v13;
	v8 =	vadd.f32 v15, v8;
	v13 =	vmul.f32 v18, v10;
	v15 =	vld [tilespmem:s21+$0x2470]  }
0x1d8: {  	v17 =	vld [tilespmem:s22+$0x2430];
	v5 =	vadd.f32 v5, v12;
	v11 =	vadd.f32 v14, v11;
	v7 =	vmul.f32 v7, v6  }
0x1d9: {  	v12 =	vld [tilespmem:s22+$0x2450];
	[tilespmem:s21+$0xE400] =	vst v9;
	v4 =	vadd.f32 v4, v8;
	v8 =	vadd.f32 v13, v10;
	v9 =	vmul.f32 v16, v19  }
0x1da: {  	v10 =	vld [tilespmem:s22+$0x2400];
	[tilespmem:s21+$0xE410] =	vst v5;
	v2 =	vadd.f32 v2, v11;
	v5 =	vadd.f32 v7, v6;
	v3 =	vmul.f32 v3, v20  }
0x1db: {  	v0 =	vand.u32 $0xFFFF0000, v0;
	v6 =	vld [tilespmem:s22+$0x2420];
	[tilespmem:s21+$0xE420] =	vst v4;
	v1 =	vadd.f32 v1, v8;
	v4 =	vadd.f32 v9, v19  }
0x1dc: {  	v7 =	vld [tilespmem:s22+$0x2440];
	[tilespmem:s21+$0xE430] =	vst v2;
	v8 =	vadd.f32 v0, v5;
	v2 =	vshll.u32 v15, $0x10;
	v5 =	vadd.f32 v3, v20  }
0x1dd: {  	v3 =	vld [tilespmem:s22+$0x2460];
	[tilespmem:s21+$0xE440] =	vst v1;
	v1 =	vand.u32 $0xFFFF0000, v15;
	v2 =	vadd.f32 v2, v4  }
0x1de: {  	v13 =	vld [tilespmem:s22+$0xE400];
	[tilespmem:s21+$0xE450] =	vst v8;
	v1 =	vadd.f32 v1, v5;
	v0 =	vmov v12  }
.Ltmp7:
0x1df: {  	v12 =	vld [tilespmem:s22+$0xE410];
	[tilespmem:s21+$0xE460] =	vst v2;
	(pc) =	sbr.rel @p0 .LBB2_16-.Ltmp7, $4  }
0x1e0: {  	v9 =	vshll.u32 v21, $0x10;
	v8 =	vld [tilespmem:s22+$0xE420];
	[tilespmem:s21+$0xE470] =	vst v1;
	s21 =	smov.u32 s22  }
0x1e1: {  	v4 =	vshll.u32 v17, $0x10;
	v5 =	vand.u32 $0xFFFF0000, v21;
	v2 =	vand.u32 $0xFFFF0000, v17;
	v11 =	vld [tilespmem:s21+$0xE430]  }
0x1e2: {  	v14 =	vshll.u32 v10, $0x10;
	v17 =	vand.u32 $0xFFFF0000, v10;
	v1 =	vshll.u32 v0, $0x10;
	v10 =	vld [tilespmem:s21+$0xE440]  }
0x1e3: {  	s10 =	sadd.s32 $0x200, s10;
	v16 =	vshll.u32 v6, $0x10;
	v15 =	vmul.f32 v14, v13;
	v14 =	vand.u32 $0xFFFF0000, v6;
	v6 =	vld [tilespmem:s21+$0xE450]  }
0x1e4: {  	v17 =	vmul.f32 v17, v12;
	v18 =	vshll.u32 v7, $0x10;
	v51 =	vand.u32 $0xFFFF0000, v7;
	v19 =	vld [tilespmem:s21+$0xE460]  }
0x1e5: {  	v53 =	vshll.u32 v3, $0x10;
	v20 =	vld [tilespmem:s21+$0xE470];
	v13 =	vadd.f32 v15, v13;
	v52 =	vmul.f32 v16, v8  }
0x1e6: {  	v54 =	vand.u32 $0xFFFF0000, v3;
	v12 =	vadd.f32 v17, v12;
	v14 =	vmul.f32 v14, v11  }
0x1e7: {  	v56 =	vld [tilespmem:s21+$0x2470];
	v9 =	vadd.f32 v9, v13;
	v8 =	vadd.f32 v52, v8;
	v55 =	vmul.f32 v18, v10  }
0x1e8: {  	v5 =	vadd.f32 v5, v12;
	v11 =	vadd.f32 v14, v11;
	v7 =	vmul.f32 v51, v6  }
0x1e9: {  	[tilespmem:s21+$0xE400] =	vst v9;
	v4 =	vadd.f32 v4, v8;
	v57 =	vadd.f32 v55, v10;
	v58 =	vmul.f32 v53, v19  }
0x1ea: {  	v3 =	vmul.f32 v54, v20;
	[tilespmem:s21+$0xE410] =	vst v5;
	v2 =	vadd.f32 v2, v11;
	v59 =	vadd.f32 v7, v6  }
0x1eb: {  	v0 =	vand.u32 $0xFFFF0000, v0;
	[tilespmem:s21+$0xE420] =	vst v4;
	v1 =	vadd.f32 v1, v57;
	v60 =	vadd.f32 v58, v19  }
0x1ec: {  	v61 =	vshll.u32 v56, $0x10;
	v3 =	vadd.f32 v3, v20;
	[tilespmem:s21+$0xE430] =	vst v2;
	v0 =	vadd.f32 v0, v59  }
0x1ed: {  	v62 =	vand.u32 $0xFFFF0000, v56;
	[tilespmem:s21+$0xE440] =	vst v1;
	v2 =	vadd.f32 v61, v60  }
0x1ee: {  	v63 =	vadd.f32 v62, v3;
	[tilespmem:s21+$0xE450] =	vst v0  }
0x1ef: {  	[tilespmem:s21+$0xE460] =	vst v2  }
0x1f0: {  	[tilespmem:s21+$0xE470] =	vst v63  }
0x1f1: {  	[hbm4b:s26+s1] =	stream.linear.scatter [tilespmem:s9], [sflag:$0x9], $0x2000, $0x38;
	[tilespmem:$0x18400] =	vst v63  }
0x1f2: {  	_ =	swait.ge [sflag:s15], $0x2000  }
0x1f3: {  	[sflag:s15] =	ssyncset.done $0x0  }
0x1f4: {  	[sflag:s15] =	ssyncadd.s32 $0xFFFFE000  }
0x1f5: {  	_ =	swait.ge [sflag:s16], $0x2000  }
0x1f6: {  	[sflag:s16] =	ssyncset.done $0x0  }
0x1f7: {  	[sflag:s16] =	ssyncadd.s32 $0xFFFFE000  }
0x1f8: {  	_ =	swait.ge [sflag:s17], $0x2000  }
0x1f9: {  	[sflag:s17] =	ssyncset.done $0x0  }
0x1fa: {  	[sflag:s17] =	ssyncadd.s32 $0xFFFFE000  }
0x1fb: {  	_ =	swait.ge [sflag:s4], $0x2000  }
0x1fc: {  	[sflag:s4] =	ssyncset.done $0x0  }
0x1fd: {  	s8 =	sadd.s32 $0x1, s8;
	[sflag:s4] =	ssyncadd.s32 $0xFFFFE000  }
0x1fe: {  	p0 =	sne.s32 s8, s29;
	_ =	swait.ge [sflag:s18], $0x2000  }
.Ltmp8:
0x1ff: {  	[sflag:s18] =	ssyncset.done $0x0;
	(pc) =	sbr.rel @p0 .LBB2_1-.Ltmp8, $4  }
0x200: {  	[sflag:s18] =	ssyncadd.s32 $0xFFFFE000  }
0x201: {  	_ =	swait.ge [sflag:s19], $0x2000  }
0x202: {  	[sflag:s19] =	ssyncset.done $0x0  }
0x203: {  	[sflag:s19] =	ssyncadd.s32 $0xFFFFE000  }
0x204: {  	_ =	sfence.sel $0x180000  }
0x205: {  	[bflag:$0x0] =	sbarrier.arrive $0xFFFF  }
0x206: {  	_ =	strace $0x90000047  }
0x207: {  	s0 =	stileid.u32;
	[bflag:$0x2] =	sbarrier.arrive $0xFFFF  }
0x208: {  	p0 =	sne.s32 s0, $0x0;
	s0 =	rddreg [dreg:$0x4]  }
0x209: {  	s0 =	sadd.s32 @!p0 $0x100000, s0  }
0x20a: {  	[sflag:s0] =	ssyncadd.tile.s32 @!p0 $0x1;
	_ =	shalt  }
.Lfunc_end2:
_tile_overlayer_lowered:
.L_overlay_start_2:
0x20b: {  	(tag) =	ssettag $0x2  }
0x20c: {  	s0 =	rddreg [dreg:$0x0];
	s2 =	stileid.u32  }
0x20d: {  	s1 =	rddreg [dreg:$0x1];
	p0 =	sne.s32 s2, $0x0  }
0x20e: {  	s3 =	rddreg [dreg:$0x2];
	[bflag:$0x3] =	sbarrier.arrive $0xFFFF;
	s2 =	simm.s32 @!p0 $0x1C0E  }
0x20f: {  	[timem:s3], [sflag:s2] =	dma.local @!p0 [hbm:s0], s1  }
0x210: {  	s0 =	simm.s32 @!p0 $0xE  }
0x211: {  	_ =	swait.ge @!p0 [sflag:s0], s1  }
0x212: {  	s1 =	ssub.s32 @!p0 $0x0, s1;
	[sflag:s0] =	ssyncset.done @!p0 $0x0  }
0x213: {  	[sflag:s0] =	ssyncadd.s32 @!p0 s1  }
0x214: {  	[bflag:$0x3] =	sbarrier.arrive $0xFFFF  }
0x215: {  	_ =	shalt  }

</sc_bundles>
